<compile_context>
chip_gen: v7x
topology: tpu7x:2x2x1
jax: 0.10.2.dev20260603
libtpu: 0.0.44.dev20260713+nightly
codegen_flags: <defaults>
</compile_context>

<pallas_src>
import functools

import jax
import jax.numpy as jnp
from jax import lax
from jax.experimental import pallas as pl
from jax.experimental.pallas import tpu as pltpu
from jax.experimental.pallas import tpu_sc as plsc

N = 10000
E = 320000
D_IN = 128
D_H = 256
NPAD = 10240

NC = 2
NS = 16
C = 125
EROWS = E // C
ROWS1 = EROWS // (NC * NS)
ROWS2 = EROWS // NS

GLEN = 16

ROW_BLK = 1000
GRID = N // ROW_BLK

_sc_mesh = plsc.VectorSubcoreMesh(
    core_axis_name="c", subcore_axis_name="s", num_cores=NC, num_subcores=NS)



@functools.partial(
    pl.kernel,
    out_type=[
        jax.ShapeDtypeStruct((2 * N, D_IN), jnp.float32),
    ],
    mesh=_sc_mesh,
    scratch_types=[
        pltpu.VMEM((2 * GLEN, C), jnp.int32),
        pltpu.VMEM((2 * GLEN, C), jnp.int32),
        pltpu.VMEM((C, D_IN), jnp.float32),
        pltpu.VMEM((C, D_IN), jnp.float32),
        pltpu.VMEM_SHARED((N, D_IN), jnp.float32),
        pltpu.SemaphoreType.DMA,
        pltpu.SemaphoreType.DMA,
        pltpu.SemaphoreType.DMA,
        pltpu.SemaphoreType.DMA,
        pltpu.SemaphoreType.DMA,
    ],
)
def _sc_agg1(x_hbm, srcs_hbm, dsts_hbm, zeros_hbm, out_hbm,
             src_v, dst_v, rows0, rows1, acc_sh,
             gsem0, gsem1, ssem0, ssem1, isem):
    c = lax.axis_index("c")
    s = lax.axis_index("s")

    @pl.when(s == 0)
    def _init():
        pltpu.sync_copy(zeros_hbm, acc_sh)

    base = c * (NS * ROWS1) + s * ROWS1
    pltpu.sync_copy(srcs_hbm.at[pl.ds(base, GLEN)], src_v.at[pl.ds(0, GLEN)])
    pltpu.sync_copy(dsts_hbm.at[pl.ds(base, GLEN)], dst_v.at[pl.ds(0, GLEN)])
    plsc.subcore_barrier()
    _agg_pipeline(x_hbm, srcs_hbm, dsts_hbm, base,
                  ROWS1 // GLEN, src_v, dst_v, (rows0, rows1),
                  (gsem0, gsem1), (ssem0, ssem1), isem, acc_sh)
    plsc.subcore_barrier()

    @pl.when(s == 0)
    def _writeout():
        pltpu.sync_copy(acc_sh, out_hbm.at[pl.ds(c * N, N)])


def _agg_pipeline(tab_hbm, srcs_ref, dsts_ref, base, ng, src_v, dst_v,
                  rows, gsem, ssem, isem, acc_sh):

    def swait(p):
        pltpu.make_async_copy(rows[p], acc_sh.at[dst_v.at[0]], ssem[p]).wait()

    def group(g, carry):
        gp = lax.rem(g, 2)
        row0 = gp * GLEN

        @pl.when(g + 1 < ng)
        def _prefetch_idx():
            pltpu.async_copy(srcs_ref.at[pl.ds(base + (g + 1) * GLEN, GLEN)],
                             src_v.at[pl.ds((1 - gp) * GLEN, GLEN)], isem)
            pltpu.async_copy(dsts_ref.at[pl.ds(base + (g + 1) * GLEN, GLEN)],
                             dst_v.at[pl.ds((1 - gp) * GLEN, GLEN)], isem)

        @pl.when(g > 0)
        def _drain0():
            swait(0)

        gd = [pltpu.async_copy(tab_hbm.at[src_v.at[row0]], rows[0], gsem[0]),
              None]
        for jj in range(GLEN):
            p = jj % 2
            if jj < GLEN - 1:
                if jj >= 1:
                    swait(1 - p)
                else:
                    @pl.when(g > 0)
                    def _drain1():
                        swait(1)
                gd[1 - p] = pltpu.async_copy(
                    tab_hbm.at[src_v.at[row0 + jj + 1]], rows[1 - p],
                    gsem[1 - p])
            gd[p].wait()
            pltpu.async_copy(
                rows[p], acc_sh.at[dst_v.at[row0 + jj]], ssem[p], add=True)

        @pl.when(g + 1 < ng)
        def _wait_idx():
            pltpu.make_async_copy(srcs_ref.at[pl.ds(base, GLEN)],
                                  src_v.at[pl.ds((1 - gp) * GLEN, GLEN)],
                                  isem).wait()
            pltpu.make_async_copy(dsts_ref.at[pl.ds(base, GLEN)],
                                  dst_v.at[pl.ds((1 - gp) * GLEN, GLEN)],
                                  isem).wait()
        return carry

    lax.fori_loop(0, ng, group, 0)
    swait(0)
    swait(1)


@functools.partial(
    pl.kernel,
    out_type=[jax.ShapeDtypeStruct((2, NPAD), jnp.float32)],
    mesh=_sc_mesh,
    compiler_params=pltpu.CompilerParams(needs_layout_passes=False),
    scratch_types=[
        pltpu.VMEM((4000,), jnp.int32),
        pltpu.VMEM((NPAD,), jnp.float32),
        pltpu.VMEM((NS * 320,), jnp.float32),
        pltpu.VMEM((640,), jnp.float32),
        pltpu.VMEM_SHARED((NS * NPAD,), jnp.float32),
    ],
)
def _sc_deg(dstf_hbm, zerosd_hbm, deg_hbm, dfl_v, deg_t, red_v, dout_v,
            degs_sh):
    c = lax.axis_index("c")
    s = lax.axis_index("s")
    pltpu.sync_copy(zerosd_hbm, deg_t)

    base = c * (E // 2) + s * 10000
    for part, size in ((0, 4000), (4000, 4000), (8000, 2000)):
        pltpu.sync_copy(dstf_hbm.at[pl.ds(base + part, size)],
                        dfl_v.at[pl.ds(0, size)])

        def hist(i, carry):
            idx16 = dfl_v[pl.ds(i * 16, 16)]
            cnt, last = plsc.scan_count(idx16)
            plsc.addupdate_scatter(
                deg_t, [idx16], cnt.astype(jnp.float32), mask=last)
            return carry

        lax.fori_loop(0, size // 16, hist, 0)
    pltpu.sync_copy(deg_t, degs_sh.at[pl.ds(s * NPAD, NPAD)])
    plsc.subcore_barrier()

    for half in range(2):
        col0 = s * 640 + half * 320
        for r in range(NS):
            pltpu.sync_copy(degs_sh.at[pl.ds(r * NPAD + col0, 320)],
                            red_v.at[pl.ds(r * 320, 320)])

        def red(k, carry):
            acc16 = red_v[pl.ds(k * 16, 16)]
            for r in range(1, NS):
                acc16 = acc16 + red_v[pl.ds(r * 320 + k * 16, 16)]
            dout_v[pl.ds(half * 320 + k * 16, 16)] = acc16
            return carry

        lax.fori_loop(0, 320 // 16, red, 0)
    pltpu.sync_copy(dout_v, deg_hbm.at[c, pl.ds(s * 640, 640)])


@functools.partial(
    pl.kernel,
    out_type=[
        jax.ShapeDtypeStruct((2 * N, D_IN), jnp.float32),
    ],
    mesh=_sc_mesh,
    scratch_types=[
        pltpu.VMEM((2 * GLEN, C), jnp.int32),
        pltpu.VMEM((2 * GLEN, C), jnp.int32),
        pltpu.VMEM((C, D_IN), jnp.float32),
        pltpu.VMEM((C, D_IN), jnp.float32),
        pltpu.VMEM_SHARED((N, D_IN), jnp.float32),
        pltpu.SemaphoreType.DMA,
        pltpu.SemaphoreType.DMA,
        pltpu.SemaphoreType.DMA,
        pltpu.SemaphoreType.DMA,
        pltpu.SemaphoreType.DMA,
    ],
)
def _sc_agg2(ht_hbm, srcs2_hbm, dsts_hbm, zeros_hbm, out_hbm,
             src_v, dst_v, rows0, rows1, acc_sh,
             gsem0, gsem1, ssem0, ssem1, isem):
    c = lax.axis_index("c")
    s = lax.axis_index("s")

    @pl.when(s == 0)
    def _init():
        pltpu.sync_copy(zeros_hbm, acc_sh)

    base = s * ROWS2
    srcs_ref = srcs2_hbm.at[c]
    pltpu.sync_copy(srcs_ref.at[pl.ds(base, GLEN)], src_v.at[pl.ds(0, GLEN)])
    pltpu.sync_copy(dsts_hbm.at[pl.ds(base, GLEN)], dst_v.at[pl.ds(0, GLEN)])
    plsc.subcore_barrier()
    _agg_pipeline(ht_hbm, srcs_ref, dsts_hbm, base,
                  ROWS2 // GLEN, src_v, dst_v, (rows0, rows1),
                  (gsem0, gsem1), (ssem0, ssem1), isem, acc_sh)
    plsc.subcore_barrier()

    @pl.when(s == 0)
    def _writeout():
        pltpu.sync_copy(acc_sh, out_hbm.at[pl.ds(c * N, N)])



def _sage1_body(sa_ref, sb_ref, dga_ref, dgb_ref, x_ref, wl_ref, b_ref,
                wr_ref, h_ref):
    inv = 1.0 / jnp.maximum(dga_ref[...] + dgb_ref[...], 1.0)
    mean = (sa_ref[...] + sb_ref[...]) * inv
    z = (jnp.dot(mean, wl_ref[...], preferred_element_type=jnp.float32)
         + jnp.dot(x_ref[...], wr_ref[...], preferred_element_type=jnp.float32)
         + b_ref[...])
    h = jnp.maximum(z, 0.0)
    h_ref[:, 0, :] = h[:, :D_IN]
    h_ref[:, 1, :] = h[:, D_IN:]


def _dense_layer1(parts, dega2d, degb2d, x, W_l1, b_l1, W_r1):
    return pl.pallas_call(
        _sage1_body,
        grid=(GRID,),
        in_specs=[
            pl.BlockSpec((ROW_BLK, D_IN), lambda i: (i, 0)),
            pl.BlockSpec((ROW_BLK, D_IN), lambda i: (i + GRID, 0)),
            pl.BlockSpec((ROW_BLK, 1), lambda i: (i, 0)),
            pl.BlockSpec((ROW_BLK, 1), lambda i: (i, 0)),
            pl.BlockSpec((ROW_BLK, D_IN), lambda i: (i, 0)),
            pl.BlockSpec((D_IN, D_H), lambda i: (0, 0)),
            pl.BlockSpec((1, D_H), lambda i: (0, 0)),
            pl.BlockSpec((D_IN, D_H), lambda i: (0, 0)),
        ],
        out_specs=pl.BlockSpec((ROW_BLK, 2, D_IN), lambda i: (i, 0, 0)),
        out_shape=jax.ShapeDtypeStruct((N, 2, D_IN), jnp.float32),
    )(parts, parts, dega2d, degb2d, x, W_l1.T, b_l1[None, :], W_r1.T)


def _sage2_pool_body(sa_ref, sb_ref, dga_ref, dgb_ref, h_ref, wla_ref,
                     wlb_ref, b_ref, wra_ref, wrb_ref, out_ref):
    inv = 1.0 / jnp.maximum(dga_ref[...] + dgb_ref[...], 1.0)
    mean_a = sa_ref[...] * inv
    mean_b = sb_ref[...] * inv
    h1a = h_ref[:, 0, :]
    h1b = h_ref[:, 1, :]
    z = (jnp.dot(mean_a, wla_ref[...], preferred_element_type=jnp.float32)
         + jnp.dot(mean_b, wlb_ref[...], preferred_element_type=jnp.float32)
         + jnp.dot(h1a, wra_ref[...], preferred_element_type=jnp.float32)
         + jnp.dot(h1b, wrb_ref[...], preferred_element_type=jnp.float32)
         + b_ref[...])
    h2 = jnp.maximum(z, 0.0)
    blk_sum = jnp.sum(h2, axis=0, keepdims=True)

    @pl.when(pl.program_id(0) == 0)
    def _init():
        out_ref[...] = jnp.zeros_like(out_ref)

    out_ref[...] += blk_sum * (1.0 / N)


def _dense_layer2_pool(summed2, dega2d, degb2d, h1, W_l2, b_l2, W_r2):
    wl2 = W_l2.T
    wr2 = W_r2.T
    return pl.pallas_call(
        _sage2_pool_body,
        grid=(GRID,),
        in_specs=[
            pl.BlockSpec((ROW_BLK, D_IN), lambda i: (i, 0)),
            pl.BlockSpec((ROW_BLK, D_IN), lambda i: (i + GRID, 0)),
            pl.BlockSpec((ROW_BLK, 1), lambda i: (i, 0)),
            pl.BlockSpec((ROW_BLK, 1), lambda i: (i, 0)),
            pl.BlockSpec((ROW_BLK, 2, D_IN), lambda i: (i, 0, 0)),
            pl.BlockSpec((D_IN, D_H), lambda i: (0, 0)),
            pl.BlockSpec((D_IN, D_H), lambda i: (0, 0)),
            pl.BlockSpec((1, D_H), lambda i: (0, 0)),
            pl.BlockSpec((D_IN, D_H), lambda i: (0, 0)),
            pl.BlockSpec((D_IN, D_H), lambda i: (0, 0)),
        ],
        out_specs=pl.BlockSpec((1, D_H), lambda i: (0, 0)),
        out_shape=jax.ShapeDtypeStruct((1, D_H), jnp.float32),
    )(summed2, summed2, dega2d, degb2d, h1,
      wl2[:D_IN], wl2[D_IN:], b_l2[None, :], wr2[:D_IN], wr2[D_IN:])


def kernel(x, edge_index, batch, W_l1, b_l1, W_r1, W_l2, b_l2, W_r2):
    src = edge_index[0]
    dst = edge_index[1]
    srcs1 = src.reshape(EROWS, C)
    dsts1 = dst.reshape(EROWS, C)
    srcs2 = jnp.stack([2 * src, 2 * src + 1]).reshape(2, EROWS, C)

    zeros = jnp.zeros((N, D_IN), jnp.float32)
    zerosd = jnp.zeros((NPAD,), jnp.float32)

    (parts1,) = _sc_agg1(x, srcs1, dsts1, zeros)
    (degp,) = _sc_deg(dst, zerosd)
    dega2d = degp[0, :N, None]
    degb2d = degp[1, :N, None]
    h1 = _dense_layer1(parts1, dega2d, degb2d, x, W_l1, b_l1, W_r1)

    ht = h1.reshape(2 * N, D_IN)
    (summed2,) = _sc_agg2(ht, srcs2, dsts1, zeros)
    pooled = _dense_layer2_pool(summed2, dega2d, degb2d, h1, W_l2, b_l2, W_r2)
    return pooled[0]

# --- scband reference (transcript-rebuilt; emitter-appended) ---
"""Pipeline reference for scband-market-graph-encoder-25838523253391 (READ-ONLY COPY).

The authoritative reference and input builder live on the scoring server;
editing this copy changes nothing except your own understanding.
"""

import jax, jax.numpy as jnp
import numpy as np

N = 10000
E = 320000
D_IN = 128
D_H = 256


def setup_inputs(seed: int = 0) -> dict:
    key = jax.random.key(seed)
    ks = jax.random.split(key, 9)
    x = jax.random.normal(ks[0], (N, D_IN), dtype=jnp.float32)
    edge_index = jax.random.randint(ks[1], (2, E), 0, N)
    batch = jnp.zeros((N,), dtype=jnp.int32)
    # SAGEConv layer 1: lin_l (applied to aggregated neighbors, has bias), lin_r (applied to self, no bias)
    W_l1 = jax.random.normal(ks[2], (D_H, D_IN), dtype=jnp.float32) * (1.0 / np.sqrt(D_IN))
    b_l1 = jnp.zeros((D_H,), dtype=jnp.float32)
    W_r1 = jax.random.normal(ks[3], (D_H, D_IN), dtype=jnp.float32) * (1.0 / np.sqrt(D_IN))
    # SAGEConv layer 2
    W_l2 = jax.random.normal(ks[4], (D_H, D_H), dtype=jnp.float32) * (1.0 / np.sqrt(D_H))
    b_l2 = jnp.zeros((D_H,), dtype=jnp.float32)
    W_r2 = jax.random.normal(ks[5], (D_H, D_H), dtype=jnp.float32) * (1.0 / np.sqrt(D_H))
    return {
        "x": x,
        "edge_index": edge_index,
        "batch": batch,
        "W_l1": W_l1,
        "b_l1": b_l1,
        "W_r1": W_r1,
        "W_l2": W_l2,
        "b_l2": b_l2,
        "W_r2": W_r2,
    }


def reference(x, edge_index, batch, W_l1, b_l1, W_r1, W_l2, b_l2, W_r2):
    src = edge_index[0]
    dst = edge_index[1]

    def sage_conv(h, W_l, b_l, W_r):
        # mean aggregation of neighbor messages (PyG SAGEConv default)
        msgs = jnp.take(h, src, axis=0)
        summed = jax.ops.segment_sum(msgs, dst, num_segments=N)
        deg = jax.ops.segment_sum(jnp.ones((E,), dtype=h.dtype), dst, num_segments=N)
        mean = summed / jnp.maximum(deg, 1.0)[:, None]
        return mean @ W_l.T + b_l + h @ W_r.T

    h = jax.nn.relu(sage_conv(x, W_l1, b_l1, W_r1))
    h = jax.nn.relu(sage_conv(h, W_l2, b_l2, W_r2))

    # global_mean_pool over `batch` (single graph here)
    counts = jax.ops.segment_sum(jnp.ones((N,), dtype=h.dtype), batch, num_segments=1)
    pooled = jax.ops.segment_sum(h, batch, num_segments=1) / jnp.maximum(counts, 1.0)[:, None]
    return pooled.squeeze(0)

if __name__ == "__main__":
    import jax
    _d = setup_inputs()
    print(jax.jit(kernel)(*tuple(_d.values())))

</pallas_src>

<mosaic_0001>
#map = affine_map<(d0, d1) -> (0, 0)>
module attributes {stable_mosaic.version = 14 : i64} {
  func.func @_sc_agg1(%arg0: i32, %arg1: i32, %arg2: memref<10000x128xf32, #tpu.memory_space<hbm>>, %arg3: memref<2560x125xi32, #tpu.memory_space<hbm>>, %arg4: memref<2560x125xi32, #tpu.memory_space<hbm>>, %arg5: memref<10000x128xf32, #tpu.memory_space<hbm>>, %arg6: memref<20000x128xf32, #tpu.memory_space<hbm>>, %arg7: memref<32x125xi32, #tpu.memory_space<vmem>>, %arg8: memref<32x125xi32, #tpu.memory_space<vmem>>, %arg9: memref<125x128xf32, #tpu.memory_space<vmem>>, %arg10: memref<125x128xf32, #tpu.memory_space<vmem>>, %arg11: memref<10000x128xf32, #tpu.memory_space<vmem_shared>>, %arg12: memref<!tpu.dma_semaphore, #tpu.memory_space<semaphore_mem>>, %arg13: memref<!tpu.dma_semaphore, #tpu.memory_space<semaphore_mem>>, %arg14: memref<!tpu.dma_semaphore, #tpu.memory_space<semaphore_mem>>, %arg15: memref<!tpu.dma_semaphore, #tpu.memory_space<semaphore_mem>>, %arg16: memref<!tpu.dma_semaphore, #tpu.memory_space<semaphore_mem>>) attributes {dimension_semantics = [#tpu.dimension_semantics<core_parallel>, #tpu.dimension_semantics<subcore_parallel>], iteration_bounds = array<i64: 2, 16>, scalar_prefetch = 0 : i64, scratch_operands = 10 : i64, tpu.core_type = #tpu.core_type<sc_vector_subcore>, window_params = [{transform_indices = #map}, {transform_indices = #map}, {transform_indices = #map}, {transform_indices = #map}, {transform_indices = #map}]} {
    %eq3A = arith.constant 0 : i32
    %eq3A_0 = arith.cmpi eq, %arg1, %eq3A : i32
    %convert_element_type3A = arith.extui %eq3A_0 : i1 to i32
    %cond3A = arith.constant 0 : i32
    %cond3A_1 = arith.cmpi ne, %convert_element_type3A, %cond3A : i32
    scf.if %cond3A_1 {
      "tpu.region"() ({
        %run_scoped3A = tpu.sem_alloc : memref<!tpu.dma_semaphore, #tpu.memory_space<semaphore_mem>>
        tpu.enqueue_dma source(%arg5 : memref<10000x128xf32, #tpu.memory_space<hbm>>) target(%arg11 : memref<10000x128xf32, #tpu.memory_space<vmem_shared>>) target_semaphore(%run_scoped3A : memref<!tpu.dma_semaphore, #tpu.memory_space<semaphore_mem>>)
        tpu.wait_dma2 semaphore(%run_scoped3A : memref<!tpu.dma_semaphore, #tpu.memory_space<semaphore_mem>>) src(%arg5 : memref<10000x128xf32, #tpu.memory_space<hbm>>) dst(%arg11 : memref<10000x128xf32, #tpu.memory_space<vmem_shared>>)
        tpu.yield
      }) : () -> ()
    } else {
    }
    %mul3A = arith.constant 1280 : i32
    %mul3A_2 = arith.muli %arg0, %mul3A : i32
    %mul3A_3 = arith.constant 80 : i32
    %mul3A_4 = arith.muli %arg1, %mul3A_3 : i32
    %add3A = arith.addi %mul3A_2, %mul3A_4 : i32
    "tpu.region"() ({
      %run_scoped3A = tpu.sem_alloc : memref<!tpu.dma_semaphore, #tpu.memory_space<semaphore_mem>>
      %dma_start3A = arith.constant 0 : i32
      %dma_start3A_29 = arith.constant 0 : i32
      %dma_start3A_30 = tpu.memref_slice %arg7[%dma_start3A, %dma_start3A_29] : memref<32x125xi32, #tpu.memory_space<vmem>> -> memref<16x125xi32, #tpu.memory_space<vmem>>
      %dma_start3A_31 = arith.constant 0 : i32
      %dma_start3A_32 = tpu.memref_slice %arg3[%add3A, %dma_start3A_31] : memref<2560x125xi32, #tpu.memory_space<hbm>> -> memref<16x125xi32, #tpu.memory_space<hbm>>
      %dma_start3A_33 = arith.constant 0 : i32
      %dma_start3A_34 = arith.constant 0 : i32
      %dma_start3A_35 = tpu.memref_slice %arg7[%dma_start3A_33, %dma_start3A_34] : memref<32x125xi32, #tpu.memory_space<vmem>> -> memref<16x125xi32, #tpu.memory_space<vmem>>
      %dma_start3A_36 = arith.constant 0 : i32
      %dma_start3A_37 = tpu.memref_slice %arg3[%add3A, %dma_start3A_36] : memref<2560x125xi32, #tpu.memory_space<hbm>> -> memref<16x125xi32, #tpu.memory_space<hbm>>
      tpu.enqueue_dma source(%dma_start3A_37 : memref<16x125xi32, #tpu.memory_space<hbm>>) target(%dma_start3A_35 : memref<16x125xi32, #tpu.memory_space<vmem>>) target_semaphore(%run_scoped3A : memref<!tpu.dma_semaphore, #tpu.memory_space<semaphore_mem>>)
      %dma_wait3A_38 = arith.constant 0 : i32
      %dma_wait3A_39 = arith.constant 0 : i32
      %dma_wait3A_40 = tpu.memref_slice %arg7[%dma_wait3A_38, %dma_wait3A_39] : memref<32x125xi32, #tpu.memory_space<vmem>> -> memref<16x125xi32, #tpu.memory_space<vmem>>
      %dma_wait3A_41 = arith.constant 0 : i32
      %dma_wait3A_42 = tpu.memref_slice %arg3[%add3A, %dma_wait3A_41] : memref<2560x125xi32, #tpu.memory_space<hbm>> -> memref<16x125xi32, #tpu.memory_space<hbm>>
      %dma_wait3A_43 = arith.constant 0 : i32
      %dma_wait3A_44 = arith.constant 0 : i32
      %dma_wait3A_45 = tpu.memref_slice %arg7[%dma_wait3A_43, %dma_wait3A_44] : memref<32x125xi32, #tpu.memory_space<vmem>> -> memref<16x125xi32, #tpu.memory_space<vmem>>
      %dma_wait3A_46 = arith.constant 0 : i32
      %dma_wait3A_47 = tpu.memref_slice %arg3[%add3A, %dma_wait3A_46] : memref<2560x125xi32, #tpu.memory_space<hbm>> -> memref<16x125xi32, #tpu.memory_space<hbm>>
      tpu.wait_dma2 semaphore(%run_scoped3A : memref<!tpu.dma_semaphore, #tpu.memory_space<semaphore_mem>>) src(%dma_wait3A_47 : memref<16x125xi32, #tpu.memory_space<hbm>>) dst(%dma_wait3A_45 : memref<16x125xi32, #tpu.memory_space<vmem>>)
      tpu.yield
    }) : () -> ()
    "tpu.region"() ({
      %run_scoped3A = tpu.sem_alloc : memref<!tpu.dma_semaphore, #tpu.memory_space<semaphore_mem>>
      %dma_start3A = arith.constant 0 : i32
      %dma_start3A_29 = arith.constant 0 : i32
      %dma_start3A_30 = tpu.memref_slice %arg8[%dma_start3A, %dma_start3A_29] : memref<32x125xi32, #tpu.memory_space<vmem>> -> memref<16x125xi32, #tpu.memory_space<vmem>>
      %dma_start3A_31 = arith.constant 0 : i32
      %dma_start3A_32 = tpu.memref_slice %arg4[%add3A, %dma_start3A_31] : memref<2560x125xi32, #tpu.memory_space<hbm>> -> memref<16x125xi32, #tpu.memory_space<hbm>>
      %dma_start3A_33 = arith.constant 0 : i32
      %dma_start3A_34 = arith.constant 0 : i32
      %dma_start3A_35 = tpu.memref_slice %arg8[%dma_start3A_33, %dma_start3A_34] : memref<32x125xi32, #tpu.memory_space<vmem>> -> memref<16x125xi32, #tpu.memory_space<vmem>>
      %dma_start3A_36 = arith.constant 0 : i32
      %dma_start3A_37 = tpu.memref_slice %arg4[%add3A, %dma_start3A_36] : memref<2560x125xi32, #tpu.memory_space<hbm>> -> memref<16x125xi32, #tpu.memory_space<hbm>>
      tpu.enqueue_dma source(%dma_start3A_37 : memref<16x125xi32, #tpu.memory_space<hbm>>) target(%dma_start3A_35 : memref<16x125xi32, #tpu.memory_space<vmem>>) target_semaphore(%run_scoped3A : memref<!tpu.dma_semaphore, #tpu.memory_space<semaphore_mem>>)
      %dma_wait3A_38 = arith.constant 0 : i32
      %dma_wait3A_39 = arith.constant 0 : i32
      %dma_wait3A_40 = tpu.memref_slice %arg8[%dma_wait3A_38, %dma_wait3A_39] : memref<32x125xi32, #tpu.memory_space<vmem>> -> memref<16x125xi32, #tpu.memory_space<vmem>>
      %dma_wait3A_41 = arith.constant 0 : i32
      %dma_wait3A_42 = tpu.memref_slice %arg4[%add3A, %dma_wait3A_41] : memref<2560x125xi32, #tpu.memory_space<hbm>> -> memref<16x125xi32, #tpu.memory_space<hbm>>
      %dma_wait3A_43 = arith.constant 0 : i32
      %dma_wait3A_44 = arith.constant 0 : i32
      %dma_wait3A_45 = tpu.memref_slice %arg8[%dma_wait3A_43, %dma_wait3A_44] : memref<32x125xi32, #tpu.memory_space<vmem>> -> memref<16x125xi32, #tpu.memory_space<vmem>>
      %dma_wait3A_46 = arith.constant 0 : i32
      %dma_wait3A_47 = tpu.memref_slice %arg4[%add3A, %dma_wait3A_46] : memref<2560x125xi32, #tpu.memory_space<hbm>> -> memref<16x125xi32, #tpu.memory_space<hbm>>
      tpu.wait_dma2 semaphore(%run_scoped3A : memref<!tpu.dma_semaphore, #tpu.memory_space<semaphore_mem>>) src(%dma_wait3A_47 : memref<16x125xi32, #tpu.memory_space<hbm>>) dst(%dma_wait3A_45 : memref<16x125xi32, #tpu.memory_space<vmem>>)
      tpu.yield
    }) : () -> ()
    %barrier3A = arith.constant 0 : index
    tpu.barrier barrier_id(%barrier3A)
    %scan3A = arith.constant 0 : i32
    %scan3A_5 = arith.constant 0 : i32
    %scan3A_6 = arith.constant 5 : i32
    %scan3A_7 = arith.addi %scan3A_5, %scan3A_6 : i32
    %scan3A_8 = arith.constant 1 : i32
    scf.for %scan3A_29 = %scan3A_5 to %scan3A_7 step %scan3A_8  : i32 {
      %rem3A = arith.constant 2 : i32
      %rem3A_30 = arith.remsi %scan3A_29, %rem3A : i32
      %mul3A_31 = arith.constant 16 : i32
      %mul3A_32 = arith.muli %rem3A_30, %mul3A_31 : i32
      %add3A_33 = arith.constant 1 : i32
      %add3A_34 = arith.addi %scan3A_29, %add3A_33 : i32
      %lt3A = arith.constant 5 : i32
      %lt3A_35 = arith.cmpi slt, %add3A_34, %lt3A : i32
      %convert_element_type3A_36 = arith.extui %lt3A_35 : i1 to i32
      %cond3A_37 = arith.constant 0 : i32
      %cond3A_38 = arith.cmpi ne, %convert_element_type3A_36, %cond3A_37 : i32
      scf.if %cond3A_38 {
        %add3A_532 = arith.constant 1 : i32
        %add3A_533 = arith.addi %scan3A_29, %add3A_532 : i32
        %mul3A_534 = arith.constant 16 : i32
        %mul3A_535 = arith.muli %add3A_533, %mul3A_534 : i32
        %add3A_536 = arith.addi %add3A, %mul3A_535 : i32
        %sub3A = arith.constant 1 : i32
        %sub3A_537 = arith.subi %sub3A, %rem3A_30 : i32
        %mul3A_538 = arith.constant 16 : i32
        %mul3A_539 = arith.muli %sub3A_537, %mul3A_538 : i32
        %dma_start3A_540 = arith.constant 0 : i32
        %dma_start3A_541 = tpu.memref_slice %arg7[%mul3A_539, %dma_start3A_540] : memref<32x125xi32, #tpu.memory_space<vmem>> -> memref<16x125xi32, #tpu.memory_space<vmem>>
        %dma_start3A_542 = arith.constant 0 : i32
        %dma_start3A_543 = tpu.memref_slice %arg3[%add3A_536, %dma_start3A_542] : memref<2560x125xi32, #tpu.memory_space<hbm>> -> memref<16x125xi32, #tpu.memory_space<hbm>>
        %dma_start3A_544 = arith.constant 0 : i32
        %dma_start3A_545 = tpu.memref_slice %arg7[%mul3A_539, %dma_start3A_544] : memref<32x125xi32, #tpu.memory_space<vmem>> -> memref<16x125xi32, #tpu.memory_space<vmem>>
        %dma_start3A_546 = arith.constant 0 : i32
        %dma_start3A_547 = tpu.memref_slice %arg3[%add3A_536, %dma_start3A_546] : memref<2560x125xi32, #tpu.memory_space<hbm>> -> memref<16x125xi32, #tpu.memory_space<hbm>>
        tpu.enqueue_dma source(%dma_start3A_547 : memref<16x125xi32, #tpu.memory_space<hbm>>) target(%dma_start3A_545 : memref<16x125xi32, #tpu.memory_space<vmem>>) target_semaphore(%arg16 : memref<!tpu.dma_semaphore, #tpu.memory_space<semaphore_mem>>)
        %add3A_548 = arith.constant 1 : i32
        %add3A_549 = arith.addi %scan3A_29, %add3A_548 : i32
        %mul3A_550 = arith.constant 16 : i32
        %mul3A_551 = arith.muli %add3A_549, %mul3A_550 : i32
        %add3A_552 = arith.addi %add3A, %mul3A_551 : i32
        %sub3A_553 = arith.constant 1 : i32
        %sub3A_554 = arith.subi %sub3A_553, %rem3A_30 : i32
        %mul3A_555 = arith.constant 16 : i32
        %mul3A_556 = arith.muli %sub3A_554, %mul3A_555 : i32
        %dma_start3A_557 = arith.constant 0 : i32
        %dma_start3A_558 = tpu.memref_slice %arg8[%mul3A_556, %dma_start3A_557] : memref<32x125xi32, #tpu.memory_space<vmem>> -> memref<16x125xi32, #tpu.memory_space<vmem>>
        %dma_start3A_559 = arith.constant 0 : i32
        %dma_start3A_560 = tpu.memref_slice %arg4[%add3A_552, %dma_start3A_559] : memref<2560x125xi32, #tpu.memory_space<hbm>> -> memref<16x125xi32, #tpu.memory_space<hbm>>
        %dma_start3A_561 = arith.constant 0 : i32
        %dma_start3A_562 = tpu.memref_slice %arg8[%mul3A_556, %dma_start3A_561] : memref<32x125xi32, #tpu.memory_space<vmem>> -> memref<16x125xi32, #tpu.memory_space<vmem>>
        %dma_start3A_563 = arith.constant 0 : i32
        %dma_start3A_564 = tpu.memref_slice %arg4[%add3A_552, %dma_start3A_563] : memref<2560x125xi32, #tpu.memory_space<hbm>> -> memref<16x125xi32, #tpu.memory_space<hbm>>
        tpu.enqueue_dma source(%dma_start3A_564 : memref<16x125xi32, #tpu.memory_space<hbm>>) target(%dma_start3A_562 : memref<16x125xi32, #tpu.memory_space<vmem>>) target_semaphore(%arg16 : memref<!tpu.dma_semaphore, #tpu.memory_space<semaphore_mem>>)
      } else {
      }
      %gt3A = arith.constant 0 : i32
      %gt3A_39 = arith.cmpi sgt, %scan3A_29, %gt3A : i32
      %convert_element_type3A_40 = arith.extui %gt3A_39 : i1 to i32
      %cond3A_41 = arith.constant 0 : i32
      %cond3A_42 = arith.cmpi ne, %convert_element_type3A_40, %cond3A_41 : i32
      scf.if %cond3A_42 {
        %dma_wait3A_532 = arith.constant 0 : i32
        %dma_wait3A_533 = arith.constant 0 : i32
        %dma_wait3A_534 = tpu.memref_slice %arg8[%dma_wait3A_532, %dma_wait3A_533] : memref<32x125xi32, #tpu.memory_space<vmem>> -> memref<1x125xi32, #tpu.memory_space<vmem>>
        %dma_wait3A_535 = tpu.memref_squeeze %dma_wait3A_534 : memref<1x125xi32, #tpu.memory_space<vmem>> -> memref<125xi32, #tpu.memory_space<vmem>>
        %dma_wait3A_536 = arith.constant 0 : i32
        %dma_wait3A_537 = arith.constant 0 : i32
        %dma_wait3A_538 = tpu.memref_slice %arg11[%dma_wait3A_536, %dma_wait3A_537] : memref<10000x128xf32, #tpu.memory_space<vmem_shared>> -> memref<10000x128xf32, #tpu.memory_space<vmem_shared>>
        tpu.wait_indirect_dma semaphore(%arg14 : memref<!tpu.dma_semaphore, #tpu.memory_space<semaphore_mem>>) src(%arg9 : memref<125x128xf32, #tpu.memory_space<vmem>>) dst(%dma_wait3A_538 : memref<10000x128xf32, #tpu.memory_space<vmem_shared>>)
      } else {
      }
      %dma_start3A = arith.constant 0 : i32
      %dma_start3A_43 = tpu.memref_slice %arg7[%mul3A_32, %dma_start3A] : memref<32x125xi32, #tpu.memory_space<vmem>> -> memref<1x125xi32, #tpu.memory_space<vmem>>
      %dma_start3A_44 = tpu.memref_squeeze %dma_start3A_43 : memref<1x125xi32, #tpu.memory_space<vmem>> -> memref<125xi32, #tpu.memory_space<vmem>>
      %dma_start3A_45 = arith.constant 0 : i32
      %dma_start3A_46 = arith.constant 0 : i32
      %dma_start3A_47 = tpu.memref_slice %arg2[%dma_start3A_45, %dma_start3A_46] : memref<10000x128xf32, #tpu.memory_space<hbm>> -> memref<10000x128xf32, #tpu.memory_space<hbm>>
      tpu.enqueue_indirect_dma source(%dma_start3A_47 : memref<10000x128xf32, #tpu.memory_space<hbm>>) target(%arg9 : memref<125x128xf32, #tpu.memory_space<vmem>>) offsets(%dma_start3A_44 : memref<125xi32, #tpu.memory_space<vmem>>) semaphore(%arg12 : memref<!tpu.dma_semaphore, #tpu.memory_space<semaphore_mem>>)
      %gt3A_48 = arith.constant 0 : i32
      %gt3A_49 = arith.cmpi sgt, %scan3A_29, %gt3A_48 : i32
      %convert_element_type3A_50 = arith.extui %gt3A_49 : i1 to i32
      %cond3A_51 = arith.constant 0 : i32
      %cond3A_52 = arith.cmpi ne, %convert_element_type3A_50, %cond3A_51 : i32
      scf.if %cond3A_52 {
        %dma_wait3A_532 = arith.constant 0 : i32
        %dma_wait3A_533 = arith.constant 0 : i32
        %dma_wait3A_534 = tpu.memref_slice %arg8[%dma_wait3A_532, %dma_wait3A_533] : memref<32x125xi32, #tpu.memory_space<vmem>> -> memref<1x125xi32, #tpu.memory_space<vmem>>
        %dma_wait3A_535 = tpu.memref_squeeze %dma_wait3A_534 : memref<1x125xi32, #tpu.memory_space<vmem>> -> memref<125xi32, #tpu.memory_space<vmem>>
        %dma_wait3A_536 = arith.constant 0 : i32
        %dma_wait3A_537 = arith.constant 0 : i32
        %dma_wait3A_538 = tpu.memref_slice %arg11[%dma_wait3A_536, %dma_wait3A_537] : memref<10000x128xf32, #tpu.memory_space<vmem_shared>> -> memref<10000x128xf32, #tpu.memory_space<vmem_shared>>
        tpu.wait_indirect_dma semaphore(%arg15 : memref<!tpu.dma_semaphore, #tpu.memory_space<semaphore_mem>>) src(%arg10 : memref<125x128xf32, #tpu.memory_space<vmem>>) dst(%dma_wait3A_538 : memref<10000x128xf32, #tpu.memory_space<vmem_shared>>)
      } else {
      }
      %add3A_53 = arith.constant 0 : i32
      %add3A_54 = arith.addi %mul3A_32, %add3A_53 : i32
      %add3A_55 = arith.constant 1 : i32
      %add3A_56 = arith.addi %add3A_54, %add3A_55 : i32
      %dma_start3A_57 = arith.constant 0 : i32
      %dma_start3A_58 = tpu.memref_slice %arg7[%add3A_56, %dma_start3A_57] : memref<32x125xi32, #tpu.memory_space<vmem>> -> memref<1x125xi32, #tpu.memory_space<vmem>>
      %dma_start3A_59 = tpu.memref_squeeze %dma_start3A_58 : memref<1x125xi32, #tpu.memory_space<vmem>> -> memref<125xi32, #tpu.memory_space<vmem>>
      %dma_start3A_60 = arith.constant 0 : i32
      %dma_start3A_61 = arith.constant 0 : i32
      %dma_start3A_62 = tpu.memref_slice %arg2[%dma_start3A_60, %dma_start3A_61] : memref<10000x128xf32, #tpu.memory_space<hbm>> -> memref<10000x128xf32, #tpu.memory_space<hbm>>
      tpu.enqueue_indirect_dma source(%dma_start3A_62 : memref<10000x128xf32, #tpu.memory_space<hbm>>) target(%arg10 : memref<125x128xf32, #tpu.memory_space<vmem>>) offsets(%dma_start3A_59 : memref<125xi32, #tpu.memory_space<vmem>>) semaphore(%arg13 : memref<!tpu.dma_semaphore, #tpu.memory_space<semaphore_mem>>)
      %dma_wait3A_63 = arith.constant 0 : i32
      %dma_wait3A_64 = tpu.memref_slice %arg7[%mul3A_32, %dma_wait3A_63] : memref<32x125xi32, #tpu.memory_space<vmem>> -> memref<1x125xi32, #tpu.memory_space<vmem>>
      %dma_wait3A_65 = tpu.memref_squeeze %dma_wait3A_64 : memref<1x125xi32, #tpu.memory_space<vmem>> -> memref<125xi32, #tpu.memory_space<vmem>>
      %dma_wait3A_66 = arith.constant 0 : i32
      %dma_wait3A_67 = arith.constant 0 : i32
      %dma_wait3A_68 = tpu.memref_slice %arg2[%dma_wait3A_66, %dma_wait3A_67] : memref<10000x128xf32, #tpu.memory_space<hbm>> -> memref<10000x128xf32, #tpu.memory_space<hbm>>
      tpu.wait_indirect_dma semaphore(%arg12 : memref<!tpu.dma_semaphore, #tpu.memory_space<semaphore_mem>>) src(%dma_wait3A_68 : memref<10000x128xf32, #tpu.memory_space<hbm>>) dst(%arg9 : memref<125x128xf32, #tpu.memory_space<vmem>>)
      %add3A_69 = arith.constant 0 : i32
      %add3A_70 = arith.addi %mul3A_32, %add3A_69 : i32
      %dma_start3A_71 = arith.constant 0 : i32
      %dma_start3A_72 = tpu.memref_slice %arg8[%add3A_70, %dma_start3A_71] : memref<32x125xi32, #tpu.memory_space<vmem>> -> memref<1x125xi32, #tpu.memory_space<vmem>>
      %dma_start3A_73 = tpu.memref_squeeze %dma_start3A_72 : memref<1x125xi32, #tpu.memory_space<vmem>> -> memref<125xi32, #tpu.memory_space<vmem>>
      %dma_start3A_74 = arith.constant 0 : i32
      %dma_start3A_75 = arith.constant 0 : i32
      %dma_start3A_76 = tpu.memref_slice %arg11[%dma_start3A_74, %dma_start3A_75] : memref<10000x128xf32, #tpu.memory_space<vmem_shared>> -> memref<10000x128xf32, #tpu.memory_space<vmem_shared>>
      tpu.enqueue_indirect_dma source(%arg9 : memref<125x128xf32, #tpu.memory_space<vmem>>) target(%dma_start3A_76 : memref<10000x128xf32, #tpu.memory_space<vmem_shared>>) offsets(%dma_start3A_73 : memref<125xi32, #tpu.memory_space<vmem>>) semaphore(%arg14 : memref<!tpu.dma_semaphore, #tpu.memory_space<semaphore_mem>>) {add = true}
      %dma_wait3A_77 = arith.constant 0 : i32
      %dma_wait3A_78 = arith.constant 0 : i32
      %dma_wait3A_79 = tpu.memref_slice %arg8[%dma_wait3A_77, %dma_wait3A_78] : memref<32x125xi32, #tpu.memory_space<vmem>> -> memref<1x125xi32, #tpu.memory_space<vmem>>
      %dma_wait3A_80 = tpu.memref_squeeze %dma_wait3A_79 : memref<1x125xi32, #tpu.memory_space<vmem>> -> memref<125xi32, #tpu.memory_space<vmem>>
      %dma_wait3A_81 = arith.constant 0 : i32
      %dma_wait3A_82 = arith.constant 0 : i32
      %dma_wait3A_83 = tpu.memref_slice %arg11[%dma_wait3A_81, %dma_wait3A_82] : memref<10000x128xf32, #tpu.memory_space<vmem_shared>> -> memref<10000x128xf32, #tpu.memory_space<vmem_shared>>
      tpu.wait_indirect_dma semaphore(%arg14 : memref<!tpu.dma_semaphore, #tpu.memory_space<semaphore_mem>>) src(%arg9 : memref<125x128xf32, #tpu.memory_space<vmem>>) dst(%dma_wait3A_83 : memref<10000x128xf32, #tpu.memory_space<vmem_shared>>)
      %add3A_84 = arith.constant 1 : i32
      %add3A_85 = arith.addi %mul3A_32, %add3A_84 : i32
      %add3A_86 = arith.constant 1 : i32
      %add3A_87 = arith.addi %add3A_85, %add3A_86 : i32
      %dma_start3A_88 = arith.constant 0 : i32
      %dma_start3A_89 = tpu.memref_slice %arg7[%add3A_87, %dma_start3A_88] : memref<32x125xi32, #tpu.memory_space<vmem>> -> memref<1x125xi32, #tpu.memory_space<vmem>>
      %dma_start3A_90 = tpu.memref_squeeze %dma_start3A_89 : memref<1x125xi32, #tpu.memory_space<vmem>> -> memref<125xi32, #tpu.memory_space<vmem>>
      %dma_start3A_91 = arith.constant 0 : i32
      %dma_start3A_92 = arith.constant 0 : i32
      %dma_start3A_93 = tpu.memref_slice %arg2[%dma_start3A_91, %dma_start3A_92] : memref<10000x128xf32, #tpu.memory_space<hbm>> -> memref<10000x128xf32, #tpu.memory_space<hbm>>
      tpu.enqueue_indirect_dma source(%dma_start3A_93 : memref<10000x128xf32, #tpu.memory_space<hbm>>) target(%arg9 : memref<125x128xf32, #tpu.memory_space<vmem>>) offsets(%dma_start3A_90 : memref<125xi32, #tpu.memory_space<vmem>>) semaphore(%arg12 : memref<!tpu.dma_semaphore, #tpu.memory_space<semaphore_mem>>)
      %dma_wait3A_94 = arith.constant 0 : i32
      %dma_wait3A_95 = tpu.memref_slice %arg7[%add3A_56, %dma_wait3A_94] : memref<32x125xi32, #tpu.memory_space<vmem>> -> memref<1x125xi32, #tpu.memory_space<vmem>>
      %dma_wait3A_96 = tpu.memref_squeeze %dma_wait3A_95 : memref<1x125xi32, #tpu.memory_space<vmem>> -> memref<125xi32, #tpu.memory_space<vmem>>
      %dma_wait3A_97 = arith.constant 0 : i32
      %dma_wait3A_98 = arith.constant 0 : i32
      %dma_wait3A_99 = tpu.memref_slice %arg2[%dma_wait3A_97, %dma_wait3A_98] : memref<10000x128xf32, #tpu.memory_space<hbm>> -> memref<10000x128xf32, #tpu.memory_space<hbm>>
      tpu.wait_indirect_dma semaphore(%arg13 : memref<!tpu.dma_semaphore, #tpu.memory_space<semaphore_mem>>) src(%dma_wait3A_99 : memref<10000x128xf32, #tpu.memory_space<hbm>>) dst(%arg10 : memref<125x128xf32, #tpu.memory_space<vmem>>)
      %add3A_100 = arith.constant 1 : i32
      %add3A_101 = arith.addi %mul3A_32, %add3A_100 : i32
      %dma_start3A_102 = arith.constant 0 : i32
      %dma_start3A_103 = tpu.memref_slice %arg8[%add3A_101, %dma_start3A_102] : memref<32x125xi32, #tpu.memory_space<vmem>> -> memref<1x125xi32, #tpu.memory_space<vmem>>
      %dma_start3A_104 = tpu.memref_squeeze %dma_start3A_103 : memref<1x125xi32, #tpu.memory_space<vmem>> -> memref<125xi32, #tpu.memory_space<vmem>>
      %dma_start3A_105 = arith.constant 0 : i32
      %dma_start3A_106 = arith.constant 0 : i32
      %dma_start3A_107 = tpu.memref_slice %arg11[%dma_start3A_105, %dma_start3A_106] : memref<10000x128xf32, #tpu.memory_space<vmem_shared>> -> memref<10000x128xf32, #tpu.memory_space<vmem_shared>>
      tpu.enqueue_indirect_dma source(%arg10 : memref<125x128xf32, #tpu.memory_space<vmem>>) target(%dma_start3A_107 : memref<10000x128xf32, #tpu.memory_space<vmem_shared>>) offsets(%dma_start3A_104 : memref<125xi32, #tpu.memory_space<vmem>>) semaphore(%arg15 : memref<!tpu.dma_semaphore, #tpu.memory_space<semaphore_mem>>) {add = true}
      %dma_wait3A_108 = arith.constant 0 : i32
      %dma_wait3A_109 = arith.constant 0 : i32
      %dma_wait3A_110 = tpu.memref_slice %arg8[%dma_wait3A_108, %dma_wait3A_109] : memref<32x125xi32, #tpu.memory_space<vmem>> -> memref<1x125xi32, #tpu.memory_space<vmem>>
      %dma_wait3A_111 = tpu.memref_squeeze %dma_wait3A_110 : memref<1x125xi32, #tpu.memory_space<vmem>> -> memref<125xi32, #tpu.memory_space<vmem>>
      %dma_wait3A_112 = arith.constant 0 : i32
      %dma_wait3A_113 = arith.constant 0 : i32
      %dma_wait3A_114 = tpu.memref_slice %arg11[%dma_wait3A_112, %dma_wait3A_113] : memref<10000x128xf32, #tpu.memory_space<vmem_shared>> -> memref<10000x128xf32, #tpu.memory_space<vmem_shared>>
      tpu.wait_indirect_dma semaphore(%arg15 : memref<!tpu.dma_semaphore, #tpu.memory_space<semaphore_mem>>) src(%arg10 : memref<125x128xf32, #tpu.memory_space<vmem>>) dst(%dma_wait3A_114 : memref<10000x128xf32, #tpu.memory_space<vmem_shared>>)
      %add3A_115 = arith.constant 2 : i32
      %add3A_116 = arith.addi %mul3A_32, %add3A_115 : i32
      %add3A_117 = arith.constant 1 : i32
      %add3A_118 = arith.addi %add3A_116, %add3A_117 : i32
      %dma_start3A_119 = arith.constant 0 : i32
      %dma_start3A_120 = tpu.memref_slice %arg7[%add3A_118, %dma_start3A_119] : memref<32x125xi32, #tpu.memory_space<vmem>> -> memref<1x125xi32, #tpu.memory_space<vmem>>
      %dma_start3A_121 = tpu.memref_squeeze %dma_start3A_120 : memref<1x125xi32, #tpu.memory_space<vmem>> -> memref<125xi32, #tpu.memory_space<vmem>>
      %dma_start3A_122 = arith.constant 0 : i32
      %dma_start3A_123 = arith.constant 0 : i32
      %dma_start3A_124 = tpu.memref_slice %arg2[%dma_start3A_122, %dma_start3A_123] : memref<10000x128xf32, #tpu.memory_space<hbm>> -> memref<10000x128xf32, #tpu.memory_space<hbm>>
      tpu.enqueue_indirect_dma source(%dma_start3A_124 : memref<10000x128xf32, #tpu.memory_space<hbm>>) target(%arg10 : memref<125x128xf32, #tpu.memory_space<vmem>>) offsets(%dma_start3A_121 : memref<125xi32, #tpu.memory_space<vmem>>) semaphore(%arg13 : memref<!tpu.dma_semaphore, #tpu.memory_space<semaphore_mem>>)
      %dma_wait3A_125 = arith.constant 0 : i32
      %dma_wait3A_126 = tpu.memref_slice %arg7[%add3A_87, %dma_wait3A_125] : memref<32x125xi32, #tpu.memory_space<vmem>> -> memref<1x125xi32, #tpu.memory_space<vmem>>
      %dma_wait3A_127 = tpu.memref_squeeze %dma_wait3A_126 : memref<1x125xi32, #tpu.memory_space<vmem>> -> memref<125xi32, #tpu.memory_space<vmem>>
      %dma_wait3A_128 = arith.constant 0 : i32
      %dma_wait3A_129 = arith.constant 0 : i32
      %dma_wait3A_130 = tpu.memref_slice %arg2[%dma_wait3A_128, %dma_wait3A_129] : memref<10000x128xf32, #tpu.memory_space<hbm>> -> memref<10000x128xf32, #tpu.memory_space<hbm>>
      tpu.wait_indirect_dma semaphore(%arg12 : memref<!tpu.dma_semaphore, #tpu.memory_space<semaphore_mem>>) src(%dma_wait3A_130 : memref<10000x128xf32, #tpu.memory_space<hbm>>) dst(%arg9 : memref<125x128xf32, #tpu.memory_space<vmem>>)
      %add3A_131 = arith.constant 2 : i32
      %add3A_132 = arith.addi %mul3A_32, %add3A_131 : i32
      %dma_start3A_133 = arith.constant 0 : i32
      %dma_start3A_134 = tpu.memref_slice %arg8[%add3A_132, %dma_start3A_133] : memref<32x125xi32, #tpu.memory_space<vmem>> -> memref<1x125xi32, #tpu.memory_space<vmem>>
      %dma_start3A_135 = tpu.memref_squeeze %dma_start3A_134 : memref<1x125xi32, #tpu.memory_space<vmem>> -> memref<125xi32, #tpu.memory_space<vmem>>
      %dma_start3A_136 = arith.constant 0 : i32
      %dma_start3A_137 = arith.constant 0 : i32
      %dma_start3A_138 = tpu.memref_slice %arg11[%dma_start3A_136, %dma_start3A_137] : memref<10000x128xf32, #tpu.memory_space<vmem_shared>> -> memref<10000x128xf32, #tpu.memory_space<vmem_shared>>
      tpu.enqueue_indirect_dma source(%arg9 : memref<125x128xf32, #tpu.memory_space<vmem>>) target(%dma_start3A_138 : memref<10000x128xf32, #tpu.memory_space<vmem_shared>>) offsets(%dma_start3A_135 : memref<125xi32, #tpu.memory_space<vmem>>) semaphore(%arg14 : memref<!tpu.dma_semaphore, #tpu.memory_space<semaphore_mem>>) {add = true}
      %dma_wait3A_139 = arith.constant 0 : i32
      %dma_wait3A_140 = arith.constant 0 : i32
      %dma_wait3A_141 = tpu.memref_slice %arg8[%dma_wait3A_139, %dma_wait3A_140] : memref<32x125xi32, #tpu.memory_space<vmem>> -> memref<1x125xi32, #tpu.memory_space<vmem>>
      %dma_wait3A_142 = tpu.memref_squeeze %dma_wait3A_141 : memref<1x125xi32, #tpu.memory_space<vmem>> -> memref<125xi32, #tpu.memory_space<vmem>>
      %dma_wait3A_143 = arith.constant 0 : i32
      %dma_wait3A_144 = arith.constant 0 : i32
      %dma_wait3A_145 = tpu.memref_slice %arg11[%dma_wait3A_143, %dma_wait3A_144] : memref<10000x128xf32, #tpu.memory_space<vmem_shared>> -> memref<10000x128xf32, #tpu.memory_space<vmem_shared>>
      tpu.wait_indirect_dma semaphore(%arg14 : memref<!tpu.dma_semaphore, #tpu.memory_space<semaphore_mem>>) src(%arg9 : memref<125x128xf32, #tpu.memory_space<vmem>>) dst(%dma_wait3A_145 : memref<10000x128xf32, #tpu.memory_space<vmem_shared>>)
      %add3A_146 = arith.constant 3 : i32
      %add3A_147 = arith.addi %mul3A_32, %add3A_146 : i32
      %add3A_148 = arith.constant 1 : i32
      %add3A_149 = arith.addi %add3A_147, %add3A_148 : i32
      %dma_start3A_150 = arith.constant 0 : i32
      %dma_start3A_151 = tpu.memref_slice %arg7[%add3A_149, %dma_start3A_150] : memref<32x125xi32, #tpu.memory_space<vmem>> -> memref<1x125xi32, #tpu.memory_space<vmem>>
      %dma_start3A_152 = tpu.memref_squeeze %dma_start3A_151 : memref<1x125xi32, #tpu.memory_space<vmem>> -> memref<125xi32, #tpu.memory_space<vmem>>
      %dma_start3A_153 = arith.constant 0 : i32
      %dma_start3A_154 = arith.constant 0 : i32
      %dma_start3A_155 = tpu.memref_slice %arg2[%dma_start3A_153, %dma_start3A_154] : memref<10000x128xf32, #tpu.memory_space<hbm>> -> memref<10000x128xf32, #tpu.memory_space<hbm>>
      tpu.enqueue_indirect_dma source(%dma_start3A_155 : memref<10000x128xf32, #tpu.memory_space<hbm>>) target(%arg9 : memref<125x128xf32, #tpu.memory_space<vmem>>) offsets(%dma_start3A_152 : memref<125xi32, #tpu.memory_space<vmem>>) semaphore(%arg12 : memref<!tpu.dma_semaphore, #tpu.memory_space<semaphore_mem>>)
      %dma_wait3A_156 = arith.constant 0 : i32
      %dma_wait3A_157 = tpu.memref_slice %arg7[%add3A_118, %dma_wait3A_156] : memref<32x125xi32, #tpu.memory_space<vmem>> -> memref<1x125xi32, #tpu.memory_space<vmem>>
      %dma_wait3A_158 = tpu.memref_squeeze %dma_wait3A_157 : memref<1x125xi32, #tpu.memory_space<vmem>> -> memref<125xi32, #tpu.memory_space<vmem>>
      %dma_wait3A_159 = arith.constant 0 : i32
      %dma_wait3A_160 = arith.constant 0 : i32
      %dma_wait3A_161 = tpu.memref_slice %arg2[%dma_wait3A_159, %dma_wait3A_160] : memref<10000x128xf32, #tpu.memory_space<hbm>> -> memref<10000x128xf32, #tpu.memory_space<hbm>>
      tpu.wait_indirect_dma semaphore(%arg13 : memref<!tpu.dma_semaphore, #tpu.memory_space<semaphore_mem>>) src(%dma_wait3A_161 : memref<10000x128xf32, #tpu.memory_space<hbm>>) dst(%arg10 : memref<125x128xf32, #tpu.memory_space<vmem>>)
      %add3A_162 = arith.constant 3 : i32
      %add3A_163 = arith.addi %mul3A_32, %add3A_162 : i32
      %dma_start3A_164 = arith.constant 0 : i32
      %dma_start3A_165 = tpu.memref_slice %arg8[%add3A_163, %dma_start3A_164] : memref<32x125xi32, #tpu.memory_space<vmem>> -> memref<1x125xi32, #tpu.memory_space<vmem>>
      %dma_start3A_166 = tpu.memref_squeeze %dma_start3A_165 : memref<1x125xi32, #tpu.memory_space<vmem>> -> memref<125xi32, #tpu.memory_space<vmem>>
      %dma_start3A_167 = arith.constant 0 : i32
      %dma_start3A_168 = arith.constant 0 : i32
      %dma_start3A_169 = tpu.memref_slice %arg11[%dma_start3A_167, %dma_start3A_168] : memref<10000x128xf32, #tpu.memory_space<vmem_shared>> -> memref<10000x128xf32, #tpu.memory_space<vmem_shared>>
      tpu.enqueue_indirect_dma source(%arg10 : memref<125x128xf32, #tpu.memory_space<vmem>>) target(%dma_start3A_169 : memref<10000x128xf32, #tpu.memory_space<vmem_shared>>) offsets(%dma_start3A_166 : memref<125xi32, #tpu.memory_space<vmem>>) semaphore(%arg15 : memref<!tpu.dma_semaphore, #tpu.memory_space<semaphore_mem>>) {add = true}
      %dma_wait3A_170 = arith.constant 0 : i32
      %dma_wait3A_171 = arith.constant 0 : i32
      %dma_wait3A_172 = tpu.memref_slice %arg8[%dma_wait3A_170, %dma_wait3A_171] : memref<32x125xi32, #tpu.memory_space<vmem>> -> memref<1x125xi32, #tpu.memory_space<vmem>>
      %dma_wait3A_173 = tpu.memref_squeeze %dma_wait3A_172 : memref<1x125xi32, #tpu.memory_space<vmem>> -> memref<125xi32, #tpu.memory_space<vmem>>
      %dma_wait3A_174 = arith.constant 0 : i32
      %dma_wait3A_175 = arith.constant 0 : i32
      %dma_wait3A_176 = tpu.memref_slice %arg11[%dma_wait3A_174, %dma_wait3A_175] : memref<10000x128xf32, #tpu.memory_space<vmem_shared>> -> memref<10000x128xf32, #tpu.memory_space<vmem_shared>>
      tpu.wait_indirect_dma semaphore(%arg15 : memref<!tpu.dma_semaphore, #tpu.memory_space<semaphore_mem>>) src(%arg10 : memref<125x128xf32, #tpu.memory_space<vmem>>) dst(%dma_wait3A_176 : memref<10000x128xf32, #tpu.memory_space<vmem_shared>>)
      %add3A_177 = arith.constant 4 : i32
      %add3A_178 = arith.addi %mul3A_32, %add3A_177 : i32
      %add3A_179 = arith.constant 1 : i32
      %add3A_180 = arith.addi %add3A_178, %add3A_179 : i32
      %dma_start3A_181 = arith.constant 0 : i32
      %dma_start3A_182 = tpu.memref_slice %arg7[%add3A_180, %dma_start3A_181] : memref<32x125xi32, #tpu.memory_space<vmem>> -> memref<1x125xi32, #tpu.memory_space<vmem>>
      %dma_start3A_183 = tpu.memref_squeeze %dma_start3A_182 : memref<1x125xi32, #tpu.memory_space<vmem>> -> memref<125xi32, #tpu.memory_space<vmem>>
      %dma_start3A_184 = arith.constant 0 : i32
      %dma_start3A_185 = arith.constant 0 : i32
      %dma_start3A_186 = tpu.memref_slice %arg2[%dma_start3A_184, %dma_start3A_185] : memref<10000x128xf32, #tpu.memory_space<hbm>> -> memref<10000x128xf32, #tpu.memory_space<hbm>>
      tpu.enqueue_indirect_dma source(%dma_start3A_186 : memref<10000x128xf32, #tpu.memory_space<hbm>>) target(%arg10 : memref<125x128xf32, #tpu.memory_space<vmem>>) offsets(%dma_start3A_183 : memref<125xi32, #tpu.memory_space<vmem>>) semaphore(%arg13 : memref<!tpu.dma_semaphore, #tpu.memory_space<semaphore_mem>>)
      %dma_wait3A_187 = arith.constant 0 : i32
      %dma_wait3A_188 = tpu.memref_slice %arg7[%add3A_149, %dma_wait3A_187] : memref<32x125xi32, #tpu.memory_space<vmem>> -> memref<1x125xi32, #tpu.memory_space<vmem>>
      %dma_wait3A_189 = tpu.memref_squeeze %dma_wait3A_188 : memref<1x125xi32, #tpu.memory_space<vmem>> -> memref<125xi32, #tpu.memory_space<vmem>>
      %dma_wait3A_190 = arith.constant 0 : i32
      %dma_wait3A_191 = arith.constant 0 : i32
      %dma_wait3A_192 = tpu.memref_slice %arg2[%dma_wait3A_190, %dma_wait3A_191] : memref<10000x128xf32, #tpu.memory_space<hbm>> -> memref<10000x128xf32, #tpu.memory_space<hbm>>
      tpu.wait_indirect_dma semaphore(%arg12 : memref<!tpu.dma_semaphore, #tpu.memory_space<semaphore_mem>>) src(%dma_wait3A_192 : memref<10000x128xf32, #tpu.memory_space<hbm>>) dst(%arg9 : memref<125x128xf32, #tpu.memory_space<vmem>>)
      %add3A_193 = arith.constant 4 : i32
      %add3A_194 = arith.addi %mul3A_32, %add3A_193 : i32
      %dma_start3A_195 = arith.constant 0 : i32
      %dma_start3A_196 = tpu.memref_slice %arg8[%add3A_194, %dma_start3A_195] : memref<32x125xi32, #tpu.memory_space<vmem>> -> memref<1x125xi32, #tpu.memory_space<vmem>>
      %dma_start3A_197 = tpu.memref_squeeze %dma_start3A_196 : memref<1x125xi32, #tpu.memory_space<vmem>> -> memref<125xi32, #tpu.memory_space<vmem>>
      %dma_start3A_198 = arith.constant 0 : i32
      %dma_start3A_199 = arith.constant 0 : i32
      %dma_start3A_200 = tpu.memref_slice %arg11[%dma_start3A_198, %dma_start3A_199] : memref<10000x128xf32, #tpu.memory_space<vmem_shared>> -> memref<10000x128xf32, #tpu.memory_space<vmem_shared>>
      tpu.enqueue_indirect_dma source(%arg9 : memref<125x128xf32, #tpu.memory_space<vmem>>) target(%dma_start3A_200 : memref<10000x128xf32, #tpu.memory_space<vmem_shared>>) offsets(%dma_start3A_197 : memref<125xi32, #tpu.memory_space<vmem>>) semaphore(%arg14 : memref<!tpu.dma_semaphore, #tpu.memory_space<semaphore_mem>>) {add = true}
      %dma_wait3A_201 = arith.constant 0 : i32
      %dma_wait3A_202 = arith.constant 0 : i32
      %dma_wait3A_203 = tpu.memref_slice %arg8[%dma_wait3A_201, %dma_wait3A_202] : memref<32x125xi32, #tpu.memory_space<vmem>> -> memref<1x125xi32, #tpu.memory_space<vmem>>
      %dma_wait3A_204 = tpu.memref_squeeze %dma_wait3A_203 : memref<1x125xi32, #tpu.memory_space<vmem>> -> memref<125xi32, #tpu.memory_space<vmem>>
      %dma_wait3A_205 = arith.constant 0 : i32
      %dma_wait3A_206 = arith.constant 0 : i32
      %dma_wait3A_207 = tpu.memref_slice %arg11[%dma_wait3A_205, %dma_wait3A_206] : memref<10000x128xf32, #tpu.memory_space<vmem_shared>> -> memref<10000x128xf32, #tpu.memory_space<vmem_shared>>
      tpu.wait_indirect_dma semaphore(%arg14 : memref<!tpu.dma_semaphore, #tpu.memory_space<semaphore_mem>>) src(%arg9 : memref<125x128xf32, #tpu.memory_space<vmem>>) dst(%dma_wait3A_207 : memref<10000x128xf32, #tpu.memory_space<vmem_shared>>)
      %add3A_208 = arith.constant 5 : i32
      %add3A_209 = arith.addi %mul3A_32, %add3A_208 : i32
      %add3A_210 = arith.constant 1 : i32
      %add3A_211 = arith.addi %add3A_209, %add3A_210 : i32
      %dma_start3A_212 = arith.constant 0 : i32
      %dma_start3A_213 = tpu.memref_slice %arg7[%add3A_211, %dma_start3A_212] : memref<32x125xi32, #tpu.memory_space<vmem>> -> memref<1x125xi32, #tpu.memory_space<vmem>>
      %dma_start3A_214 = tpu.memref_squeeze %dma_start3A_213 : memref<1x125xi32, #tpu.memory_space<vmem>> -> memref<125xi32, #tpu.memory_space<vmem>>
      %dma_start3A_215 = arith.constant 0 : i32
      %dma_start3A_216 = arith.constant 0 : i32
      %dma_start3A_217 = tpu.memref_slice %arg2[%dma_start3A_215, %dma_start3A_216] : memref<10000x128xf32, #tpu.memory_space<hbm>> -> memref<10000x128xf32, #tpu.memory_space<hbm>>
      tpu.enqueue_indirect_dma source(%dma_start3A_217 : memref<10000x128xf32, #tpu.memory_space<hbm>>) target(%arg9 : memref<125x128xf32, #tpu.memory_space<vmem>>) offsets(%dma_start3A_214 : memref<125xi32, #tpu.memory_space<vmem>>) semaphore(%arg12 : memref<!tpu.dma_semaphore, #tpu.memory_space<semaphore_mem>>)
      %dma_wait3A_218 = arith.constant 0 : i32
      %dma_wait3A_219 = tpu.memref_slice %arg7[%add3A_180, %dma_wait3A_218] : memref<32x125xi32, #tpu.memory_space<vmem>> -> memref<1x125xi32, #tpu.memory_space<vmem>>
      %dma_wait3A_220 = tpu.memref_squeeze %dma_wait3A_219 : memref<1x125xi32, #tpu.memory_space<vmem>> -> memref<125xi32, #tpu.memory_space<vmem>>
      %dma_wait3A_221 = arith.constant 0 : i32
      %dma_wait3A_222 = arith.constant 0 : i32
      %dma_wait3A_223 = tpu.memref_slice %arg2[%dma_wait3A_221, %dma_wait3A_222] : memref<10000x128xf32, #tpu.memory_space<hbm>> -> memref<10000x128xf32, #tpu.memory_space<hbm>>
      tpu.wait_indirect_dma semaphore(%arg13 : memref<!tpu.dma_semaphore, #tpu.memory_space<semaphore_mem>>) src(%dma_wait3A_223 : memref<10000x128xf32, #tpu.memory_space<hbm>>) dst(%arg10 : memref<125x128xf32, #tpu.memory_space<vmem>>)
      %add3A_224 = arith.constant 5 : i32
      %add3A_225 = arith.addi %mul3A_32, %add3A_224 : i32
      %dma_start3A_226 = arith.constant 0 : i32
      %dma_start3A_227 = tpu.memref_slice %arg8[%add3A_225, %dma_start3A_226] : memref<32x125xi32, #tpu.memory_space<vmem>> -> memref<1x125xi32, #tpu.memory_space<vmem>>
      %dma_start3A_228 = tpu.memref_squeeze %dma_start3A_227 : memref<1x125xi32, #tpu.memory_space<vmem>> -> memref<125xi32, #tpu.memory_space<vmem>>
      %dma_start3A_229 = arith.constant 0 : i32
      %dma_start3A_230 = arith.constant 0 : i32
      %dma_start3A_231 = tpu.memref_slice %arg11[%dma_start3A_229, %dma_start3A_230] : memref<10000x128xf32, #tpu.memory_space<vmem_shared>> -> memref<10000x128xf32, #tpu.memory_space<vmem_shared>>
      tpu.enqueue_indirect_dma source(%arg10 : memref<125x128xf32, #tpu.memory_space<vmem>>) target(%dma_start3A_231 : memref<10000x128xf32, #tpu.memory_space<vmem_shared>>) offsets(%dma_start3A_228 : memref<125xi32, #tpu.memory_space<vmem>>) semaphore(%arg15 : memref<!tpu.dma_semaphore, #tpu.memory_space<semaphore_mem>>) {add = true}
      %dma_wait3A_232 = arith.constant 0 : i32
      %dma_wait3A_233 = arith.constant 0 : i32
      %dma_wait3A_234 = tpu.memref_slice %arg8[%dma_wait3A_232, %dma_wait3A_233] : memref<32x125xi32, #tpu.memory_space<vmem>> -> memref<1x125xi32, #tpu.memory_space<vmem>>
      %dma_wait3A_235 = tpu.memref_squeeze %dma_wait3A_234 : memref<1x125xi32, #tpu.memory_space<vmem>> -> memref<125xi32, #tpu.memory_space<vmem>>
      %dma_wait3A_236 = arith.constant 0 : i32
      %dma_wait3A_237 = arith.constant 0 : i32
      %dma_wait3A_238 = tpu.memref_slice %arg11[%dma_wait3A_236, %dma_wait3A_237] : memref<10000x128xf32, #tpu.memory_space<vmem_shared>> -> memref<10000x128xf32, #tpu.memory_space<vmem_shared>>
      tpu.wait_indirect_dma semaphore(%arg15 : memref<!tpu.dma_semaphore, #tpu.memory_space<semaphore_mem>>) src(%arg10 : memref<125x128xf32, #tpu.memory_space<vmem>>) dst(%dma_wait3A_238 : memref<10000x128xf32, #tpu.memory_space<vmem_shared>>)
      %add3A_239 = arith.constant 6 : i32
      %add3A_240 = arith.addi %mul3A_32, %add3A_239 : i32
      %add3A_241 = arith.constant 1 : i32
      %add3A_242 = arith.addi %add3A_240, %add3A_241 : i32
      %dma_start3A_243 = arith.constant 0 : i32
      %dma_start3A_244 = tpu.memref_slice %arg7[%add3A_242, %dma_start3A_243] : memref<32x125xi32, #tpu.memory_space<vmem>> -> memref<1x125xi32, #tpu.memory_space<vmem>>
      %dma_start3A_245 = tpu.memref_squeeze %dma_start3A_244 : memref<1x125xi32, #tpu.memory_space<vmem>> -> memref<125xi32, #tpu.memory_space<vmem>>
      %dma_start3A_246 = arith.constant 0 : i32
      %dma_start3A_247 = arith.constant 0 : i32
      %dma_start3A_248 = tpu.memref_slice %arg2[%dma_start3A_246, %dma_start3A_247] : memref<10000x128xf32, #tpu.memory_space<hbm>> -> memref<10000x128xf32, #tpu.memory_space<hbm>>
      tpu.enqueue_indirect_dma source(%dma_start3A_248 : memref<10000x128xf32, #tpu.memory_space<hbm>>) target(%arg10 : memref<125x128xf32, #tpu.memory_space<vmem>>) offsets(%dma_start3A_245 : memref<125xi32, #tpu.memory_space<vmem>>) semaphore(%arg13 : memref<!tpu.dma_semaphore, #tpu.memory_space<semaphore_mem>>)
      %dma_wait3A_249 = arith.constant 0 : i32
      %dma_wait3A_250 = tpu.memref_slice %arg7[%add3A_211, %dma_wait3A_249] : memref<32x125xi32, #tpu.memory_space<vmem>> -> memref<1x125xi32, #tpu.memory_space<vmem>>
      %dma_wait3A_251 = tpu.memref_squeeze %dma_wait3A_250 : memref<1x125xi32, #tpu.memory_space<vmem>> -> memref<125xi32, #tpu.memory_space<vmem>>
      %dma_wait3A_252 = arith.constant 0 : i32
      %dma_wait3A_253 = arith.constant 0 : i32
      %dma_wait3A_254 = tpu.memref_slice %arg2[%dma_wait3A_252, %dma_wait3A_253] : memref<10000x128xf32, #tpu.memory_space<hbm>> -> memref<10000x128xf32, #tpu.memory_space<hbm>>
      tpu.wait_indirect_dma semaphore(%arg12 : memref<!tpu.dma_semaphore, #tpu.memory_space<semaphore_mem>>) src(%dma_wait3A_254 : memref<10000x128xf32, #tpu.memory_space<hbm>>) dst(%arg9 : memref<125x128xf32, #tpu.memory_space<vmem>>)
      %add3A_255 = arith.constant 6 : i32
      %add3A_256 = arith.addi %mul3A_32, %add3A_255 : i32
      %dma_start3A_257 = arith.constant 0 : i32
      %dma_start3A_258 = tpu.memref_slice %arg8[%add3A_256, %dma_start3A_257] : memref<32x125xi32, #tpu.memory_space<vmem>> -> memref<1x125xi32, #tpu.memory_space<vmem>>
      %dma_start3A_259 = tpu.memref_squeeze %dma_start3A_258 : memref<1x125xi32, #tpu.memory_space<vmem>> -> memref<125xi32, #tpu.memory_space<vmem>>
      %dma_start3A_260 = arith.constant 0 : i32
      %dma_start3A_261 = arith.constant 0 : i32
      %dma_start3A_262 = tpu.memref_slice %arg11[%dma_start3A_260, %dma_start3A_261] : memref<10000x128xf32, #tpu.memory_space<vmem_shared>> -> memref<10000x128xf32, #tpu.memory_space<vmem_shared>>
      tpu.enqueue_indirect_dma source(%arg9 : memref<125x128xf32, #tpu.memory_space<vmem>>) target(%dma_start3A_262 : memref<10000x128xf32, #tpu.memory_space<vmem_shared>>) offsets(%dma_start3A_259 : memref<125xi32, #tpu.memory_space<vmem>>) semaphore(%arg14 : memref<!tpu.dma_semaphore, #tpu.memory_space<semaphore_mem>>) {add = true}
      %dma_wait3A_263 = arith.constant 0 : i32
      %dma_wait3A_264 = arith.constant 0 : i32
      %dma_wait3A_265 = tpu.memref_slice %arg8[%dma_wait3A_263, %dma_wait3A_264] : memref<32x125xi32, #tpu.memory_space<vmem>> -> memref<1x125xi32, #tpu.memory_space<vmem>>
      %dma_wait3A_266 = tpu.memref_squeeze %dma_wait3A_265 : memref<1x125xi32, #tpu.memory_space<vmem>> -> memref<125xi32, #tpu.memory_space<vmem>>
      %dma_wait3A_267 = arith.constant 0 : i32
      %dma_wait3A_268 = arith.constant 0 : i32
      %dma_wait3A_269 = tpu.memref_slice %arg11[%dma_wait3A_267, %dma_wait3A_268] : memref<10000x128xf32, #tpu.memory_space<vmem_shared>> -> memref<10000x128xf32, #tpu.memory_space<vmem_shared>>
      tpu.wait_indirect_dma semaphore(%arg14 : memref<!tpu.dma_semaphore, #tpu.memory_space<semaphore_mem>>) src(%arg9 : memref<125x128xf32, #tpu.memory_space<vmem>>) dst(%dma_wait3A_269 : memref<10000x128xf32, #tpu.memory_space<vmem_shared>>)
      %add3A_270 = arith.constant 7 : i32
      %add3A_271 = arith.addi %mul3A_32, %add3A_270 : i32
      %add3A_272 = arith.constant 1 : i32
      %add3A_273 = arith.addi %add3A_271, %add3A_272 : i32
      %dma_start3A_274 = arith.constant 0 : i32
      %dma_start3A_275 = tpu.memref_slice %arg7[%add3A_273, %dma_start3A_274] : memref<32x125xi32, #tpu.memory_space<vmem>> -> memref<1x125xi32, #tpu.memory_space<vmem>>
      %dma_start3A_276 = tpu.memref_squeeze %dma_start3A_275 : memref<1x125xi32, #tpu.memory_space<vmem>> -> memref<125xi32, #tpu.memory_space<vmem>>
      %dma_start3A_277 = arith.constant 0 : i32
      %dma_start3A_278 = arith.constant 0 : i32
      %dma_start3A_279 = tpu.memref_slice %arg2[%dma_start3A_277, %dma_start3A_278] : memref<10000x128xf32, #tpu.memory_space<hbm>> -> memref<10000x128xf32, #tpu.memory_space<hbm>>
      tpu.enqueue_indirect_dma source(%dma_start3A_279 : memref<10000x128xf32, #tpu.memory_space<hbm>>) target(%arg9 : memref<125x128xf32, #tpu.memory_space<vmem>>) offsets(%dma_start3A_276 : memref<125xi32, #tpu.memory_space<vmem>>) semaphore(%arg12 : memref<!tpu.dma_semaphore, #tpu.memory_space<semaphore_mem>>)
      %dma_wait3A_280 = arith.constant 0 : i32
      %dma_wait3A_281 = tpu.memref_slice %arg7[%add3A_242, %dma_wait3A_280] : memref<32x125xi32, #tpu.memory_space<vmem>> -> memref<1x125xi32, #tpu.memory_space<vmem>>
      %dma_wait3A_282 = tpu.memref_squeeze %dma_wait3A_281 : memref<1x125xi32, #tpu.memory_space<vmem>> -> memref<125xi32, #tpu.memory_space<vmem>>
      %dma_wait3A_283 = arith.constant 0 : i32
      %dma_wait3A_284 = arith.constant 0 : i32
      %dma_wait3A_285 = tpu.memref_slice %arg2[%dma_wait3A_283, %dma_wait3A_284] : memref<10000x128xf32, #tpu.memory_space<hbm>> -> memref<10000x128xf32, #tpu.memory_space<hbm>>
      tpu.wait_indirect_dma semaphore(%arg13 : memref<!tpu.dma_semaphore, #tpu.memory_space<semaphore_mem>>) src(%dma_wait3A_285 : memref<10000x128xf32, #tpu.memory_space<hbm>>) dst(%arg10 : memref<125x128xf32, #tpu.memory_space<vmem>>)
      %add3A_286 = arith.constant 7 : i32
      %add3A_287 = arith.addi %mul3A_32, %add3A_286 : i32
      %dma_start3A_288 = arith.constant 0 : i32
      %dma_start3A_289 = tpu.memref_slice %arg8[%add3A_287, %dma_start3A_288] : memref<32x125xi32, #tpu.memory_space<vmem>> -> memref<1x125xi32, #tpu.memory_space<vmem>>
      %dma_start3A_290 = tpu.memref_squeeze %dma_start3A_289 : memref<1x125xi32, #tpu.memory_space<vmem>> -> memref<125xi32, #tpu.memory_space<vmem>>
      %dma_start3A_291 = arith.constant 0 : i32
      %dma_start3A_292 = arith.constant 0 : i32
      %dma_start3A_293 = tpu.memref_slice %arg11[%dma_start3A_291, %dma_start3A_292] : memref<10000x128xf32, #tpu.memory_space<vmem_shared>> -> memref<10000x128xf32, #tpu.memory_space<vmem_shared>>
      tpu.enqueue_indirect_dma source(%arg10 : memref<125x128xf32, #tpu.memory_space<vmem>>) target(%dma_start3A_293 : memref<10000x128xf32, #tpu.memory_space<vmem_shared>>) offsets(%dma_start3A_290 : memref<125xi32, #tpu.memory_space<vmem>>) semaphore(%arg15 : memref<!tpu.dma_semaphore, #tpu.memory_space<semaphore_mem>>) {add = true}
      %dma_wait3A_294 = arith.constant 0 : i32
      %dma_wait3A_295 = arith.constant 0 : i32
      %dma_wait3A_296 = tpu.memref_slice %arg8[%dma_wait3A_294, %dma_wait3A_295] : memref<32x125xi32, #tpu.memory_space<vmem>> -> memref<1x125xi32, #tpu.memory_space<vmem>>
      %dma_wait3A_297 = tpu.memref_squeeze %dma_wait3A_296 : memref<1x125xi32, #tpu.memory_space<vmem>> -> memref<125xi32, #tpu.memory_space<vmem>>
      %dma_wait3A_298 = arith.constant 0 : i32
      %dma_wait3A_299 = arith.constant 0 : i32
      %dma_wait3A_300 = tpu.memref_slice %arg11[%dma_wait3A_298, %dma_wait3A_299] : memref<10000x128xf32, #tpu.memory_space<vmem_shared>> -> memref<10000x128xf32, #tpu.memory_space<vmem_shared>>
      tpu.wait_indirect_dma semaphore(%arg15 : memref<!tpu.dma_semaphore, #tpu.memory_space<semaphore_mem>>) src(%arg10 : memref<125x128xf32, #tpu.memory_space<vmem>>) dst(%dma_wait3A_300 : memref<10000x128xf32, #tpu.memory_space<vmem_shared>>)
      %add3A_301 = arith.constant 8 : i32
      %add3A_302 = arith.addi %mul3A_32, %add3A_301 : i32
      %add3A_303 = arith.constant 1 : i32
      %add3A_304 = arith.addi %add3A_302, %add3A_303 : i32
      %dma_start3A_305 = arith.constant 0 : i32
      %dma_start3A_306 = tpu.memref_slice %arg7[%add3A_304, %dma_start3A_305] : memref<32x125xi32, #tpu.memory_space<vmem>> -> memref<1x125xi32, #tpu.memory_space<vmem>>
      %dma_start3A_307 = tpu.memref_squeeze %dma_start3A_306 : memref<1x125xi32, #tpu.memory_space<vmem>> -> memref<125xi32, #tpu.memory_space<vmem>>
      %dma_start3A_308 = arith.constant 0 : i32
      %dma_start3A_309 = arith.constant 0 : i32
      %dma_start3A_310 = tpu.memref_slice %arg2[%dma_start3A_308, %dma_start3A_309] : memref<10000x128xf32, #tpu.memory_space<hbm>> -> memref<10000x128xf32, #tpu.memory_space<hbm>>
      tpu.enqueue_indirect_dma source(%dma_start3A_310 : memref<10000x128xf32, #tpu.memory_space<hbm>>) target(%arg10 : memref<125x128xf32, #tpu.memory_space<vmem>>) offsets(%dma_start3A_307 : memref<125xi32, #tpu.memory_space<vmem>>) semaphore(%arg13 : memref<!tpu.dma_semaphore, #tpu.memory_space<semaphore_mem>>)
      %dma_wait3A_311 = arith.constant 0 : i32
      %dma_wait3A_312 = tpu.memref_slice %arg7[%add3A_273, %dma_wait3A_311] : memref<32x125xi32, #tpu.memory_space<vmem>> -> memref<1x125xi32, #tpu.memory_space<vmem>>
      %dma_wait3A_313 = tpu.memref_squeeze %dma_wait3A_312 : memref<1x125xi32, #tpu.memory_space<vmem>> -> memref<125xi32, #tpu.memory_space<vmem>>
      %dma_wait3A_314 = arith.constant 0 : i32
      %dma_wait3A_315 = arith.constant 0 : i32
      %dma_wait3A_316 = tpu.memref_slice %arg2[%dma_wait3A_314, %dma_wait3A_315] : memref<10000x128xf32, #tpu.memory_space<hbm>> -> memref<10000x128xf32, #tpu.memory_space<hbm>>
      tpu.wait_indirect_dma semaphore(%arg12 : memref<!tpu.dma_semaphore, #tpu.memory_space<semaphore_mem>>) src(%dma_wait3A_316 : memref<10000x128xf32, #tpu.memory_space<hbm>>) dst(%arg9 : memref<125x128xf32, #tpu.memory_space<vmem>>)
      %add3A_317 = arith.constant 8 : i32
      %add3A_318 = arith.addi %mul3A_32, %add3A_317 : i32
      %dma_start3A_319 = arith.constant 0 : i32
      %dma_start3A_320 = tpu.memref_slice %arg8[%add3A_318, %dma_start3A_319] : memref<32x125xi32, #tpu.memory_space<vmem>> -> memref<1x125xi32, #tpu.memory_space<vmem>>
      %dma_start3A_321 = tpu.memref_squeeze %dma_start3A_320 : memref<1x125xi32, #tpu.memory_space<vmem>> -> memref<125xi32, #tpu.memory_space<vmem>>
      %dma_start3A_322 = arith.constant 0 : i32
      %dma_start3A_323 = arith.constant 0 : i32
      %dma_start3A_324 = tpu.memref_slice %arg11[%dma_start3A_322, %dma_start3A_323] : memref<10000x128xf32, #tpu.memory_space<vmem_shared>> -> memref<10000x128xf32, #tpu.memory_space<vmem_shared>>
      tpu.enqueue_indirect_dma source(%arg9 : memref<125x128xf32, #tpu.memory_space<vmem>>) target(%dma_start3A_324 : memref<10000x128xf32, #tpu.memory_space<vmem_shared>>) offsets(%dma_start3A_321 : memref<125xi32, #tpu.memory_space<vmem>>) semaphore(%arg14 : memref<!tpu.dma_semaphore, #tpu.memory_space<semaphore_mem>>) {add = true}
      %dma_wait3A_325 = arith.constant 0 : i32
      %dma_wait3A_326 = arith.constant 0 : i32
      %dma_wait3A_327 = tpu.memref_slice %arg8[%dma_wait3A_325, %dma_wait3A_326] : memref<32x125xi32, #tpu.memory_space<vmem>> -> memref<1x125xi32, #tpu.memory_space<vmem>>
      %dma_wait3A_328 = tpu.memref_squeeze %dma_wait3A_327 : memref<1x125xi32, #tpu.memory_space<vmem>> -> memref<125xi32, #tpu.memory_space<vmem>>
      %dma_wait3A_329 = arith.constant 0 : i32
      %dma_wait3A_330 = arith.constant 0 : i32
      %dma_wait3A_331 = tpu.memref_slice %arg11[%dma_wait3A_329, %dma_wait3A_330] : memref<10000x128xf32, #tpu.memory_space<vmem_shared>> -> memref<10000x128xf32, #tpu.memory_space<vmem_shared>>
      tpu.wait_indirect_dma semaphore(%arg14 : memref<!tpu.dma_semaphore, #tpu.memory_space<semaphore_mem>>) src(%arg9 : memref<125x128xf32, #tpu.memory_space<vmem>>) dst(%dma_wait3A_331 : memref<10000x128xf32, #tpu.memory_space<vmem_shared>>)
      %add3A_332 = arith.constant 9 : i32
      %add3A_333 = arith.addi %mul3A_32, %add3A_332 : i32
      %add3A_334 = arith.constant 1 : i32
      %add3A_335 = arith.addi %add3A_333, %add3A_334 : i32
      %dma_start3A_336 = arith.constant 0 : i32
      %dma_start3A_337 = tpu.memref_slice %arg7[%add3A_335, %dma_start3A_336] : memref<32x125xi32, #tpu.memory_space<vmem>> -> memref<1x125xi32, #tpu.memory_space<vmem>>
      %dma_start3A_338 = tpu.memref_squeeze %dma_start3A_337 : memref<1x125xi32, #tpu.memory_space<vmem>> -> memref<125xi32, #tpu.memory_space<vmem>>
      %dma_start3A_339 = arith.constant 0 : i32
      %dma_start3A_340 = arith.constant 0 : i32
      %dma_start3A_341 = tpu.memref_slice %arg2[%dma_start3A_339, %dma_start3A_340] : memref<10000x128xf32, #tpu.memory_space<hbm>> -> memref<10000x128xf32, #tpu.memory_space<hbm>>
      tpu.enqueue_indirect_dma source(%dma_start3A_341 : memref<10000x128xf32, #tpu.memory_space<hbm>>) target(%arg9 : memref<125x128xf32, #tpu.memory_space<vmem>>) offsets(%dma_start3A_338 : memref<125xi32, #tpu.memory_space<vmem>>) semaphore(%arg12 : memref<!tpu.dma_semaphore, #tpu.memory_space<semaphore_mem>>)
      %dma_wait3A_342 = arith.constant 0 : i32
      %dma_wait3A_343 = tpu.memref_slice %arg7[%add3A_304, %dma_wait3A_342] : memref<32x125xi32, #tpu.memory_space<vmem>> -> memref<1x125xi32, #tpu.memory_space<vmem>>
      %dma_wait3A_344 = tpu.memref_squeeze %dma_wait3A_343 : memref<1x125xi32, #tpu.memory_space<vmem>> -> memref<125xi32, #tpu.memory_space<vmem>>
      %dma_wait3A_345 = arith.constant 0 : i32
      %dma_wait3A_346 = arith.constant 0 : i32
      %dma_wait3A_347 = tpu.memref_slice %arg2[%dma_wait3A_345, %dma_wait3A_346] : memref<10000x128xf32, #tpu.memory_space<hbm>> -> memref<10000x128xf32, #tpu.memory_space<hbm>>
      tpu.wait_indirect_dma semaphore(%arg13 : memref<!tpu.dma_semaphore, #tpu.memory_space<semaphore_mem>>) src(%dma_wait3A_347 : memref<10000x128xf32, #tpu.memory_space<hbm>>) dst(%arg10 : memref<125x128xf32, #tpu.memory_space<vmem>>)
      %add3A_348 = arith.constant 9 : i32
      %add3A_349 = arith.addi %mul3A_32, %add3A_348 : i32
      %dma_start3A_350 = arith.constant 0 : i32
      %dma_start3A_351 = tpu.memref_slice %arg8[%add3A_349, %dma_start3A_350] : memref<32x125xi32, #tpu.memory_space<vmem>> -> memref<1x125xi32, #tpu.memory_space<vmem>>
      %dma_start3A_352 = tpu.memref_squeeze %dma_start3A_351 : memref<1x125xi32, #tpu.memory_space<vmem>> -> memref<125xi32, #tpu.memory_space<vmem>>
      %dma_start3A_353 = arith.constant 0 : i32
      %dma_start3A_354 = arith.constant 0 : i32
      %dma_start3A_355 = tpu.memref_slice %arg11[%dma_start3A_353, %dma_start3A_354] : memref<10000x128xf32, #tpu.memory_space<vmem_shared>> -> memref<10000x128xf32, #tpu.memory_space<vmem_shared>>
      tpu.enqueue_indirect_dma source(%arg10 : memref<125x128xf32, #tpu.memory_space<vmem>>) target(%dma_start3A_355 : memref<10000x128xf32, #tpu.memory_space<vmem_shared>>) offsets(%dma_start3A_352 : memref<125xi32, #tpu.memory_space<vmem>>) semaphore(%arg15 : memref<!tpu.dma_semaphore, #tpu.memory_space<semaphore_mem>>) {add = true}
      %dma_wait3A_356 = arith.constant 0 : i32
      %dma_wait3A_357 = arith.constant 0 : i32
      %dma_wait3A_358 = tpu.memref_slice %arg8[%dma_wait3A_356, %dma_wait3A_357] : memref<32x125xi32, #tpu.memory_space<vmem>> -> memref<1x125xi32, #tpu.memory_space<vmem>>
      %dma_wait3A_359 = tpu.memref_squeeze %dma_wait3A_358 : memref<1x125xi32, #tpu.memory_space<vmem>> -> memref<125xi32, #tpu.memory_space<vmem>>
      %dma_wait3A_360 = arith.constant 0 : i32
      %dma_wait3A_361 = arith.constant 0 : i32
      %dma_wait3A_362 = tpu.memref_slice %arg11[%dma_wait3A_360, %dma_wait3A_361] : memref<10000x128xf32, #tpu.memory_space<vmem_shared>> -> memref<10000x128xf32, #tpu.memory_space<vmem_shared>>
      tpu.wait_indirect_dma semaphore(%arg15 : memref<!tpu.dma_semaphore, #tpu.memory_space<semaphore_mem>>) src(%arg10 : memref<125x128xf32, #tpu.memory_space<vmem>>) dst(%dma_wait3A_362 : memref<10000x128xf32, #tpu.memory_space<vmem_shared>>)
      %add3A_363 = arith.constant 10 : i32
      %add3A_364 = arith.addi %mul3A_32, %add3A_363 : i32
      %add3A_365 = arith.constant 1 : i32
      %add3A_366 = arith.addi %add3A_364, %add3A_365 : i32
      %dma_start3A_367 = arith.constant 0 : i32
      %dma_start3A_368 = tpu.memref_slice %arg7[%add3A_366, %dma_start3A_367] : memref<32x125xi32, #tpu.memory_space<vmem>> -> memref<1x125xi32, #tpu.memory_space<vmem>>
      %dma_start3A_369 = tpu.memref_squeeze %dma_start3A_368 : memref<1x125xi32, #tpu.memory_space<vmem>> -> memref<125xi32, #tpu.memory_space<vmem>>
      %dma_start3A_370 = arith.constant 0 : i32
      %dma_start3A_371 = arith.constant 0 : i32
      %dma_start3A_372 = tpu.memref_slice %arg2[%dma_start3A_370, %dma_start3A_371] : memref<10000x128xf32, #tpu.memory_space<hbm>> -> memref<10000x128xf32, #tpu.memory_space<hbm>>
      tpu.enqueue_indirect_dma source(%dma_start3A_372 : memref<10000x128xf32, #tpu.memory_space<hbm>>) target(%arg10 : memref<125x128xf32, #tpu.memory_space<vmem>>) offsets(%dma_start3A_369 : memref<125xi32, #tpu.memory_space<vmem>>) semaphore(%arg13 : memref<!tpu.dma_semaphore, #tpu.memory_space<semaphore_mem>>)
      %dma_wait3A_373 = arith.constant 0 : i32
      %dma_wait3A_374 = tpu.memref_slice %arg7[%add3A_335, %dma_wait3A_373] : memref<32x125xi32, #tpu.memory_space<vmem>> -> memref<1x125xi32, #tpu.memory_space<vmem>>
      %dma_wait3A_375 = tpu.memref_squeeze %dma_wait3A_374 : memref<1x125xi32, #tpu.memory_space<vmem>> -> memref<125xi32, #tpu.memory_space<vmem>>
      %dma_wait3A_376 = arith.constant 0 : i32
      %dma_wait3A_377 = arith.constant 0 : i32
      %dma_wait3A_378 = tpu.memref_slice %arg2[%dma_wait3A_376, %dma_wait3A_377] : memref<10000x128xf32, #tpu.memory_space<hbm>> -> memref<10000x128xf32, #tpu.memory_space<hbm>>
      tpu.wait_indirect_dma semaphore(%arg12 : memref<!tpu.dma_semaphore, #tpu.memory_space<semaphore_mem>>) src(%dma_wait3A_378 : memref<10000x128xf32, #tpu.memory_space<hbm>>) dst(%arg9 : memref<125x128xf32, #tpu.memory_space<vmem>>)
      %add3A_379 = arith.constant 10 : i32
      %add3A_380 = arith.addi %mul3A_32, %add3A_379 : i32
      %dma_start3A_381 = arith.constant 0 : i32
      %dma_start3A_382 = tpu.memref_slice %arg8[%add3A_380, %dma_start3A_381] : memref<32x125xi32, #tpu.memory_space<vmem>> -> memref<1x125xi32, #tpu.memory_space<vmem>>
      %dma_start3A_383 = tpu.memref_squeeze %dma_start3A_382 : memref<1x125xi32, #tpu.memory_space<vmem>> -> memref<125xi32, #tpu.memory_space<vmem>>
      %dma_start3A_384 = arith.constant 0 : i32
      %dma_start3A_385 = arith.constant 0 : i32
      %dma_start3A_386 = tpu.memref_slice %arg11[%dma_start3A_384, %dma_start3A_385] : memref<10000x128xf32, #tpu.memory_space<vmem_shared>> -> memref<10000x128xf32, #tpu.memory_space<vmem_shared>>
      tpu.enqueue_indirect_dma source(%arg9 : memref<125x128xf32, #tpu.memory_space<vmem>>) target(%dma_start3A_386 : memref<10000x128xf32, #tpu.memory_space<vmem_shared>>) offsets(%dma_start3A_383 : memref<125xi32, #tpu.memory_space<vmem>>) semaphore(%arg14 : memref<!tpu.dma_semaphore, #tpu.memory_space<semaphore_mem>>) {add = true}
      %dma_wait3A_387 = arith.constant 0 : i32
      %dma_wait3A_388 = arith.constant 0 : i32
      %dma_wait3A_389 = tpu.memref_slice %arg8[%dma_wait3A_387, %dma_wait3A_388] : memref<32x125xi32, #tpu.memory_space<vmem>> -> memref<1x125xi32, #tpu.memory_space<vmem>>
      %dma_wait3A_390 = tpu.memref_squeeze %dma_wait3A_389 : memref<1x125xi32, #tpu.memory_space<vmem>> -> memref<125xi32, #tpu.memory_space<vmem>>
      %dma_wait3A_391 = arith.constant 0 : i32
      %dma_wait3A_392 = arith.constant 0 : i32
      %dma_wait3A_393 = tpu.memref_slice %arg11[%dma_wait3A_391, %dma_wait3A_392] : memref<10000x128xf32, #tpu.memory_space<vmem_shared>> -> memref<10000x128xf32, #tpu.memory_space<vmem_shared>>
      tpu.wait_indirect_dma semaphore(%arg14 : memref<!tpu.dma_semaphore, #tpu.memory_space<semaphore_mem>>) src(%arg9 : memref<125x128xf32, #tpu.memory_space<vmem>>) dst(%dma_wait3A_393 : memref<10000x128xf32, #tpu.memory_space<vmem_shared>>)
      %add3A_394 = arith.constant 11 : i32
      %add3A_395 = arith.addi %mul3A_32, %add3A_394 : i32
      %add3A_396 = arith.constant 1 : i32
      %add3A_397 = arith.addi %add3A_395, %add3A_396 : i32
      %dma_start3A_398 = arith.constant 0 : i32
      %dma_start3A_399 = tpu.memref_slice %arg7[%add3A_397, %dma_start3A_398] : memref<32x125xi32, #tpu.memory_space<vmem>> -> memref<1x125xi32, #tpu.memory_space<vmem>>
      %dma_start3A_400 = tpu.memref_squeeze %dma_start3A_399 : memref<1x125xi32, #tpu.memory_space<vmem>> -> memref<125xi32, #tpu.memory_space<vmem>>
      %dma_start3A_401 = arith.constant 0 : i32
      %dma_start3A_402 = arith.constant 0 : i32
      %dma_start3A_403 = tpu.memref_slice %arg2[%dma_start3A_401, %dma_start3A_402] : memref<10000x128xf32, #tpu.memory_space<hbm>> -> memref<10000x128xf32, #tpu.memory_space<hbm>>
      tpu.enqueue_indirect_dma source(%dma_start3A_403 : memref<10000x128xf32, #tpu.memory_space<hbm>>) target(%arg9 : memref<125x128xf32, #tpu.memory_space<vmem>>) offsets(%dma_start3A_400 : memref<125xi32, #tpu.memory_space<vmem>>) semaphore(%arg12 : memref<!tpu.dma_semaphore, #tpu.memory_space<semaphore_mem>>)
      %dma_wait3A_404 = arith.constant 0 : i32
      %dma_wait3A_405 = tpu.memref_slice %arg7[%add3A_366, %dma_wait3A_404] : memref<32x125xi32, #tpu.memory_space<vmem>> -> memref<1x125xi32, #tpu.memory_space<vmem>>
      %dma_wait3A_406 = tpu.memref_squeeze %dma_wait3A_405 : memref<1x125xi32, #tpu.memory_space<vmem>> -> memref<125xi32, #tpu.memory_space<vmem>>
      %dma_wait3A_407 = arith.constant 0 : i32
      %dma_wait3A_408 = arith.constant 0 : i32
      %dma_wait3A_409 = tpu.memref_slice %arg2[%dma_wait3A_407, %dma_wait3A_408] : memref<10000x128xf32, #tpu.memory_space<hbm>> -> memref<10000x128xf32, #tpu.memory_space<hbm>>
      tpu.wait_indirect_dma semaphore(%arg13 : memref<!tpu.dma_semaphore, #tpu.memory_space<semaphore_mem>>) src(%dma_wait3A_409 : memref<10000x128xf32, #tpu.memory_space<hbm>>) dst(%arg10 : memref<125x128xf32, #tpu.memory_space<vmem>>)
      %add3A_410 = arith.constant 11 : i32
      %add3A_411 = arith.addi %mul3A_32, %add3A_410 : i32
      %dma_start3A_412 = arith.constant 0 : i32
      %dma_start3A_413 = tpu.memref_slice %arg8[%add3A_411, %dma_start3A_412] : memref<32x125xi32, #tpu.memory_space<vmem>> -> memref<1x125xi32, #tpu.memory_space<vmem>>
      %dma_start3A_414 = tpu.memref_squeeze %dma_start3A_413 : memref<1x125xi32, #tpu.memory_space<vmem>> -> memref<125xi32, #tpu.memory_space<vmem>>
      %dma_start3A_415 = arith.constant 0 : i32
      %dma_start3A_416 = arith.constant 0 : i32
      %dma_start3A_417 = tpu.memref_slice %arg11[%dma_start3A_415, %dma_start3A_416] : memref<10000x128xf32, #tpu.memory_space<vmem_shared>> -> memref<10000x128xf32, #tpu.memory_space<vmem_shared>>
      tpu.enqueue_indirect_dma source(%arg10 : memref<125x128xf32, #tpu.memory_space<vmem>>) target(%dma_start3A_417 : memref<10000x128xf32, #tpu.memory_space<vmem_shared>>) offsets(%dma_start3A_414 : memref<125xi32, #tpu.memory_space<vmem>>) semaphore(%arg15 : memref<!tpu.dma_semaphore, #tpu.memory_space<semaphore_mem>>) {add = true}
      %dma_wait3A_418 = arith.constant 0 : i32
      %dma_wait3A_419 = arith.constant 0 : i32
      %dma_wait3A_420 = tpu.memref_slice %arg8[%dma_wait3A_418, %dma_wait3A_419] : memref<32x125xi32, #tpu.memory_space<vmem>> -> memref<1x125xi32, #tpu.memory_space<vmem>>
      %dma_wait3A_421 = tpu.memref_squeeze %dma_wait3A_420 : memref<1x125xi32, #tpu.memory_space<vmem>> -> memref<125xi32, #tpu.memory_space<vmem>>
      %dma_wait3A_422 = arith.constant 0 : i32
      %dma_wait3A_423 = arith.constant 0 : i32
      %dma_wait3A_424 = tpu.memref_slice %arg11[%dma_wait3A_422, %dma_wait3A_423] : memref<10000x128xf32, #tpu.memory_space<vmem_shared>> -> memref<10000x128xf32, #tpu.memory_space<vmem_shared>>
      tpu.wait_indirect_dma semaphore(%arg15 : memref<!tpu.dma_semaphore, #tpu.memory_space<semaphore_mem>>) src(%arg10 : memref<125x128xf32, #tpu.memory_space<vmem>>) dst(%dma_wait3A_424 : memref<10000x128xf32, #tpu.memory_space<vmem_shared>>)
      %add3A_425 = arith.constant 12 : i32
      %add3A_426 = arith.addi %mul3A_32, %add3A_425 : i32
      %add3A_427 = arith.constant 1 : i32
      %add3A_428 = arith.addi %add3A_426, %add3A_427 : i32
      %dma_start3A_429 = arith.constant 0 : i32
      %dma_start3A_430 = tpu.memref_slice %arg7[%add3A_428, %dma_start3A_429] : memref<32x125xi32, #tpu.memory_space<vmem>> -> memref<1x125xi32, #tpu.memory_space<vmem>>
      %dma_start3A_431 = tpu.memref_squeeze %dma_start3A_430 : memref<1x125xi32, #tpu.memory_space<vmem>> -> memref<125xi32, #tpu.memory_space<vmem>>
      %dma_start3A_432 = arith.constant 0 : i32
      %dma_start3A_433 = arith.constant 0 : i32
      %dma_start3A_434 = tpu.memref_slice %arg2[%dma_start3A_432, %dma_start3A_433] : memref<10000x128xf32, #tpu.memory_space<hbm>> -> memref<10000x128xf32, #tpu.memory_space<hbm>>
      tpu.enqueue_indirect_dma source(%dma_start3A_434 : memref<10000x128xf32, #tpu.memory_space<hbm>>) target(%arg10 : memref<125x128xf32, #tpu.memory_space<vmem>>) offsets(%dma_start3A_431 : memref<125xi32, #tpu.memory_space<vmem>>) semaphore(%arg13 : memref<!tpu.dma_semaphore, #tpu.memory_space<semaphore_mem>>)
      %dma_wait3A_435 = arith.constant 0 : i32
      %dma_wait3A_436 = tpu.memref_slice %arg7[%add3A_397, %dma_wait3A_435] : memref<32x125xi32, #tpu.memory_space<vmem>> -> memref<1x125xi32, #tpu.memory_space<vmem>>
      %dma_wait3A_437 = tpu.memref_squeeze %dma_wait3A_436 : memref<1x125xi32, #tpu.memory_space<vmem>> -> memref<125xi32, #tpu.memory_space<vmem>>
      %dma_wait3A_438 = arith.constant 0 : i32
      %dma_wait3A_439 = arith.constant 0 : i32
      %dma_wait3A_440 = tpu.memref_slice %arg2[%dma_wait3A_438, %dma_wait3A_439] : memref<10000x128xf32, #tpu.memory_space<hbm>> -> memref<10000x128xf32, #tpu.memory_space<hbm>>
      tpu.wait_indirect_dma semaphore(%arg12 : memref<!tpu.dma_semaphore, #tpu.memory_space<semaphore_mem>>) src(%dma_wait3A_440 : memref<10000x128xf32, #tpu.memory_space<hbm>>) dst(%arg9 : memref<125x128xf32, #tpu.memory_space<vmem>>)
      %add3A_441 = arith.constant 12 : i32
      %add3A_442 = arith.addi %mul3A_32, %add3A_441 : i32
      %dma_start3A_443 = arith.constant 0 : i32
      %dma_start3A_444 = tpu.memref_slice %arg8[%add3A_442, %dma_start3A_443] : memref<32x125xi32, #tpu.memory_space<vmem>> -> memref<1x125xi32, #tpu.memory_space<vmem>>
      %dma_start3A_445 = tpu.memref_squeeze %dma_start3A_444 : memref<1x125xi32, #tpu.memory_space<vmem>> -> memref<125xi32, #tpu.memory_space<vmem>>
      %dma_start3A_446 = arith.constant 0 : i32
      %dma_start3A_447 = arith.constant 0 : i32
      %dma_start3A_448 = tpu.memref_slice %arg11[%dma_start3A_446, %dma_start3A_447] : memref<10000x128xf32, #tpu.memory_space<vmem_shared>> -> memref<10000x128xf32, #tpu.memory_space<vmem_shared>>
      tpu.enqueue_indirect_dma source(%arg9 : memref<125x128xf32, #tpu.memory_space<vmem>>) target(%dma_start3A_448 : memref<10000x128xf32, #tpu.memory_space<vmem_shared>>) offsets(%dma_start3A_445 : memref<125xi32, #tpu.memory_space<vmem>>) semaphore(%arg14 : memref<!tpu.dma_semaphore, #tpu.memory_space<semaphore_mem>>) {add = true}
      %dma_wait3A_449 = arith.constant 0 : i32
      %dma_wait3A_450 = arith.constant 0 : i32
      %dma_wait3A_451 = tpu.memref_slice %arg8[%dma_wait3A_449, %dma_wait3A_450] : memref<32x125xi32, #tpu.memory_space<vmem>> -> memref<1x125xi32, #tpu.memory_space<vmem>>
      %dma_wait3A_452 = tpu.memref_squeeze %dma_wait3A_451 : memref<1x125xi32, #tpu.memory_space<vmem>> -> memref<125xi32, #tpu.memory_space<vmem>>
      %dma_wait3A_453 = arith.constant 0 : i32
      %dma_wait3A_454 = arith.constant 0 : i32
      %dma_wait3A_455 = tpu.memref_slice %arg11[%dma_wait3A_453, %dma_wait3A_454] : memref<10000x128xf32, #tpu.memory_space<vmem_shared>> -> memref<10000x128xf32, #tpu.memory_space<vmem_shared>>
      tpu.wait_indirect_dma semaphore(%arg14 : memref<!tpu.dma_semaphore, #tpu.memory_space<semaphore_mem>>) src(%arg9 : memref<125x128xf32, #tpu.memory_space<vmem>>) dst(%dma_wait3A_455 : memref<10000x128xf32, #tpu.memory_space<vmem_shared>>)
      %add3A_456 = arith.constant 13 : i32
      %add3A_457 = arith.addi %mul3A_32, %add3A_456 : i32
      %add3A_458 = arith.constant 1 : i32
      %add3A_459 = arith.addi %add3A_457, %add3A_458 : i32
      %dma_start3A_460 = arith.constant 0 : i32
      %dma_start3A_461 = tpu.memref_slice %arg7[%add3A_459, %dma_start3A_460] : memref<32x125xi32, #tpu.memory_space<vmem>> -> memref<1x125xi32, #tpu.memory_space<vmem>>
      %dma_start3A_462 = tpu.memref_squeeze %dma_start3A_461 : memref<1x125xi32, #tpu.memory_space<vmem>> -> memref<125xi32, #tpu.memory_space<vmem>>
      %dma_start3A_463 = arith.constant 0 : i32
      %dma_start3A_464 = arith.constant 0 : i32
      %dma_start3A_465 = tpu.memref_slice %arg2[%dma_start3A_463, %dma_start3A_464] : memref<10000x128xf32, #tpu.memory_space<hbm>> -> memref<10000x128xf32, #tpu.memory_space<hbm>>
      tpu.enqueue_indirect_dma source(%dma_start3A_465 : memref<10000x128xf32, #tpu.memory_space<hbm>>) target(%arg9 : memref<125x128xf32, #tpu.memory_space<vmem>>) offsets(%dma_start3A_462 : memref<125xi32, #tpu.memory_space<vmem>>) semaphore(%arg12 : memref<!tpu.dma_semaphore, #tpu.memory_space<semaphore_mem>>)
      %dma_wait3A_466 = arith.constant 0 : i32
      %dma_wait3A_467 = tpu.memref_slice %arg7[%add3A_428, %dma_wait3A_466] : memref<32x125xi32, #tpu.memory_space<vmem>> -> memref<1x125xi32, #tpu.memory_space<vmem>>
      %dma_wait3A_468 = tpu.memref_squeeze %dma_wait3A_467 : memref<1x125xi32, #tpu.memory_space<vmem>> -> memref<125xi32, #tpu.memory_space<vmem>>
      %dma_wait3A_469 = arith.constant 0 : i32
      %dma_wait3A_470 = arith.constant 0 : i32
      %dma_wait3A_471 = tpu.memref_slice %arg2[%dma_wait3A_469, %dma_wait3A_470] : memref<10000x128xf32, #tpu.memory_space<hbm>> -> memref<10000x128xf32, #tpu.memory_space<hbm>>
      tpu.wait_indirect_dma semaphore(%arg13 : memref<!tpu.dma_semaphore, #tpu.memory_space<semaphore_mem>>) src(%dma_wait3A_471 : memref<10000x128xf32, #tpu.memory_space<hbm>>) dst(%arg10 : memref<125x128xf32, #tpu.memory_space<vmem>>)
      %add3A_472 = arith.constant 13 : i32
      %add3A_473 = arith.addi %mul3A_32, %add3A_472 : i32
      %dma_start3A_474 = arith.constant 0 : i32
      %dma_start3A_475 = tpu.memref_slice %arg8[%add3A_473, %dma_start3A_474] : memref<32x125xi32, #tpu.memory_space<vmem>> -> memref<1x125xi32, #tpu.memory_space<vmem>>
      %dma_start3A_476 = tpu.memref_squeeze %dma_start3A_475 : memref<1x125xi32, #tpu.memory_space<vmem>> -> memref<125xi32, #tpu.memory_space<vmem>>
      %dma_start3A_477 = arith.constant 0 : i32
      %dma_start3A_478 = arith.constant 0 : i32
      %dma_start3A_479 = tpu.memref_slice %arg11[%dma_start3A_477, %dma_start3A_478] : memref<10000x128xf32, #tpu.memory_space<vmem_shared>> -> memref<10000x128xf32, #tpu.memory_space<vmem_shared>>
      tpu.enqueue_indirect_dma source(%arg10 : memref<125x128xf32, #tpu.memory_space<vmem>>) target(%dma_start3A_479 : memref<10000x128xf32, #tpu.memory_space<vmem_shared>>) offsets(%dma_start3A_476 : memref<125xi32, #tpu.memory_space<vmem>>) semaphore(%arg15 : memref<!tpu.dma_semaphore, #tpu.memory_space<semaphore_mem>>) {add = true}
      %dma_wait3A_480 = arith.constant 0 : i32
      %dma_wait3A_481 = arith.constant 0 : i32
      %dma_wait3A_482 = tpu.memref_slice %arg8[%dma_wait3A_480, %dma_wait3A_481] : memref<32x125xi32, #tpu.memory_space<vmem>> -> memref<1x125xi32, #tpu.memory_space<vmem>>
      %dma_wait3A_483 = tpu.memref_squeeze %dma_wait3A_482 : memref<1x125xi32, #tpu.memory_space<vmem>> -> memref<125xi32, #tpu.memory_space<vmem>>
      %dma_wait3A_484 = arith.constant 0 : i32
      %dma_wait3A_485 = arith.constant 0 : i32
      %dma_wait3A_486 = tpu.memref_slice %arg11[%dma_wait3A_484, %dma_wait3A_485] : memref<10000x128xf32, #tpu.memory_space<vmem_shared>> -> memref<10000x128xf32, #tpu.memory_space<vmem_shared>>
      tpu.wait_indirect_dma semaphore(%arg15 : memref<!tpu.dma_semaphore, #tpu.memory_space<semaphore_mem>>) src(%arg10 : memref<125x128xf32, #tpu.memory_space<vmem>>) dst(%dma_wait3A_486 : memref<10000x128xf32, #tpu.memory_space<vmem_shared>>)
      %add3A_487 = arith.constant 14 : i32
      %add3A_488 = arith.addi %mul3A_32, %add3A_487 : i32
      %add3A_489 = arith.constant 1 : i32
      %add3A_490 = arith.addi %add3A_488, %add3A_489 : i32
      %dma_start3A_491 = arith.constant 0 : i32
      %dma_start3A_492 = tpu.memref_slice %arg7[%add3A_490, %dma_start3A_491] : memref<32x125xi32, #tpu.memory_space<vmem>> -> memref<1x125xi32, #tpu.memory_space<vmem>>
      %dma_start3A_493 = tpu.memref_squeeze %dma_start3A_492 : memref<1x125xi32, #tpu.memory_space<vmem>> -> memref<125xi32, #tpu.memory_space<vmem>>
      %dma_start3A_494 = arith.constant 0 : i32
      %dma_start3A_495 = arith.constant 0 : i32
      %dma_start3A_496 = tpu.memref_slice %arg2[%dma_start3A_494, %dma_start3A_495] : memref<10000x128xf32, #tpu.memory_space<hbm>> -> memref<10000x128xf32, #tpu.memory_space<hbm>>
      tpu.enqueue_indirect_dma source(%dma_start3A_496 : memref<10000x128xf32, #tpu.memory_space<hbm>>) target(%arg10 : memref<125x128xf32, #tpu.memory_space<vmem>>) offsets(%dma_start3A_493 : memref<125xi32, #tpu.memory_space<vmem>>) semaphore(%arg13 : memref<!tpu.dma_semaphore, #tpu.memory_space<semaphore_mem>>)
      %dma_wait3A_497 = arith.constant 0 : i32
      %dma_wait3A_498 = tpu.memref_slice %arg7[%add3A_459, %dma_wait3A_497] : memref<32x125xi32, #tpu.memory_space<vmem>> -> memref<1x125xi32, #tpu.memory_space<vmem>>
      %dma_wait3A_499 = tpu.memref_squeeze %dma_wait3A_498 : memref<1x125xi32, #tpu.memory_space<vmem>> -> memref<125xi32, #tpu.memory_space<vmem>>
      %dma_wait3A_500 = arith.constant 0 : i32
      %dma_wait3A_501 = arith.constant 0 : i32
      %dma_wait3A_502 = tpu.memref_slice %arg2[%dma_wait3A_500, %dma_wait3A_501] : memref<10000x128xf32, #tpu.memory_space<hbm>> -> memref<10000x128xf32, #tpu.memory_space<hbm>>
      tpu.wait_indirect_dma semaphore(%arg12 : memref<!tpu.dma_semaphore, #tpu.memory_space<semaphore_mem>>) src(%dma_wait3A_502 : memref<10000x128xf32, #tpu.memory_space<hbm>>) dst(%arg9 : memref<125x128xf32, #tpu.memory_space<vmem>>)
      %add3A_503 = arith.constant 14 : i32
      %add3A_504 = arith.addi %mul3A_32, %add3A_503 : i32
      %dma_start3A_505 = arith.constant 0 : i32
      %dma_start3A_506 = tpu.memref_slice %arg8[%add3A_504, %dma_start3A_505] : memref<32x125xi32, #tpu.memory_space<vmem>> -> memref<1x125xi32, #tpu.memory_space<vmem>>
      %dma_start3A_507 = tpu.memref_squeeze %dma_start3A_506 : memref<1x125xi32, #tpu.memory_space<vmem>> -> memref<125xi32, #tpu.memory_space<vmem>>
      %dma_start3A_508 = arith.constant 0 : i32
      %dma_start3A_509 = arith.constant 0 : i32
      %dma_start3A_510 = tpu.memref_slice %arg11[%dma_start3A_508, %dma_start3A_509] : memref<10000x128xf32, #tpu.memory_space<vmem_shared>> -> memref<10000x128xf32, #tpu.memory_space<vmem_shared>>
      tpu.enqueue_indirect_dma source(%arg9 : memref<125x128xf32, #tpu.memory_space<vmem>>) target(%dma_start3A_510 : memref<10000x128xf32, #tpu.memory_space<vmem_shared>>) offsets(%dma_start3A_507 : memref<125xi32, #tpu.memory_space<vmem>>) semaphore(%arg14 : memref<!tpu.dma_semaphore, #tpu.memory_space<semaphore_mem>>) {add = true}
      %dma_wait3A_511 = arith.constant 0 : i32
      %dma_wait3A_512 = tpu.memref_slice %arg7[%add3A_490, %dma_wait3A_511] : memref<32x125xi32, #tpu.memory_space<vmem>> -> memref<1x125xi32, #tpu.memory_space<vmem>>
      %dma_wait3A_513 = tpu.memref_squeeze %dma_wait3A_512 : memref<1x125xi32, #tpu.memory_space<vmem>> -> memref<125xi32, #tpu.memory_space<vmem>>
      %dma_wait3A_514 = arith.constant 0 : i32
      %dma_wait3A_515 = arith.constant 0 : i32
      %dma_wait3A_516 = tpu.memref_slice %arg2[%dma_wait3A_514, %dma_wait3A_515] : memref<10000x128xf32, #tpu.memory_space<hbm>> -> memref<10000x128xf32, #tpu.memory_space<hbm>>
      tpu.wait_indirect_dma semaphore(%arg13 : memref<!tpu.dma_semaphore, #tpu.memory_space<semaphore_mem>>) src(%dma_wait3A_516 : memref<10000x128xf32, #tpu.memory_space<hbm>>) dst(%arg10 : memref<125x128xf32, #tpu.memory_space<vmem>>)
      %add3A_517 = arith.constant 15 : i32
      %add3A_518 = arith.addi %mul3A_32, %add3A_517 : i32
      %dma_start3A_519 = arith.constant 0 : i32
      %dma_start3A_520 = tpu.memref_slice %arg8[%add3A_518, %dma_start3A_519] : memref<32x125xi32, #tpu.memory_space<vmem>> -> memref<1x125xi32, #tpu.memory_space<vmem>>
      %dma_start3A_521 = tpu.memref_squeeze %dma_start3A_520 : memref<1x125xi32, #tpu.memory_space<vmem>> -> memref<125xi32, #tpu.memory_space<vmem>>
      %dma_start3A_522 = arith.constant 0 : i32
      %dma_start3A_523 = arith.constant 0 : i32
      %dma_start3A_524 = tpu.memref_slice %arg11[%dma_start3A_522, %dma_start3A_523] : memref<10000x128xf32, #tpu.memory_space<vmem_shared>> -> memref<10000x128xf32, #tpu.memory_space<vmem_shared>>
      tpu.enqueue_indirect_dma source(%arg10 : memref<125x128xf32, #tpu.memory_space<vmem>>) target(%dma_start3A_524 : memref<10000x128xf32, #tpu.memory_space<vmem_shared>>) offsets(%dma_start3A_521 : memref<125xi32, #tpu.memory_space<vmem>>) semaphore(%arg15 : memref<!tpu.dma_semaphore, #tpu.memory_space<semaphore_mem>>) {add = true}
      %add3A_525 = arith.constant 1 : i32
      %add3A_526 = arith.addi %scan3A_29, %add3A_525 : i32
      %lt3A_527 = arith.constant 5 : i32
      %lt3A_528 = arith.cmpi slt, %add3A_526, %lt3A_527 : i32
      %convert_element_type3A_529 = arith.extui %lt3A_528 : i1 to i32
      %cond3A_530 = arith.constant 0 : i32
      %cond3A_531 = arith.cmpi ne, %convert_element_type3A_529, %cond3A_530 : i32
      scf.if %cond3A_531 {
        %sub3A = arith.constant 1 : i32
        %sub3A_532 = arith.subi %sub3A, %rem3A_30 : i32
        %mul3A_533 = arith.constant 16 : i32
        %mul3A_534 = arith.muli %sub3A_532, %mul3A_533 : i32
        %dma_wait3A_535 = arith.constant 0 : i32
        %dma_wait3A_536 = tpu.memref_slice %arg7[%mul3A_534, %dma_wait3A_535] : memref<32x125xi32, #tpu.memory_space<vmem>> -> memref<16x125xi32, #tpu.memory_space<vmem>>
        %dma_wait3A_537 = arith.constant 0 : i32
        %dma_wait3A_538 = tpu.memref_slice %arg3[%add3A, %dma_wait3A_537] : memref<2560x125xi32, #tpu.memory_space<hbm>> -> memref<16x125xi32, #tpu.memory_space<hbm>>
        %dma_wait3A_539 = arith.constant 0 : i32
        %dma_wait3A_540 = tpu.memref_slice %arg7[%mul3A_534, %dma_wait3A_539] : memref<32x125xi32, #tpu.memory_space<vmem>> -> memref<16x125xi32, #tpu.memory_space<vmem>>
        %dma_wait3A_541 = arith.constant 0 : i32
        %dma_wait3A_542 = tpu.memref_slice %arg3[%add3A, %dma_wait3A_541] : memref<2560x125xi32, #tpu.memory_space<hbm>> -> memref<16x125xi32, #tpu.memory_space<hbm>>
        tpu.wait_dma2 semaphore(%arg16 : memref<!tpu.dma_semaphore, #tpu.memory_space<semaphore_mem>>) src(%dma_wait3A_542 : memref<16x125xi32, #tpu.memory_space<hbm>>) dst(%dma_wait3A_540 : memref<16x125xi32, #tpu.memory_space<vmem>>)
        %sub3A_543 = arith.constant 1 : i32
        %sub3A_544 = arith.subi %sub3A_543, %rem3A_30 : i32
        %mul3A_545 = arith.constant 16 : i32
        %mul3A_546 = arith.muli %sub3A_544, %mul3A_545 : i32
        %dma_wait3A_547 = arith.constant 0 : i32
        %dma_wait3A_548 = tpu.memref_slice %arg8[%mul3A_546, %dma_wait3A_547] : memref<32x125xi32, #tpu.memory_space<vmem>> -> memref<16x125xi32, #tpu.memory_space<vmem>>
        %dma_wait3A_549 = arith.constant 0 : i32
        %dma_wait3A_550 = tpu.memref_slice %arg4[%add3A, %dma_wait3A_549] : memref<2560x125xi32, #tpu.memory_space<hbm>> -> memref<16x125xi32, #tpu.memory_space<hbm>>
        %dma_wait3A_551 = arith.constant 0 : i32
        %dma_wait3A_552 = tpu.memref_slice %arg8[%mul3A_546, %dma_wait3A_551] : memref<32x125xi32, #tpu.memory_space<vmem>> -> memref<16x125xi32, #tpu.memory_space<vmem>>
        %dma_wait3A_553 = arith.constant 0 : i32
        %dma_wait3A_554 = tpu.memref_slice %arg4[%add3A, %dma_wait3A_553] : memref<2560x125xi32, #tpu.memory_space<hbm>> -> memref<16x125xi32, #tpu.memory_space<hbm>>
        tpu.wait_dma2 semaphore(%arg16 : memref<!tpu.dma_semaphore, #tpu.memory_space<semaphore_mem>>) src(%dma_wait3A_554 : memref<16x125xi32, #tpu.memory_space<hbm>>) dst(%dma_wait3A_552 : memref<16x125xi32, #tpu.memory_space<vmem>>)
      } else {
      }
    }
    %scan3A_9 = arith.constant 5 : i32
    %dma_wait3A = arith.constant 0 : i32
    %dma_wait3A_10 = arith.constant 0 : i32
    %dma_wait3A_11 = tpu.memref_slice %arg8[%dma_wait3A, %dma_wait3A_10] : memref<32x125xi32, #tpu.memory_space<vmem>> -> memref<1x125xi32, #tpu.memory_space<vmem>>
    %dma_wait3A_12 = tpu.memref_squeeze %dma_wait3A_11 : memref<1x125xi32, #tpu.memory_space<vmem>> -> memref<125xi32, #tpu.memory_space<vmem>>
    %dma_wait3A_13 = arith.constant 0 : i32
    %dma_wait3A_14 = arith.constant 0 : i32
    %dma_wait3A_15 = tpu.memref_slice %arg11[%dma_wait3A_13, %dma_wait3A_14] : memref<10000x128xf32, #tpu.memory_space<vmem_shared>> -> memref<10000x128xf32, #tpu.memory_space<vmem_shared>>
    tpu.wait_indirect_dma semaphore(%arg14 : memref<!tpu.dma_semaphore, #tpu.memory_space<semaphore_mem>>) src(%arg9 : memref<125x128xf32, #tpu.memory_space<vmem>>) dst(%dma_wait3A_15 : memref<10000x128xf32, #tpu.memory_space<vmem_shared>>)
    %dma_wait3A_16 = arith.constant 0 : i32
    %dma_wait3A_17 = arith.constant 0 : i32
    %dma_wait3A_18 = tpu.memref_slice %arg8[%dma_wait3A_16, %dma_wait3A_17] : memref<32x125xi32, #tpu.memory_space<vmem>> -> memref<1x125xi32, #tpu.memory_space<vmem>>
    %dma_wait3A_19 = tpu.memref_squeeze %dma_wait3A_18 : memref<1x125xi32, #tpu.memory_space<vmem>> -> memref<125xi32, #tpu.memory_space<vmem>>
    %dma_wait3A_20 = arith.constant 0 : i32
    %dma_wait3A_21 = arith.constant 0 : i32
    %dma_wait3A_22 = tpu.memref_slice %arg11[%dma_wait3A_20, %dma_wait3A_21] : memref<10000x128xf32, #tpu.memory_space<vmem_shared>> -> memref<10000x128xf32, #tpu.memory_space<vmem_shared>>
    tpu.wait_indirect_dma semaphore(%arg15 : memref<!tpu.dma_semaphore, #tpu.memory_space<semaphore_mem>>) src(%arg10 : memref<125x128xf32, #tpu.memory_space<vmem>>) dst(%dma_wait3A_22 : memref<10000x128xf32, #tpu.memory_space<vmem_shared>>)
    %barrier3A_23 = arith.constant 0 : index
    tpu.barrier barrier_id(%barrier3A_23)
    %eq3A_24 = arith.constant 0 : i32
    %eq3A_25 = arith.cmpi eq, %arg1, %eq3A_24 : i32
    %convert_element_type3A_26 = arith.extui %eq3A_25 : i1 to i32
    %cond3A_27 = arith.constant 0 : i32
    %cond3A_28 = arith.cmpi ne, %convert_element_type3A_26, %cond3A_27 : i32
    scf.if %cond3A_28 {
      %mul3A_29 = arith.constant 10000 : i32
      %mul3A_30 = arith.muli %arg0, %mul3A_29 : i32
      "tpu.region"() ({
        %run_scoped3A = tpu.sem_alloc : memref<!tpu.dma_semaphore, #tpu.memory_space<semaphore_mem>>
        %dma_start3A = arith.constant 0 : i32
        %dma_start3A_31 = tpu.memref_slice %arg6[%mul3A_30, %dma_start3A] : memref<20000x128xf32, #tpu.memory_space<hbm>> -> memref<10000x128xf32, #tpu.memory_space<hbm>>
        tpu.enqueue_dma source(%arg11 : memref<10000x128xf32, #tpu.memory_space<vmem_shared>>) target(%dma_start3A_31 : memref<10000x128xf32, #tpu.memory_space<hbm>>) target_semaphore(%run_scoped3A : memref<!tpu.dma_semaphore, #tpu.memory_space<semaphore_mem>>)
        %dma_wait3A_32 = arith.constant 0 : i32
        %dma_wait3A_33 = tpu.memref_slice %arg6[%mul3A_30, %dma_wait3A_32] : memref<20000x128xf32, #tpu.memory_space<hbm>> -> memref<10000x128xf32, #tpu.memory_space<hbm>>
        tpu.wait_dma2 semaphore(%run_scoped3A : memref<!tpu.dma_semaphore, #tpu.memory_space<semaphore_mem>>) src(%arg11 : memref<10000x128xf32, #tpu.memory_space<vmem_shared>>) dst(%dma_wait3A_33 : memref<10000x128xf32, #tpu.memory_space<hbm>>)
        tpu.yield
      }) : () -> ()
    } else {
    }
    return
  }
}

#map = affine_map<(d0, d1) -> (0)>
#map1 = affine_map<(d0, d1) -> (0, 0)>
module attributes {stable_mosaic.version = 14 : i64} {
  func.func @_sc_deg(%arg0: i32, %arg1: i32, %arg2: memref<320000xi32, #tpu.memory_space<hbm>>, %arg3: memref<10240xf32, #tpu.memory_space<hbm>>, %arg4: memref<2x10240xf32, #tpu.memory_space<hbm>>, %arg5: memref<4000xi32, #tpu.memory_space<vmem>>, %arg6: memref<10240xf32, #tpu.memory_space<vmem>>, %arg7: memref<5120xf32, #tpu.memory_space<vmem>>, %arg8: memref<640xf32, #tpu.memory_space<vmem>>, %arg9: memref<163840xf32, #tpu.memory_space<vmem_shared>>) attributes {dimension_semantics = [#tpu.dimension_semantics<core_parallel>, #tpu.dimension_semantics<subcore_parallel>], iteration_bounds = array<i64: 2, 16>, scalar_prefetch = 0 : i64, scratch_operands = 5 : i64, tpu.core_type = #tpu.core_type<sc_vector_subcore>, window_params = [{transform_indices = #map}, {transform_indices = #map}, {transform_indices = #map1}]} {
    "tpu.region"() ({
      %run_scoped3A = tpu.sem_alloc : memref<!tpu.dma_semaphore, #tpu.memory_space<semaphore_mem>>
      tpu.enqueue_dma source(%arg3 : memref<10240xf32, #tpu.memory_space<hbm>>) target(%arg6 : memref<10240xf32, #tpu.memory_space<vmem>>) target_semaphore(%run_scoped3A : memref<!tpu.dma_semaphore, #tpu.memory_space<semaphore_mem>>)
      tpu.wait_dma2 semaphore(%run_scoped3A : memref<!tpu.dma_semaphore, #tpu.memory_space<semaphore_mem>>) src(%arg3 : memref<10240xf32, #tpu.memory_space<hbm>>) dst(%arg6 : memref<10240xf32, #tpu.memory_space<vmem>>)
      tpu.yield
    }) : () -> ()
    %mul3A = arith.constant 160000 : i32
    %mul3A_0 = arith.muli %arg0, %mul3A : i32
    %mul3A_1 = arith.constant 10000 : i32
    %mul3A_2 = arith.muli %arg1, %mul3A_1 : i32
    %add3A = arith.addi %mul3A_0, %mul3A_2 : i32
    %add3A_3 = arith.constant 0 : i32
    %add3A_4 = arith.addi %add3A, %add3A_3 : i32
    "tpu.region"() ({
      %run_scoped3A = tpu.sem_alloc : memref<!tpu.dma_semaphore, #tpu.memory_space<semaphore_mem>>
      %dma_start3A = arith.constant 0 : i32
      %dma_start3A_114 = tpu.memref_slice %arg5[%dma_start3A] : memref<4000xi32, #tpu.memory_space<vmem>> -> memref<4000xi32, #tpu.memory_space<vmem>>
      %dma_start3A_115 = tpu.memref_slice %arg2[%add3A_4] : memref<320000xi32, #tpu.memory_space<hbm>> -> memref<4000xi32, #tpu.memory_space<hbm>>
      %dma_start3A_116 = arith.constant 0 : i32
      %dma_start3A_117 = tpu.memref_slice %arg5[%dma_start3A_116] : memref<4000xi32, #tpu.memory_space<vmem>> -> memref<4000xi32, #tpu.memory_space<vmem>>
      %dma_start3A_118 = tpu.memref_slice %arg2[%add3A_4] : memref<320000xi32, #tpu.memory_space<hbm>> -> memref<4000xi32, #tpu.memory_space<hbm>>
      tpu.enqueue_dma source(%dma_start3A_118 : memref<4000xi32, #tpu.memory_space<hbm>>) target(%dma_start3A_117 : memref<4000xi32, #tpu.memory_space<vmem>>) target_semaphore(%run_scoped3A : memref<!tpu.dma_semaphore, #tpu.memory_space<semaphore_mem>>)
      %dma_wait3A = arith.constant 0 : i32
      %dma_wait3A_119 = tpu.memref_slice %arg5[%dma_wait3A] : memref<4000xi32, #tpu.memory_space<vmem>> -> memref<4000xi32, #tpu.memory_space<vmem>>
      %dma_wait3A_120 = tpu.memref_slice %arg2[%add3A_4] : memref<320000xi32, #tpu.memory_space<hbm>> -> memref<4000xi32, #tpu.memory_space<hbm>>
      %dma_wait3A_121 = arith.constant 0 : i32
      %dma_wait3A_122 = tpu.memref_slice %arg5[%dma_wait3A_121] : memref<4000xi32, #tpu.memory_space<vmem>> -> memref<4000xi32, #tpu.memory_space<vmem>>
      %dma_wait3A_123 = tpu.memref_slice %arg2[%add3A_4] : memref<320000xi32, #tpu.memory_space<hbm>> -> memref<4000xi32, #tpu.memory_space<hbm>>
      tpu.wait_dma2 semaphore(%run_scoped3A : memref<!tpu.dma_semaphore, #tpu.memory_space<semaphore_mem>>) src(%dma_wait3A_123 : memref<4000xi32, #tpu.memory_space<hbm>>) dst(%dma_wait3A_122 : memref<4000xi32, #tpu.memory_space<vmem>>)
      tpu.yield
    }) : () -> ()
    %scan3A = arith.constant 0 : i32
    %scan3A_5 = arith.constant 0 : i32
    %scan3A_6 = arith.constant 250 : i32
    %scan3A_7 = arith.addi %scan3A_5, %scan3A_6 : i32
    %scan3A_8 = arith.constant 1 : i32
    scf.for %scan3A_114 = %scan3A_5 to %scan3A_7 step %scan3A_8  : i32 {
      %mul3A_115 = arith.constant 16 : i32
      %mul3A_116 = arith.muli %scan3A_114, %mul3A_115 : i32
      %get3A = arith.index_cast %mul3A_116 : i32 to index
      %get3A_117 = tpu.vector_load %arg5[%get3A] {strides = array<i32>} : memref<4000xi32, #tpu.memory_space<vmem>>, vector<16xi32>,
      %broadcast_in_dim3A = arith.constant true
      %broadcast_in_dim3A_118 = vector.broadcast %broadcast_in_dim3A : i1 to vector<16xi1>
      %unique3A, %unique3A_119 = tpu.scan_count mask(%broadcast_in_dim3A_118 : vector<16xi1>) value(%get3A_117 : vector<16xi32>) : vector<16xi1>, vector<16xi32>
      %convert_element_type3A = arith.sitofp %unique3A_119 : vector<16xi32> to vector<16xf32>
      tpu.vector_store_idx %arg6[%get3A_117], %convert_element_type3A masked %unique3A {add = true} : memref<10240xf32, #tpu.memory_space<vmem>>[vector<16xi32>], vector<16xf32>, vector<16xi1>
    }
    %scan3A_9 = arith.constant 250 : i32
    %add3A_10 = arith.constant 4000 : i32
    %add3A_11 = arith.addi %add3A, %add3A_10 : i32
    "tpu.region"() ({
      %run_scoped3A = tpu.sem_alloc : memref<!tpu.dma_semaphore, #tpu.memory_space<semaphore_mem>>
      %dma_start3A = arith.constant 0 : i32
      %dma_start3A_114 = tpu.memref_slice %arg5[%dma_start3A] : memref<4000xi32, #tpu.memory_space<vmem>> -> memref<4000xi32, #tpu.memory_space<vmem>>
      %dma_start3A_115 = tpu.memref_slice %arg2[%add3A_11] : memref<320000xi32, #tpu.memory_space<hbm>> -> memref<4000xi32, #tpu.memory_space<hbm>>
      %dma_start3A_116 = arith.constant 0 : i32
      %dma_start3A_117 = tpu.memref_slice %arg5[%dma_start3A_116] : memref<4000xi32, #tpu.memory_space<vmem>> -> memref<4000xi32, #tpu.memory_space<vmem>>
      %dma_start3A_118 = tpu.memref_slice %arg2[%add3A_11] : memref<320000xi32, #tpu.memory_space<hbm>> -> memref<4000xi32, #tpu.memory_space<hbm>>
      tpu.enqueue_dma source(%dma_start3A_118 : memref<4000xi32, #tpu.memory_space<hbm>>) target(%dma_start3A_117 : memref<4000xi32, #tpu.memory_space<vmem>>) target_semaphore(%run_scoped3A : memref<!tpu.dma_semaphore, #tpu.memory_space<semaphore_mem>>)
      %dma_wait3A = arith.constant 0 : i32
      %dma_wait3A_119 = tpu.memref_slice %arg5[%dma_wait3A] : memref<4000xi32, #tpu.memory_space<vmem>> -> memref<4000xi32, #tpu.memory_space<vmem>>
      %dma_wait3A_120 = tpu.memref_slice %arg2[%add3A_11] : memref<320000xi32, #tpu.memory_space<hbm>> -> memref<4000xi32, #tpu.memory_space<hbm>>
      %dma_wait3A_121 = arith.constant 0 : i32
      %dma_wait3A_122 = tpu.memref_slice %arg5[%dma_wait3A_121] : memref<4000xi32, #tpu.memory_space<vmem>> -> memref<4000xi32, #tpu.memory_space<vmem>>
      %dma_wait3A_123 = tpu.memref_slice %arg2[%add3A_11] : memref<320000xi32, #tpu.memory_space<hbm>> -> memref<4000xi32, #tpu.memory_space<hbm>>
      tpu.wait_dma2 semaphore(%run_scoped3A : memref<!tpu.dma_semaphore, #tpu.memory_space<semaphore_mem>>) src(%dma_wait3A_123 : memref<4000xi32, #tpu.memory_space<hbm>>) dst(%dma_wait3A_122 : memref<4000xi32, #tpu.memory_space<vmem>>)
      tpu.yield
    }) : () -> ()
    %scan3A_12 = arith.constant 0 : i32
    %scan3A_13 = arith.constant 0 : i32
    %scan3A_14 = arith.constant 250 : i32
    %scan3A_15 = arith.addi %scan3A_13, %scan3A_14 : i32
    %scan3A_16 = arith.constant 1 : i32
    scf.for %scan3A_114 = %scan3A_13 to %scan3A_15 step %scan3A_16  : i32 {
      %mul3A_115 = arith.constant 16 : i32
      %mul3A_116 = arith.muli %scan3A_114, %mul3A_115 : i32
      %get3A = arith.index_cast %mul3A_116 : i32 to index
      %get3A_117 = tpu.vector_load %arg5[%get3A] {strides = array<i32>} : memref<4000xi32, #tpu.memory_space<vmem>>, vector<16xi32>,
      %broadcast_in_dim3A = arith.constant true
      %broadcast_in_dim3A_118 = vector.broadcast %broadcast_in_dim3A : i1 to vector<16xi1>
      %unique3A, %unique3A_119 = tpu.scan_count mask(%broadcast_in_dim3A_118 : vector<16xi1>) value(%get3A_117 : vector<16xi32>) : vector<16xi1>, vector<16xi32>
      %convert_element_type3A = arith.sitofp %unique3A_119 : vector<16xi32> to vector<16xf32>
      tpu.vector_store_idx %arg6[%get3A_117], %convert_element_type3A masked %unique3A {add = true} : memref<10240xf32, #tpu.memory_space<vmem>>[vector<16xi32>], vector<16xf32>, vector<16xi1>
    }
    %scan3A_17 = arith.constant 250 : i32
    %add3A_18 = arith.constant 8000 : i32
    %add3A_19 = arith.addi %add3A, %add3A_18 : i32
    "tpu.region"() ({
      %run_scoped3A = tpu.sem_alloc : memref<!tpu.dma_semaphore, #tpu.memory_space<semaphore_mem>>
      %dma_start3A = arith.constant 0 : i32
      %dma_start3A_114 = tpu.memref_slice %arg5[%dma_start3A] : memref<4000xi32, #tpu.memory_space<vmem>> -> memref<2000xi32, #tpu.memory_space<vmem>>
      %dma_start3A_115 = tpu.memref_slice %arg2[%add3A_19] : memref<320000xi32, #tpu.memory_space<hbm>> -> memref<2000xi32, #tpu.memory_space<hbm>>
      %dma_start3A_116 = arith.constant 0 : i32
      %dma_start3A_117 = tpu.memref_slice %arg5[%dma_start3A_116] : memref<4000xi32, #tpu.memory_space<vmem>> -> memref<2000xi32, #tpu.memory_space<vmem>>
      %dma_start3A_118 = tpu.memref_slice %arg2[%add3A_19] : memref<320000xi32, #tpu.memory_space<hbm>> -> memref<2000xi32, #tpu.memory_space<hbm>>
      tpu.enqueue_dma source(%dma_start3A_118 : memref<2000xi32, #tpu.memory_space<hbm>>) target(%dma_start3A_117 : memref<2000xi32, #tpu.memory_space<vmem>>) target_semaphore(%run_scoped3A : memref<!tpu.dma_semaphore, #tpu.memory_space<semaphore_mem>>)
      %dma_wait3A = arith.constant 0 : i32
      %dma_wait3A_119 = tpu.memref_slice %arg5[%dma_wait3A] : memref<4000xi32, #tpu.memory_space<vmem>> -> memref<2000xi32, #tpu.memory_space<vmem>>
      %dma_wait3A_120 = tpu.memref_slice %arg2[%add3A_19] : memref<320000xi32, #tpu.memory_space<hbm>> -> memref<2000xi32, #tpu.memory_space<hbm>>
      %dma_wait3A_121 = arith.constant 0 : i32
      %dma_wait3A_122 = tpu.memref_slice %arg5[%dma_wait3A_121] : memref<4000xi32, #tpu.memory_space<vmem>> -> memref<2000xi32, #tpu.memory_space<vmem>>
      %dma_wait3A_123 = tpu.memref_slice %arg2[%add3A_19] : memref<320000xi32, #tpu.memory_space<hbm>> -> memref<2000xi32, #tpu.memory_space<hbm>>
      tpu.wait_dma2 semaphore(%run_scoped3A : memref<!tpu.dma_semaphore, #tpu.memory_space<semaphore_mem>>) src(%dma_wait3A_123 : memref<2000xi32, #tpu.memory_space<hbm>>) dst(%dma_wait3A_122 : memref<2000xi32, #tpu.memory_space<vmem>>)
      tpu.yield
    }) : () -> ()
    %scan3A_20 = arith.constant 0 : i32
    %scan3A_21 = arith.constant 0 : i32
    %scan3A_22 = arith.constant 125 : i32
    %scan3A_23 = arith.addi %scan3A_21, %scan3A_22 : i32
    %scan3A_24 = arith.constant 1 : i32
    scf.for %scan3A_114 = %scan3A_21 to %scan3A_23 step %scan3A_24  : i32 {
      %mul3A_115 = arith.constant 16 : i32
      %mul3A_116 = arith.muli %scan3A_114, %mul3A_115 : i32
      %get3A = arith.index_cast %mul3A_116 : i32 to index
      %get3A_117 = tpu.vector_load %arg5[%get3A] {strides = array<i32>} : memref<4000xi32, #tpu.memory_space<vmem>>, vector<16xi32>,
      %broadcast_in_dim3A = arith.constant true
      %broadcast_in_dim3A_118 = vector.broadcast %broadcast_in_dim3A : i1 to vector<16xi1>
      %unique3A, %unique3A_119 = tpu.scan_count mask(%broadcast_in_dim3A_118 : vector<16xi1>) value(%get3A_117 : vector<16xi32>) : vector<16xi1>, vector<16xi32>
      %convert_element_type3A = arith.sitofp %unique3A_119 : vector<16xi32> to vector<16xf32>
      tpu.vector_store_idx %arg6[%get3A_117], %convert_element_type3A masked %unique3A {add = true} : memref<10240xf32, #tpu.memory_space<vmem>>[vector<16xi32>], vector<16xf32>, vector<16xi1>
    }
    %scan3A_25 = arith.constant 125 : i32
    %mul3A_26 = arith.constant 10240 : i32
    %mul3A_27 = arith.muli %arg1, %mul3A_26 : i32
    "tpu.region"() ({
      %run_scoped3A = tpu.sem_alloc : memref<!tpu.dma_semaphore, #tpu.memory_space<semaphore_mem>>
      %dma_start3A = tpu.memref_slice %arg9[%mul3A_27] : memref<163840xf32, #tpu.memory_space<vmem_shared>> -> memref<10240xf32, #tpu.memory_space<vmem_shared>>
      %dma_start3A_114 = tpu.memref_slice %arg9[%mul3A_27] : memref<163840xf32, #tpu.memory_space<vmem_shared>> -> memref<10240xf32, #tpu.memory_space<vmem_shared>>
      tpu.enqueue_dma source(%arg6 : memref<10240xf32, #tpu.memory_space<vmem>>) target(%dma_start3A_114 : memref<10240xf32, #tpu.memory_space<vmem_shared>>) target_semaphore(%run_scoped3A : memref<!tpu.dma_semaphore, #tpu.memory_space<semaphore_mem>>)
      %dma_wait3A = tpu.memref_slice %arg9[%mul3A_27] : memref<163840xf32, #tpu.memory_space<vmem_shared>> -> memref<10240xf32, #tpu.memory_space<vmem_shared>>
      %dma_wait3A_115 = tpu.memref_slice %arg9[%mul3A_27] : memref<163840xf32, #tpu.memory_space<vmem_shared>> -> memref<10240xf32, #tpu.memory_space<vmem_shared>>
      tpu.wait_dma2 semaphore(%run_scoped3A : memref<!tpu.dma_semaphore, #tpu.memory_space<semaphore_mem>>) src(%arg6 : memref<10240xf32, #tpu.memory_space<vmem>>) dst(%dma_wait3A_115 : memref<10240xf32, #tpu.memory_space<vmem_shared>>)
      tpu.yield
    }) : () -> ()
    %barrier3A = arith.constant 0 : index
    tpu.barrier barrier_id(%barrier3A)
    %mul3A_28 = arith.constant 640 : i32
    %mul3A_29 = arith.muli %arg1, %mul3A_28 : i32
    %add3A_30 = arith.constant 0 : i32
    %add3A_31 = arith.addi %mul3A_29, %add3A_30 : i32
    %add3A_32 = arith.constant 0 : i32
    %add3A_33 = arith.addi %add3A_32, %add3A_31 : i32
    "tpu.region"() ({
      %run_scoped3A = tpu.sem_alloc : memref<!tpu.dma_semaphore, #tpu.memory_space<semaphore_mem>>
      %dma_start3A = arith.constant 0 : i32
      %dma_start3A_114 = tpu.memref_slice %arg7[%dma_start3A] : memref<5120xf32, #tpu.memory_space<vmem>> -> memref<320xf32, #tpu.memory_space<vmem>>
      %dma_start3A_115 = tpu.memref_slice %arg9[%add3A_33] : memref<163840xf32, #tpu.memory_space<vmem_shared>> -> memref<320xf32, #tpu.memory_space<vmem_shared>>
      %dma_start3A_116 = arith.constant 0 : i32
      %dma_start3A_117 = tpu.memref_slice %arg7[%dma_start3A_116] : memref<5120xf32, #tpu.memory_space<vmem>> -> memref<320xf32, #tpu.memory_space<vmem>>
      %dma_start3A_118 = tpu.memref_slice %arg9[%add3A_33] : memref<163840xf32, #tpu.memory_space<vmem_shared>> -> memref<320xf32, #tpu.memory_space<vmem_shared>>
      tpu.enqueue_dma source(%dma_start3A_118 : memref<320xf32, #tpu.memory_space<vmem_shared>>) target(%dma_start3A_117 : memref<320xf32, #tpu.memory_space<vmem>>) target_semaphore(%run_scoped3A : memref<!tpu.dma_semaphore, #tpu.memory_space<semaphore_mem>>)
      %dma_wait3A = arith.constant 0 : i32
      %dma_wait3A_119 = tpu.memref_slice %arg7[%dma_wait3A] : memref<5120xf32, #tpu.memory_space<vmem>> -> memref<320xf32, #tpu.memory_space<vmem>>
      %dma_wait3A_120 = tpu.memref_slice %arg9[%add3A_33] : memref<163840xf32, #tpu.memory_space<vmem_shared>> -> memref<320xf32, #tpu.memory_space<vmem_shared>>
      %dma_wait3A_121 = arith.constant 0 : i32
      %dma_wait3A_122 = tpu.memref_slice %arg7[%dma_wait3A_121] : memref<5120xf32, #tpu.memory_space<vmem>> -> memref<320xf32, #tpu.memory_space<vmem>>
      %dma_wait3A_123 = tpu.memref_slice %arg9[%add3A_33] : memref<163840xf32, #tpu.memory_space<vmem_shared>> -> memref<320xf32, #tpu.memory_space<vmem_shared>>
      tpu.wait_dma2 semaphore(%run_scoped3A : memref<!tpu.dma_semaphore, #tpu.memory_space<semaphore_mem>>) src(%dma_wait3A_123 : memref<320xf32, #tpu.memory_space<vmem_shared>>) dst(%dma_wait3A_122 : memref<320xf32, #tpu.memory_space<vmem>>)
      tpu.yield
    }) : () -> ()
    %add3A_34 = arith.constant 10240 : i32
    %add3A_35 = arith.addi %add3A_34, %add3A_31 : i32
    "tpu.region"() ({
      %run_scoped3A = tpu.sem_alloc : memref<!tpu.dma_semaphore, #tpu.memory_space<semaphore_mem>>
      %dma_start3A = arith.constant 320 : i32
      %dma_start3A_114 = tpu.memref_slice %arg7[%dma_start3A] : memref<5120xf32, #tpu.memory_space<vmem>> -> memref<320xf32, #tpu.memory_space<vmem>>
      %dma_start3A_115 = tpu.memref_slice %arg9[%add3A_35] : memref<163840xf32, #tpu.memory_space<vmem_shared>> -> memref<320xf32, #tpu.memory_space<vmem_shared>>
      %dma_start3A_116 = arith.constant 320 : i32
      %dma_start3A_117 = tpu.memref_slice %arg7[%dma_start3A_116] : memref<5120xf32, #tpu.memory_space<vmem>> -> memref<320xf32, #tpu.memory_space<vmem>>
      %dma_start3A_118 = tpu.memref_slice %arg9[%add3A_35] : memref<163840xf32, #tpu.memory_space<vmem_shared>> -> memref<320xf32, #tpu.memory_space<vmem_shared>>
      tpu.enqueue_dma source(%dma_start3A_118 : memref<320xf32, #tpu.memory_space<vmem_shared>>) target(%dma_start3A_117 : memref<320xf32, #tpu.memory_space<vmem>>) target_semaphore(%run_scoped3A : memref<!tpu.dma_semaphore, #tpu.memory_space<semaphore_mem>>)
      %dma_wait3A = arith.constant 320 : i32
      %dma_wait3A_119 = tpu.memref_slice %arg7[%dma_wait3A] : memref<5120xf32, #tpu.memory_space<vmem>> -> memref<320xf32, #tpu.memory_space<vmem>>
      %dma_wait3A_120 = tpu.memref_slice %arg9[%add3A_35] : memref<163840xf32, #tpu.memory_space<vmem_shared>> -> memref<320xf32, #tpu.memory_space<vmem_shared>>
      %dma_wait3A_121 = arith.constant 320 : i32
      %dma_wait3A_122 = tpu.memref_slice %arg7[%dma_wait3A_121] : memref<5120xf32, #tpu.memory_space<vmem>> -> memref<320xf32, #tpu.memory_space<vmem>>
      %dma_wait3A_123 = tpu.memref_slice %arg9[%add3A_35] : memref<163840xf32, #tpu.memory_space<vmem_shared>> -> memref<320xf32, #tpu.memory_space<vmem_shared>>
      tpu.wait_dma2 semaphore(%run_scoped3A : memref<!tpu.dma_semaphore, #tpu.memory_space<semaphore_mem>>) src(%dma_wait3A_123 : memref<320xf32, #tpu.memory_space<vmem_shared>>) dst(%dma_wait3A_122 : memref<320xf32, #tpu.memory_space<vmem>>)
      tpu.yield
    }) : () -> ()
    %add3A_36 = arith.constant 20480 : i32
    %add3A_37 = arith.addi %add3A_36, %add3A_31 : i32
    "tpu.region"() ({
      %run_scoped3A = tpu.sem_alloc : memref<!tpu.dma_semaphore, #tpu.memory_space<semaphore_mem>>
      %dma_start3A = arith.constant 640 : i32
      %dma_start3A_114 = tpu.memref_slice %arg7[%dma_start3A] : memref<5120xf32, #tpu.memory_space<vmem>> -> memref<320xf32, #tpu.memory_space<vmem>>
      %dma_start3A_115 = tpu.memref_slice %arg9[%add3A_37] : memref<163840xf32, #tpu.memory_space<vmem_shared>> -> memref<320xf32, #tpu.memory_space<vmem_shared>>
      %dma_start3A_116 = arith.constant 640 : i32
      %dma_start3A_117 = tpu.memref_slice %arg7[%dma_start3A_116] : memref<5120xf32, #tpu.memory_space<vmem>> -> memref<320xf32, #tpu.memory_space<vmem>>
      %dma_start3A_118 = tpu.memref_slice %arg9[%add3A_37] : memref<163840xf32, #tpu.memory_space<vmem_shared>> -> memref<320xf32, #tpu.memory_space<vmem_shared>>
      tpu.enqueue_dma source(%dma_start3A_118 : memref<320xf32, #tpu.memory_space<vmem_shared>>) target(%dma_start3A_117 : memref<320xf32, #tpu.memory_space<vmem>>) target_semaphore(%run_scoped3A : memref<!tpu.dma_semaphore, #tpu.memory_space<semaphore_mem>>)
      %dma_wait3A = arith.constant 640 : i32
      %dma_wait3A_119 = tpu.memref_slice %arg7[%dma_wait3A] : memref<5120xf32, #tpu.memory_space<vmem>> -> memref<320xf32, #tpu.memory_space<vmem>>
      %dma_wait3A_120 = tpu.memref_slice %arg9[%add3A_37] : memref<163840xf32, #tpu.memory_space<vmem_shared>> -> memref<320xf32, #tpu.memory_space<vmem_shared>>
      %dma_wait3A_121 = arith.constant 640 : i32
      %dma_wait3A_122 = tpu.memref_slice %arg7[%dma_wait3A_121] : memref<5120xf32, #tpu.memory_space<vmem>> -> memref<320xf32, #tpu.memory_space<vmem>>
      %dma_wait3A_123 = tpu.memref_slice %arg9[%add3A_37] : memref<163840xf32, #tpu.memory_space<vmem_shared>> -> memref<320xf32, #tpu.memory_space<vmem_shared>>
      tpu.wait_dma2 semaphore(%run_scoped3A : memref<!tpu.dma_semaphore, #tpu.memory_space<semaphore_mem>>) src(%dma_wait3A_123 : memref<320xf32, #tpu.memory_space<vmem_shared>>) dst(%dma_wait3A_122 : memref<320xf32, #tpu.memory_space<vmem>>)
      tpu.yield
    }) : () -> ()
    %add3A_38 = arith.constant 30720 : i32
    %add3A_39 = arith.addi %add3A_38, %add3A_31 : i32
    "tpu.region"() ({
      %run_scoped3A = tpu.sem_alloc : memref<!tpu.dma_semaphore, #tpu.memory_space<semaphore_mem>>
      %dma_start3A = arith.constant 960 : i32
      %dma_start3A_114 = tpu.memref_slice %arg7[%dma_start3A] : memref<5120xf32, #tpu.memory_space<vmem>> -> memref<320xf32, #tpu.memory_space<vmem>>
      %dma_start3A_115 = tpu.memref_slice %arg9[%add3A_39] : memref<163840xf32, #tpu.memory_space<vmem_shared>> -> memref<320xf32, #tpu.memory_space<vmem_shared>>
      %dma_start3A_116 = arith.constant 960 : i32
      %dma_start3A_117 = tpu.memref_slice %arg7[%dma_start3A_116] : memref<5120xf32, #tpu.memory_space<vmem>> -> memref<320xf32, #tpu.memory_space<vmem>>
      %dma_start3A_118 = tpu.memref_slice %arg9[%add3A_39] : memref<163840xf32, #tpu.memory_space<vmem_shared>> -> memref<320xf32, #tpu.memory_space<vmem_shared>>
      tpu.enqueue_dma source(%dma_start3A_118 : memref<320xf32, #tpu.memory_space<vmem_shared>>) target(%dma_start3A_117 : memref<320xf32, #tpu.memory_space<vmem>>) target_semaphore(%run_scoped3A : memref<!tpu.dma_semaphore, #tpu.memory_space<semaphore_mem>>)
      %dma_wait3A = arith.constant 960 : i32
      %dma_wait3A_119 = tpu.memref_slice %arg7[%dma_wait3A] : memref<5120xf32, #tpu.memory_space<vmem>> -> memref<320xf32, #tpu.memory_space<vmem>>
      %dma_wait3A_120 = tpu.memref_slice %arg9[%add3A_39] : memref<163840xf32, #tpu.memory_space<vmem_shared>> -> memref<320xf32, #tpu.memory_space<vmem_shared>>
      %dma_wait3A_121 = arith.constant 960 : i32
      %dma_wait3A_122 = tpu.memref_slice %arg7[%dma_wait3A_121] : memref<5120xf32, #tpu.memory_space<vmem>> -> memref<320xf32, #tpu.memory_space<vmem>>
      %dma_wait3A_123 = tpu.memref_slice %arg9[%add3A_39] : memref<163840xf32, #tpu.memory_space<vmem_shared>> -> memref<320xf32, #tpu.memory_space<vmem_shared>>
      tpu.wait_dma2 semaphore(%run_scoped3A : memref<!tpu.dma_semaphore, #tpu.memory_space<semaphore_mem>>) src(%dma_wait3A_123 : memref<320xf32, #tpu.memory_space<vmem_shared>>) dst(%dma_wait3A_122 : memref<320xf32, #tpu.memory_space<vmem>>)
      tpu.yield
    }) : () -> ()
    %add3A_40 = arith.constant 40960 : i32
    %add3A_41 = arith.addi %add3A_40, %add3A_31 : i32
    "tpu.region"() ({
      %run_scoped3A = tpu.sem_alloc : memref<!tpu.dma_semaphore, #tpu.memory_space<semaphore_mem>>
      %dma_start3A = arith.constant 1280 : i32
      %dma_start3A_114 = tpu.memref_slice %arg7[%dma_start3A] : memref<5120xf32, #tpu.memory_space<vmem>> -> memref<320xf32, #tpu.memory_space<vmem>>
      %dma_start3A_115 = tpu.memref_slice %arg9[%add3A_41] : memref<163840xf32, #tpu.memory_space<vmem_shared>> -> memref<320xf32, #tpu.memory_space<vmem_shared>>
      %dma_start3A_116 = arith.constant 1280 : i32
      %dma_start3A_117 = tpu.memref_slice %arg7[%dma_start3A_116] : memref<5120xf32, #tpu.memory_space<vmem>> -> memref<320xf32, #tpu.memory_space<vmem>>
      %dma_start3A_118 = tpu.memref_slice %arg9[%add3A_41] : memref<163840xf32, #tpu.memory_space<vmem_shared>> -> memref<320xf32, #tpu.memory_space<vmem_shared>>
      tpu.enqueue_dma source(%dma_start3A_118 : memref<320xf32, #tpu.memory_space<vmem_shared>>) target(%dma_start3A_117 : memref<320xf32, #tpu.memory_space<vmem>>) target_semaphore(%run_scoped3A : memref<!tpu.dma_semaphore, #tpu.memory_space<semaphore_mem>>)
      %dma_wait3A = arith.constant 1280 : i32
      %dma_wait3A_119 = tpu.memref_slice %arg7[%dma_wait3A] : memref<5120xf32, #tpu.memory_space<vmem>> -> memref<320xf32, #tpu.memory_space<vmem>>
      %dma_wait3A_120 = tpu.memref_slice %arg9[%add3A_41] : memref<163840xf32, #tpu.memory_space<vmem_shared>> -> memref<320xf32, #tpu.memory_space<vmem_shared>>
      %dma_wait3A_121 = arith.constant 1280 : i32
      %dma_wait3A_122 = tpu.memref_slice %arg7[%dma_wait3A_121] : memref<5120xf32, #tpu.memory_space<vmem>> -> memref<320xf32, #tpu.memory_space<vmem>>
      %dma_wait3A_123 = tpu.memref_slice %arg9[%add3A_41] : memref<163840xf32, #tpu.memory_space<vmem_shared>> -> memref<320xf32, #tpu.memory_space<vmem_shared>>
      tpu.wait_dma2 semaphore(%run_scoped3A : memref<!tpu.dma_semaphore, #tpu.memory_space<semaphore_mem>>) src(%dma_wait3A_123 : memref<320xf32, #tpu.memory_space<vmem_shared>>) dst(%dma_wait3A_122 : memref<320xf32, #tpu.memory_space<vmem>>)
      tpu.yield
    }) : () -> ()
    %add3A_42 = arith.constant 51200 : i32
    %add3A_43 = arith.addi %add3A_42, %add3A_31 : i32
    "tpu.region"() ({
      %run_scoped3A = tpu.sem_alloc : memref<!tpu.dma_semaphore, #tpu.memory_space<semaphore_mem>>
      %dma_start3A = arith.constant 1600 : i32
      %dma_start3A_114 = tpu.memref_slice %arg7[%dma_start3A] : memref<5120xf32, #tpu.memory_space<vmem>> -> memref<320xf32, #tpu.memory_space<vmem>>
      %dma_start3A_115 = tpu.memref_slice %arg9[%add3A_43] : memref<163840xf32, #tpu.memory_space<vmem_shared>> -> memref<320xf32, #tpu.memory_space<vmem_shared>>
      %dma_start3A_116 = arith.constant 1600 : i32
      %dma_start3A_117 = tpu.memref_slice %arg7[%dma_start3A_116] : memref<5120xf32, #tpu.memory_space<vmem>> -> memref<320xf32, #tpu.memory_space<vmem>>
      %dma_start3A_118 = tpu.memref_slice %arg9[%add3A_43] : memref<163840xf32, #tpu.memory_space<vmem_shared>> -> memref<320xf32, #tpu.memory_space<vmem_shared>>
      tpu.enqueue_dma source(%dma_start3A_118 : memref<320xf32, #tpu.memory_space<vmem_shared>>) target(%dma_start3A_117 : memref<320xf32, #tpu.memory_space<vmem>>) target_semaphore(%run_scoped3A : memref<!tpu.dma_semaphore, #tpu.memory_space<semaphore_mem>>)
      %dma_wait3A = arith.constant 1600 : i32
      %dma_wait3A_119 = tpu.memref_slice %arg7[%dma_wait3A] : memref<5120xf32, #tpu.memory_space<vmem>> -> memref<320xf32, #tpu.memory_space<vmem>>
      %dma_wait3A_120 = tpu.memref_slice %arg9[%add3A_43] : memref<163840xf32, #tpu.memory_space<vmem_shared>> -> memref<320xf32, #tpu.memory_space<vmem_shared>>
      %dma_wait3A_121 = arith.constant 1600 : i32
      %dma_wait3A_122 = tpu.memref_slice %arg7[%dma_wait3A_121] : memref<5120xf32, #tpu.memory_space<vmem>> -> memref<320xf32, #tpu.memory_space<vmem>>
      %dma_wait3A_123 = tpu.memref_slice %arg9[%add3A_43] : memref<163840xf32, #tpu.memory_space<vmem_shared>> -> memref<320xf32, #tpu.memory_space<vmem_shared>>
      tpu.wait_dma2 semaphore(%run_scoped3A : memref<!tpu.dma_semaphore, #tpu.memory_space<semaphore_mem>>) src(%dma_wait3A_123 : memref<320xf32, #tpu.memory_space<vmem_shared>>) dst(%dma_wait3A_122 : memref<320xf32, #tpu.memory_space<vmem>>)
      tpu.yield
    }) : () -> ()
    %add3A_44 = arith.constant 61440 : i32
    %add3A_45 = arith.addi %add3A_44, %add3A_31 : i32
    "tpu.region"() ({
      %run_scoped3A = tpu.sem_alloc : memref<!tpu.dma_semaphore, #tpu.memory_space<semaphore_mem>>
      %dma_start3A = arith.constant 1920 : i32
      %dma_start3A_114 = tpu.memref_slice %arg7[%dma_start3A] : memref<5120xf32, #tpu.memory_space<vmem>> -> memref<320xf32, #tpu.memory_space<vmem>>
      %dma_start3A_115 = tpu.memref_slice %arg9[%add3A_45] : memref<163840xf32, #tpu.memory_space<vmem_shared>> -> memref<320xf32, #tpu.memory_space<vmem_shared>>
      %dma_start3A_116 = arith.constant 1920 : i32
      %dma_start3A_117 = tpu.memref_slice %arg7[%dma_start3A_116] : memref<5120xf32, #tpu.memory_space<vmem>> -> memref<320xf32, #tpu.memory_space<vmem>>
      %dma_start3A_118 = tpu.memref_slice %arg9[%add3A_45] : memref<163840xf32, #tpu.memory_space<vmem_shared>> -> memref<320xf32, #tpu.memory_space<vmem_shared>>
      tpu.enqueue_dma source(%dma_start3A_118 : memref<320xf32, #tpu.memory_space<vmem_shared>>) target(%dma_start3A_117 : memref<320xf32, #tpu.memory_space<vmem>>) target_semaphore(%run_scoped3A : memref<!tpu.dma_semaphore, #tpu.memory_space<semaphore_mem>>)
      %dma_wait3A = arith.constant 1920 : i32
      %dma_wait3A_119 = tpu.memref_slice %arg7[%dma_wait3A] : memref<5120xf32, #tpu.memory_space<vmem>> -> memref<320xf32, #tpu.memory_space<vmem>>
      %dma_wait3A_120 = tpu.memref_slice %arg9[%add3A_45] : memref<163840xf32, #tpu.memory_space<vmem_shared>> -> memref<320xf32, #tpu.memory_space<vmem_shared>>
      %dma_wait3A_121 = arith.constant 1920 : i32
      %dma_wait3A_122 = tpu.memref_slice %arg7[%dma_wait3A_121] : memref<5120xf32, #tpu.memory_space<vmem>> -> memref<320xf32, #tpu.memory_space<vmem>>
      %dma_wait3A_123 = tpu.memref_slice %arg9[%add3A_45] : memref<163840xf32, #tpu.memory_space<vmem_shared>> -> memref<320xf32, #tpu.memory_space<vmem_shared>>
      tpu.wait_dma2 semaphore(%run_scoped3A : memref<!tpu.dma_semaphore, #tpu.memory_space<semaphore_mem>>) src(%dma_wait3A_123 : memref<320xf32, #tpu.memory_space<vmem_shared>>) dst(%dma_wait3A_122 : memref<320xf32, #tpu.memory_space<vmem>>)
      tpu.yield
    }) : () -> ()
    %add3A_46 = arith.constant 71680 : i32
    %add3A_47 = arith.addi %add3A_46, %add3A_31 : i32
    "tpu.region"() ({
      %run_scoped3A = tpu.sem_alloc : memref<!tpu.dma_semaphore, #tpu.memory_space<semaphore_mem>>
      %dma_start3A = arith.constant 2240 : i32
      %dma_start3A_114 = tpu.memref_slice %arg7[%dma_start3A] : memref<5120xf32, #tpu.memory_space<vmem>> -> memref<320xf32, #tpu.memory_space<vmem>>
      %dma_start3A_115 = tpu.memref_slice %arg9[%add3A_47] : memref<163840xf32, #tpu.memory_space<vmem_shared>> -> memref<320xf32, #tpu.memory_space<vmem_shared>>
      %dma_start3A_116 = arith.constant 2240 : i32
      %dma_start3A_117 = tpu.memref_slice %arg7[%dma_start3A_116] : memref<5120xf32, #tpu.memory_space<vmem>> -> memref<320xf32, #tpu.memory_space<vmem>>
      %dma_start3A_118 = tpu.memref_slice %arg9[%add3A_47] : memref<163840xf32, #tpu.memory_space<vmem_shared>> -> memref<320xf32, #tpu.memory_space<vmem_shared>>
      tpu.enqueue_dma source(%dma_start3A_118 : memref<320xf32, #tpu.memory_space<vmem_shared>>) target(%dma_start3A_117 : memref<320xf32, #tpu.memory_space<vmem>>) target_semaphore(%run_scoped3A : memref<!tpu.dma_semaphore, #tpu.memory_space<semaphore_mem>>)
      %dma_wait3A = arith.constant 2240 : i32
      %dma_wait3A_119 = tpu.memref_slice %arg7[%dma_wait3A] : memref<5120xf32, #tpu.memory_space<vmem>> -> memref<320xf32, #tpu.memory_space<vmem>>
      %dma_wait3A_120 = tpu.memref_slice %arg9[%add3A_47] : memref<163840xf32, #tpu.memory_space<vmem_shared>> -> memref<320xf32, #tpu.memory_space<vmem_shared>>
      %dma_wait3A_121 = arith.constant 2240 : i32
      %dma_wait3A_122 = tpu.memref_slice %arg7[%dma_wait3A_121] : memref<5120xf32, #tpu.memory_space<vmem>> -> memref<320xf32, #tpu.memory_space<vmem>>
      %dma_wait3A_123 = tpu.memref_slice %arg9[%add3A_47] : memref<163840xf32, #tpu.memory_space<vmem_shared>> -> memref<320xf32, #tpu.memory_space<vmem_shared>>
      tpu.wait_dma2 semaphore(%run_scoped3A : memref<!tpu.dma_semaphore, #tpu.memory_space<semaphore_mem>>) src(%dma_wait3A_123 : memref<320xf32, #tpu.memory_space<vmem_shared>>) dst(%dma_wait3A_122 : memref<320xf32, #tpu.memory_space<vmem>>)
      tpu.yield
    }) : () -> ()
    %add3A_48 = arith.constant 81920 : i32
    %add3A_49 = arith.addi %add3A_48, %add3A_31 : i32
    "tpu.region"() ({
      %run_scoped3A = tpu.sem_alloc : memref<!tpu.dma_semaphore, #tpu.memory_space<semaphore_mem>>
      %dma_start3A = arith.constant 2560 : i32
      %dma_start3A_114 = tpu.memref_slice %arg7[%dma_start3A] : memref<5120xf32, #tpu.memory_space<vmem>> -> memref<320xf32, #tpu.memory_space<vmem>>
      %dma_start3A_115 = tpu.memref_slice %arg9[%add3A_49] : memref<163840xf32, #tpu.memory_space<vmem_shared>> -> memref<320xf32, #tpu.memory_space<vmem_shared>>
      %dma_start3A_116 = arith.constant 2560 : i32
      %dma_start3A_117 = tpu.memref_slice %arg7[%dma_start3A_116] : memref<5120xf32, #tpu.memory_space<vmem>> -> memref<320xf32, #tpu.memory_space<vmem>>
      %dma_start3A_118 = tpu.memref_slice %arg9[%add3A_49] : memref<163840xf32, #tpu.memory_space<vmem_shared>> -> memref<320xf32, #tpu.memory_space<vmem_shared>>
      tpu.enqueue_dma source(%dma_start3A_118 : memref<320xf32, #tpu.memory_space<vmem_shared>>) target(%dma_start3A_117 : memref<320xf32, #tpu.memory_space<vmem>>) target_semaphore(%run_scoped3A : memref<!tpu.dma_semaphore, #tpu.memory_space<semaphore_mem>>)
      %dma_wait3A = arith.constant 2560 : i32
      %dma_wait3A_119 = tpu.memref_slice %arg7[%dma_wait3A] : memref<5120xf32, #tpu.memory_space<vmem>> -> memref<320xf32, #tpu.memory_space<vmem>>
      %dma_wait3A_120 = tpu.memref_slice %arg9[%add3A_49] : memref<163840xf32, #tpu.memory_space<vmem_shared>> -> memref<320xf32, #tpu.memory_space<vmem_shared>>
      %dma_wait3A_121 = arith.constant 2560 : i32
      %dma_wait3A_122 = tpu.memref_slice %arg7[%dma_wait3A_121] : memref<5120xf32, #tpu.memory_space<vmem>> -> memref<320xf32, #tpu.memory_space<vmem>>
      %dma_wait3A_123 = tpu.memref_slice %arg9[%add3A_49] : memref<163840xf32, #tpu.memory_space<vmem_shared>> -> memref<320xf32, #tpu.memory_space<vmem_shared>>
      tpu.wait_dma2 semaphore(%run_scoped3A : memref<!tpu.dma_semaphore, #tpu.memory_space<semaphore_mem>>) src(%dma_wait3A_123 : memref<320xf32, #tpu.memory_space<vmem_shared>>) dst(%dma_wait3A_122 : memref<320xf32, #tpu.memory_space<vmem>>)
      tpu.yield
    }) : () -> ()
    %add3A_50 = arith.constant 92160 : i32
    %add3A_51 = arith.addi %add3A_50, %add3A_31 : i32
    "tpu.region"() ({
      %run_scoped3A = tpu.sem_alloc : memref<!tpu.dma_semaphore, #tpu.memory_space<semaphore_mem>>
      %dma_start3A = arith.constant 2880 : i32
      %dma_start3A_114 = tpu.memref_slice %arg7[%dma_start3A] : memref<5120xf32, #tpu.memory_space<vmem>> -> memref<320xf32, #tpu.memory_space<vmem>>
      %dma_start3A_115 = tpu.memref_slice %arg9[%add3A_51] : memref<163840xf32, #tpu.memory_space<vmem_shared>> -> memref<320xf32, #tpu.memory_space<vmem_shared>>
      %dma_start3A_116 = arith.constant 2880 : i32
      %dma_start3A_117 = tpu.memref_slice %arg7[%dma_start3A_116] : memref<5120xf32, #tpu.memory_space<vmem>> -> memref<320xf32, #tpu.memory_space<vmem>>
      %dma_start3A_118 = tpu.memref_slice %arg9[%add3A_51] : memref<163840xf32, #tpu.memory_space<vmem_shared>> -> memref<320xf32, #tpu.memory_space<vmem_shared>>
      tpu.enqueue_dma source(%dma_start3A_118 : memref<320xf32, #tpu.memory_space<vmem_shared>>) target(%dma_start3A_117 : memref<320xf32, #tpu.memory_space<vmem>>) target_semaphore(%run_scoped3A : memref<!tpu.dma_semaphore, #tpu.memory_space<semaphore_mem>>)
      %dma_wait3A = arith.constant 2880 : i32
      %dma_wait3A_119 = tpu.memref_slice %arg7[%dma_wait3A] : memref<5120xf32, #tpu.memory_space<vmem>> -> memref<320xf32, #tpu.memory_space<vmem>>
      %dma_wait3A_120 = tpu.memref_slice %arg9[%add3A_51] : memref<163840xf32, #tpu.memory_space<vmem_shared>> -> memref<320xf32, #tpu.memory_space<vmem_shared>>
      %dma_wait3A_121 = arith.constant 2880 : i32
      %dma_wait3A_122 = tpu.memref_slice %arg7[%dma_wait3A_121] : memref<5120xf32, #tpu.memory_space<vmem>> -> memref<320xf32, #tpu.memory_space<vmem>>
      %dma_wait3A_123 = tpu.memref_slice %arg9[%add3A_51] : memref<163840xf32, #tpu.memory_space<vmem_shared>> -> memref<320xf32, #tpu.memory_space<vmem_shared>>
      tpu.wait_dma2 semaphore(%run_scoped3A : memref<!tpu.dma_semaphore, #tpu.memory_space<semaphore_mem>>) src(%dma_wait3A_123 : memref<320xf32, #tpu.memory_space<vmem_shared>>) dst(%dma_wait3A_122 : memref<320xf32, #tpu.memory_space<vmem>>)
      tpu.yield
    }) : () -> ()
    %add3A_52 = arith.constant 102400 : i32
    %add3A_53 = arith.addi %add3A_52, %add3A_31 : i32
    "tpu.region"() ({
      %run_scoped3A = tpu.sem_alloc : memref<!tpu.dma_semaphore, #tpu.memory_space<semaphore_mem>>
      %dma_start3A = arith.constant 3200 : i32
      %dma_start3A_114 = tpu.memref_slice %arg7[%dma_start3A] : memref<5120xf32, #tpu.memory_space<vmem>> -> memref<320xf32, #tpu.memory_space<vmem>>
      %dma_start3A_115 = tpu.memref_slice %arg9[%add3A_53] : memref<163840xf32, #tpu.memory_space<vmem_shared>> -> memref<320xf32, #tpu.memory_space<vmem_shared>>
      %dma_start3A_116 = arith.constant 3200 : i32
      %dma_start3A_117 = tpu.memref_slice %arg7[%dma_start3A_116] : memref<5120xf32, #tpu.memory_space<vmem>> -> memref<320xf32, #tpu.memory_space<vmem>>
      %dma_start3A_118 = tpu.memref_slice %arg9[%add3A_53] : memref<163840xf32, #tpu.memory_space<vmem_shared>> -> memref<320xf32, #tpu.memory_space<vmem_shared>>
      tpu.enqueue_dma source(%dma_start3A_118 : memref<320xf32, #tpu.memory_space<vmem_shared>>) target(%dma_start3A_117 : memref<320xf32, #tpu.memory_space<vmem>>) target_semaphore(%run_scoped3A : memref<!tpu.dma_semaphore, #tpu.memory_space<semaphore_mem>>)
      %dma_wait3A = arith.constant 3200 : i32
      %dma_wait3A_119 = tpu.memref_slice %arg7[%dma_wait3A] : memref<5120xf32, #tpu.memory_space<vmem>> -> memref<320xf32, #tpu.memory_space<vmem>>
      %dma_wait3A_120 = tpu.memref_slice %arg9[%add3A_53] : memref<163840xf32, #tpu.memory_space<vmem_shared>> -> memref<320xf32, #tpu.memory_space<vmem_shared>>
      %dma_wait3A_121 = arith.constant 3200 : i32
      %dma_wait3A_122 = tpu.memref_slice %arg7[%dma_wait3A_121] : memref<5120xf32, #tpu.memory_space<vmem>> -> memref<320xf32, #tpu.memory_space<vmem>>
      %dma_wait3A_123 = tpu.memref_slice %arg9[%add3A_53] : memref<163840xf32, #tpu.memory_space<vmem_shared>> -> memref<320xf32, #tpu.memory_space<vmem_shared>>
      tpu.wait_dma2 semaphore(%run_scoped3A : memref<!tpu.dma_semaphore, #tpu.memory_space<semaphore_mem>>) src(%dma_wait3A_123 : memref<320xf32, #tpu.memory_space<vmem_shared>>) dst(%dma_wait3A_122 : memref<320xf32, #tpu.memory_space<vmem>>)
      tpu.yield
    }) : () -> ()
    %add3A_54 = arith.constant 112640 : i32
    %add3A_55 = arith.addi %add3A_54, %add3A_31 : i32
    "tpu.region"() ({
      %run_scoped3A = tpu.sem_alloc : memref<!tpu.dma_semaphore, #tpu.memory_space<semaphore_mem>>
      %dma_start3A = arith.constant 3520 : i32
      %dma_start3A_114 = tpu.memref_slice %arg7[%dma_start3A] : memref<5120xf32, #tpu.memory_space<vmem>> -> memref<320xf32, #tpu.memory_space<vmem>>
      %dma_start3A_115 = tpu.memref_slice %arg9[%add3A_55] : memref<163840xf32, #tpu.memory_space<vmem_shared>> -> memref<320xf32, #tpu.memory_space<vmem_shared>>
      %dma_start3A_116 = arith.constant 3520 : i32
      %dma_start3A_117 = tpu.memref_slice %arg7[%dma_start3A_116] : memref<5120xf32, #tpu.memory_space<vmem>> -> memref<320xf32, #tpu.memory_space<vmem>>
      %dma_start3A_118 = tpu.memref_slice %arg9[%add3A_55] : memref<163840xf32, #tpu.memory_space<vmem_shared>> -> memref<320xf32, #tpu.memory_space<vmem_shared>>
      tpu.enqueue_dma source(%dma_start3A_118 : memref<320xf32, #tpu.memory_space<vmem_shared>>) target(%dma_start3A_117 : memref<320xf32, #tpu.memory_space<vmem>>) target_semaphore(%run_scoped3A : memref<!tpu.dma_semaphore, #tpu.memory_space<semaphore_mem>>)
      %dma_wait3A = arith.constant 3520 : i32
      %dma_wait3A_119 = tpu.memref_slice %arg7[%dma_wait3A] : memref<5120xf32, #tpu.memory_space<vmem>> -> memref<320xf32, #tpu.memory_space<vmem>>
      %dma_wait3A_120 = tpu.memref_slice %arg9[%add3A_55] : memref<163840xf32, #tpu.memory_space<vmem_shared>> -> memref<320xf32, #tpu.memory_space<vmem_shared>>
      %dma_wait3A_121 = arith.constant 3520 : i32
      %dma_wait3A_122 = tpu.memref_slice %arg7[%dma_wait3A_121] : memref<5120xf32, #tpu.memory_space<vmem>> -> memref<320xf32, #tpu.memory_space<vmem>>
      %dma_wait3A_123 = tpu.memref_slice %arg9[%add3A_55] : memref<163840xf32, #tpu.memory_space<vmem_shared>> -> memref<320xf32, #tpu.memory_space<vmem_shared>>
      tpu.wait_dma2 semaphore(%run_scoped3A : memref<!tpu.dma_semaphore, #tpu.memory_space<semaphore_mem>>) src(%dma_wait3A_123 : memref<320xf32, #tpu.memory_space<vmem_shared>>) dst(%dma_wait3A_122 : memref<320xf32, #tpu.memory_space<vmem>>)
      tpu.yield
    }) : () -> ()
    %add3A_56 = arith.constant 122880 : i32
    %add3A_57 = arith.addi %add3A_56, %add3A_31 : i32
    "tpu.region"() ({
      %run_scoped3A = tpu.sem_alloc : memref<!tpu.dma_semaphore, #tpu.memory_space<semaphore_mem>>
      %dma_start3A = arith.constant 3840 : i32
      %dma_start3A_114 = tpu.memref_slice %arg7[%dma_start3A] : memref<5120xf32, #tpu.memory_space<vmem>> -> memref<320xf32, #tpu.memory_space<vmem>>
      %dma_start3A_115 = tpu.memref_slice %arg9[%add3A_57] : memref<163840xf32, #tpu.memory_space<vmem_shared>> -> memref<320xf32, #tpu.memory_space<vmem_shared>>
      %dma_start3A_116 = arith.constant 3840 : i32
      %dma_start3A_117 = tpu.memref_slice %arg7[%dma_start3A_116] : memref<5120xf32, #tpu.memory_space<vmem>> -> memref<320xf32, #tpu.memory_space<vmem>>
      %dma_start3A_118 = tpu.memref_slice %arg9[%add3A_57] : memref<163840xf32, #tpu.memory_space<vmem_shared>> -> memref<320xf32, #tpu.memory_space<vmem_shared>>
      tpu.enqueue_dma source(%dma_start3A_118 : memref<320xf32, #tpu.memory_space<vmem_shared>>) target(%dma_start3A_117 : memref<320xf32, #tpu.memory_space<vmem>>) target_semaphore(%run_scoped3A : memref<!tpu.dma_semaphore, #tpu.memory_space<semaphore_mem>>)
      %dma_wait3A = arith.constant 3840 : i32
      %dma_wait3A_119 = tpu.memref_slice %arg7[%dma_wait3A] : memref<5120xf32, #tpu.memory_space<vmem>> -> memref<320xf32, #tpu.memory_space<vmem>>
      %dma_wait3A_120 = tpu.memref_slice %arg9[%add3A_57] : memref<163840xf32, #tpu.memory_space<vmem_shared>> -> memref<320xf32, #tpu.memory_space<vmem_shared>>
      %dma_wait3A_121 = arith.constant 3840 : i32
      %dma_wait3A_122 = tpu.memref_slice %arg7[%dma_wait3A_121] : memref<5120xf32, #tpu.memory_space<vmem>> -> memref<320xf32, #tpu.memory_space<vmem>>
      %dma_wait3A_123 = tpu.memref_slice %arg9[%add3A_57] : memref<163840xf32, #tpu.memory_space<vmem_shared>> -> memref<320xf32, #tpu.memory_space<vmem_shared>>
      tpu.wait_dma2 semaphore(%run_scoped3A : memref<!tpu.dma_semaphore, #tpu.memory_space<semaphore_mem>>) src(%dma_wait3A_123 : memref<320xf32, #tpu.memory_space<vmem_shared>>) dst(%dma_wait3A_122 : memref<320xf32, #tpu.memory_space<vmem>>)
      tpu.yield
    }) : () -> ()
    %add3A_58 = arith.constant 133120 : i32
    %add3A_59 = arith.addi %add3A_58, %add3A_31 : i32
    "tpu.region"() ({
      %run_scoped3A = tpu.sem_alloc : memref<!tpu.dma_semaphore, #tpu.memory_space<semaphore_mem>>
      %dma_start3A = arith.constant 4160 : i32
      %dma_start3A_114 = tpu.memref_slice %arg7[%dma_start3A] : memref<5120xf32, #tpu.memory_space<vmem>> -> memref<320xf32, #tpu.memory_space<vmem>>
      %dma_start3A_115 = tpu.memref_slice %arg9[%add3A_59] : memref<163840xf32, #tpu.memory_space<vmem_shared>> -> memref<320xf32, #tpu.memory_space<vmem_shared>>
      %dma_start3A_116 = arith.constant 4160 : i32
      %dma_start3A_117 = tpu.memref_slice %arg7[%dma_start3A_116] : memref<5120xf32, #tpu.memory_space<vmem>> -> memref<320xf32, #tpu.memory_space<vmem>>
      %dma_start3A_118 = tpu.memref_slice %arg9[%add3A_59] : memref<163840xf32, #tpu.memory_space<vmem_shared>> -> memref<320xf32, #tpu.memory_space<vmem_shared>>
      tpu.enqueue_dma source(%dma_start3A_118 : memref<320xf32, #tpu.memory_space<vmem_shared>>) target(%dma_start3A_117 : memref<320xf32, #tpu.memory_space<vmem>>) target_semaphore(%run_scoped3A : memref<!tpu.dma_semaphore, #tpu.memory_space<semaphore_mem>>)
      %dma_wait3A = arith.constant 4160 : i32
      %dma_wait3A_119 = tpu.memref_slice %arg7[%dma_wait3A] : memref<5120xf32, #tpu.memory_space<vmem>> -> memref<320xf32, #tpu.memory_space<vmem>>
      %dma_wait3A_120 = tpu.memref_slice %arg9[%add3A_59] : memref<163840xf32, #tpu.memory_space<vmem_shared>> -> memref<320xf32, #tpu.memory_space<vmem_shared>>
      %dma_wait3A_121 = arith.constant 4160 : i32
      %dma_wait3A_122 = tpu.memref_slice %arg7[%dma_wait3A_121] : memref<5120xf32, #tpu.memory_space<vmem>> -> memref<320xf32, #tpu.memory_space<vmem>>
      %dma_wait3A_123 = tpu.memref_slice %arg9[%add3A_59] : memref<163840xf32, #tpu.memory_space<vmem_shared>> -> memref<320xf32, #tpu.memory_space<vmem_shared>>
      tpu.wait_dma2 semaphore(%run_scoped3A : memref<!tpu.dma_semaphore, #tpu.memory_space<semaphore_mem>>) src(%dma_wait3A_123 : memref<320xf32, #tpu.memory_space<vmem_shared>>) dst(%dma_wait3A_122 : memref<320xf32, #tpu.memory_space<vmem>>)
      tpu.yield
    }) : () -> ()
    %add3A_60 = arith.constant 143360 : i32
    %add3A_61 = arith.addi %add3A_60, %add3A_31 : i32
    "tpu.region"() ({
      %run_scoped3A = tpu.sem_alloc : memref<!tpu.dma_semaphore, #tpu.memory_space<semaphore_mem>>
      %dma_start3A = arith.constant 4480 : i32
      %dma_start3A_114 = tpu.memref_slice %arg7[%dma_start3A] : memref<5120xf32, #tpu.memory_space<vmem>> -> memref<320xf32, #tpu.memory_space<vmem>>
      %dma_start3A_115 = tpu.memref_slice %arg9[%add3A_61] : memref<163840xf32, #tpu.memory_space<vmem_shared>> -> memref<320xf32, #tpu.memory_space<vmem_shared>>
      %dma_start3A_116 = arith.constant 4480 : i32
      %dma_start3A_117 = tpu.memref_slice %arg7[%dma_start3A_116] : memref<5120xf32, #tpu.memory_space<vmem>> -> memref<320xf32, #tpu.memory_space<vmem>>
      %dma_start3A_118 = tpu.memref_slice %arg9[%add3A_61] : memref<163840xf32, #tpu.memory_space<vmem_shared>> -> memref<320xf32, #tpu.memory_space<vmem_shared>>
      tpu.enqueue_dma source(%dma_start3A_118 : memref<320xf32, #tpu.memory_space<vmem_shared>>) target(%dma_start3A_117 : memref<320xf32, #tpu.memory_space<vmem>>) target_semaphore(%run_scoped3A : memref<!tpu.dma_semaphore, #tpu.memory_space<semaphore_mem>>)
      %dma_wait3A = arith.constant 4480 : i32
      %dma_wait3A_119 = tpu.memref_slice %arg7[%dma_wait3A] : memref<5120xf32, #tpu.memory_space<vmem>> -> memref<320xf32, #tpu.memory_space<vmem>>
      %dma_wait3A_120 = tpu.memref_slice %arg9[%add3A_61] : memref<163840xf32, #tpu.memory_space<vmem_shared>> -> memref<320xf32, #tpu.memory_space<vmem_shared>>
      %dma_wait3A_121 = arith.constant 4480 : i32
      %dma_wait3A_122 = tpu.memref_slice %arg7[%dma_wait3A_121] : memref<5120xf32, #tpu.memory_space<vmem>> -> memref<320xf32, #tpu.memory_space<vmem>>
      %dma_wait3A_123 = tpu.memref_slice %arg9[%add3A_61] : memref<163840xf32, #tpu.memory_space<vmem_shared>> -> memref<320xf32, #tpu.memory_space<vmem_shared>>
      tpu.wait_dma2 semaphore(%run_scoped3A : memref<!tpu.dma_semaphore, #tpu.memory_space<semaphore_mem>>) src(%dma_wait3A_123 : memref<320xf32, #tpu.memory_space<vmem_shared>>) dst(%dma_wait3A_122 : memref<320xf32, #tpu.memory_space<vmem>>)
      tpu.yield
    }) : () -> ()
    %add3A_62 = arith.constant 153600 : i32
    %add3A_63 = arith.addi %add3A_62, %add3A_31 : i32
    "tpu.region"() ({
      %run_scoped3A = tpu.sem_alloc : memref<!tpu.dma_semaphore, #tpu.memory_space<semaphore_mem>>
      %dma_start3A = arith.constant 4800 : i32
      %dma_start3A_114 = tpu.memref_slice %arg7[%dma_start3A] : memref<5120xf32, #tpu.memory_space<vmem>> -> memref<320xf32, #tpu.memory_space<vmem>>
      %dma_start3A_115 = tpu.memref_slice %arg9[%add3A_63] : memref<163840xf32, #tpu.memory_space<vmem_shared>> -> memref<320xf32, #tpu.memory_space<vmem_shared>>
      %dma_start3A_116 = arith.constant 4800 : i32
      %dma_start3A_117 = tpu.memref_slice %arg7[%dma_start3A_116] : memref<5120xf32, #tpu.memory_space<vmem>> -> memref<320xf32, #tpu.memory_space<vmem>>
      %dma_start3A_118 = tpu.memref_slice %arg9[%add3A_63] : memref<163840xf32, #tpu.memory_space<vmem_shared>> -> memref<320xf32, #tpu.memory_space<vmem_shared>>
      tpu.enqueue_dma source(%dma_start3A_118 : memref<320xf32, #tpu.memory_space<vmem_shared>>) target(%dma_start3A_117 : memref<320xf32, #tpu.memory_space<vmem>>) target_semaphore(%run_scoped3A : memref<!tpu.dma_semaphore, #tpu.memory_space<semaphore_mem>>)
      %dma_wait3A = arith.constant 4800 : i32
      %dma_wait3A_119 = tpu.memref_slice %arg7[%dma_wait3A] : memref<5120xf32, #tpu.memory_space<vmem>> -> memref<320xf32, #tpu.memory_space<vmem>>
      %dma_wait3A_120 = tpu.memref_slice %arg9[%add3A_63] : memref<163840xf32, #tpu.memory_space<vmem_shared>> -> memref<320xf32, #tpu.memory_space<vmem_shared>>
      %dma_wait3A_121 = arith.constant 4800 : i32
      %dma_wait3A_122 = tpu.memref_slice %arg7[%dma_wait3A_121] : memref<5120xf32, #tpu.memory_space<vmem>> -> memref<320xf32, #tpu.memory_space<vmem>>
      %dma_wait3A_123 = tpu.memref_slice %arg9[%add3A_63] : memref<163840xf32, #tpu.memory_space<vmem_shared>> -> memref<320xf32, #tpu.memory_space<vmem_shared>>
      tpu.wait_dma2 semaphore(%run_scoped3A : memref<!tpu.dma_semaphore, #tpu.memory_space<semaphore_mem>>) src(%dma_wait3A_123 : memref<320xf32, #tpu.memory_space<vmem_shared>>) dst(%dma_wait3A_122 : memref<320xf32, #tpu.memory_space<vmem>>)
      tpu.yield
    }) : () -> ()
    %scan3A_64 = arith.constant 0 : i32
    %scan3A_65 = arith.constant 0 : i32
    %scan3A_66 = arith.constant 20 : i32
    %scan3A_67 = arith.addi %scan3A_65, %scan3A_66 : i32
    %scan3A_68 = arith.constant 1 : i32
    scf.for %scan3A_114 = %scan3A_65 to %scan3A_67 step %scan3A_68  : i32 {
      %mul3A_115 = arith.constant 16 : i32
      %mul3A_116 = arith.muli %scan3A_114, %mul3A_115 : i32
      %get3A = arith.index_cast %mul3A_116 : i32 to index
      %get3A_117 = tpu.vector_load %arg7[%get3A] {strides = array<i32>} : memref<5120xf32, #tpu.memory_space<vmem>>, vector<16xf32>,
      %mul3A_118 = arith.constant 16 : i32
      %mul3A_119 = arith.muli %scan3A_114, %mul3A_118 : i32
      %add3A_120 = arith.constant 320 : i32
      %add3A_121 = arith.addi %add3A_120, %mul3A_119 : i32
      %get3A_122 = arith.index_cast %add3A_121 : i32 to index
      %get3A_123 = tpu.vector_load %arg7[%get3A_122] {strides = array<i32>} : memref<5120xf32, #tpu.memory_space<vmem>>, vector<16xf32>,
      %add3A_124 = arith.addf %get3A_117, %get3A_123 : vector<16xf32>
      %mul3A_125 = arith.constant 16 : i32
      %mul3A_126 = arith.muli %scan3A_114, %mul3A_125 : i32
      %add3A_127 = arith.constant 640 : i32
      %add3A_128 = arith.addi %add3A_127, %mul3A_126 : i32
      %get3A_129 = arith.index_cast %add3A_128 : i32 to index
      %get3A_130 = tpu.vector_load %arg7[%get3A_129] {strides = array<i32>} : memref<5120xf32, #tpu.memory_space<vmem>>, vector<16xf32>,
      %add3A_131 = arith.addf %add3A_124, %get3A_130 : vector<16xf32>
      %mul3A_132 = arith.constant 16 : i32
      %mul3A_133 = arith.muli %scan3A_114, %mul3A_132 : i32
      %add3A_134 = arith.constant 960 : i32
      %add3A_135 = arith.addi %add3A_134, %mul3A_133 : i32
      %get3A_136 = arith.index_cast %add3A_135 : i32 to index
      %get3A_137 = tpu.vector_load %arg7[%get3A_136] {strides = array<i32>} : memref<5120xf32, #tpu.memory_space<vmem>>, vector<16xf32>,
      %add3A_138 = arith.addf %add3A_131, %get3A_137 : vector<16xf32>
      %mul3A_139 = arith.constant 16 : i32
      %mul3A_140 = arith.muli %scan3A_114, %mul3A_139 : i32
      %add3A_141 = arith.constant 1280 : i32
      %add3A_142 = arith.addi %add3A_141, %mul3A_140 : i32
      %get3A_143 = arith.index_cast %add3A_142 : i32 to index
      %get3A_144 = tpu.vector_load %arg7[%get3A_143] {strides = array<i32>} : memref<5120xf32, #tpu.memory_space<vmem>>, vector<16xf32>,
      %add3A_145 = arith.addf %add3A_138, %get3A_144 : vector<16xf32>
      %mul3A_146 = arith.constant 16 : i32
      %mul3A_147 = arith.muli %scan3A_114, %mul3A_146 : i32
      %add3A_148 = arith.constant 1600 : i32
      %add3A_149 = arith.addi %add3A_148, %mul3A_147 : i32
      %get3A_150 = arith.index_cast %add3A_149 : i32 to index
      %get3A_151 = tpu.vector_load %arg7[%get3A_150] {strides = array<i32>} : memref<5120xf32, #tpu.memory_space<vmem>>, vector<16xf32>,
      %add3A_152 = arith.addf %add3A_145, %get3A_151 : vector<16xf32>
      %mul3A_153 = arith.constant 16 : i32
      %mul3A_154 = arith.muli %scan3A_114, %mul3A_153 : i32
      %add3A_155 = arith.constant 1920 : i32
      %add3A_156 = arith.addi %add3A_155, %mul3A_154 : i32
      %get3A_157 = arith.index_cast %add3A_156 : i32 to index
      %get3A_158 = tpu.vector_load %arg7[%get3A_157] {strides = array<i32>} : memref<5120xf32, #tpu.memory_space<vmem>>, vector<16xf32>,
      %add3A_159 = arith.addf %add3A_152, %get3A_158 : vector<16xf32>
      %mul3A_160 = arith.constant 16 : i32
      %mul3A_161 = arith.muli %scan3A_114, %mul3A_160 : i32
      %add3A_162 = arith.constant 2240 : i32
      %add3A_163 = arith.addi %add3A_162, %mul3A_161 : i32
      %get3A_164 = arith.index_cast %add3A_163 : i32 to index
      %get3A_165 = tpu.vector_load %arg7[%get3A_164] {strides = array<i32>} : memref<5120xf32, #tpu.memory_space<vmem>>, vector<16xf32>,
      %add3A_166 = arith.addf %add3A_159, %get3A_165 : vector<16xf32>
      %mul3A_167 = arith.constant 16 : i32
      %mul3A_168 = arith.muli %scan3A_114, %mul3A_167 : i32
      %add3A_169 = arith.constant 2560 : i32
      %add3A_170 = arith.addi %add3A_169, %mul3A_168 : i32
      %get3A_171 = arith.index_cast %add3A_170 : i32 to index
      %get3A_172 = tpu.vector_load %arg7[%get3A_171] {strides = array<i32>} : memref<5120xf32, #tpu.memory_space<vmem>>, vector<16xf32>,
      %add3A_173 = arith.addf %add3A_166, %get3A_172 : vector<16xf32>
      %mul3A_174 = arith.constant 16 : i32
      %mul3A_175 = arith.muli %scan3A_114, %mul3A_174 : i32
      %add3A_176 = arith.constant 2880 : i32
      %add3A_177 = arith.addi %add3A_176, %mul3A_175 : i32
      %get3A_178 = arith.index_cast %add3A_177 : i32 to index
      %get3A_179 = tpu.vector_load %arg7[%get3A_178] {strides = array<i32>} : memref<5120xf32, #tpu.memory_space<vmem>>, vector<16xf32>,
      %add3A_180 = arith.addf %add3A_173, %get3A_179 : vector<16xf32>
      %mul3A_181 = arith.constant 16 : i32
      %mul3A_182 = arith.muli %scan3A_114, %mul3A_181 : i32
      %add3A_183 = arith.constant 3200 : i32
      %add3A_184 = arith.addi %add3A_183, %mul3A_182 : i32
      %get3A_185 = arith.index_cast %add3A_184 : i32 to index
      %get3A_186 = tpu.vector_load %arg7[%get3A_185] {strides = array<i32>} : memref<5120xf32, #tpu.memory_space<vmem>>, vector<16xf32>,
      %add3A_187 = arith.addf %add3A_180, %get3A_186 : vector<16xf32>
      %mul3A_188 = arith.constant 16 : i32
      %mul3A_189 = arith.muli %scan3A_114, %mul3A_188 : i32
      %add3A_190 = arith.constant 3520 : i32
      %add3A_191 = arith.addi %add3A_190, %mul3A_189 : i32
      %get3A_192 = arith.index_cast %add3A_191 : i32 to index
      %get3A_193 = tpu.vector_load %arg7[%get3A_192] {strides = array<i32>} : memref<5120xf32, #tpu.memory_space<vmem>>, vector<16xf32>,
      %add3A_194 = arith.addf %add3A_187, %get3A_193 : vector<16xf32>
      %mul3A_195 = arith.constant 16 : i32
      %mul3A_196 = arith.muli %scan3A_114, %mul3A_195 : i32
      %add3A_197 = arith.constant 3840 : i32
      %add3A_198 = arith.addi %add3A_197, %mul3A_196 : i32
      %get3A_199 = arith.index_cast %add3A_198 : i32 to index
      %get3A_200 = tpu.vector_load %arg7[%get3A_199] {strides = array<i32>} : memref<5120xf32, #tpu.memory_space<vmem>>, vector<16xf32>,
      %add3A_201 = arith.addf %add3A_194, %get3A_200 : vector<16xf32>
      %mul3A_202 = arith.constant 16 : i32
      %mul3A_203 = arith.muli %scan3A_114, %mul3A_202 : i32
      %add3A_204 = arith.constant 4160 : i32
      %add3A_205 = arith.addi %add3A_204, %mul3A_203 : i32
      %get3A_206 = arith.index_cast %add3A_205 : i32 to index
      %get3A_207 = tpu.vector_load %arg7[%get3A_206] {strides = array<i32>} : memref<5120xf32, #tpu.memory_space<vmem>>, vector<16xf32>,
      %add3A_208 = arith.addf %add3A_201, %get3A_207 : vector<16xf32>
      %mul3A_209 = arith.constant 16 : i32
      %mul3A_210 = arith.muli %scan3A_114, %mul3A_209 : i32
      %add3A_211 = arith.constant 4480 : i32
      %add3A_212 = arith.addi %add3A_211, %mul3A_210 : i32
      %get3A_213 = arith.index_cast %add3A_212 : i32 to index
      %get3A_214 = tpu.vector_load %arg7[%get3A_213] {strides = array<i32>} : memref<5120xf32, #tpu.memory_space<vmem>>, vector<16xf32>,
      %add3A_215 = arith.addf %add3A_208, %get3A_214 : vector<16xf32>
      %mul3A_216 = arith.constant 16 : i32
      %mul3A_217 = arith.muli %scan3A_114, %mul3A_216 : i32
      %add3A_218 = arith.constant 4800 : i32
      %add3A_219 = arith.addi %add3A_218, %mul3A_217 : i32
      %get3A_220 = arith.index_cast %add3A_219 : i32 to index
      %get3A_221 = tpu.vector_load %arg7[%get3A_220] {strides = array<i32>} : memref<5120xf32, #tpu.memory_space<vmem>>, vector<16xf32>,
      %add3A_222 = arith.addf %add3A_215, %get3A_221 : vector<16xf32>
      %mul3A_223 = arith.constant 16 : i32
      %mul3A_224 = arith.muli %scan3A_114, %mul3A_223 : i32
      %add3A_225 = arith.constant 0 : i32
      %add3A_226 = arith.addi %add3A_225, %mul3A_224 : i32
      %swap3A = arith.index_cast %add3A_226 : i32 to index
      %swap3A_227 = tpu.vector_load %arg8[%swap3A] {strides = array<i32>} : memref<640xf32, #tpu.memory_space<vmem>>, vector<16xf32>,
      tpu.vector_store %arg8[%swap3A], %add3A_222 {strides = array<i32>} : memref<640xf32, #tpu.memory_space<vmem>>, vector<16xf32>,
    }
    %scan3A_69 = arith.constant 20 : i32
    %mul3A_70 = arith.constant 640 : i32
    %mul3A_71 = arith.muli %arg1, %mul3A_70 : i32
    %add3A_72 = arith.constant 320 : i32
    %add3A_73 = arith.addi %mul3A_71, %add3A_72 : i32
    %add3A_74 = arith.constant 0 : i32
    %add3A_75 = arith.addi %add3A_74, %add3A_73 : i32
    "tpu.region"() ({
      %run_scoped3A = tpu.sem_alloc : memref<!tpu.dma_semaphore, #tpu.memory_space<semaphore_mem>>
      %dma_start3A = arith.constant 0 : i32
      %dma_start3A_114 = tpu.memref_slice %arg7[%dma_start3A] : memref<5120xf32, #tpu.memory_space<vmem>> -> memref<320xf32, #tpu.memory_space<vmem>>
      %dma_start3A_115 = tpu.memref_slice %arg9[%add3A_75] : memref<163840xf32, #tpu.memory_space<vmem_shared>> -> memref<320xf32, #tpu.memory_space<vmem_shared>>
      %dma_start3A_116 = arith.constant 0 : i32
      %dma_start3A_117 = tpu.memref_slice %arg7[%dma_start3A_116] : memref<5120xf32, #tpu.memory_space<vmem>> -> memref<320xf32, #tpu.memory_space<vmem>>
      %dma_start3A_118 = tpu.memref_slice %arg9[%add3A_75] : memref<163840xf32, #tpu.memory_space<vmem_shared>> -> memref<320xf32, #tpu.memory_space<vmem_shared>>
      tpu.enqueue_dma source(%dma_start3A_118 : memref<320xf32, #tpu.memory_space<vmem_shared>>) target(%dma_start3A_117 : memref<320xf32, #tpu.memory_space<vmem>>) target_semaphore(%run_scoped3A : memref<!tpu.dma_semaphore, #tpu.memory_space<semaphore_mem>>)
      %dma_wait3A = arith.constant 0 : i32
      %dma_wait3A_119 = tpu.memref_slice %arg7[%dma_wait3A] : memref<5120xf32, #tpu.memory_space<vmem>> -> memref<320xf32, #tpu.memory_space<vmem>>
      %dma_wait3A_120 = tpu.memref_slice %arg9[%add3A_75] : memref<163840xf32, #tpu.memory_space<vmem_shared>> -> memref<320xf32, #tpu.memory_space<vmem_shared>>
      %dma_wait3A_121 = arith.constant 0 : i32
      %dma_wait3A_122 = tpu.memref_slice %arg7[%dma_wait3A_121] : memref<5120xf32, #tpu.memory_space<vmem>> -> memref<320xf32, #tpu.memory_space<vmem>>
      %dma_wait3A_123 = tpu.memref_slice %arg9[%add3A_75] : memref<163840xf32, #tpu.memory_space<vmem_shared>> -> memref<320xf32, #tpu.memory_space<vmem_shared>>
      tpu.wait_dma2 semaphore(%run_scoped3A : memref<!tpu.dma_semaphore, #tpu.memory_space<semaphore_mem>>) src(%dma_wait3A_123 : memref<320xf32, #tpu.memory_space<vmem_shared>>) dst(%dma_wait3A_122 : memref<320xf32, #tpu.memory_space<vmem>>)
      tpu.yield
    }) : () -> ()
    %add3A_76 = arith.constant 10240 : i32
    %add3A_77 = arith.addi %add3A_76, %add3A_73 : i32
    "tpu.region"() ({
      %run_scoped3A = tpu.sem_alloc : memref<!tpu.dma_semaphore, #tpu.memory_space<semaphore_mem>>
      %dma_start3A = arith.constant 320 : i32
      %dma_start3A_114 = tpu.memref_slice %arg7[%dma_start3A] : memref<5120xf32, #tpu.memory_space<vmem>> -> memref<320xf32, #tpu.memory_space<vmem>>
      %dma_start3A_115 = tpu.memref_slice %arg9[%add3A_77] : memref<163840xf32, #tpu.memory_space<vmem_shared>> -> memref<320xf32, #tpu.memory_space<vmem_shared>>
      %dma_start3A_116 = arith.constant 320 : i32
      %dma_start3A_117 = tpu.memref_slice %arg7[%dma_start3A_116] : memref<5120xf32, #tpu.memory_space<vmem>> -> memref<320xf32, #tpu.memory_space<vmem>>
      %dma_start3A_118 = tpu.memref_slice %arg9[%add3A_77] : memref<163840xf32, #tpu.memory_space<vmem_shared>> -> memref<320xf32, #tpu.memory_space<vmem_shared>>
      tpu.enqueue_dma source(%dma_start3A_118 : memref<320xf32, #tpu.memory_space<vmem_shared>>) target(%dma_start3A_117 : memref<320xf32, #tpu.memory_space<vmem>>) target_semaphore(%run_scoped3A : memref<!tpu.dma_semaphore, #tpu.memory_space<semaphore_mem>>)
      %dma_wait3A = arith.constant 320 : i32
      %dma_wait3A_119 = tpu.memref_slice %arg7[%dma_wait3A] : memref<5120xf32, #tpu.memory_space<vmem>> -> memref<320xf32, #tpu.memory_space<vmem>>
      %dma_wait3A_120 = tpu.memref_slice %arg9[%add3A_77] : memref<163840xf32, #tpu.memory_space<vmem_shared>> -> memref<320xf32, #tpu.memory_space<vmem_shared>>
      %dma_wait3A_121 = arith.constant 320 : i32
      %dma_wait3A_122 = tpu.memref_slice %arg7[%dma_wait3A_121] : memref<5120xf32, #tpu.memory_space<vmem>> -> memref<320xf32, #tpu.memory_space<vmem>>
      %dma_wait3A_123 = tpu.memref_slice %arg9[%add3A_77] : memref<163840xf32, #tpu.memory_space<vmem_shared>> -> memref<320xf32, #tpu.memory_space<vmem_shared>>
      tpu.wait_dma2 semaphore(%run_scoped3A : memref<!tpu.dma_semaphore, #tpu.memory_space<semaphore_mem>>) src(%dma_wait3A_123 : memref<320xf32, #tpu.memory_space<vmem_shared>>) dst(%dma_wait3A_122 : memref<320xf32, #tpu.memory_space<vmem>>)
      tpu.yield
    }) : () -> ()
    %add3A_78 = arith.constant 20480 : i32
    %add3A_79 = arith.addi %add3A_78, %add3A_73 : i32
    "tpu.region"() ({
      %run_scoped3A = tpu.sem_alloc : memref<!tpu.dma_semaphore, #tpu.memory_space<semaphore_mem>>
      %dma_start3A = arith.constant 640 : i32
      %dma_start3A_114 = tpu.memref_slice %arg7[%dma_start3A] : memref<5120xf32, #tpu.memory_space<vmem>> -> memref<320xf32, #tpu.memory_space<vmem>>
      %dma_start3A_115 = tpu.memref_slice %arg9[%add3A_79] : memref<163840xf32, #tpu.memory_space<vmem_shared>> -> memref<320xf32, #tpu.memory_space<vmem_shared>>
      %dma_start3A_116 = arith.constant 640 : i32
      %dma_start3A_117 = tpu.memref_slice %arg7[%dma_start3A_116] : memref<5120xf32, #tpu.memory_space<vmem>> -> memref<320xf32, #tpu.memory_space<vmem>>
      %dma_start3A_118 = tpu.memref_slice %arg9[%add3A_79] : memref<163840xf32, #tpu.memory_space<vmem_shared>> -> memref<320xf32, #tpu.memory_space<vmem_shared>>
      tpu.enqueue_dma source(%dma_start3A_118 : memref<320xf32, #tpu.memory_space<vmem_shared>>) target(%dma_start3A_117 : memref<320xf32, #tpu.memory_space<vmem>>) target_semaphore(%run_scoped3A : memref<!tpu.dma_semaphore, #tpu.memory_space<semaphore_mem>>)
      %dma_wait3A = arith.constant 640 : i32
      %dma_wait3A_119 = tpu.memref_slice %arg7[%dma_wait3A] : memref<5120xf32, #tpu.memory_space<vmem>> -> memref<320xf32, #tpu.memory_space<vmem>>
      %dma_wait3A_120 = tpu.memref_slice %arg9[%add3A_79] : memref<163840xf32, #tpu.memory_space<vmem_shared>> -> memref<320xf32, #tpu.memory_space<vmem_shared>>
      %dma_wait3A_121 = arith.constant 640 : i32
      %dma_wait3A_122 = tpu.memref_slice %arg7[%dma_wait3A_121] : memref<5120xf32, #tpu.memory_space<vmem>> -> memref<320xf32, #tpu.memory_space<vmem>>
      %dma_wait3A_123 = tpu.memref_slice %arg9[%add3A_79] : memref<163840xf32, #tpu.memory_space<vmem_shared>> -> memref<320xf32, #tpu.memory_space<vmem_shared>>
      tpu.wait_dma2 semaphore(%run_scoped3A : memref<!tpu.dma_semaphore, #tpu.memory_space<semaphore_mem>>) src(%dma_wait3A_123 : memref<320xf32, #tpu.memory_space<vmem_shared>>) dst(%dma_wait3A_122 : memref<320xf32, #tpu.memory_space<vmem>>)
      tpu.yield
    }) : () -> ()
    %add3A_80 = arith.constant 30720 : i32
    %add3A_81 = arith.addi %add3A_80, %add3A_73 : i32
    "tpu.region"() ({
      %run_scoped3A = tpu.sem_alloc : memref<!tpu.dma_semaphore, #tpu.memory_space<semaphore_mem>>
      %dma_start3A = arith.constant 960 : i32
      %dma_start3A_114 = tpu.memref_slice %arg7[%dma_start3A] : memref<5120xf32, #tpu.memory_space<vmem>> -> memref<320xf32, #tpu.memory_space<vmem>>
      %dma_start3A_115 = tpu.memref_slice %arg9[%add3A_81] : memref<163840xf32, #tpu.memory_space<vmem_shared>> -> memref<320xf32, #tpu.memory_space<vmem_shared>>
      %dma_start3A_116 = arith.constant 960 : i32
      %dma_start3A_117 = tpu.memref_slice %arg7[%dma_start3A_116] : memref<5120xf32, #tpu.memory_space<vmem>> -> memref<320xf32, #tpu.memory_space<vmem>>
      %dma_start3A_118 = tpu.memref_slice %arg9[%add3A_81] : memref<163840xf32, #tpu.memory_space<vmem_shared>> -> memref<320xf32, #tpu.memory_space<vmem_shared>>
      tpu.enqueue_dma source(%dma_start3A_118 : memref<320xf32, #tpu.memory_space<vmem_shared>>) target(%dma_start3A_117 : memref<320xf32, #tpu.memory_space<vmem>>) target_semaphore(%run_scoped3A : memref<!tpu.dma_semaphore, #tpu.memory_space<semaphore_mem>>)
      %dma_wait3A = arith.constant 960 : i32
      %dma_wait3A_119 = tpu.memref_slice %arg7[%dma_wait3A] : memref<5120xf32, #tpu.memory_space<vmem>> -> memref<320xf32, #tpu.memory_space<vmem>>
      %dma_wait3A_120 = tpu.memref_slice %arg9[%add3A_81] : memref<163840xf32, #tpu.memory_space<vmem_shared>> -> memref<320xf32, #tpu.memory_space<vmem_shared>>
      %dma_wait3A_121 = arith.constant 960 : i32
      %dma_wait3A_122 = tpu.memref_slice %arg7[%dma_wait3A_121] : memref<5120xf32, #tpu.memory_space<vmem>> -> memref<320xf32, #tpu.memory_space<vmem>>
      %dma_wait3A_123 = tpu.memref_slice %arg9[%add3A_81] : memref<163840xf32, #tpu.memory_space<vmem_shared>> -> memref<320xf32, #tpu.memory_space<vmem_shared>>
      tpu.wait_dma2 semaphore(%run_scoped3A : memref<!tpu.dma_semaphore, #tpu.memory_space<semaphore_mem>>) src(%dma_wait3A_123 : memref<320xf32, #tpu.memory_space<vmem_shared>>) dst(%dma_wait3A_122 : memref<320xf32, #tpu.memory_space<vmem>>)
      tpu.yield
    }) : () -> ()
    %add3A_82 = arith.constant 40960 : i32
    %add3A_83 = arith.addi %add3A_82, %add3A_73 : i32
    "tpu.region"() ({
      %run_scoped3A = tpu.sem_alloc : memref<!tpu.dma_semaphore, #tpu.memory_space<semaphore_mem>>
      %dma_start3A = arith.constant 1280 : i32
      %dma_start3A_114 = tpu.memref_slice %arg7[%dma_start3A] : memref<5120xf32, #tpu.memory_space<vmem>> -> memref<320xf32, #tpu.memory_space<vmem>>
      %dma_start3A_115 = tpu.memref_slice %arg9[%add3A_83] : memref<163840xf32, #tpu.memory_space<vmem_shared>> -> memref<320xf32, #tpu.memory_space<vmem_shared>>
      %dma_start3A_116 = arith.constant 1280 : i32
      %dma_start3A_117 = tpu.memref_slice %arg7[%dma_start3A_116] : memref<5120xf32, #tpu.memory_space<vmem>> -> memref<320xf32, #tpu.memory_space<vmem>>
      %dma_start3A_118 = tpu.memref_slice %arg9[%add3A_83] : memref<163840xf32, #tpu.memory_space<vmem_shared>> -> memref<320xf32, #tpu.memory_space<vmem_shared>>
      tpu.enqueue_dma source(%dma_start3A_118 : memref<320xf32, #tpu.memory_space<vmem_shared>>) target(%dma_start3A_117 : memref<320xf32, #tpu.memory_space<vmem>>) target_semaphore(%run_scoped3A : memref<!tpu.dma_semaphore, #tpu.memory_space<semaphore_mem>>)
      %dma_wait3A = arith.constant 1280 : i32
      %dma_wait3A_119 = tpu.memref_slice %arg7[%dma_wait3A] : memref<5120xf32, #tpu.memory_space<vmem>> -> memref<320xf32, #tpu.memory_space<vmem>>
      %dma_wait3A_120 = tpu.memref_slice %arg9[%add3A_83] : memref<163840xf32, #tpu.memory_space<vmem_shared>> -> memref<320xf32, #tpu.memory_space<vmem_shared>>
      %dma_wait3A_121 = arith.constant 1280 : i32
      %dma_wait3A_122 = tpu.memref_slice %arg7[%dma_wait3A_121] : memref<5120xf32, #tpu.memory_space<vmem>> -> memref<320xf32, #tpu.memory_space<vmem>>
      %dma_wait3A_123 = tpu.memref_slice %arg9[%add3A_83] : memref<163840xf32, #tpu.memory_space<vmem_shared>> -> memref<320xf32, #tpu.memory_space<vmem_shared>>
      tpu.wait_dma2 semaphore(%run_scoped3A : memref<!tpu.dma_semaphore, #tpu.memory_space<semaphore_mem>>) src(%dma_wait3A_123 : memref<320xf32, #tpu.memory_space<vmem_shared>>) dst(%dma_wait3A_122 : memref<320xf32, #tpu.memory_space<vmem>>)
      tpu.yield
    }) : () -> ()
    %add3A_84 = arith.constant 51200 : i32
    %add3A_85 = arith.addi %add3A_84, %add3A_73 : i32
    "tpu.region"() ({
      %run_scoped3A = tpu.sem_alloc : memref<!tpu.dma_semaphore, #tpu.memory_space<semaphore_mem>>
      %dma_start3A = arith.constant 1600 : i32
      %dma_start3A_114 = tpu.memref_slice %arg7[%dma_start3A] : memref<5120xf32, #tpu.memory_space<vmem>> -> memref<320xf32, #tpu.memory_space<vmem>>
      %dma_start3A_115 = tpu.memref_slice %arg9[%add3A_85] : memref<163840xf32, #tpu.memory_space<vmem_shared>> -> memref<320xf32, #tpu.memory_space<vmem_shared>>
      %dma_start3A_116 = arith.constant 1600 : i32
      %dma_start3A_117 = tpu.memref_slice %arg7[%dma_start3A_116] : memref<5120xf32, #tpu.memory_space<vmem>> -> memref<320xf32, #tpu.memory_space<vmem>>
      %dma_start3A_118 = tpu.memref_slice %arg9[%add3A_85] : memref<163840xf32, #tpu.memory_space<vmem_shared>> -> memref<320xf32, #tpu.memory_space<vmem_shared>>
      tpu.enqueue_dma source(%dma_start3A_118 : memref<320xf32, #tpu.memory_space<vmem_shared>>) target(%dma_start3A_117 : memref<320xf32, #tpu.memory_space<vmem>>) target_semaphore(%run_scoped3A : memref<!tpu.dma_semaphore, #tpu.memory_space<semaphore_mem>>)
      %dma_wait3A = arith.constant 1600 : i32
      %dma_wait3A_119 = tpu.memref_slice %arg7[%dma_wait3A] : memref<5120xf32, #tpu.memory_space<vmem>> -> memref<320xf32, #tpu.memory_space<vmem>>
      %dma_wait3A_120 = tpu.memref_slice %arg9[%add3A_85] : memref<163840xf32, #tpu.memory_space<vmem_shared>> -> memref<320xf32, #tpu.memory_space<vmem_shared>>
      %dma_wait3A_121 = arith.constant 1600 : i32
      %dma_wait3A_122 = tpu.memref_slice %arg7[%dma_wait3A_121] : memref<5120xf32, #tpu.memory_space<vmem>> -> memref<320xf32, #tpu.memory_space<vmem>>
      %dma_wait3A_123 = tpu.memref_slice %arg9[%add3A_85] : memref<163840xf32, #tpu.memory_space<vmem_shared>> -> memref<320xf32, #tpu.memory_space<vmem_shared>>
      tpu.wait_dma2 semaphore(%run_scoped3A : memref<!tpu.dma_semaphore, #tpu.memory_space<semaphore_mem>>) src(%dma_wait3A_123 : memref<320xf32, #tpu.memory_space<vmem_shared>>) dst(%dma_wait3A_122 : memref<320xf32, #tpu.memory_space<vmem>>)
      tpu.yield
    }) : () -> ()
    %add3A_86 = arith.constant 61440 : i32
    %add3A_87 = arith.addi %add3A_86, %add3A_73 : i32
    "tpu.region"() ({
      %run_scoped3A = tpu.sem_alloc : memref<!tpu.dma_semaphore, #tpu.memory_space<semaphore_mem>>
      %dma_start3A = arith.constant 1920 : i32
      %dma_start3A_114 = tpu.memref_slice %arg7[%dma_start3A] : memref<5120xf32, #tpu.memory_space<vmem>> -> memref<320xf32, #tpu.memory_space<vmem>>
      %dma_start3A_115 = tpu.memref_slice %arg9[%add3A_87] : memref<163840xf32, #tpu.memory_space<vmem_shared>> -> memref<320xf32, #tpu.memory_space<vmem_shared>>
      %dma_start3A_116 = arith.constant 1920 : i32
      %dma_start3A_117 = tpu.memref_slice %arg7[%dma_start3A_116] : memref<5120xf32, #tpu.memory_space<vmem>> -> memref<320xf32, #tpu.memory_space<vmem>>
      %dma_start3A_118 = tpu.memref_slice %arg9[%add3A_87] : memref<163840xf32, #tpu.memory_space<vmem_shared>> -> memref<320xf32, #tpu.memory_space<vmem_shared>>
      tpu.enqueue_dma source(%dma_start3A_118 : memref<320xf32, #tpu.memory_space<vmem_shared>>) target(%dma_start3A_117 : memref<320xf32, #tpu.memory_space<vmem>>) target_semaphore(%run_scoped3A : memref<!tpu.dma_semaphore, #tpu.memory_space<semaphore_mem>>)
      %dma_wait3A = arith.constant 1920 : i32
      %dma_wait3A_119 = tpu.memref_slice %arg7[%dma_wait3A] : memref<5120xf32, #tpu.memory_space<vmem>> -> memref<320xf32, #tpu.memory_space<vmem>>
      %dma_wait3A_120 = tpu.memref_slice %arg9[%add3A_87] : memref<163840xf32, #tpu.memory_space<vmem_shared>> -> memref<320xf32, #tpu.memory_space<vmem_shared>>
      %dma_wait3A_121 = arith.constant 1920 : i32
      %dma_wait3A_122 = tpu.memref_slice %arg7[%dma_wait3A_121] : memref<5120xf32, #tpu.memory_space<vmem>> -> memref<320xf32, #tpu.memory_space<vmem>>
      %dma_wait3A_123 = tpu.memref_slice %arg9[%add3A_87] : memref<163840xf32, #tpu.memory_space<vmem_shared>> -> memref<320xf32, #tpu.memory_space<vmem_shared>>
      tpu.wait_dma2 semaphore(%run_scoped3A : memref<!tpu.dma_semaphore, #tpu.memory_space<semaphore_mem>>) src(%dma_wait3A_123 : memref<320xf32, #tpu.memory_space<vmem_shared>>) dst(%dma_wait3A_122 : memref<320xf32, #tpu.memory_space<vmem>>)
      tpu.yield
    }) : () -> ()
    %add3A_88 = arith.constant 71680 : i32
    %add3A_89 = arith.addi %add3A_88, %add3A_73 : i32
    "tpu.region"() ({
      %run_scoped3A = tpu.sem_alloc : memref<!tpu.dma_semaphore, #tpu.memory_space<semaphore_mem>>
      %dma_start3A = arith.constant 2240 : i32
      %dma_start3A_114 = tpu.memref_slice %arg7[%dma_start3A] : memref<5120xf32, #tpu.memory_space<vmem>> -> memref<320xf32, #tpu.memory_space<vmem>>
      %dma_start3A_115 = tpu.memref_slice %arg9[%add3A_89] : memref<163840xf32, #tpu.memory_space<vmem_shared>> -> memref<320xf32, #tpu.memory_space<vmem_shared>>
      %dma_start3A_116 = arith.constant 2240 : i32
      %dma_start3A_117 = tpu.memref_slice %arg7[%dma_start3A_116] : memref<5120xf32, #tpu.memory_space<vmem>> -> memref<320xf32, #tpu.memory_space<vmem>>
      %dma_start3A_118 = tpu.memref_slice %arg9[%add3A_89] : memref<163840xf32, #tpu.memory_space<vmem_shared>> -> memref<320xf32, #tpu.memory_space<vmem_shared>>
      tpu.enqueue_dma source(%dma_start3A_118 : memref<320xf32, #tpu.memory_space<vmem_shared>>) target(%dma_start3A_117 : memref<320xf32, #tpu.memory_space<vmem>>) target_semaphore(%run_scoped3A : memref<!tpu.dma_semaphore, #tpu.memory_space<semaphore_mem>>)
      %dma_wait3A = arith.constant 2240 : i32
      %dma_wait3A_119 = tpu.memref_slice %arg7[%dma_wait3A] : memref<5120xf32, #tpu.memory_space<vmem>> -> memref<320xf32, #tpu.memory_space<vmem>>
      %dma_wait3A_120 = tpu.memref_slice %arg9[%add3A_89] : memref<163840xf32, #tpu.memory_space<vmem_shared>> -> memref<320xf32, #tpu.memory_space<vmem_shared>>
      %dma_wait3A_121 = arith.constant 2240 : i32
      %dma_wait3A_122 = tpu.memref_slice %arg7[%dma_wait3A_121] : memref<5120xf32, #tpu.memory_space<vmem>> -> memref<320xf32, #tpu.memory_space<vmem>>
      %dma_wait3A_123 = tpu.memref_slice %arg9[%add3A_89] : memref<163840xf32, #tpu.memory_space<vmem_shared>> -> memref<320xf32, #tpu.memory_space<vmem_shared>>
      tpu.wait_dma2 semaphore(%run_scoped3A : memref<!tpu.dma_semaphore, #tpu.memory_space<semaphore_mem>>) src(%dma_wait3A_123 : memref<320xf32, #tpu.memory_space<vmem_shared>>) dst(%dma_wait3A_122 : memref<320xf32, #tpu.memory_space<vmem>>)
      tpu.yield
    }) : () -> ()
    %add3A_90 = arith.constant 81920 : i32
    %add3A_91 = arith.addi %add3A_90, %add3A_73 : i32
    "tpu.region"() ({
      %run_scoped3A = tpu.sem_alloc : memref<!tpu.dma_semaphore, #tpu.memory_space<semaphore_mem>>
      %dma_start3A = arith.constant 2560 : i32
      %dma_start3A_114 = tpu.memref_slice %arg7[%dma_start3A] : memref<5120xf32, #tpu.memory_space<vmem>> -> memref<320xf32, #tpu.memory_space<vmem>>
      %dma_start3A_115 = tpu.memref_slice %arg9[%add3A_91] : memref<163840xf32, #tpu.memory_space<vmem_shared>> -> memref<320xf32, #tpu.memory_space<vmem_shared>>
      %dma_start3A_116 = arith.constant 2560 : i32
      %dma_start3A_117 = tpu.memref_slice %arg7[%dma_start3A_116] : memref<5120xf32, #tpu.memory_space<vmem>> -> memref<320xf32, #tpu.memory_space<vmem>>
      %dma_start3A_118 = tpu.memref_slice %arg9[%add3A_91] : memref<163840xf32, #tpu.memory_space<vmem_shared>> -> memref<320xf32, #tpu.memory_space<vmem_shared>>
      tpu.enqueue_dma source(%dma_start3A_118 : memref<320xf32, #tpu.memory_space<vmem_shared>>) target(%dma_start3A_117 : memref<320xf32, #tpu.memory_space<vmem>>) target_semaphore(%run_scoped3A : memref<!tpu.dma_semaphore, #tpu.memory_space<semaphore_mem>>)
      %dma_wait3A = arith.constant 2560 : i32
      %dma_wait3A_119 = tpu.memref_slice %arg7[%dma_wait3A] : memref<5120xf32, #tpu.memory_space<vmem>> -> memref<320xf32, #tpu.memory_space<vmem>>
      %dma_wait3A_120 = tpu.memref_slice %arg9[%add3A_91] : memref<163840xf32, #tpu.memory_space<vmem_shared>> -> memref<320xf32, #tpu.memory_space<vmem_shared>>
      %dma_wait3A_121 = arith.constant 2560 : i32
      %dma_wait3A_122 = tpu.memref_slice %arg7[%dma_wait3A_121] : memref<5120xf32, #tpu.memory_space<vmem>> -> memref<320xf32, #tpu.memory_space<vmem>>
      %dma_wait3A_123 = tpu.memref_slice %arg9[%add3A_91] : memref<163840xf32, #tpu.memory_space<vmem_shared>> -> memref<320xf32, #tpu.memory_space<vmem_shared>>
      tpu.wait_dma2 semaphore(%run_scoped3A : memref<!tpu.dma_semaphore, #tpu.memory_space<semaphore_mem>>) src(%dma_wait3A_123 : memref<320xf32, #tpu.memory_space<vmem_shared>>) dst(%dma_wait3A_122 : memref<320xf32, #tpu.memory_space<vmem>>)
      tpu.yield
    }) : () -> ()
    %add3A_92 = arith.constant 92160 : i32
    %add3A_93 = arith.addi %add3A_92, %add3A_73 : i32
    "tpu.region"() ({
      %run_scoped3A = tpu.sem_alloc : memref<!tpu.dma_semaphore, #tpu.memory_space<semaphore_mem>>
      %dma_start3A = arith.constant 2880 : i32
      %dma_start3A_114 = tpu.memref_slice %arg7[%dma_start3A] : memref<5120xf32, #tpu.memory_space<vmem>> -> memref<320xf32, #tpu.memory_space<vmem>>
      %dma_start3A_115 = tpu.memref_slice %arg9[%add3A_93] : memref<163840xf32, #tpu.memory_space<vmem_shared>> -> memref<320xf32, #tpu.memory_space<vmem_shared>>
      %dma_start3A_116 = arith.constant 2880 : i32
      %dma_start3A_117 = tpu.memref_slice %arg7[%dma_start3A_116] : memref<5120xf32, #tpu.memory_space<vmem>> -> memref<320xf32, #tpu.memory_space<vmem>>
      %dma_start3A_118 = tpu.memref_slice %arg9[%add3A_93] : memref<163840xf32, #tpu.memory_space<vmem_shared>> -> memref<320xf32, #tpu.memory_space<vmem_shared>>
      tpu.enqueue_dma source(%dma_start3A_118 : memref<320xf32, #tpu.memory_space<vmem_shared>>) target(%dma_start3A_117 : memref<320xf32, #tpu.memory_space<vmem>>) target_semaphore(%run_scoped3A : memref<!tpu.dma_semaphore, #tpu.memory_space<semaphore_mem>>)
      %dma_wait3A = arith.constant 2880 : i32
      %dma_wait3A_119 = tpu.memref_slice %arg7[%dma_wait3A] : memref<5120xf32, #tpu.memory_space<vmem>> -> memref<320xf32, #tpu.memory_space<vmem>>
      %dma_wait3A_120 = tpu.memref_slice %arg9[%add3A_93] : memref<163840xf32, #tpu.memory_space<vmem_shared>> -> memref<320xf32, #tpu.memory_space<vmem_shared>>
      %dma_wait3A_121 = arith.constant 2880 : i32
      %dma_wait3A_122 = tpu.memref_slice %arg7[%dma_wait3A_121] : memref<5120xf32, #tpu.memory_space<vmem>> -> memref<320xf32, #tpu.memory_space<vmem>>
      %dma_wait3A_123 = tpu.memref_slice %arg9[%add3A_93] : memref<163840xf32, #tpu.memory_space<vmem_shared>> -> memref<320xf32, #tpu.memory_space<vmem_shared>>
      tpu.wait_dma2 semaphore(%run_scoped3A : memref<!tpu.dma_semaphore, #tpu.memory_space<semaphore_mem>>) src(%dma_wait3A_123 : memref<320xf32, #tpu.memory_space<vmem_shared>>) dst(%dma_wait3A_122 : memref<320xf32, #tpu.memory_space<vmem>>)
      tpu.yield
    }) : () -> ()
    %add3A_94 = arith.constant 102400 : i32
    %add3A_95 = arith.addi %add3A_94, %add3A_73 : i32
    "tpu.region"() ({
      %run_scoped3A = tpu.sem_alloc : memref<!tpu.dma_semaphore, #tpu.memory_space<semaphore_mem>>
      %dma_start3A = arith.constant 3200 : i32
      %dma_start3A_114 = tpu.memref_slice %arg7[%dma_start3A] : memref<5120xf32, #tpu.memory_space<vmem>> -> memref<320xf32, #tpu.memory_space<vmem>>
      %dma_start3A_115 = tpu.memref_slice %arg9[%add3A_95] : memref<163840xf32, #tpu.memory_space<vmem_shared>> -> memref<320xf32, #tpu.memory_space<vmem_shared>>
      %dma_start3A_116 = arith.constant 3200 : i32
      %dma_start3A_117 = tpu.memref_slice %arg7[%dma_start3A_116] : memref<5120xf32, #tpu.memory_space<vmem>> -> memref<320xf32, #tpu.memory_space<vmem>>
      %dma_start3A_118 = tpu.memref_slice %arg9[%add3A_95] : memref<163840xf32, #tpu.memory_space<vmem_shared>> -> memref<320xf32, #tpu.memory_space<vmem_shared>>
      tpu.enqueue_dma source(%dma_start3A_118 : memref<320xf32, #tpu.memory_space<vmem_shared>>) target(%dma_start3A_117 : memref<320xf32, #tpu.memory_space<vmem>>) target_semaphore(%run_scoped3A : memref<!tpu.dma_semaphore, #tpu.memory_space<semaphore_mem>>)
      %dma_wait3A = arith.constant 3200 : i32
      %dma_wait3A_119 = tpu.memref_slice %arg7[%dma_wait3A] : memref<5120xf32, #tpu.memory_space<vmem>> -> memref<320xf32, #tpu.memory_space<vmem>>
      %dma_wait3A_120 = tpu.memref_slice %arg9[%add3A_95] : memref<163840xf32, #tpu.memory_space<vmem_shared>> -> memref<320xf32, #tpu.memory_space<vmem_shared>>
      %dma_wait3A_121 = arith.constant 3200 : i32
      %dma_wait3A_122 = tpu.memref_slice %arg7[%dma_wait3A_121] : memref<5120xf32, #tpu.memory_space<vmem>> -> memref<320xf32, #tpu.memory_space<vmem>>
      %dma_wait3A_123 = tpu.memref_slice %arg9[%add3A_95] : memref<163840xf32, #tpu.memory_space<vmem_shared>> -> memref<320xf32, #tpu.memory_space<vmem_shared>>
      tpu.wait_dma2 semaphore(%run_scoped3A : memref<!tpu.dma_semaphore, #tpu.memory_space<semaphore_mem>>) src(%dma_wait3A_123 : memref<320xf32, #tpu.memory_space<vmem_shared>>) dst(%dma_wait3A_122 : memref<320xf32, #tpu.memory_space<vmem>>)
      tpu.yield
    }) : () -> ()
    %add3A_96 = arith.constant 112640 : i32
    %add3A_97 = arith.addi %add3A_96, %add3A_73 : i32
    "tpu.region"() ({
      %run_scoped3A = tpu.sem_alloc : memref<!tpu.dma_semaphore, #tpu.memory_space<semaphore_mem>>
      %dma_start3A = arith.constant 3520 : i32
      %dma_start3A_114 = tpu.memref_slice %arg7[%dma_start3A] : memref<5120xf32, #tpu.memory_space<vmem>> -> memref<320xf32, #tpu.memory_space<vmem>>
      %dma_start3A_115 = tpu.memref_slice %arg9[%add3A_97] : memref<163840xf32, #tpu.memory_space<vmem_shared>> -> memref<320xf32, #tpu.memory_space<vmem_shared>>
      %dma_start3A_116 = arith.constant 3520 : i32
      %dma_start3A_117 = tpu.memref_slice %arg7[%dma_start3A_116] : memref<5120xf32, #tpu.memory_space<vmem>> -> memref<320xf32, #tpu.memory_space<vmem>>
      %dma_start3A_118 = tpu.memref_slice %arg9[%add3A_97] : memref<163840xf32, #tpu.memory_space<vmem_shared>> -> memref<320xf32, #tpu.memory_space<vmem_shared>>
      tpu.enqueue_dma source(%dma_start3A_118 : memref<320xf32, #tpu.memory_space<vmem_shared>>) target(%dma_start3A_117 : memref<320xf32, #tpu.memory_space<vmem>>) target_semaphore(%run_scoped3A : memref<!tpu.dma_semaphore, #tpu.memory_space<semaphore_mem>>)
      %dma_wait3A = arith.constant 3520 : i32
      %dma_wait3A_119 = tpu.memref_slice %arg7[%dma_wait3A] : memref<5120xf32, #tpu.memory_space<vmem>> -> memref<320xf32, #tpu.memory_space<vmem>>
      %dma_wait3A_120 = tpu.memref_slice %arg9[%add3A_97] : memref<163840xf32, #tpu.memory_space<vmem_shared>> -> memref<320xf32, #tpu.memory_space<vmem_shared>>
      %dma_wait3A_121 = arith.constant 3520 : i32
      %dma_wait3A_122 = tpu.memref_slice %arg7[%dma_wait3A_121] : memref<5120xf32, #tpu.memory_space<vmem>> -> memref<320xf32, #tpu.memory_space<vmem>>
      %dma_wait3A_123 = tpu.memref_slice %arg9[%add3A_97] : memref<163840xf32, #tpu.memory_space<vmem_shared>> -> memref<320xf32, #tpu.memory_space<vmem_shared>>
      tpu.wait_dma2 semaphore(%run_scoped3A : memref<!tpu.dma_semaphore, #tpu.memory_space<semaphore_mem>>) src(%dma_wait3A_123 : memref<320xf32, #tpu.memory_space<vmem_shared>>) dst(%dma_wait3A_122 : memref<320xf32, #tpu.memory_space<vmem>>)
      tpu.yield
    }) : () -> ()
    %add3A_98 = arith.constant 122880 : i32
    %add3A_99 = arith.addi %add3A_98, %add3A_73 : i32
    "tpu.region"() ({
      %run_scoped3A = tpu.sem_alloc : memref<!tpu.dma_semaphore, #tpu.memory_space<semaphore_mem>>
      %dma_start3A = arith.constant 3840 : i32
      %dma_start3A_114 = tpu.memref_slice %arg7[%dma_start3A] : memref<5120xf32, #tpu.memory_space<vmem>> -> memref<320xf32, #tpu.memory_space<vmem>>
      %dma_start3A_115 = tpu.memref_slice %arg9[%add3A_99] : memref<163840xf32, #tpu.memory_space<vmem_shared>> -> memref<320xf32, #tpu.memory_space<vmem_shared>>
      %dma_start3A_116 = arith.constant 3840 : i32
      %dma_start3A_117 = tpu.memref_slice %arg7[%dma_start3A_116] : memref<5120xf32, #tpu.memory_space<vmem>> -> memref<320xf32, #tpu.memory_space<vmem>>
      %dma_start3A_118 = tpu.memref_slice %arg9[%add3A_99] : memref<163840xf32, #tpu.memory_space<vmem_shared>> -> memref<320xf32, #tpu.memory_space<vmem_shared>>
      tpu.enqueue_dma source(%dma_start3A_118 : memref<320xf32, #tpu.memory_space<vmem_shared>>) target(%dma_start3A_117 : memref<320xf32, #tpu.memory_space<vmem>>) target_semaphore(%run_scoped3A : memref<!tpu.dma_semaphore, #tpu.memory_space<semaphore_mem>>)
      %dma_wait3A = arith.constant 3840 : i32
      %dma_wait3A_119 = tpu.memref_slice %arg7[%dma_wait3A] : memref<5120xf32, #tpu.memory_space<vmem>> -> memref<320xf32, #tpu.memory_space<vmem>>
      %dma_wait3A_120 = tpu.memref_slice %arg9[%add3A_99] : memref<163840xf32, #tpu.memory_space<vmem_shared>> -> memref<320xf32, #tpu.memory_space<vmem_shared>>
      %dma_wait3A_121 = arith.constant 3840 : i32
      %dma_wait3A_122 = tpu.memref_slice %arg7[%dma_wait3A_121] : memref<5120xf32, #tpu.memory_space<vmem>> -> memref<320xf32, #tpu.memory_space<vmem>>
      %dma_wait3A_123 = tpu.memref_slice %arg9[%add3A_99] : memref<163840xf32, #tpu.memory_space<vmem_shared>> -> memref<320xf32, #tpu.memory_space<vmem_shared>>
      tpu.wait_dma2 semaphore(%run_scoped3A : memref<!tpu.dma_semaphore, #tpu.memory_space<semaphore_mem>>) src(%dma_wait3A_123 : memref<320xf32, #tpu.memory_space<vmem_shared>>) dst(%dma_wait3A_122 : memref<320xf32, #tpu.memory_space<vmem>>)
      tpu.yield
    }) : () -> ()
    %add3A_100 = arith.constant 133120 : i32
    %add3A_101 = arith.addi %add3A_100, %add3A_73 : i32
    "tpu.region"() ({
      %run_scoped3A = tpu.sem_alloc : memref<!tpu.dma_semaphore, #tpu.memory_space<semaphore_mem>>
      %dma_start3A = arith.constant 4160 : i32
      %dma_start3A_114 = tpu.memref_slice %arg7[%dma_start3A] : memref<5120xf32, #tpu.memory_space<vmem>> -> memref<320xf32, #tpu.memory_space<vmem>>
      %dma_start3A_115 = tpu.memref_slice %arg9[%add3A_101] : memref<163840xf32, #tpu.memory_space<vmem_shared>> -> memref<320xf32, #tpu.memory_space<vmem_shared>>
      %dma_start3A_116 = arith.constant 4160 : i32
      %dma_start3A_117 = tpu.memref_slice %arg7[%dma_start3A_116] : memref<5120xf32, #tpu.memory_space<vmem>> -> memref<320xf32, #tpu.memory_space<vmem>>
      %dma_start3A_118 = tpu.memref_slice %arg9[%add3A_101] : memref<163840xf32, #tpu.memory_space<vmem_shared>> -> memref<320xf32, #tpu.memory_space<vmem_shared>>
      tpu.enqueue_dma source(%dma_start3A_118 : memref<320xf32, #tpu.memory_space<vmem_shared>>) target(%dma_start3A_117 : memref<320xf32, #tpu.memory_space<vmem>>) target_semaphore(%run_scoped3A : memref<!tpu.dma_semaphore, #tpu.memory_space<semaphore_mem>>)
      %dma_wait3A = arith.constant 4160 : i32
      %dma_wait3A_119 = tpu.memref_slice %arg7[%dma_wait3A] : memref<5120xf32, #tpu.memory_space<vmem>> -> memref<320xf32, #tpu.memory_space<vmem>>
      %dma_wait3A_120 = tpu.memref_slice %arg9[%add3A_101] : memref<163840xf32, #tpu.memory_space<vmem_shared>> -> memref<320xf32, #tpu.memory_space<vmem_shared>>
      %dma_wait3A_121 = arith.constant 4160 : i32
      %dma_wait3A_122 = tpu.memref_slice %arg7[%dma_wait3A_121] : memref<5120xf32, #tpu.memory_space<vmem>> -> memref<320xf32, #tpu.memory_space<vmem>>
      %dma_wait3A_123 = tpu.memref_slice %arg9[%add3A_101] : memref<163840xf32, #tpu.memory_space<vmem_shared>> -> memref<320xf32, #tpu.memory_space<vmem_shared>>
      tpu.wait_dma2 semaphore(%run_scoped3A : memref<!tpu.dma_semaphore, #tpu.memory_space<semaphore_mem>>) src(%dma_wait3A_123 : memref<320xf32, #tpu.memory_space<vmem_shared>>) dst(%dma_wait3A_122 : memref<320xf32, #tpu.memory_space<vmem>>)
      tpu.yield
    }) : () -> ()
    %add3A_102 = arith.constant 143360 : i32
    %add3A_103 = arith.addi %add3A_102, %add3A_73 : i32
    "tpu.region"() ({
      %run_scoped3A = tpu.sem_alloc : memref<!tpu.dma_semaphore, #tpu.memory_space<semaphore_mem>>
      %dma_start3A = arith.constant 4480 : i32
      %dma_start3A_114 = tpu.memref_slice %arg7[%dma_start3A] : memref<5120xf32, #tpu.memory_space<vmem>> -> memref<320xf32, #tpu.memory_space<vmem>>
      %dma_start3A_115 = tpu.memref_slice %arg9[%add3A_103] : memref<163840xf32, #tpu.memory_space<vmem_shared>> -> memref<320xf32, #tpu.memory_space<vmem_shared>>
      %dma_start3A_116 = arith.constant 4480 : i32
      %dma_start3A_117 = tpu.memref_slice %arg7[%dma_start3A_116] : memref<5120xf32, #tpu.memory_space<vmem>> -> memref<320xf32, #tpu.memory_space<vmem>>
      %dma_start3A_118 = tpu.memref_slice %arg9[%add3A_103] : memref<163840xf32, #tpu.memory_space<vmem_shared>> -> memref<320xf32, #tpu.memory_space<vmem_shared>>
      tpu.enqueue_dma source(%dma_start3A_118 : memref<320xf32, #tpu.memory_space<vmem_shared>>) target(%dma_start3A_117 : memref<320xf32, #tpu.memory_space<vmem>>) target_semaphore(%run_scoped3A : memref<!tpu.dma_semaphore, #tpu.memory_space<semaphore_mem>>)
      %dma_wait3A = arith.constant 4480 : i32
      %dma_wait3A_119 = tpu.memref_slice %arg7[%dma_wait3A] : memref<5120xf32, #tpu.memory_space<vmem>> -> memref<320xf32, #tpu.memory_space<vmem>>
      %dma_wait3A_120 = tpu.memref_slice %arg9[%add3A_103] : memref<163840xf32, #tpu.memory_space<vmem_shared>> -> memref<320xf32, #tpu.memory_space<vmem_shared>>
      %dma_wait3A_121 = arith.constant 4480 : i32
      %dma_wait3A_122 = tpu.memref_slice %arg7[%dma_wait3A_121] : memref<5120xf32, #tpu.memory_space<vmem>> -> memref<320xf32, #tpu.memory_space<vmem>>
      %dma_wait3A_123 = tpu.memref_slice %arg9[%add3A_103] : memref<163840xf32, #tpu.memory_space<vmem_shared>> -> memref<320xf32, #tpu.memory_space<vmem_shared>>
      tpu.wait_dma2 semaphore(%run_scoped3A : memref<!tpu.dma_semaphore, #tpu.memory_space<semaphore_mem>>) src(%dma_wait3A_123 : memref<320xf32, #tpu.memory_space<vmem_shared>>) dst(%dma_wait3A_122 : memref<320xf32, #tpu.memory_space<vmem>>)
      tpu.yield
    }) : () -> ()
    %add3A_104 = arith.constant 153600 : i32
    %add3A_105 = arith.addi %add3A_104, %add3A_73 : i32
    "tpu.region"() ({
      %run_scoped3A = tpu.sem_alloc : memref<!tpu.dma_semaphore, #tpu.memory_space<semaphore_mem>>
      %dma_start3A = arith.constant 4800 : i32
      %dma_start3A_114 = tpu.memref_slice %arg7[%dma_start3A] : memref<5120xf32, #tpu.memory_space<vmem>> -> memref<320xf32, #tpu.memory_space<vmem>>
      %dma_start3A_115 = tpu.memref_slice %arg9[%add3A_105] : memref<163840xf32, #tpu.memory_space<vmem_shared>> -> memref<320xf32, #tpu.memory_space<vmem_shared>>
      %dma_start3A_116 = arith.constant 4800 : i32
      %dma_start3A_117 = tpu.memref_slice %arg7[%dma_start3A_116] : memref<5120xf32, #tpu.memory_space<vmem>> -> memref<320xf32, #tpu.memory_space<vmem>>
      %dma_start3A_118 = tpu.memref_slice %arg9[%add3A_105] : memref<163840xf32, #tpu.memory_space<vmem_shared>> -> memref<320xf32, #tpu.memory_space<vmem_shared>>
      tpu.enqueue_dma source(%dma_start3A_118 : memref<320xf32, #tpu.memory_space<vmem_shared>>) target(%dma_start3A_117 : memref<320xf32, #tpu.memory_space<vmem>>) target_semaphore(%run_scoped3A : memref<!tpu.dma_semaphore, #tpu.memory_space<semaphore_mem>>)
      %dma_wait3A = arith.constant 4800 : i32
      %dma_wait3A_119 = tpu.memref_slice %arg7[%dma_wait3A] : memref<5120xf32, #tpu.memory_space<vmem>> -> memref<320xf32, #tpu.memory_space<vmem>>
      %dma_wait3A_120 = tpu.memref_slice %arg9[%add3A_105] : memref<163840xf32, #tpu.memory_space<vmem_shared>> -> memref<320xf32, #tpu.memory_space<vmem_shared>>
      %dma_wait3A_121 = arith.constant 4800 : i32
      %dma_wait3A_122 = tpu.memref_slice %arg7[%dma_wait3A_121] : memref<5120xf32, #tpu.memory_space<vmem>> -> memref<320xf32, #tpu.memory_space<vmem>>
      %dma_wait3A_123 = tpu.memref_slice %arg9[%add3A_105] : memref<163840xf32, #tpu.memory_space<vmem_shared>> -> memref<320xf32, #tpu.memory_space<vmem_shared>>
      tpu.wait_dma2 semaphore(%run_scoped3A : memref<!tpu.dma_semaphore, #tpu.memory_space<semaphore_mem>>) src(%dma_wait3A_123 : memref<320xf32, #tpu.memory_space<vmem_shared>>) dst(%dma_wait3A_122 : memref<320xf32, #tpu.memory_space<vmem>>)
      tpu.yield
    }) : () -> ()
    %scan3A_106 = arith.constant 0 : i32
    %scan3A_107 = arith.constant 0 : i32
    %scan3A_108 = arith.constant 20 : i32
    %scan3A_109 = arith.addi %scan3A_107, %scan3A_108 : i32
    %scan3A_110 = arith.constant 1 : i32
    scf.for %scan3A_114 = %scan3A_107 to %scan3A_109 step %scan3A_110  : i32 {
      %mul3A_115 = arith.constant 16 : i32
      %mul3A_116 = arith.muli %scan3A_114, %mul3A_115 : i32
      %get3A = arith.index_cast %mul3A_116 : i32 to index
      %get3A_117 = tpu.vector_load %arg7[%get3A] {strides = array<i32>} : memref<5120xf32, #tpu.memory_space<vmem>>, vector<16xf32>,
      %mul3A_118 = arith.constant 16 : i32
      %mul3A_119 = arith.muli %scan3A_114, %mul3A_118 : i32
      %add3A_120 = arith.constant 320 : i32
      %add3A_121 = arith.addi %add3A_120, %mul3A_119 : i32
      %get3A_122 = arith.index_cast %add3A_121 : i32 to index
      %get3A_123 = tpu.vector_load %arg7[%get3A_122] {strides = array<i32>} : memref<5120xf32, #tpu.memory_space<vmem>>, vector<16xf32>,
      %add3A_124 = arith.addf %get3A_117, %get3A_123 : vector<16xf32>
      %mul3A_125 = arith.constant 16 : i32
      %mul3A_126 = arith.muli %scan3A_114, %mul3A_125 : i32
      %add3A_127 = arith.constant 640 : i32
      %add3A_128 = arith.addi %add3A_127, %mul3A_126 : i32
      %get3A_129 = arith.index_cast %add3A_128 : i32 to index
      %get3A_130 = tpu.vector_load %arg7[%get3A_129] {strides = array<i32>} : memref<5120xf32, #tpu.memory_space<vmem>>, vector<16xf32>,
      %add3A_131 = arith.addf %add3A_124, %get3A_130 : vector<16xf32>
      %mul3A_132 = arith.constant 16 : i32
      %mul3A_133 = arith.muli %scan3A_114, %mul3A_132 : i32
      %add3A_134 = arith.constant 960 : i32
      %add3A_135 = arith.addi %add3A_134, %mul3A_133 : i32
      %get3A_136 = arith.index_cast %add3A_135 : i32 to index
      %get3A_137 = tpu.vector_load %arg7[%get3A_136] {strides = array<i32>} : memref<5120xf32, #tpu.memory_space<vmem>>, vector<16xf32>,
      %add3A_138 = arith.addf %add3A_131, %get3A_137 : vector<16xf32>
      %mul3A_139 = arith.constant 16 : i32
      %mul3A_140 = arith.muli %scan3A_114, %mul3A_139 : i32
      %add3A_141 = arith.constant 1280 : i32
      %add3A_142 = arith.addi %add3A_141, %mul3A_140 : i32
      %get3A_143 = arith.index_cast %add3A_142 : i32 to index
      %get3A_144 = tpu.vector_load %arg7[%get3A_143] {strides = array<i32>} : memref<5120xf32, #tpu.memory_space<vmem>>, vector<16xf32>,
      %add3A_145 = arith.addf %add3A_138, %get3A_144 : vector<16xf32>
      %mul3A_146 = arith.constant 16 : i32
      %mul3A_147 = arith.muli %scan3A_114, %mul3A_146 : i32
      %add3A_148 = arith.constant 1600 : i32
      %add3A_149 = arith.addi %add3A_148, %mul3A_147 : i32
      %get3A_150 = arith.index_cast %add3A_149 : i32 to index
      %get3A_151 = tpu.vector_load %arg7[%get3A_150] {strides = array<i32>} : memref<5120xf32, #tpu.memory_space<vmem>>, vector<16xf32>,
      %add3A_152 = arith.addf %add3A_145, %get3A_151 : vector<16xf32>
      %mul3A_153 = arith.constant 16 : i32
      %mul3A_154 = arith.muli %scan3A_114, %mul3A_153 : i32
      %add3A_155 = arith.constant 1920 : i32
      %add3A_156 = arith.addi %add3A_155, %mul3A_154 : i32
      %get3A_157 = arith.index_cast %add3A_156 : i32 to index
      %get3A_158 = tpu.vector_load %arg7[%get3A_157] {strides = array<i32>} : memref<5120xf32, #tpu.memory_space<vmem>>, vector<16xf32>,
      %add3A_159 = arith.addf %add3A_152, %get3A_158 : vector<16xf32>
      %mul3A_160 = arith.constant 16 : i32
      %mul3A_161 = arith.muli %scan3A_114, %mul3A_160 : i32
      %add3A_162 = arith.constant 2240 : i32
      %add3A_163 = arith.addi %add3A_162, %mul3A_161 : i32
      %get3A_164 = arith.index_cast %add3A_163 : i32 to index
      %get3A_165 = tpu.vector_load %arg7[%get3A_164] {strides = array<i32>} : memref<5120xf32, #tpu.memory_space<vmem>>, vector<16xf32>,
      %add3A_166 = arith.addf %add3A_159, %get3A_165 : vector<16xf32>
      %mul3A_167 = arith.constant 16 : i32
      %mul3A_168 = arith.muli %scan3A_114, %mul3A_167 : i32
      %add3A_169 = arith.constant 2560 : i32
      %add3A_170 = arith.addi %add3A_169, %mul3A_168 : i32
      %get3A_171 = arith.index_cast %add3A_170 : i32 to index
      %get3A_172 = tpu.vector_load %arg7[%get3A_171] {strides = array<i32>} : memref<5120xf32, #tpu.memory_space<vmem>>, vector<16xf32>,
      %add3A_173 = arith.addf %add3A_166, %get3A_172 : vector<16xf32>
      %mul3A_174 = arith.constant 16 : i32
      %mul3A_175 = arith.muli %scan3A_114, %mul3A_174 : i32
      %add3A_176 = arith.constant 2880 : i32
      %add3A_177 = arith.addi %add3A_176, %mul3A_175 : i32
      %get3A_178 = arith.index_cast %add3A_177 : i32 to index
      %get3A_179 = tpu.vector_load %arg7[%get3A_178] {strides = array<i32>} : memref<5120xf32, #tpu.memory_space<vmem>>, vector<16xf32>,
      %add3A_180 = arith.addf %add3A_173, %get3A_179 : vector<16xf32>
      %mul3A_181 = arith.constant 16 : i32
      %mul3A_182 = arith.muli %scan3A_114, %mul3A_181 : i32
      %add3A_183 = arith.constant 3200 : i32
      %add3A_184 = arith.addi %add3A_183, %mul3A_182 : i32
      %get3A_185 = arith.index_cast %add3A_184 : i32 to index
      %get3A_186 = tpu.vector_load %arg7[%get3A_185] {strides = array<i32>} : memref<5120xf32, #tpu.memory_space<vmem>>, vector<16xf32>,
      %add3A_187 = arith.addf %add3A_180, %get3A_186 : vector<16xf32>
      %mul3A_188 = arith.constant 16 : i32
      %mul3A_189 = arith.muli %scan3A_114, %mul3A_188 : i32
      %add3A_190 = arith.constant 3520 : i32
      %add3A_191 = arith.addi %add3A_190, %mul3A_189 : i32
      %get3A_192 = arith.index_cast %add3A_191 : i32 to index
      %get3A_193 = tpu.vector_load %arg7[%get3A_192] {strides = array<i32>} : memref<5120xf32, #tpu.memory_space<vmem>>, vector<16xf32>,
      %add3A_194 = arith.addf %add3A_187, %get3A_193 : vector<16xf32>
      %mul3A_195 = arith.constant 16 : i32
      %mul3A_196 = arith.muli %scan3A_114, %mul3A_195 : i32
      %add3A_197 = arith.constant 3840 : i32
      %add3A_198 = arith.addi %add3A_197, %mul3A_196 : i32
      %get3A_199 = arith.index_cast %add3A_198 : i32 to index
      %get3A_200 = tpu.vector_load %arg7[%get3A_199] {strides = array<i32>} : memref<5120xf32, #tpu.memory_space<vmem>>, vector<16xf32>,
      %add3A_201 = arith.addf %add3A_194, %get3A_200 : vector<16xf32>
      %mul3A_202 = arith.constant 16 : i32
      %mul3A_203 = arith.muli %scan3A_114, %mul3A_202 : i32
      %add3A_204 = arith.constant 4160 : i32
      %add3A_205 = arith.addi %add3A_204, %mul3A_203 : i32
      %get3A_206 = arith.index_cast %add3A_205 : i32 to index
      %get3A_207 = tpu.vector_load %arg7[%get3A_206] {strides = array<i32>} : memref<5120xf32, #tpu.memory_space<vmem>>, vector<16xf32>,
      %add3A_208 = arith.addf %add3A_201, %get3A_207 : vector<16xf32>
      %mul3A_209 = arith.constant 16 : i32
      %mul3A_210 = arith.muli %scan3A_114, %mul3A_209 : i32
      %add3A_211 = arith.constant 4480 : i32
      %add3A_212 = arith.addi %add3A_211, %mul3A_210 : i32
      %get3A_213 = arith.index_cast %add3A_212 : i32 to index
      %get3A_214 = tpu.vector_load %arg7[%get3A_213] {strides = array<i32>} : memref<5120xf32, #tpu.memory_space<vmem>>, vector<16xf32>,
      %add3A_215 = arith.addf %add3A_208, %get3A_214 : vector<16xf32>
      %mul3A_216 = arith.constant 16 : i32
      %mul3A_217 = arith.muli %scan3A_114, %mul3A_216 : i32
      %add3A_218 = arith.constant 4800 : i32
      %add3A_219 = arith.addi %add3A_218, %mul3A_217 : i32
      %get3A_220 = arith.index_cast %add3A_219 : i32 to index
      %get3A_221 = tpu.vector_load %arg7[%get3A_220] {strides = array<i32>} : memref<5120xf32, #tpu.memory_space<vmem>>, vector<16xf32>,
      %add3A_222 = arith.addf %add3A_215, %get3A_221 : vector<16xf32>
      %mul3A_223 = arith.constant 16 : i32
      %mul3A_224 = arith.muli %scan3A_114, %mul3A_223 : i32
      %add3A_225 = arith.constant 320 : i32
      %add3A_226 = arith.addi %add3A_225, %mul3A_224 : i32
      %swap3A = arith.index_cast %add3A_226 : i32 to index
      %swap3A_227 = tpu.vector_load %arg8[%swap3A] {strides = array<i32>} : memref<640xf32, #tpu.memory_space<vmem>>, vector<16xf32>,
      tpu.vector_store %arg8[%swap3A], %add3A_222 {strides = array<i32>} : memref<640xf32, #tpu.memory_space<vmem>>, vector<16xf32>,
    }
    %scan3A_111 = arith.constant 20 : i32
    %mul3A_112 = arith.constant 640 : i32
    %mul3A_113 = arith.muli %arg1, %mul3A_112 : i32
    "tpu.region"() ({
      %run_scoped3A = tpu.sem_alloc : memref<!tpu.dma_semaphore, #tpu.memory_space<semaphore_mem>>
      %dma_start3A = tpu.memref_slice %arg4[%arg0, %mul3A_113] : memref<2x10240xf32, #tpu.memory_space<hbm>> -> memref<1x640xf32, #tpu.memory_space<hbm>>
      %dma_start3A_114 = tpu.memref_squeeze %dma_start3A : memref<1x640xf32, #tpu.memory_space<hbm>> -> memref<640xf32, #tpu.memory_space<hbm>>
      %dma_start3A_115 = tpu.memref_slice %arg4[%arg0, %mul3A_113] : memref<2x10240xf32, #tpu.memory_space<hbm>> -> memref<1x640xf32, #tpu.memory_space<hbm>>
      %dma_start3A_116 = tpu.memref_squeeze %dma_start3A_115 : memref<1x640xf32, #tpu.memory_space<hbm>> -> memref<640xf32, #tpu.memory_space<hbm>>
      tpu.enqueue_dma source(%arg8 : memref<640xf32, #tpu.memory_space<vmem>>) target(%dma_start3A_116 : memref<640xf32, #tpu.memory_space<hbm>>) target_semaphore(%run_scoped3A : memref<!tpu.dma_semaphore, #tpu.memory_space<semaphore_mem>>)
      %dma_wait3A = tpu.memref_slice %arg4[%arg0, %mul3A_113] : memref<2x10240xf32, #tpu.memory_space<hbm>> -> memref<1x640xf32, #tpu.memory_space<hbm>>
      %dma_wait3A_117 = tpu.memref_squeeze %dma_wait3A : memref<1x640xf32, #tpu.memory_space<hbm>> -> memref<640xf32, #tpu.memory_space<hbm>>
      %dma_wait3A_118 = tpu.memref_slice %arg4[%arg0, %mul3A_113] : memref<2x10240xf32, #tpu.memory_space<hbm>> -> memref<1x640xf32, #tpu.memory_space<hbm>>
      %dma_wait3A_119 = tpu.memref_squeeze %dma_wait3A_118 : memref<1x640xf32, #tpu.memory_space<hbm>> -> memref<640xf32, #tpu.memory_space<hbm>>
      tpu.wait_dma2 semaphore(%run_scoped3A : memref<!tpu.dma_semaphore, #tpu.memory_space<semaphore_mem>>) src(%arg8 : memref<640xf32, #tpu.memory_space<vmem>>) dst(%dma_wait3A_119 : memref<640xf32, #tpu.memory_space<hbm>>)
      tpu.yield
    }) : () -> ()
    return
  }
}

#map = affine_map<(d0, d1) -> (0, 0)>
#map1 = affine_map<(d0, d1) -> (0, 0, 0)>
module attributes {stable_mosaic.version = 14 : i64} {
  func.func @_sc_agg2(%arg0: i32, %arg1: i32, %arg2: memref<20000x128xf32, #tpu.memory_space<hbm>>, %arg3: memref<2x2560x125xi32, #tpu.memory_space<hbm>>, %arg4: memref<2560x125xi32, #tpu.memory_space<hbm>>, %arg5: memref<10000x128xf32, #tpu.memory_space<hbm>>, %arg6: memref<20000x128xf32, #tpu.memory_space<hbm>>, %arg7: memref<32x125xi32, #tpu.memory_space<vmem>>, %arg8: memref<32x125xi32, #tpu.memory_space<vmem>>, %arg9: memref<125x128xf32, #tpu.memory_space<vmem>>, %arg10: memref<125x128xf32, #tpu.memory_space<vmem>>, %arg11: memref<10000x128xf32, #tpu.memory_space<vmem_shared>>, %arg12: memref<!tpu.dma_semaphore, #tpu.memory_space<semaphore_mem>>, %arg13: memref<!tpu.dma_semaphore, #tpu.memory_space<semaphore_mem>>, %arg14: memref<!tpu.dma_semaphore, #tpu.memory_space<semaphore_mem>>, %arg15: memref<!tpu.dma_semaphore, #tpu.memory_space<semaphore_mem>>, %arg16: memref<!tpu.dma_semaphore, #tpu.memory_space<semaphore_mem>>) attributes {dimension_semantics = [#tpu.dimension_semantics<core_parallel>, #tpu.dimension_semantics<subcore_parallel>], iteration_bounds = array<i64: 2, 16>, scalar_prefetch = 0 : i64, scratch_operands = 10 : i64, tpu.core_type = #tpu.core_type<sc_vector_subcore>, window_params = [{transform_indices = #map}, {transform_indices = #map1}, {transform_indices = #map}, {transform_indices = #map}, {transform_indices = #map}]} {
    %eq3A = arith.constant 0 : i32
    %eq3A_0 = arith.cmpi eq, %arg1, %eq3A : i32
    %convert_element_type3A = arith.extui %eq3A_0 : i1 to i32
    %cond3A = arith.constant 0 : i32
    %cond3A_1 = arith.cmpi ne, %convert_element_type3A, %cond3A : i32
    scf.if %cond3A_1 {
      "tpu.region"() ({
        %run_scoped3A = tpu.sem_alloc : memref<!tpu.dma_semaphore, #tpu.memory_space<semaphore_mem>>
        tpu.enqueue_dma source(%arg5 : memref<10000x128xf32, #tpu.memory_space<hbm>>) target(%arg11 : memref<10000x128xf32, #tpu.memory_space<vmem_shared>>) target_semaphore(%run_scoped3A : memref<!tpu.dma_semaphore, #tpu.memory_space<semaphore_mem>>)
        tpu.wait_dma2 semaphore(%run_scoped3A : memref<!tpu.dma_semaphore, #tpu.memory_space<semaphore_mem>>) src(%arg5 : memref<10000x128xf32, #tpu.memory_space<hbm>>) dst(%arg11 : memref<10000x128xf32, #tpu.memory_space<vmem_shared>>)
        tpu.yield
      }) : () -> ()
    } else {
    }
    %mul3A = arith.constant 160 : i32
    %mul3A_2 = arith.muli %arg1, %mul3A : i32
    "tpu.region"() ({
      %run_scoped3A = tpu.sem_alloc : memref<!tpu.dma_semaphore, #tpu.memory_space<semaphore_mem>>
      %dma_start3A = arith.constant 0 : i32
      %dma_start3A_27 = arith.constant 0 : i32
      %dma_start3A_28 = tpu.memref_slice %arg7[%dma_start3A, %dma_start3A_27] : memref<32x125xi32, #tpu.memory_space<vmem>> -> memref<16x125xi32, #tpu.memory_space<vmem>>
      %dma_start3A_29 = arith.constant 0 : i32
      %dma_start3A_30 = arith.constant 0 : i32
      %dma_start3A_31 = tpu.memref_slice %arg3[%arg0, %dma_start3A_29, %dma_start3A_30] : memref<2x2560x125xi32, #tpu.memory_space<hbm>> -> memref<1x2560x125xi32, #tpu.memory_space<hbm>>
      %dma_start3A_32 = tpu.memref_squeeze %dma_start3A_31 : memref<1x2560x125xi32, #tpu.memory_space<hbm>> -> memref<2560x125xi32, #tpu.memory_space<hbm>>
      %dma_start3A_33 = arith.constant 0 : i32
      %dma_start3A_34 = tpu.memref_slice %dma_start3A_32[%mul3A_2, %dma_start3A_33] : memref<2560x125xi32, #tpu.memory_space<hbm>> -> memref<16x125xi32, #tpu.memory_space<hbm>>
      %dma_start3A_35 = arith.constant 0 : i32
      %dma_start3A_36 = arith.constant 0 : i32
      %dma_start3A_37 = tpu.memref_slice %arg7[%dma_start3A_35, %dma_start3A_36] : memref<32x125xi32, #tpu.memory_space<vmem>> -> memref<16x125xi32, #tpu.memory_space<vmem>>
      %dma_start3A_38 = arith.constant 0 : i32
      %dma_start3A_39 = arith.constant 0 : i32
      %dma_start3A_40 = tpu.memref_slice %arg3[%arg0, %dma_start3A_38, %dma_start3A_39] : memref<2x2560x125xi32, #tpu.memory_space<hbm>> -> memref<1x2560x125xi32, #tpu.memory_space<hbm>>
      %dma_start3A_41 = tpu.memref_squeeze %dma_start3A_40 : memref<1x2560x125xi32, #tpu.memory_space<hbm>> -> memref<2560x125xi32, #tpu.memory_space<hbm>>
      %dma_start3A_42 = arith.constant 0 : i32
      %dma_start3A_43 = tpu.memref_slice %dma_start3A_41[%mul3A_2, %dma_start3A_42] : memref<2560x125xi32, #tpu.memory_space<hbm>> -> memref<16x125xi32, #tpu.memory_space<hbm>>
      tpu.enqueue_dma source(%dma_start3A_43 : memref<16x125xi32, #tpu.memory_space<hbm>>) target(%dma_start3A_37 : memref<16x125xi32, #tpu.memory_space<vmem>>) target_semaphore(%run_scoped3A : memref<!tpu.dma_semaphore, #tpu.memory_space<semaphore_mem>>)
      %dma_wait3A_44 = arith.constant 0 : i32
      %dma_wait3A_45 = arith.constant 0 : i32
      %dma_wait3A_46 = tpu.memref_slice %arg7[%dma_wait3A_44, %dma_wait3A_45] : memref<32x125xi32, #tpu.memory_space<vmem>> -> memref<16x125xi32, #tpu.memory_space<vmem>>
      %dma_wait3A_47 = arith.constant 0 : i32
      %dma_wait3A_48 = arith.constant 0 : i32
      %dma_wait3A_49 = tpu.memref_slice %arg3[%arg0, %dma_wait3A_47, %dma_wait3A_48] : memref<2x2560x125xi32, #tpu.memory_space<hbm>> -> memref<1x2560x125xi32, #tpu.memory_space<hbm>>
      %dma_wait3A_50 = tpu.memref_squeeze %dma_wait3A_49 : memref<1x2560x125xi32, #tpu.memory_space<hbm>> -> memref<2560x125xi32, #tpu.memory_space<hbm>>
      %dma_wait3A_51 = arith.constant 0 : i32
      %dma_wait3A_52 = tpu.memref_slice %dma_wait3A_50[%mul3A_2, %dma_wait3A_51] : memref<2560x125xi32, #tpu.memory_space<hbm>> -> memref<16x125xi32, #tpu.memory_space<hbm>>
      %dma_wait3A_53 = arith.constant 0 : i32
      %dma_wait3A_54 = arith.constant 0 : i32
      %dma_wait3A_55 = tpu.memref_slice %arg7[%dma_wait3A_53, %dma_wait3A_54] : memref<32x125xi32, #tpu.memory_space<vmem>> -> memref<16x125xi32, #tpu.memory_space<vmem>>
      %dma_wait3A_56 = arith.constant 0 : i32
      %dma_wait3A_57 = arith.constant 0 : i32
      %dma_wait3A_58 = tpu.memref_slice %arg3[%arg0, %dma_wait3A_56, %dma_wait3A_57] : memref<2x2560x125xi32, #tpu.memory_space<hbm>> -> memref<1x2560x125xi32, #tpu.memory_space<hbm>>
      %dma_wait3A_59 = tpu.memref_squeeze %dma_wait3A_58 : memref<1x2560x125xi32, #tpu.memory_space<hbm>> -> memref<2560x125xi32, #tpu.memory_space<hbm>>
      %dma_wait3A_60 = arith.constant 0 : i32
      %dma_wait3A_61 = tpu.memref_slice %dma_wait3A_59[%mul3A_2, %dma_wait3A_60] : memref<2560x125xi32, #tpu.memory_space<hbm>> -> memref<16x125xi32, #tpu.memory_space<hbm>>
      tpu.wait_dma2 semaphore(%run_scoped3A : memref<!tpu.dma_semaphore, #tpu.memory_space<semaphore_mem>>) src(%dma_wait3A_61 : memref<16x125xi32, #tpu.memory_space<hbm>>) dst(%dma_wait3A_55 : memref<16x125xi32, #tpu.memory_space<vmem>>)
      tpu.yield
    }) : () -> ()
    "tpu.region"() ({
      %run_scoped3A = tpu.sem_alloc : memref<!tpu.dma_semaphore, #tpu.memory_space<semaphore_mem>>
      %dma_start3A = arith.constant 0 : i32
      %dma_start3A_27 = arith.constant 0 : i32
      %dma_start3A_28 = tpu.memref_slice %arg8[%dma_start3A, %dma_start3A_27] : memref<32x125xi32, #tpu.memory_space<vmem>> -> memref<16x125xi32, #tpu.memory_space<vmem>>
      %dma_start3A_29 = arith.constant 0 : i32
      %dma_start3A_30 = tpu.memref_slice %arg4[%mul3A_2, %dma_start3A_29] : memref<2560x125xi32, #tpu.memory_space<hbm>> -> memref<16x125xi32, #tpu.memory_space<hbm>>
      %dma_start3A_31 = arith.constant 0 : i32
      %dma_start3A_32 = arith.constant 0 : i32
      %dma_start3A_33 = tpu.memref_slice %arg8[%dma_start3A_31, %dma_start3A_32] : memref<32x125xi32, #tpu.memory_space<vmem>> -> memref<16x125xi32, #tpu.memory_space<vmem>>
      %dma_start3A_34 = arith.constant 0 : i32
      %dma_start3A_35 = tpu.memref_slice %arg4[%mul3A_2, %dma_start3A_34] : memref<2560x125xi32, #tpu.memory_space<hbm>> -> memref<16x125xi32, #tpu.memory_space<hbm>>
      tpu.enqueue_dma source(%dma_start3A_35 : memref<16x125xi32, #tpu.memory_space<hbm>>) target(%dma_start3A_33 : memref<16x125xi32, #tpu.memory_space<vmem>>) target_semaphore(%run_scoped3A : memref<!tpu.dma_semaphore, #tpu.memory_space<semaphore_mem>>)
      %dma_wait3A_36 = arith.constant 0 : i32
      %dma_wait3A_37 = arith.constant 0 : i32
      %dma_wait3A_38 = tpu.memref_slice %arg8[%dma_wait3A_36, %dma_wait3A_37] : memref<32x125xi32, #tpu.memory_space<vmem>> -> memref<16x125xi32, #tpu.memory_space<vmem>>
      %dma_wait3A_39 = arith.constant 0 : i32
      %dma_wait3A_40 = tpu.memref_slice %arg4[%mul3A_2, %dma_wait3A_39] : memref<2560x125xi32, #tpu.memory_space<hbm>> -> memref<16x125xi32, #tpu.memory_space<hbm>>
      %dma_wait3A_41 = arith.constant 0 : i32
      %dma_wait3A_42 = arith.constant 0 : i32
      %dma_wait3A_43 = tpu.memref_slice %arg8[%dma_wait3A_41, %dma_wait3A_42] : memref<32x125xi32, #tpu.memory_space<vmem>> -> memref<16x125xi32, #tpu.memory_space<vmem>>
      %dma_wait3A_44 = arith.constant 0 : i32
      %dma_wait3A_45 = tpu.memref_slice %arg4[%mul3A_2, %dma_wait3A_44] : memref<2560x125xi32, #tpu.memory_space<hbm>> -> memref<16x125xi32, #tpu.memory_space<hbm>>
      tpu.wait_dma2 semaphore(%run_scoped3A : memref<!tpu.dma_semaphore, #tpu.memory_space<semaphore_mem>>) src(%dma_wait3A_45 : memref<16x125xi32, #tpu.memory_space<hbm>>) dst(%dma_wait3A_43 : memref<16x125xi32, #tpu.memory_space<vmem>>)
      tpu.yield
    }) : () -> ()
    %barrier3A = arith.constant 0 : index
    tpu.barrier barrier_id(%barrier3A)
    %scan3A = arith.constant 0 : i32
    %scan3A_3 = arith.constant 0 : i32
    %scan3A_4 = arith.constant 10 : i32
    %scan3A_5 = arith.addi %scan3A_3, %scan3A_4 : i32
    %scan3A_6 = arith.constant 1 : i32
    scf.for %scan3A_27 = %scan3A_3 to %scan3A_5 step %scan3A_6  : i32 {
      %rem3A = arith.constant 2 : i32
      %rem3A_28 = arith.remsi %scan3A_27, %rem3A : i32
      %mul3A_29 = arith.constant 16 : i32
      %mul3A_30 = arith.muli %rem3A_28, %mul3A_29 : i32
      %add3A = arith.constant 1 : i32
      %add3A_31 = arith.addi %scan3A_27, %add3A : i32
      %lt3A = arith.constant 10 : i32
      %lt3A_32 = arith.cmpi slt, %add3A_31, %lt3A : i32
      %convert_element_type3A_33 = arith.extui %lt3A_32 : i1 to i32
      %cond3A_34 = arith.constant 0 : i32
      %cond3A_35 = arith.cmpi ne, %convert_element_type3A_33, %cond3A_34 : i32
      scf.if %cond3A_35 {
        %add3A_529 = arith.constant 1 : i32
        %add3A_530 = arith.addi %scan3A_27, %add3A_529 : i32
        %mul3A_531 = arith.constant 16 : i32
        %mul3A_532 = arith.muli %add3A_530, %mul3A_531 : i32
        %add3A_533 = arith.addi %mul3A_2, %mul3A_532 : i32
        %sub3A = arith.constant 1 : i32
        %sub3A_534 = arith.subi %sub3A, %rem3A_28 : i32
        %mul3A_535 = arith.constant 16 : i32
        %mul3A_536 = arith.muli %sub3A_534, %mul3A_535 : i32
        %dma_start3A_537 = arith.constant 0 : i32
        %dma_start3A_538 = tpu.memref_slice %arg7[%mul3A_536, %dma_start3A_537] : memref<32x125xi32, #tpu.memory_space<vmem>> -> memref<16x125xi32, #tpu.memory_space<vmem>>
        %dma_start3A_539 = arith.constant 0 : i32
        %dma_start3A_540 = arith.constant 0 : i32
        %dma_start3A_541 = tpu.memref_slice %arg3[%arg0, %dma_start3A_539, %dma_start3A_540] : memref<2x2560x125xi32, #tpu.memory_space<hbm>> -> memref<1x2560x125xi32, #tpu.memory_space<hbm>>
        %dma_start3A_542 = tpu.memref_squeeze %dma_start3A_541 : memref<1x2560x125xi32, #tpu.memory_space<hbm>> -> memref<2560x125xi32, #tpu.memory_space<hbm>>
        %dma_start3A_543 = arith.constant 0 : i32
        %dma_start3A_544 = tpu.memref_slice %dma_start3A_542[%add3A_533, %dma_start3A_543] : memref<2560x125xi32, #tpu.memory_space<hbm>> -> memref<16x125xi32, #tpu.memory_space<hbm>>
        %dma_start3A_545 = arith.constant 0 : i32
        %dma_start3A_546 = tpu.memref_slice %arg7[%mul3A_536, %dma_start3A_545] : memref<32x125xi32, #tpu.memory_space<vmem>> -> memref<16x125xi32, #tpu.memory_space<vmem>>
        %dma_start3A_547 = arith.constant 0 : i32
        %dma_start3A_548 = arith.constant 0 : i32
        %dma_start3A_549 = tpu.memref_slice %arg3[%arg0, %dma_start3A_547, %dma_start3A_548] : memref<2x2560x125xi32, #tpu.memory_space<hbm>> -> memref<1x2560x125xi32, #tpu.memory_space<hbm>>
        %dma_start3A_550 = tpu.memref_squeeze %dma_start3A_549 : memref<1x2560x125xi32, #tpu.memory_space<hbm>> -> memref<2560x125xi32, #tpu.memory_space<hbm>>
        %dma_start3A_551 = arith.constant 0 : i32
        %dma_start3A_552 = tpu.memref_slice %dma_start3A_550[%add3A_533, %dma_start3A_551] : memref<2560x125xi32, #tpu.memory_space<hbm>> -> memref<16x125xi32, #tpu.memory_space<hbm>>
        tpu.enqueue_dma source(%dma_start3A_552 : memref<16x125xi32, #tpu.memory_space<hbm>>) target(%dma_start3A_546 : memref<16x125xi32, #tpu.memory_space<vmem>>) target_semaphore(%arg16 : memref<!tpu.dma_semaphore, #tpu.memory_space<semaphore_mem>>)
        %add3A_553 = arith.constant 1 : i32
        %add3A_554 = arith.addi %scan3A_27, %add3A_553 : i32
        %mul3A_555 = arith.constant 16 : i32
        %mul3A_556 = arith.muli %add3A_554, %mul3A_555 : i32
        %add3A_557 = arith.addi %mul3A_2, %mul3A_556 : i32
        %sub3A_558 = arith.constant 1 : i32
        %sub3A_559 = arith.subi %sub3A_558, %rem3A_28 : i32
        %mul3A_560 = arith.constant 16 : i32
        %mul3A_561 = arith.muli %sub3A_559, %mul3A_560 : i32
        %dma_start3A_562 = arith.constant 0 : i32
        %dma_start3A_563 = tpu.memref_slice %arg8[%mul3A_561, %dma_start3A_562] : memref<32x125xi32, #tpu.memory_space<vmem>> -> memref<16x125xi32, #tpu.memory_space<vmem>>
        %dma_start3A_564 = arith.constant 0 : i32
        %dma_start3A_565 = tpu.memref_slice %arg4[%add3A_557, %dma_start3A_564] : memref<2560x125xi32, #tpu.memory_space<hbm>> -> memref<16x125xi32, #tpu.memory_space<hbm>>
        %dma_start3A_566 = arith.constant 0 : i32
        %dma_start3A_567 = tpu.memref_slice %arg8[%mul3A_561, %dma_start3A_566] : memref<32x125xi32, #tpu.memory_space<vmem>> -> memref<16x125xi32, #tpu.memory_space<vmem>>
        %dma_start3A_568 = arith.constant 0 : i32
        %dma_start3A_569 = tpu.memref_slice %arg4[%add3A_557, %dma_start3A_568] : memref<2560x125xi32, #tpu.memory_space<hbm>> -> memref<16x125xi32, #tpu.memory_space<hbm>>
        tpu.enqueue_dma source(%dma_start3A_569 : memref<16x125xi32, #tpu.memory_space<hbm>>) target(%dma_start3A_567 : memref<16x125xi32, #tpu.memory_space<vmem>>) target_semaphore(%arg16 : memref<!tpu.dma_semaphore, #tpu.memory_space<semaphore_mem>>)
      } else {
      }
      %gt3A = arith.constant 0 : i32
      %gt3A_36 = arith.cmpi sgt, %scan3A_27, %gt3A : i32
      %convert_element_type3A_37 = arith.extui %gt3A_36 : i1 to i32
      %cond3A_38 = arith.constant 0 : i32
      %cond3A_39 = arith.cmpi ne, %convert_element_type3A_37, %cond3A_38 : i32
      scf.if %cond3A_39 {
        %dma_wait3A_529 = arith.constant 0 : i32
        %dma_wait3A_530 = arith.constant 0 : i32
        %dma_wait3A_531 = tpu.memref_slice %arg8[%dma_wait3A_529, %dma_wait3A_530] : memref<32x125xi32, #tpu.memory_space<vmem>> -> memref<1x125xi32, #tpu.memory_space<vmem>>
        %dma_wait3A_532 = tpu.memref_squeeze %dma_wait3A_531 : memref<1x125xi32, #tpu.memory_space<vmem>> -> memref<125xi32, #tpu.memory_space<vmem>>
        %dma_wait3A_533 = arith.constant 0 : i32
        %dma_wait3A_534 = arith.constant 0 : i32
        %dma_wait3A_535 = tpu.memref_slice %arg11[%dma_wait3A_533, %dma_wait3A_534] : memref<10000x128xf32, #tpu.memory_space<vmem_shared>> -> memref<10000x128xf32, #tpu.memory_space<vmem_shared>>
        tpu.wait_indirect_dma semaphore(%arg14 : memref<!tpu.dma_semaphore, #tpu.memory_space<semaphore_mem>>) src(%arg9 : memref<125x128xf32, #tpu.memory_space<vmem>>) dst(%dma_wait3A_535 : memref<10000x128xf32, #tpu.memory_space<vmem_shared>>)
      } else {
      }
      %dma_start3A = arith.constant 0 : i32
      %dma_start3A_40 = tpu.memref_slice %arg7[%mul3A_30, %dma_start3A] : memref<32x125xi32, #tpu.memory_space<vmem>> -> memref<1x125xi32, #tpu.memory_space<vmem>>
      %dma_start3A_41 = tpu.memref_squeeze %dma_start3A_40 : memref<1x125xi32, #tpu.memory_space<vmem>> -> memref<125xi32, #tpu.memory_space<vmem>>
      %dma_start3A_42 = arith.constant 0 : i32
      %dma_start3A_43 = arith.constant 0 : i32
      %dma_start3A_44 = tpu.memref_slice %arg2[%dma_start3A_42, %dma_start3A_43] : memref<20000x128xf32, #tpu.memory_space<hbm>> -> memref<20000x128xf32, #tpu.memory_space<hbm>>
      tpu.enqueue_indirect_dma source(%dma_start3A_44 : memref<20000x128xf32, #tpu.memory_space<hbm>>) target(%arg9 : memref<125x128xf32, #tpu.memory_space<vmem>>) offsets(%dma_start3A_41 : memref<125xi32, #tpu.memory_space<vmem>>) semaphore(%arg12 : memref<!tpu.dma_semaphore, #tpu.memory_space<semaphore_mem>>)
      %gt3A_45 = arith.constant 0 : i32
      %gt3A_46 = arith.cmpi sgt, %scan3A_27, %gt3A_45 : i32
      %convert_element_type3A_47 = arith.extui %gt3A_46 : i1 to i32
      %cond3A_48 = arith.constant 0 : i32
      %cond3A_49 = arith.cmpi ne, %convert_element_type3A_47, %cond3A_48 : i32
      scf.if %cond3A_49 {
        %dma_wait3A_529 = arith.constant 0 : i32
        %dma_wait3A_530 = arith.constant 0 : i32
        %dma_wait3A_531 = tpu.memref_slice %arg8[%dma_wait3A_529, %dma_wait3A_530] : memref<32x125xi32, #tpu.memory_space<vmem>> -> memref<1x125xi32, #tpu.memory_space<vmem>>
        %dma_wait3A_532 = tpu.memref_squeeze %dma_wait3A_531 : memref<1x125xi32, #tpu.memory_space<vmem>> -> memref<125xi32, #tpu.memory_space<vmem>>
        %dma_wait3A_533 = arith.constant 0 : i32
        %dma_wait3A_534 = arith.constant 0 : i32
        %dma_wait3A_535 = tpu.memref_slice %arg11[%dma_wait3A_533, %dma_wait3A_534] : memref<10000x128xf32, #tpu.memory_space<vmem_shared>> -> memref<10000x128xf32, #tpu.memory_space<vmem_shared>>
        tpu.wait_indirect_dma semaphore(%arg15 : memref<!tpu.dma_semaphore, #tpu.memory_space<semaphore_mem>>) src(%arg10 : memref<125x128xf32, #tpu.memory_space<vmem>>) dst(%dma_wait3A_535 : memref<10000x128xf32, #tpu.memory_space<vmem_shared>>)
      } else {
      }
      %add3A_50 = arith.constant 0 : i32
      %add3A_51 = arith.addi %mul3A_30, %add3A_50 : i32
      %add3A_52 = arith.constant 1 : i32
      %add3A_53 = arith.addi %add3A_51, %add3A_52 : i32
      %dma_start3A_54 = arith.constant 0 : i32
      %dma_start3A_55 = tpu.memref_slice %arg7[%add3A_53, %dma_start3A_54] : memref<32x125xi32, #tpu.memory_space<vmem>> -> memref<1x125xi32, #tpu.memory_space<vmem>>
      %dma_start3A_56 = tpu.memref_squeeze %dma_start3A_55 : memref<1x125xi32, #tpu.memory_space<vmem>> -> memref<125xi32, #tpu.memory_space<vmem>>
      %dma_start3A_57 = arith.constant 0 : i32
      %dma_start3A_58 = arith.constant 0 : i32
      %dma_start3A_59 = tpu.memref_slice %arg2[%dma_start3A_57, %dma_start3A_58] : memref<20000x128xf32, #tpu.memory_space<hbm>> -> memref<20000x128xf32, #tpu.memory_space<hbm>>
      tpu.enqueue_indirect_dma source(%dma_start3A_59 : memref<20000x128xf32, #tpu.memory_space<hbm>>) target(%arg10 : memref<125x128xf32, #tpu.memory_space<vmem>>) offsets(%dma_start3A_56 : memref<125xi32, #tpu.memory_space<vmem>>) semaphore(%arg13 : memref<!tpu.dma_semaphore, #tpu.memory_space<semaphore_mem>>)
      %dma_wait3A_60 = arith.constant 0 : i32
      %dma_wait3A_61 = tpu.memref_slice %arg7[%mul3A_30, %dma_wait3A_60] : memref<32x125xi32, #tpu.memory_space<vmem>> -> memref<1x125xi32, #tpu.memory_space<vmem>>
      %dma_wait3A_62 = tpu.memref_squeeze %dma_wait3A_61 : memref<1x125xi32, #tpu.memory_space<vmem>> -> memref<125xi32, #tpu.memory_space<vmem>>
      %dma_wait3A_63 = arith.constant 0 : i32
      %dma_wait3A_64 = arith.constant 0 : i32
      %dma_wait3A_65 = tpu.memref_slice %arg2[%dma_wait3A_63, %dma_wait3A_64] : memref<20000x128xf32, #tpu.memory_space<hbm>> -> memref<20000x128xf32, #tpu.memory_space<hbm>>
      tpu.wait_indirect_dma semaphore(%arg12 : memref<!tpu.dma_semaphore, #tpu.memory_space<semaphore_mem>>) src(%dma_wait3A_65 : memref<20000x128xf32, #tpu.memory_space<hbm>>) dst(%arg9 : memref<125x128xf32, #tpu.memory_space<vmem>>)
      %add3A_66 = arith.constant 0 : i32
      %add3A_67 = arith.addi %mul3A_30, %add3A_66 : i32
      %dma_start3A_68 = arith.constant 0 : i32
      %dma_start3A_69 = tpu.memref_slice %arg8[%add3A_67, %dma_start3A_68] : memref<32x125xi32, #tpu.memory_space<vmem>> -> memref<1x125xi32, #tpu.memory_space<vmem>>
      %dma_start3A_70 = tpu.memref_squeeze %dma_start3A_69 : memref<1x125xi32, #tpu.memory_space<vmem>> -> memref<125xi32, #tpu.memory_space<vmem>>
      %dma_start3A_71 = arith.constant 0 : i32
      %dma_start3A_72 = arith.constant 0 : i32
      %dma_start3A_73 = tpu.memref_slice %arg11[%dma_start3A_71, %dma_start3A_72] : memref<10000x128xf32, #tpu.memory_space<vmem_shared>> -> memref<10000x128xf32, #tpu.memory_space<vmem_shared>>
      tpu.enqueue_indirect_dma source(%arg9 : memref<125x128xf32, #tpu.memory_space<vmem>>) target(%dma_start3A_73 : memref<10000x128xf32, #tpu.memory_space<vmem_shared>>) offsets(%dma_start3A_70 : memref<125xi32, #tpu.memory_space<vmem>>) semaphore(%arg14 : memref<!tpu.dma_semaphore, #tpu.memory_space<semaphore_mem>>) {add = true}
      %dma_wait3A_74 = arith.constant 0 : i32
      %dma_wait3A_75 = arith.constant 0 : i32
      %dma_wait3A_76 = tpu.memref_slice %arg8[%dma_wait3A_74, %dma_wait3A_75] : memref<32x125xi32, #tpu.memory_space<vmem>> -> memref<1x125xi32, #tpu.memory_space<vmem>>
      %dma_wait3A_77 = tpu.memref_squeeze %dma_wait3A_76 : memref<1x125xi32, #tpu.memory_space<vmem>> -> memref<125xi32, #tpu.memory_space<vmem>>
      %dma_wait3A_78 = arith.constant 0 : i32
      %dma_wait3A_79 = arith.constant 0 : i32
      %dma_wait3A_80 = tpu.memref_slice %arg11[%dma_wait3A_78, %dma_wait3A_79] : memref<10000x128xf32, #tpu.memory_space<vmem_shared>> -> memref<10000x128xf32, #tpu.memory_space<vmem_shared>>
      tpu.wait_indirect_dma semaphore(%arg14 : memref<!tpu.dma_semaphore, #tpu.memory_space<semaphore_mem>>) src(%arg9 : memref<125x128xf32, #tpu.memory_space<vmem>>) dst(%dma_wait3A_80 : memref<10000x128xf32, #tpu.memory_space<vmem_shared>>)
      %add3A_81 = arith.constant 1 : i32
      %add3A_82 = arith.addi %mul3A_30, %add3A_81 : i32
      %add3A_83 = arith.constant 1 : i32
      %add3A_84 = arith.addi %add3A_82, %add3A_83 : i32
      %dma_start3A_85 = arith.constant 0 : i32
      %dma_start3A_86 = tpu.memref_slice %arg7[%add3A_84, %dma_start3A_85] : memref<32x125xi32, #tpu.memory_space<vmem>> -> memref<1x125xi32, #tpu.memory_space<vmem>>
      %dma_start3A_87 = tpu.memref_squeeze %dma_start3A_86 : memref<1x125xi32, #tpu.memory_space<vmem>> -> memref<125xi32, #tpu.memory_space<vmem>>
      %dma_start3A_88 = arith.constant 0 : i32
      %dma_start3A_89 = arith.constant 0 : i32
      %dma_start3A_90 = tpu.memref_slice %arg2[%dma_start3A_88, %dma_start3A_89] : memref<20000x128xf32, #tpu.memory_space<hbm>> -> memref<20000x128xf32, #tpu.memory_space<hbm>>
      tpu.enqueue_indirect_dma source(%dma_start3A_90 : memref<20000x128xf32, #tpu.memory_space<hbm>>) target(%arg9 : memref<125x128xf32, #tpu.memory_space<vmem>>) offsets(%dma_start3A_87 : memref<125xi32, #tpu.memory_space<vmem>>) semaphore(%arg12 : memref<!tpu.dma_semaphore, #tpu.memory_space<semaphore_mem>>)
      %dma_wait3A_91 = arith.constant 0 : i32
      %dma_wait3A_92 = tpu.memref_slice %arg7[%add3A_53, %dma_wait3A_91] : memref<32x125xi32, #tpu.memory_space<vmem>> -> memref<1x125xi32, #tpu.memory_space<vmem>>
      %dma_wait3A_93 = tpu.memref_squeeze %dma_wait3A_92 : memref<1x125xi32, #tpu.memory_space<vmem>> -> memref<125xi32, #tpu.memory_space<vmem>>
      %dma_wait3A_94 = arith.constant 0 : i32
      %dma_wait3A_95 = arith.constant 0 : i32
      %dma_wait3A_96 = tpu.memref_slice %arg2[%dma_wait3A_94, %dma_wait3A_95] : memref<20000x128xf32, #tpu.memory_space<hbm>> -> memref<20000x128xf32, #tpu.memory_space<hbm>>
      tpu.wait_indirect_dma semaphore(%arg13 : memref<!tpu.dma_semaphore, #tpu.memory_space<semaphore_mem>>) src(%dma_wait3A_96 : memref<20000x128xf32, #tpu.memory_space<hbm>>) dst(%arg10 : memref<125x128xf32, #tpu.memory_space<vmem>>)
      %add3A_97 = arith.constant 1 : i32
      %add3A_98 = arith.addi %mul3A_30, %add3A_97 : i32
      %dma_start3A_99 = arith.constant 0 : i32
      %dma_start3A_100 = tpu.memref_slice %arg8[%add3A_98, %dma_start3A_99] : memref<32x125xi32, #tpu.memory_space<vmem>> -> memref<1x125xi32, #tpu.memory_space<vmem>>
      %dma_start3A_101 = tpu.memref_squeeze %dma_start3A_100 : memref<1x125xi32, #tpu.memory_space<vmem>> -> memref<125xi32, #tpu.memory_space<vmem>>
      %dma_start3A_102 = arith.constant 0 : i32
      %dma_start3A_103 = arith.constant 0 : i32
      %dma_start3A_104 = tpu.memref_slice %arg11[%dma_start3A_102, %dma_start3A_103] : memref<10000x128xf32, #tpu.memory_space<vmem_shared>> -> memref<10000x128xf32, #tpu.memory_space<vmem_shared>>
      tpu.enqueue_indirect_dma source(%arg10 : memref<125x128xf32, #tpu.memory_space<vmem>>) target(%dma_start3A_104 : memref<10000x128xf32, #tpu.memory_space<vmem_shared>>) offsets(%dma_start3A_101 : memref<125xi32, #tpu.memory_space<vmem>>) semaphore(%arg15 : memref<!tpu.dma_semaphore, #tpu.memory_space<semaphore_mem>>) {add = true}
      %dma_wait3A_105 = arith.constant 0 : i32
      %dma_wait3A_106 = arith.constant 0 : i32
      %dma_wait3A_107 = tpu.memref_slice %arg8[%dma_wait3A_105, %dma_wait3A_106] : memref<32x125xi32, #tpu.memory_space<vmem>> -> memref<1x125xi32, #tpu.memory_space<vmem>>
      %dma_wait3A_108 = tpu.memref_squeeze %dma_wait3A_107 : memref<1x125xi32, #tpu.memory_space<vmem>> -> memref<125xi32, #tpu.memory_space<vmem>>
      %dma_wait3A_109 = arith.constant 0 : i32
      %dma_wait3A_110 = arith.constant 0 : i32
      %dma_wait3A_111 = tpu.memref_slice %arg11[%dma_wait3A_109, %dma_wait3A_110] : memref<10000x128xf32, #tpu.memory_space<vmem_shared>> -> memref<10000x128xf32, #tpu.memory_space<vmem_shared>>
      tpu.wait_indirect_dma semaphore(%arg15 : memref<!tpu.dma_semaphore, #tpu.memory_space<semaphore_mem>>) src(%arg10 : memref<125x128xf32, #tpu.memory_space<vmem>>) dst(%dma_wait3A_111 : memref<10000x128xf32, #tpu.memory_space<vmem_shared>>)
      %add3A_112 = arith.constant 2 : i32
      %add3A_113 = arith.addi %mul3A_30, %add3A_112 : i32
      %add3A_114 = arith.constant 1 : i32
      %add3A_115 = arith.addi %add3A_113, %add3A_114 : i32
      %dma_start3A_116 = arith.constant 0 : i32
      %dma_start3A_117 = tpu.memref_slice %arg7[%add3A_115, %dma_start3A_116] : memref<32x125xi32, #tpu.memory_space<vmem>> -> memref<1x125xi32, #tpu.memory_space<vmem>>
      %dma_start3A_118 = tpu.memref_squeeze %dma_start3A_117 : memref<1x125xi32, #tpu.memory_space<vmem>> -> memref<125xi32, #tpu.memory_space<vmem>>
      %dma_start3A_119 = arith.constant 0 : i32
      %dma_start3A_120 = arith.constant 0 : i32
      %dma_start3A_121 = tpu.memref_slice %arg2[%dma_start3A_119, %dma_start3A_120] : memref<20000x128xf32, #tpu.memory_space<hbm>> -> memref<20000x128xf32, #tpu.memory_space<hbm>>
      tpu.enqueue_indirect_dma source(%dma_start3A_121 : memref<20000x128xf32, #tpu.memory_space<hbm>>) target(%arg10 : memref<125x128xf32, #tpu.memory_space<vmem>>) offsets(%dma_start3A_118 : memref<125xi32, #tpu.memory_space<vmem>>) semaphore(%arg13 : memref<!tpu.dma_semaphore, #tpu.memory_space<semaphore_mem>>)
      %dma_wait3A_122 = arith.constant 0 : i32
      %dma_wait3A_123 = tpu.memref_slice %arg7[%add3A_84, %dma_wait3A_122] : memref<32x125xi32, #tpu.memory_space<vmem>> -> memref<1x125xi32, #tpu.memory_space<vmem>>
      %dma_wait3A_124 = tpu.memref_squeeze %dma_wait3A_123 : memref<1x125xi32, #tpu.memory_space<vmem>> -> memref<125xi32, #tpu.memory_space<vmem>>
      %dma_wait3A_125 = arith.constant 0 : i32
      %dma_wait3A_126 = arith.constant 0 : i32
      %dma_wait3A_127 = tpu.memref_slice %arg2[%dma_wait3A_125, %dma_wait3A_126] : memref<20000x128xf32, #tpu.memory_space<hbm>> -> memref<20000x128xf32, #tpu.memory_space<hbm>>
      tpu.wait_indirect_dma semaphore(%arg12 : memref<!tpu.dma_semaphore, #tpu.memory_space<semaphore_mem>>) src(%dma_wait3A_127 : memref<20000x128xf32, #tpu.memory_space<hbm>>) dst(%arg9 : memref<125x128xf32, #tpu.memory_space<vmem>>)
      %add3A_128 = arith.constant 2 : i32
      %add3A_129 = arith.addi %mul3A_30, %add3A_128 : i32
      %dma_start3A_130 = arith.constant 0 : i32
      %dma_start3A_131 = tpu.memref_slice %arg8[%add3A_129, %dma_start3A_130] : memref<32x125xi32, #tpu.memory_space<vmem>> -> memref<1x125xi32, #tpu.memory_space<vmem>>
      %dma_start3A_132 = tpu.memref_squeeze %dma_start3A_131 : memref<1x125xi32, #tpu.memory_space<vmem>> -> memref<125xi32, #tpu.memory_space<vmem>>
      %dma_start3A_133 = arith.constant 0 : i32
      %dma_start3A_134 = arith.constant 0 : i32
      %dma_start3A_135 = tpu.memref_slice %arg11[%dma_start3A_133, %dma_start3A_134] : memref<10000x128xf32, #tpu.memory_space<vmem_shared>> -> memref<10000x128xf32, #tpu.memory_space<vmem_shared>>
      tpu.enqueue_indirect_dma source(%arg9 : memref<125x128xf32, #tpu.memory_space<vmem>>) target(%dma_start3A_135 : memref<10000x128xf32, #tpu.memory_space<vmem_shared>>) offsets(%dma_start3A_132 : memref<125xi32, #tpu.memory_space<vmem>>) semaphore(%arg14 : memref<!tpu.dma_semaphore, #tpu.memory_space<semaphore_mem>>) {add = true}
      %dma_wait3A_136 = arith.constant 0 : i32
      %dma_wait3A_137 = arith.constant 0 : i32
      %dma_wait3A_138 = tpu.memref_slice %arg8[%dma_wait3A_136, %dma_wait3A_137] : memref<32x125xi32, #tpu.memory_space<vmem>> -> memref<1x125xi32, #tpu.memory_space<vmem>>
      %dma_wait3A_139 = tpu.memref_squeeze %dma_wait3A_138 : memref<1x125xi32, #tpu.memory_space<vmem>> -> memref<125xi32, #tpu.memory_space<vmem>>
      %dma_wait3A_140 = arith.constant 0 : i32
      %dma_wait3A_141 = arith.constant 0 : i32
      %dma_wait3A_142 = tpu.memref_slice %arg11[%dma_wait3A_140, %dma_wait3A_141] : memref<10000x128xf32, #tpu.memory_space<vmem_shared>> -> memref<10000x128xf32, #tpu.memory_space<vmem_shared>>
      tpu.wait_indirect_dma semaphore(%arg14 : memref<!tpu.dma_semaphore, #tpu.memory_space<semaphore_mem>>) src(%arg9 : memref<125x128xf32, #tpu.memory_space<vmem>>) dst(%dma_wait3A_142 : memref<10000x128xf32, #tpu.memory_space<vmem_shared>>)
      %add3A_143 = arith.constant 3 : i32
      %add3A_144 = arith.addi %mul3A_30, %add3A_143 : i32
      %add3A_145 = arith.constant 1 : i32
      %add3A_146 = arith.addi %add3A_144, %add3A_145 : i32
      %dma_start3A_147 = arith.constant 0 : i32
      %dma_start3A_148 = tpu.memref_slice %arg7[%add3A_146, %dma_start3A_147] : memref<32x125xi32, #tpu.memory_space<vmem>> -> memref<1x125xi32, #tpu.memory_space<vmem>>
      %dma_start3A_149 = tpu.memref_squeeze %dma_start3A_148 : memref<1x125xi32, #tpu.memory_space<vmem>> -> memref<125xi32, #tpu.memory_space<vmem>>
      %dma_start3A_150 = arith.constant 0 : i32
      %dma_start3A_151 = arith.constant 0 : i32
      %dma_start3A_152 = tpu.memref_slice %arg2[%dma_start3A_150, %dma_start3A_151] : memref<20000x128xf32, #tpu.memory_space<hbm>> -> memref<20000x128xf32, #tpu.memory_space<hbm>>
      tpu.enqueue_indirect_dma source(%dma_start3A_152 : memref<20000x128xf32, #tpu.memory_space<hbm>>) target(%arg9 : memref<125x128xf32, #tpu.memory_space<vmem>>) offsets(%dma_start3A_149 : memref<125xi32, #tpu.memory_space<vmem>>) semaphore(%arg12 : memref<!tpu.dma_semaphore, #tpu.memory_space<semaphore_mem>>)
      %dma_wait3A_153 = arith.constant 0 : i32
      %dma_wait3A_154 = tpu.memref_slice %arg7[%add3A_115, %dma_wait3A_153] : memref<32x125xi32, #tpu.memory_space<vmem>> -> memref<1x125xi32, #tpu.memory_space<vmem>>
      %dma_wait3A_155 = tpu.memref_squeeze %dma_wait3A_154 : memref<1x125xi32, #tpu.memory_space<vmem>> -> memref<125xi32, #tpu.memory_space<vmem>>
      %dma_wait3A_156 = arith.constant 0 : i32
      %dma_wait3A_157 = arith.constant 0 : i32
      %dma_wait3A_158 = tpu.memref_slice %arg2[%dma_wait3A_156, %dma_wait3A_157] : memref<20000x128xf32, #tpu.memory_space<hbm>> -> memref<20000x128xf32, #tpu.memory_space<hbm>>
      tpu.wait_indirect_dma semaphore(%arg13 : memref<!tpu.dma_semaphore, #tpu.memory_space<semaphore_mem>>) src(%dma_wait3A_158 : memref<20000x128xf32, #tpu.memory_space<hbm>>) dst(%arg10 : memref<125x128xf32, #tpu.memory_space<vmem>>)
      %add3A_159 = arith.constant 3 : i32
      %add3A_160 = arith.addi %mul3A_30, %add3A_159 : i32
      %dma_start3A_161 = arith.constant 0 : i32
      %dma_start3A_162 = tpu.memref_slice %arg8[%add3A_160, %dma_start3A_161] : memref<32x125xi32, #tpu.memory_space<vmem>> -> memref<1x125xi32, #tpu.memory_space<vmem>>
      %dma_start3A_163 = tpu.memref_squeeze %dma_start3A_162 : memref<1x125xi32, #tpu.memory_space<vmem>> -> memref<125xi32, #tpu.memory_space<vmem>>
      %dma_start3A_164 = arith.constant 0 : i32
      %dma_start3A_165 = arith.constant 0 : i32
      %dma_start3A_166 = tpu.memref_slice %arg11[%dma_start3A_164, %dma_start3A_165] : memref<10000x128xf32, #tpu.memory_space<vmem_shared>> -> memref<10000x128xf32, #tpu.memory_space<vmem_shared>>
      tpu.enqueue_indirect_dma source(%arg10 : memref<125x128xf32, #tpu.memory_space<vmem>>) target(%dma_start3A_166 : memref<10000x128xf32, #tpu.memory_space<vmem_shared>>) offsets(%dma_start3A_163 : memref<125xi32, #tpu.memory_space<vmem>>) semaphore(%arg15 : memref<!tpu.dma_semaphore, #tpu.memory_space<semaphore_mem>>) {add = true}
      %dma_wait3A_167 = arith.constant 0 : i32
      %dma_wait3A_168 = arith.constant 0 : i32
      %dma_wait3A_169 = tpu.memref_slice %arg8[%dma_wait3A_167, %dma_wait3A_168] : memref<32x125xi32, #tpu.memory_space<vmem>> -> memref<1x125xi32, #tpu.memory_space<vmem>>
      %dma_wait3A_170 = tpu.memref_squeeze %dma_wait3A_169 : memref<1x125xi32, #tpu.memory_space<vmem>> -> memref<125xi32, #tpu.memory_space<vmem>>
      %dma_wait3A_171 = arith.constant 0 : i32
      %dma_wait3A_172 = arith.constant 0 : i32
      %dma_wait3A_173 = tpu.memref_slice %arg11[%dma_wait3A_171, %dma_wait3A_172] : memref<10000x128xf32, #tpu.memory_space<vmem_shared>> -> memref<10000x128xf32, #tpu.memory_space<vmem_shared>>
      tpu.wait_indirect_dma semaphore(%arg15 : memref<!tpu.dma_semaphore, #tpu.memory_space<semaphore_mem>>) src(%arg10 : memref<125x128xf32, #tpu.memory_space<vmem>>) dst(%dma_wait3A_173 : memref<10000x128xf32, #tpu.memory_space<vmem_shared>>)
      %add3A_174 = arith.constant 4 : i32
      %add3A_175 = arith.addi %mul3A_30, %add3A_174 : i32
      %add3A_176 = arith.constant 1 : i32
      %add3A_177 = arith.addi %add3A_175, %add3A_176 : i32
      %dma_start3A_178 = arith.constant 0 : i32
      %dma_start3A_179 = tpu.memref_slice %arg7[%add3A_177, %dma_start3A_178] : memref<32x125xi32, #tpu.memory_space<vmem>> -> memref<1x125xi32, #tpu.memory_space<vmem>>
      %dma_start3A_180 = tpu.memref_squeeze %dma_start3A_179 : memref<1x125xi32, #tpu.memory_space<vmem>> -> memref<125xi32, #tpu.memory_space<vmem>>
      %dma_start3A_181 = arith.constant 0 : i32
      %dma_start3A_182 = arith.constant 0 : i32
      %dma_start3A_183 = tpu.memref_slice %arg2[%dma_start3A_181, %dma_start3A_182] : memref<20000x128xf32, #tpu.memory_space<hbm>> -> memref<20000x128xf32, #tpu.memory_space<hbm>>
      tpu.enqueue_indirect_dma source(%dma_start3A_183 : memref<20000x128xf32, #tpu.memory_space<hbm>>) target(%arg10 : memref<125x128xf32, #tpu.memory_space<vmem>>) offsets(%dma_start3A_180 : memref<125xi32, #tpu.memory_space<vmem>>) semaphore(%arg13 : memref<!tpu.dma_semaphore, #tpu.memory_space<semaphore_mem>>)
      %dma_wait3A_184 = arith.constant 0 : i32
      %dma_wait3A_185 = tpu.memref_slice %arg7[%add3A_146, %dma_wait3A_184] : memref<32x125xi32, #tpu.memory_space<vmem>> -> memref<1x125xi32, #tpu.memory_space<vmem>>
      %dma_wait3A_186 = tpu.memref_squeeze %dma_wait3A_185 : memref<1x125xi32, #tpu.memory_space<vmem>> -> memref<125xi32, #tpu.memory_space<vmem>>
      %dma_wait3A_187 = arith.constant 0 : i32
      %dma_wait3A_188 = arith.constant 0 : i32
      %dma_wait3A_189 = tpu.memref_slice %arg2[%dma_wait3A_187, %dma_wait3A_188] : memref<20000x128xf32, #tpu.memory_space<hbm>> -> memref<20000x128xf32, #tpu.memory_space<hbm>>
      tpu.wait_indirect_dma semaphore(%arg12 : memref<!tpu.dma_semaphore, #tpu.memory_space<semaphore_mem>>) src(%dma_wait3A_189 : memref<20000x128xf32, #tpu.memory_space<hbm>>) dst(%arg9 : memref<125x128xf32, #tpu.memory_space<vmem>>)
      %add3A_190 = arith.constant 4 : i32
      %add3A_191 = arith.addi %mul3A_30, %add3A_190 : i32
      %dma_start3A_192 = arith.constant 0 : i32
      %dma_start3A_193 = tpu.memref_slice %arg8[%add3A_191, %dma_start3A_192] : memref<32x125xi32, #tpu.memory_space<vmem>> -> memref<1x125xi32, #tpu.memory_space<vmem>>
      %dma_start3A_194 = tpu.memref_squeeze %dma_start3A_193 : memref<1x125xi32, #tpu.memory_space<vmem>> -> memref<125xi32, #tpu.memory_space<vmem>>
      %dma_start3A_195 = arith.constant 0 : i32
      %dma_start3A_196 = arith.constant 0 : i32
      %dma_start3A_197 = tpu.memref_slice %arg11[%dma_start3A_195, %dma_start3A_196] : memref<10000x128xf32, #tpu.memory_space<vmem_shared>> -> memref<10000x128xf32, #tpu.memory_space<vmem_shared>>
      tpu.enqueue_indirect_dma source(%arg9 : memref<125x128xf32, #tpu.memory_space<vmem>>) target(%dma_start3A_197 : memref<10000x128xf32, #tpu.memory_space<vmem_shared>>) offsets(%dma_start3A_194 : memref<125xi32, #tpu.memory_space<vmem>>) semaphore(%arg14 : memref<!tpu.dma_semaphore, #tpu.memory_space<semaphore_mem>>) {add = true}
      %dma_wait3A_198 = arith.constant 0 : i32
      %dma_wait3A_199 = arith.constant 0 : i32
      %dma_wait3A_200 = tpu.memref_slice %arg8[%dma_wait3A_198, %dma_wait3A_199] : memref<32x125xi32, #tpu.memory_space<vmem>> -> memref<1x125xi32, #tpu.memory_space<vmem>>
      %dma_wait3A_201 = tpu.memref_squeeze %dma_wait3A_200 : memref<1x125xi32, #tpu.memory_space<vmem>> -> memref<125xi32, #tpu.memory_space<vmem>>
      %dma_wait3A_202 = arith.constant 0 : i32
      %dma_wait3A_203 = arith.constant 0 : i32
      %dma_wait3A_204 = tpu.memref_slice %arg11[%dma_wait3A_202, %dma_wait3A_203] : memref<10000x128xf32, #tpu.memory_space<vmem_shared>> -> memref<10000x128xf32, #tpu.memory_space<vmem_shared>>
      tpu.wait_indirect_dma semaphore(%arg14 : memref<!tpu.dma_semaphore, #tpu.memory_space<semaphore_mem>>) src(%arg9 : memref<125x128xf32, #tpu.memory_space<vmem>>) dst(%dma_wait3A_204 : memref<10000x128xf32, #tpu.memory_space<vmem_shared>>)
      %add3A_205 = arith.constant 5 : i32
      %add3A_206 = arith.addi %mul3A_30, %add3A_205 : i32
      %add3A_207 = arith.constant 1 : i32
      %add3A_208 = arith.addi %add3A_206, %add3A_207 : i32
      %dma_start3A_209 = arith.constant 0 : i32
      %dma_start3A_210 = tpu.memref_slice %arg7[%add3A_208, %dma_start3A_209] : memref<32x125xi32, #tpu.memory_space<vmem>> -> memref<1x125xi32, #tpu.memory_space<vmem>>
      %dma_start3A_211 = tpu.memref_squeeze %dma_start3A_210 : memref<1x125xi32, #tpu.memory_space<vmem>> -> memref<125xi32, #tpu.memory_space<vmem>>
      %dma_start3A_212 = arith.constant 0 : i32
      %dma_start3A_213 = arith.constant 0 : i32
      %dma_start3A_214 = tpu.memref_slice %arg2[%dma_start3A_212, %dma_start3A_213] : memref<20000x128xf32, #tpu.memory_space<hbm>> -> memref<20000x128xf32, #tpu.memory_space<hbm>>
      tpu.enqueue_indirect_dma source(%dma_start3A_214 : memref<20000x128xf32, #tpu.memory_space<hbm>>) target(%arg9 : memref<125x128xf32, #tpu.memory_space<vmem>>) offsets(%dma_start3A_211 : memref<125xi32, #tpu.memory_space<vmem>>) semaphore(%arg12 : memref<!tpu.dma_semaphore, #tpu.memory_space<semaphore_mem>>)
      %dma_wait3A_215 = arith.constant 0 : i32
      %dma_wait3A_216 = tpu.memref_slice %arg7[%add3A_177, %dma_wait3A_215] : memref<32x125xi32, #tpu.memory_space<vmem>> -> memref<1x125xi32, #tpu.memory_space<vmem>>
      %dma_wait3A_217 = tpu.memref_squeeze %dma_wait3A_216 : memref<1x125xi32, #tpu.memory_space<vmem>> -> memref<125xi32, #tpu.memory_space<vmem>>
      %dma_wait3A_218 = arith.constant 0 : i32
      %dma_wait3A_219 = arith.constant 0 : i32
      %dma_wait3A_220 = tpu.memref_slice %arg2[%dma_wait3A_218, %dma_wait3A_219] : memref<20000x128xf32, #tpu.memory_space<hbm>> -> memref<20000x128xf32, #tpu.memory_space<hbm>>
      tpu.wait_indirect_dma semaphore(%arg13 : memref<!tpu.dma_semaphore, #tpu.memory_space<semaphore_mem>>) src(%dma_wait3A_220 : memref<20000x128xf32, #tpu.memory_space<hbm>>) dst(%arg10 : memref<125x128xf32, #tpu.memory_space<vmem>>)
      %add3A_221 = arith.constant 5 : i32
      %add3A_222 = arith.addi %mul3A_30, %add3A_221 : i32
      %dma_start3A_223 = arith.constant 0 : i32
      %dma_start3A_224 = tpu.memref_slice %arg8[%add3A_222, %dma_start3A_223] : memref<32x125xi32, #tpu.memory_space<vmem>> -> memref<1x125xi32, #tpu.memory_space<vmem>>
      %dma_start3A_225 = tpu.memref_squeeze %dma_start3A_224 : memref<1x125xi32, #tpu.memory_space<vmem>> -> memref<125xi32, #tpu.memory_space<vmem>>
      %dma_start3A_226 = arith.constant 0 : i32
      %dma_start3A_227 = arith.constant 0 : i32
      %dma_start3A_228 = tpu.memref_slice %arg11[%dma_start3A_226, %dma_start3A_227] : memref<10000x128xf32, #tpu.memory_space<vmem_shared>> -> memref<10000x128xf32, #tpu.memory_space<vmem_shared>>
      tpu.enqueue_indirect_dma source(%arg10 : memref<125x128xf32, #tpu.memory_space<vmem>>) target(%dma_start3A_228 : memref<10000x128xf32, #tpu.memory_space<vmem_shared>>) offsets(%dma_start3A_225 : memref<125xi32, #tpu.memory_space<vmem>>) semaphore(%arg15 : memref<!tpu.dma_semaphore, #tpu.memory_space<semaphore_mem>>) {add = true}
      %dma_wait3A_229 = arith.constant 0 : i32
      %dma_wait3A_230 = arith.constant 0 : i32
      %dma_wait3A_231 = tpu.memref_slice %arg8[%dma_wait3A_229, %dma_wait3A_230] : memref<32x125xi32, #tpu.memory_space<vmem>> -> memref<1x125xi32, #tpu.memory_space<vmem>>
      %dma_wait3A_232 = tpu.memref_squeeze %dma_wait3A_231 : memref<1x125xi32, #tpu.memory_space<vmem>> -> memref<125xi32, #tpu.memory_space<vmem>>
      %dma_wait3A_233 = arith.constant 0 : i32
      %dma_wait3A_234 = arith.constant 0 : i32
      %dma_wait3A_235 = tpu.memref_slice %arg11[%dma_wait3A_233, %dma_wait3A_234] : memref<10000x128xf32, #tpu.memory_space<vmem_shared>> -> memref<10000x128xf32, #tpu.memory_space<vmem_shared>>
      tpu.wait_indirect_dma semaphore(%arg15 : memref<!tpu.dma_semaphore, #tpu.memory_space<semaphore_mem>>) src(%arg10 : memref<125x128xf32, #tpu.memory_space<vmem>>) dst(%dma_wait3A_235 : memref<10000x128xf32, #tpu.memory_space<vmem_shared>>)
      %add3A_236 = arith.constant 6 : i32
      %add3A_237 = arith.addi %mul3A_30, %add3A_236 : i32
      %add3A_238 = arith.constant 1 : i32
      %add3A_239 = arith.addi %add3A_237, %add3A_238 : i32
      %dma_start3A_240 = arith.constant 0 : i32
      %dma_start3A_241 = tpu.memref_slice %arg7[%add3A_239, %dma_start3A_240] : memref<32x125xi32, #tpu.memory_space<vmem>> -> memref<1x125xi32, #tpu.memory_space<vmem>>
      %dma_start3A_242 = tpu.memref_squeeze %dma_start3A_241 : memref<1x125xi32, #tpu.memory_space<vmem>> -> memref<125xi32, #tpu.memory_space<vmem>>
      %dma_start3A_243 = arith.constant 0 : i32
      %dma_start3A_244 = arith.constant 0 : i32
      %dma_start3A_245 = tpu.memref_slice %arg2[%dma_start3A_243, %dma_start3A_244] : memref<20000x128xf32, #tpu.memory_space<hbm>> -> memref<20000x128xf32, #tpu.memory_space<hbm>>
      tpu.enqueue_indirect_dma source(%dma_start3A_245 : memref<20000x128xf32, #tpu.memory_space<hbm>>) target(%arg10 : memref<125x128xf32, #tpu.memory_space<vmem>>) offsets(%dma_start3A_242 : memref<125xi32, #tpu.memory_space<vmem>>) semaphore(%arg13 : memref<!tpu.dma_semaphore, #tpu.memory_space<semaphore_mem>>)
      %dma_wait3A_246 = arith.constant 0 : i32
      %dma_wait3A_247 = tpu.memref_slice %arg7[%add3A_208, %dma_wait3A_246] : memref<32x125xi32, #tpu.memory_space<vmem>> -> memref<1x125xi32, #tpu.memory_space<vmem>>
      %dma_wait3A_248 = tpu.memref_squeeze %dma_wait3A_247 : memref<1x125xi32, #tpu.memory_space<vmem>> -> memref<125xi32, #tpu.memory_space<vmem>>
      %dma_wait3A_249 = arith.constant 0 : i32
      %dma_wait3A_250 = arith.constant 0 : i32
      %dma_wait3A_251 = tpu.memref_slice %arg2[%dma_wait3A_249, %dma_wait3A_250] : memref<20000x128xf32, #tpu.memory_space<hbm>> -> memref<20000x128xf32, #tpu.memory_space<hbm>>
      tpu.wait_indirect_dma semaphore(%arg12 : memref<!tpu.dma_semaphore, #tpu.memory_space<semaphore_mem>>) src(%dma_wait3A_251 : memref<20000x128xf32, #tpu.memory_space<hbm>>) dst(%arg9 : memref<125x128xf32, #tpu.memory_space<vmem>>)
      %add3A_252 = arith.constant 6 : i32
      %add3A_253 = arith.addi %mul3A_30, %add3A_252 : i32
      %dma_start3A_254 = arith.constant 0 : i32
      %dma_start3A_255 = tpu.memref_slice %arg8[%add3A_253, %dma_start3A_254] : memref<32x125xi32, #tpu.memory_space<vmem>> -> memref<1x125xi32, #tpu.memory_space<vmem>>
      %dma_start3A_256 = tpu.memref_squeeze %dma_start3A_255 : memref<1x125xi32, #tpu.memory_space<vmem>> -> memref<125xi32, #tpu.memory_space<vmem>>
      %dma_start3A_257 = arith.constant 0 : i32
      %dma_start3A_258 = arith.constant 0 : i32
      %dma_start3A_259 = tpu.memref_slice %arg11[%dma_start3A_257, %dma_start3A_258] : memref<10000x128xf32, #tpu.memory_space<vmem_shared>> -> memref<10000x128xf32, #tpu.memory_space<vmem_shared>>
      tpu.enqueue_indirect_dma source(%arg9 : memref<125x128xf32, #tpu.memory_space<vmem>>) target(%dma_start3A_259 : memref<10000x128xf32, #tpu.memory_space<vmem_shared>>) offsets(%dma_start3A_256 : memref<125xi32, #tpu.memory_space<vmem>>) semaphore(%arg14 : memref<!tpu.dma_semaphore, #tpu.memory_space<semaphore_mem>>) {add = true}
      %dma_wait3A_260 = arith.constant 0 : i32
      %dma_wait3A_261 = arith.constant 0 : i32
      %dma_wait3A_262 = tpu.memref_slice %arg8[%dma_wait3A_260, %dma_wait3A_261] : memref<32x125xi32, #tpu.memory_space<vmem>> -> memref<1x125xi32, #tpu.memory_space<vmem>>
      %dma_wait3A_263 = tpu.memref_squeeze %dma_wait3A_262 : memref<1x125xi32, #tpu.memory_space<vmem>> -> memref<125xi32, #tpu.memory_space<vmem>>
      %dma_wait3A_264 = arith.constant 0 : i32
      %dma_wait3A_265 = arith.constant 0 : i32
      %dma_wait3A_266 = tpu.memref_slice %arg11[%dma_wait3A_264, %dma_wait3A_265] : memref<10000x128xf32, #tpu.memory_space<vmem_shared>> -> memref<10000x128xf32, #tpu.memory_space<vmem_shared>>
      tpu.wait_indirect_dma semaphore(%arg14 : memref<!tpu.dma_semaphore, #tpu.memory_space<semaphore_mem>>) src(%arg9 : memref<125x128xf32, #tpu.memory_space<vmem>>) dst(%dma_wait3A_266 : memref<10000x128xf32, #tpu.memory_space<vmem_shared>>)
      %add3A_267 = arith.constant 7 : i32
      %add3A_268 = arith.addi %mul3A_30, %add3A_267 : i32
      %add3A_269 = arith.constant 1 : i32
      %add3A_270 = arith.addi %add3A_268, %add3A_269 : i32
      %dma_start3A_271 = arith.constant 0 : i32
      %dma_start3A_272 = tpu.memref_slice %arg7[%add3A_270, %dma_start3A_271] : memref<32x125xi32, #tpu.memory_space<vmem>> -> memref<1x125xi32, #tpu.memory_space<vmem>>
      %dma_start3A_273 = tpu.memref_squeeze %dma_start3A_272 : memref<1x125xi32, #tpu.memory_space<vmem>> -> memref<125xi32, #tpu.memory_space<vmem>>
      %dma_start3A_274 = arith.constant 0 : i32
      %dma_start3A_275 = arith.constant 0 : i32
      %dma_start3A_276 = tpu.memref_slice %arg2[%dma_start3A_274, %dma_start3A_275] : memref<20000x128xf32, #tpu.memory_space<hbm>> -> memref<20000x128xf32, #tpu.memory_space<hbm>>
      tpu.enqueue_indirect_dma source(%dma_start3A_276 : memref<20000x128xf32, #tpu.memory_space<hbm>>) target(%arg9 : memref<125x128xf32, #tpu.memory_space<vmem>>) offsets(%dma_start3A_273 : memref<125xi32, #tpu.memory_space<vmem>>) semaphore(%arg12 : memref<!tpu.dma_semaphore, #tpu.memory_space<semaphore_mem>>)
      %dma_wait3A_277 = arith.constant 0 : i32
      %dma_wait3A_278 = tpu.memref_slice %arg7[%add3A_239, %dma_wait3A_277] : memref<32x125xi32, #tpu.memory_space<vmem>> -> memref<1x125xi32, #tpu.memory_space<vmem>>
      %dma_wait3A_279 = tpu.memref_squeeze %dma_wait3A_278 : memref<1x125xi32, #tpu.memory_space<vmem>> -> memref<125xi32, #tpu.memory_space<vmem>>
      %dma_wait3A_280 = arith.constant 0 : i32
      %dma_wait3A_281 = arith.constant 0 : i32
      %dma_wait3A_282 = tpu.memref_slice %arg2[%dma_wait3A_280, %dma_wait3A_281] : memref<20000x128xf32, #tpu.memory_space<hbm>> -> memref<20000x128xf32, #tpu.memory_space<hbm>>
      tpu.wait_indirect_dma semaphore(%arg13 : memref<!tpu.dma_semaphore, #tpu.memory_space<semaphore_mem>>) src(%dma_wait3A_282 : memref<20000x128xf32, #tpu.memory_space<hbm>>) dst(%arg10 : memref<125x128xf32, #tpu.memory_space<vmem>>)
      %add3A_283 = arith.constant 7 : i32
      %add3A_284 = arith.addi %mul3A_30, %add3A_283 : i32
      %dma_start3A_285 = arith.constant 0 : i32
      %dma_start3A_286 = tpu.memref_slice %arg8[%add3A_284, %dma_start3A_285] : memref<32x125xi32, #tpu.memory_space<vmem>> -> memref<1x125xi32, #tpu.memory_space<vmem>>
      %dma_start3A_287 = tpu.memref_squeeze %dma_start3A_286 : memref<1x125xi32, #tpu.memory_space<vmem>> -> memref<125xi32, #tpu.memory_space<vmem>>
      %dma_start3A_288 = arith.constant 0 : i32
      %dma_start3A_289 = arith.constant 0 : i32
      %dma_start3A_290 = tpu.memref_slice %arg11[%dma_start3A_288, %dma_start3A_289] : memref<10000x128xf32, #tpu.memory_space<vmem_shared>> -> memref<10000x128xf32, #tpu.memory_space<vmem_shared>>
      tpu.enqueue_indirect_dma source(%arg10 : memref<125x128xf32, #tpu.memory_space<vmem>>) target(%dma_start3A_290 : memref<10000x128xf32, #tpu.memory_space<vmem_shared>>) offsets(%dma_start3A_287 : memref<125xi32, #tpu.memory_space<vmem>>) semaphore(%arg15 : memref<!tpu.dma_semaphore, #tpu.memory_space<semaphore_mem>>) {add = true}
      %dma_wait3A_291 = arith.constant 0 : i32
      %dma_wait3A_292 = arith.constant 0 : i32
      %dma_wait3A_293 = tpu.memref_slice %arg8[%dma_wait3A_291, %dma_wait3A_292] : memref<32x125xi32, #tpu.memory_space<vmem>> -> memref<1x125xi32, #tpu.memory_space<vmem>>
      %dma_wait3A_294 = tpu.memref_squeeze %dma_wait3A_293 : memref<1x125xi32, #tpu.memory_space<vmem>> -> memref<125xi32, #tpu.memory_space<vmem>>
      %dma_wait3A_295 = arith.constant 0 : i32
      %dma_wait3A_296 = arith.constant 0 : i32
      %dma_wait3A_297 = tpu.memref_slice %arg11[%dma_wait3A_295, %dma_wait3A_296] : memref<10000x128xf32, #tpu.memory_space<vmem_shared>> -> memref<10000x128xf32, #tpu.memory_space<vmem_shared>>
      tpu.wait_indirect_dma semaphore(%arg15 : memref<!tpu.dma_semaphore, #tpu.memory_space<semaphore_mem>>) src(%arg10 : memref<125x128xf32, #tpu.memory_space<vmem>>) dst(%dma_wait3A_297 : memref<10000x128xf32, #tpu.memory_space<vmem_shared>>)
      %add3A_298 = arith.constant 8 : i32
      %add3A_299 = arith.addi %mul3A_30, %add3A_298 : i32
      %add3A_300 = arith.constant 1 : i32
      %add3A_301 = arith.addi %add3A_299, %add3A_300 : i32
      %dma_start3A_302 = arith.constant 0 : i32
      %dma_start3A_303 = tpu.memref_slice %arg7[%add3A_301, %dma_start3A_302] : memref<32x125xi32, #tpu.memory_space<vmem>> -> memref<1x125xi32, #tpu.memory_space<vmem>>
      %dma_start3A_304 = tpu.memref_squeeze %dma_start3A_303 : memref<1x125xi32, #tpu.memory_space<vmem>> -> memref<125xi32, #tpu.memory_space<vmem>>
      %dma_start3A_305 = arith.constant 0 : i32
      %dma_start3A_306 = arith.constant 0 : i32
      %dma_start3A_307 = tpu.memref_slice %arg2[%dma_start3A_305, %dma_start3A_306] : memref<20000x128xf32, #tpu.memory_space<hbm>> -> memref<20000x128xf32, #tpu.memory_space<hbm>>
      tpu.enqueue_indirect_dma source(%dma_start3A_307 : memref<20000x128xf32, #tpu.memory_space<hbm>>) target(%arg10 : memref<125x128xf32, #tpu.memory_space<vmem>>) offsets(%dma_start3A_304 : memref<125xi32, #tpu.memory_space<vmem>>) semaphore(%arg13 : memref<!tpu.dma_semaphore, #tpu.memory_space<semaphore_mem>>)
      %dma_wait3A_308 = arith.constant 0 : i32
      %dma_wait3A_309 = tpu.memref_slice %arg7[%add3A_270, %dma_wait3A_308] : memref<32x125xi32, #tpu.memory_space<vmem>> -> memref<1x125xi32, #tpu.memory_space<vmem>>
      %dma_wait3A_310 = tpu.memref_squeeze %dma_wait3A_309 : memref<1x125xi32, #tpu.memory_space<vmem>> -> memref<125xi32, #tpu.memory_space<vmem>>
      %dma_wait3A_311 = arith.constant 0 : i32
      %dma_wait3A_312 = arith.constant 0 : i32
      %dma_wait3A_313 = tpu.memref_slice %arg2[%dma_wait3A_311, %dma_wait3A_312] : memref<20000x128xf32, #tpu.memory_space<hbm>> -> memref<20000x128xf32, #tpu.memory_space<hbm>>
      tpu.wait_indirect_dma semaphore(%arg12 : memref<!tpu.dma_semaphore, #tpu.memory_space<semaphore_mem>>) src(%dma_wait3A_313 : memref<20000x128xf32, #tpu.memory_space<hbm>>) dst(%arg9 : memref<125x128xf32, #tpu.memory_space<vmem>>)
      %add3A_314 = arith.constant 8 : i32
      %add3A_315 = arith.addi %mul3A_30, %add3A_314 : i32
      %dma_start3A_316 = arith.constant 0 : i32
      %dma_start3A_317 = tpu.memref_slice %arg8[%add3A_315, %dma_start3A_316] : memref<32x125xi32, #tpu.memory_space<vmem>> -> memref<1x125xi32, #tpu.memory_space<vmem>>
      %dma_start3A_318 = tpu.memref_squeeze %dma_start3A_317 : memref<1x125xi32, #tpu.memory_space<vmem>> -> memref<125xi32, #tpu.memory_space<vmem>>
      %dma_start3A_319 = arith.constant 0 : i32
      %dma_start3A_320 = arith.constant 0 : i32
      %dma_start3A_321 = tpu.memref_slice %arg11[%dma_start3A_319, %dma_start3A_320] : memref<10000x128xf32, #tpu.memory_space<vmem_shared>> -> memref<10000x128xf32, #tpu.memory_space<vmem_shared>>
      tpu.enqueue_indirect_dma source(%arg9 : memref<125x128xf32, #tpu.memory_space<vmem>>) target(%dma_start3A_321 : memref<10000x128xf32, #tpu.memory_space<vmem_shared>>) offsets(%dma_start3A_318 : memref<125xi32, #tpu.memory_space<vmem>>) semaphore(%arg14 : memref<!tpu.dma_semaphore, #tpu.memory_space<semaphore_mem>>) {add = true}
      %dma_wait3A_322 = arith.constant 0 : i32
      %dma_wait3A_323 = arith.constant 0 : i32
      %dma_wait3A_324 = tpu.memref_slice %arg8[%dma_wait3A_322, %dma_wait3A_323] : memref<32x125xi32, #tpu.memory_space<vmem>> -> memref<1x125xi32, #tpu.memory_space<vmem>>
      %dma_wait3A_325 = tpu.memref_squeeze %dma_wait3A_324 : memref<1x125xi32, #tpu.memory_space<vmem>> -> memref<125xi32, #tpu.memory_space<vmem>>
      %dma_wait3A_326 = arith.constant 0 : i32
      %dma_wait3A_327 = arith.constant 0 : i32
      %dma_wait3A_328 = tpu.memref_slice %arg11[%dma_wait3A_326, %dma_wait3A_327] : memref<10000x128xf32, #tpu.memory_space<vmem_shared>> -> memref<10000x128xf32, #tpu.memory_space<vmem_shared>>
      tpu.wait_indirect_dma semaphore(%arg14 : memref<!tpu.dma_semaphore, #tpu.memory_space<semaphore_mem>>) src(%arg9 : memref<125x128xf32, #tpu.memory_space<vmem>>) dst(%dma_wait3A_328 : memref<10000x128xf32, #tpu.memory_space<vmem_shared>>)
      %add3A_329 = arith.constant 9 : i32
      %add3A_330 = arith.addi %mul3A_30, %add3A_329 : i32
      %add3A_331 = arith.constant 1 : i32
      %add3A_332 = arith.addi %add3A_330, %add3A_331 : i32
      %dma_start3A_333 = arith.constant 0 : i32
      %dma_start3A_334 = tpu.memref_slice %arg7[%add3A_332, %dma_start3A_333] : memref<32x125xi32, #tpu.memory_space<vmem>> -> memref<1x125xi32, #tpu.memory_space<vmem>>
      %dma_start3A_335 = tpu.memref_squeeze %dma_start3A_334 : memref<1x125xi32, #tpu.memory_space<vmem>> -> memref<125xi32, #tpu.memory_space<vmem>>
      %dma_start3A_336 = arith.constant 0 : i32
      %dma_start3A_337 = arith.constant 0 : i32
      %dma_start3A_338 = tpu.memref_slice %arg2[%dma_start3A_336, %dma_start3A_337] : memref<20000x128xf32, #tpu.memory_space<hbm>> -> memref<20000x128xf32, #tpu.memory_space<hbm>>
      tpu.enqueue_indirect_dma source(%dma_start3A_338 : memref<20000x128xf32, #tpu.memory_space<hbm>>) target(%arg9 : memref<125x128xf32, #tpu.memory_space<vmem>>) offsets(%dma_start3A_335 : memref<125xi32, #tpu.memory_space<vmem>>) semaphore(%arg12 : memref<!tpu.dma_semaphore, #tpu.memory_space<semaphore_mem>>)
      %dma_wait3A_339 = arith.constant 0 : i32
      %dma_wait3A_340 = tpu.memref_slice %arg7[%add3A_301, %dma_wait3A_339] : memref<32x125xi32, #tpu.memory_space<vmem>> -> memref<1x125xi32, #tpu.memory_space<vmem>>
      %dma_wait3A_341 = tpu.memref_squeeze %dma_wait3A_340 : memref<1x125xi32, #tpu.memory_space<vmem>> -> memref<125xi32, #tpu.memory_space<vmem>>
      %dma_wait3A_342 = arith.constant 0 : i32
      %dma_wait3A_343 = arith.constant 0 : i32
      %dma_wait3A_344 = tpu.memref_slice %arg2[%dma_wait3A_342, %dma_wait3A_343] : memref<20000x128xf32, #tpu.memory_space<hbm>> -> memref<20000x128xf32, #tpu.memory_space<hbm>>
      tpu.wait_indirect_dma semaphore(%arg13 : memref<!tpu.dma_semaphore, #tpu.memory_space<semaphore_mem>>) src(%dma_wait3A_344 : memref<20000x128xf32, #tpu.memory_space<hbm>>) dst(%arg10 : memref<125x128xf32, #tpu.memory_space<vmem>>)
      %add3A_345 = arith.constant 9 : i32
      %add3A_346 = arith.addi %mul3A_30, %add3A_345 : i32
      %dma_start3A_347 = arith.constant 0 : i32
      %dma_start3A_348 = tpu.memref_slice %arg8[%add3A_346, %dma_start3A_347] : memref<32x125xi32, #tpu.memory_space<vmem>> -> memref<1x125xi32, #tpu.memory_space<vmem>>
      %dma_start3A_349 = tpu.memref_squeeze %dma_start3A_348 : memref<1x125xi32, #tpu.memory_space<vmem>> -> memref<125xi32, #tpu.memory_space<vmem>>
      %dma_start3A_350 = arith.constant 0 : i32
      %dma_start3A_351 = arith.constant 0 : i32
      %dma_start3A_352 = tpu.memref_slice %arg11[%dma_start3A_350, %dma_start3A_351] : memref<10000x128xf32, #tpu.memory_space<vmem_shared>> -> memref<10000x128xf32, #tpu.memory_space<vmem_shared>>
      tpu.enqueue_indirect_dma source(%arg10 : memref<125x128xf32, #tpu.memory_space<vmem>>) target(%dma_start3A_352 : memref<10000x128xf32, #tpu.memory_space<vmem_shared>>) offsets(%dma_start3A_349 : memref<125xi32, #tpu.memory_space<vmem>>) semaphore(%arg15 : memref<!tpu.dma_semaphore, #tpu.memory_space<semaphore_mem>>) {add = true}
      %dma_wait3A_353 = arith.constant 0 : i32
      %dma_wait3A_354 = arith.constant 0 : i32
      %dma_wait3A_355 = tpu.memref_slice %arg8[%dma_wait3A_353, %dma_wait3A_354] : memref<32x125xi32, #tpu.memory_space<vmem>> -> memref<1x125xi32, #tpu.memory_space<vmem>>
      %dma_wait3A_356 = tpu.memref_squeeze %dma_wait3A_355 : memref<1x125xi32, #tpu.memory_space<vmem>> -> memref<125xi32, #tpu.memory_space<vmem>>
      %dma_wait3A_357 = arith.constant 0 : i32
      %dma_wait3A_358 = arith.constant 0 : i32
      %dma_wait3A_359 = tpu.memref_slice %arg11[%dma_wait3A_357, %dma_wait3A_358] : memref<10000x128xf32, #tpu.memory_space<vmem_shared>> -> memref<10000x128xf32, #tpu.memory_space<vmem_shared>>
      tpu.wait_indirect_dma semaphore(%arg15 : memref<!tpu.dma_semaphore, #tpu.memory_space<semaphore_mem>>) src(%arg10 : memref<125x128xf32, #tpu.memory_space<vmem>>) dst(%dma_wait3A_359 : memref<10000x128xf32, #tpu.memory_space<vmem_shared>>)
      %add3A_360 = arith.constant 10 : i32
      %add3A_361 = arith.addi %mul3A_30, %add3A_360 : i32
      %add3A_362 = arith.constant 1 : i32
      %add3A_363 = arith.addi %add3A_361, %add3A_362 : i32
      %dma_start3A_364 = arith.constant 0 : i32
      %dma_start3A_365 = tpu.memref_slice %arg7[%add3A_363, %dma_start3A_364] : memref<32x125xi32, #tpu.memory_space<vmem>> -> memref<1x125xi32, #tpu.memory_space<vmem>>
      %dma_start3A_366 = tpu.memref_squeeze %dma_start3A_365 : memref<1x125xi32, #tpu.memory_space<vmem>> -> memref<125xi32, #tpu.memory_space<vmem>>
      %dma_start3A_367 = arith.constant 0 : i32
      %dma_start3A_368 = arith.constant 0 : i32
      %dma_start3A_369 = tpu.memref_slice %arg2[%dma_start3A_367, %dma_start3A_368] : memref<20000x128xf32, #tpu.memory_space<hbm>> -> memref<20000x128xf32, #tpu.memory_space<hbm>>
      tpu.enqueue_indirect_dma source(%dma_start3A_369 : memref<20000x128xf32, #tpu.memory_space<hbm>>) target(%arg10 : memref<125x128xf32, #tpu.memory_space<vmem>>) offsets(%dma_start3A_366 : memref<125xi32, #tpu.memory_space<vmem>>) semaphore(%arg13 : memref<!tpu.dma_semaphore, #tpu.memory_space<semaphore_mem>>)
      %dma_wait3A_370 = arith.constant 0 : i32
      %dma_wait3A_371 = tpu.memref_slice %arg7[%add3A_332, %dma_wait3A_370] : memref<32x125xi32, #tpu.memory_space<vmem>> -> memref<1x125xi32, #tpu.memory_space<vmem>>
      %dma_wait3A_372 = tpu.memref_squeeze %dma_wait3A_371 : memref<1x125xi32, #tpu.memory_space<vmem>> -> memref<125xi32, #tpu.memory_space<vmem>>
      %dma_wait3A_373 = arith.constant 0 : i32
      %dma_wait3A_374 = arith.constant 0 : i32
      %dma_wait3A_375 = tpu.memref_slice %arg2[%dma_wait3A_373, %dma_wait3A_374] : memref<20000x128xf32, #tpu.memory_space<hbm>> -> memref<20000x128xf32, #tpu.memory_space<hbm>>
      tpu.wait_indirect_dma semaphore(%arg12 : memref<!tpu.dma_semaphore, #tpu.memory_space<semaphore_mem>>) src(%dma_wait3A_375 : memref<20000x128xf32, #tpu.memory_space<hbm>>) dst(%arg9 : memref<125x128xf32, #tpu.memory_space<vmem>>)
      %add3A_376 = arith.constant 10 : i32
      %add3A_377 = arith.addi %mul3A_30, %add3A_376 : i32
      %dma_start3A_378 = arith.constant 0 : i32
      %dma_start3A_379 = tpu.memref_slice %arg8[%add3A_377, %dma_start3A_378] : memref<32x125xi32, #tpu.memory_space<vmem>> -> memref<1x125xi32, #tpu.memory_space<vmem>>
      %dma_start3A_380 = tpu.memref_squeeze %dma_start3A_379 : memref<1x125xi32, #tpu.memory_space<vmem>> -> memref<125xi32, #tpu.memory_space<vmem>>
      %dma_start3A_381 = arith.constant 0 : i32
      %dma_start3A_382 = arith.constant 0 : i32
      %dma_start3A_383 = tpu.memref_slice %arg11[%dma_start3A_381, %dma_start3A_382] : memref<10000x128xf32, #tpu.memory_space<vmem_shared>> -> memref<10000x128xf32, #tpu.memory_space<vmem_shared>>
      tpu.enqueue_indirect_dma source(%arg9 : memref<125x128xf32, #tpu.memory_space<vmem>>) target(%dma_start3A_383 : memref<10000x128xf32, #tpu.memory_space<vmem_shared>>) offsets(%dma_start3A_380 : memref<125xi32, #tpu.memory_space<vmem>>) semaphore(%arg14 : memref<!tpu.dma_semaphore, #tpu.memory_space<semaphore_mem>>) {add = true}
      %dma_wait3A_384 = arith.constant 0 : i32
      %dma_wait3A_385 = arith.constant 0 : i32
      %dma_wait3A_386 = tpu.memref_slice %arg8[%dma_wait3A_384, %dma_wait3A_385] : memref<32x125xi32, #tpu.memory_space<vmem>> -> memref<1x125xi32, #tpu.memory_space<vmem>>
      %dma_wait3A_387 = tpu.memref_squeeze %dma_wait3A_386 : memref<1x125xi32, #tpu.memory_space<vmem>> -> memref<125xi32, #tpu.memory_space<vmem>>
      %dma_wait3A_388 = arith.constant 0 : i32
      %dma_wait3A_389 = arith.constant 0 : i32
      %dma_wait3A_390 = tpu.memref_slice %arg11[%dma_wait3A_388, %dma_wait3A_389] : memref<10000x128xf32, #tpu.memory_space<vmem_shared>> -> memref<10000x128xf32, #tpu.memory_space<vmem_shared>>
      tpu.wait_indirect_dma semaphore(%arg14 : memref<!tpu.dma_semaphore, #tpu.memory_space<semaphore_mem>>) src(%arg9 : memref<125x128xf32, #tpu.memory_space<vmem>>) dst(%dma_wait3A_390 : memref<10000x128xf32, #tpu.memory_space<vmem_shared>>)
      %add3A_391 = arith.constant 11 : i32
      %add3A_392 = arith.addi %mul3A_30, %add3A_391 : i32
      %add3A_393 = arith.constant 1 : i32
      %add3A_394 = arith.addi %add3A_392, %add3A_393 : i32
      %dma_start3A_395 = arith.constant 0 : i32
      %dma_start3A_396 = tpu.memref_slice %arg7[%add3A_394, %dma_start3A_395] : memref<32x125xi32, #tpu.memory_space<vmem>> -> memref<1x125xi32, #tpu.memory_space<vmem>>
      %dma_start3A_397 = tpu.memref_squeeze %dma_start3A_396 : memref<1x125xi32, #tpu.memory_space<vmem>> -> memref<125xi32, #tpu.memory_space<vmem>>
      %dma_start3A_398 = arith.constant 0 : i32
      %dma_start3A_399 = arith.constant 0 : i32
      %dma_start3A_400 = tpu.memref_slice %arg2[%dma_start3A_398, %dma_start3A_399] : memref<20000x128xf32, #tpu.memory_space<hbm>> -> memref<20000x128xf32, #tpu.memory_space<hbm>>
      tpu.enqueue_indirect_dma source(%dma_start3A_400 : memref<20000x128xf32, #tpu.memory_space<hbm>>) target(%arg9 : memref<125x128xf32, #tpu.memory_space<vmem>>) offsets(%dma_start3A_397 : memref<125xi32, #tpu.memory_space<vmem>>) semaphore(%arg12 : memref<!tpu.dma_semaphore, #tpu.memory_space<semaphore_mem>>)
      %dma_wait3A_401 = arith.constant 0 : i32
      %dma_wait3A_402 = tpu.memref_slice %arg7[%add3A_363, %dma_wait3A_401] : memref<32x125xi32, #tpu.memory_space<vmem>> -> memref<1x125xi32, #tpu.memory_space<vmem>>
      %dma_wait3A_403 = tpu.memref_squeeze %dma_wait3A_402 : memref<1x125xi32, #tpu.memory_space<vmem>> -> memref<125xi32, #tpu.memory_space<vmem>>
      %dma_wait3A_404 = arith.constant 0 : i32
      %dma_wait3A_405 = arith.constant 0 : i32
      %dma_wait3A_406 = tpu.memref_slice %arg2[%dma_wait3A_404, %dma_wait3A_405] : memref<20000x128xf32, #tpu.memory_space<hbm>> -> memref<20000x128xf32, #tpu.memory_space<hbm>>
      tpu.wait_indirect_dma semaphore(%arg13 : memref<!tpu.dma_semaphore, #tpu.memory_space<semaphore_mem>>) src(%dma_wait3A_406 : memref<20000x128xf32, #tpu.memory_space<hbm>>) dst(%arg10 : memref<125x128xf32, #tpu.memory_space<vmem>>)
      %add3A_407 = arith.constant 11 : i32
      %add3A_408 = arith.addi %mul3A_30, %add3A_407 : i32
      %dma_start3A_409 = arith.constant 0 : i32
      %dma_start3A_410 = tpu.memref_slice %arg8[%add3A_408, %dma_start3A_409] : memref<32x125xi32, #tpu.memory_space<vmem>> -> memref<1x125xi32, #tpu.memory_space<vmem>>
      %dma_start3A_411 = tpu.memref_squeeze %dma_start3A_410 : memref<1x125xi32, #tpu.memory_space<vmem>> -> memref<125xi32, #tpu.memory_space<vmem>>
      %dma_start3A_412 = arith.constant 0 : i32
      %dma_start3A_413 = arith.constant 0 : i32
      %dma_start3A_414 = tpu.memref_slice %arg11[%dma_start3A_412, %dma_start3A_413] : memref<10000x128xf32, #tpu.memory_space<vmem_shared>> -> memref<10000x128xf32, #tpu.memory_space<vmem_shared>>
      tpu.enqueue_indirect_dma source(%arg10 : memref<125x128xf32, #tpu.memory_space<vmem>>) target(%dma_start3A_414 : memref<10000x128xf32, #tpu.memory_space<vmem_shared>>) offsets(%dma_start3A_411 : memref<125xi32, #tpu.memory_space<vmem>>) semaphore(%arg15 : memref<!tpu.dma_semaphore, #tpu.memory_space<semaphore_mem>>) {add = true}
      %dma_wait3A_415 = arith.constant 0 : i32
      %dma_wait3A_416 = arith.constant 0 : i32
      %dma_wait3A_417 = tpu.memref_slice %arg8[%dma_wait3A_415, %dma_wait3A_416] : memref<32x125xi32, #tpu.memory_space<vmem>> -> memref<1x125xi32, #tpu.memory_space<vmem>>
      %dma_wait3A_418 = tpu.memref_squeeze %dma_wait3A_417 : memref<1x125xi32, #tpu.memory_space<vmem>> -> memref<125xi32, #tpu.memory_space<vmem>>
      %dma_wait3A_419 = arith.constant 0 : i32
      %dma_wait3A_420 = arith.constant 0 : i32
      %dma_wait3A_421 = tpu.memref_slice %arg11[%dma_wait3A_419, %dma_wait3A_420] : memref<10000x128xf32, #tpu.memory_space<vmem_shared>> -> memref<10000x128xf32, #tpu.memory_space<vmem_shared>>
      tpu.wait_indirect_dma semaphore(%arg15 : memref<!tpu.dma_semaphore, #tpu.memory_space<semaphore_mem>>) src(%arg10 : memref<125x128xf32, #tpu.memory_space<vmem>>) dst(%dma_wait3A_421 : memref<10000x128xf32, #tpu.memory_space<vmem_shared>>)
      %add3A_422 = arith.constant 12 : i32
      %add3A_423 = arith.addi %mul3A_30, %add3A_422 : i32
      %add3A_424 = arith.constant 1 : i32
      %add3A_425 = arith.addi %add3A_423, %add3A_424 : i32
      %dma_start3A_426 = arith.constant 0 : i32
      %dma_start3A_427 = tpu.memref_slice %arg7[%add3A_425, %dma_start3A_426] : memref<32x125xi32, #tpu.memory_space<vmem>> -> memref<1x125xi32, #tpu.memory_space<vmem>>
      %dma_start3A_428 = tpu.memref_squeeze %dma_start3A_427 : memref<1x125xi32, #tpu.memory_space<vmem>> -> memref<125xi32, #tpu.memory_space<vmem>>
      %dma_start3A_429 = arith.constant 0 : i32
      %dma_start3A_430 = arith.constant 0 : i32
      %dma_start3A_431 = tpu.memref_slice %arg2[%dma_start3A_429, %dma_start3A_430] : memref<20000x128xf32, #tpu.memory_space<hbm>> -> memref<20000x128xf32, #tpu.memory_space<hbm>>
      tpu.enqueue_indirect_dma source(%dma_start3A_431 : memref<20000x128xf32, #tpu.memory_space<hbm>>) target(%arg10 : memref<125x128xf32, #tpu.memory_space<vmem>>) offsets(%dma_start3A_428 : memref<125xi32, #tpu.memory_space<vmem>>) semaphore(%arg13 : memref<!tpu.dma_semaphore, #tpu.memory_space<semaphore_mem>>)
      %dma_wait3A_432 = arith.constant 0 : i32
      %dma_wait3A_433 = tpu.memref_slice %arg7[%add3A_394, %dma_wait3A_432] : memref<32x125xi32, #tpu.memory_space<vmem>> -> memref<1x125xi32, #tpu.memory_space<vmem>>
      %dma_wait3A_434 = tpu.memref_squeeze %dma_wait3A_433 : memref<1x125xi32, #tpu.memory_space<vmem>> -> memref<125xi32, #tpu.memory_space<vmem>>
      %dma_wait3A_435 = arith.constant 0 : i32
      %dma_wait3A_436 = arith.constant 0 : i32
      %dma_wait3A_437 = tpu.memref_slice %arg2[%dma_wait3A_435, %dma_wait3A_436] : memref<20000x128xf32, #tpu.memory_space<hbm>> -> memref<20000x128xf32, #tpu.memory_space<hbm>>
      tpu.wait_indirect_dma semaphore(%arg12 : memref<!tpu.dma_semaphore, #tpu.memory_space<semaphore_mem>>) src(%dma_wait3A_437 : memref<20000x128xf32, #tpu.memory_space<hbm>>) dst(%arg9 : memref<125x128xf32, #tpu.memory_space<vmem>>)
      %add3A_438 = arith.constant 12 : i32
      %add3A_439 = arith.addi %mul3A_30, %add3A_438 : i32
      %dma_start3A_440 = arith.constant 0 : i32
      %dma_start3A_441 = tpu.memref_slice %arg8[%add3A_439, %dma_start3A_440] : memref<32x125xi32, #tpu.memory_space<vmem>> -> memref<1x125xi32, #tpu.memory_space<vmem>>
      %dma_start3A_442 = tpu.memref_squeeze %dma_start3A_441 : memref<1x125xi32, #tpu.memory_space<vmem>> -> memref<125xi32, #tpu.memory_space<vmem>>
      %dma_start3A_443 = arith.constant 0 : i32
      %dma_start3A_444 = arith.constant 0 : i32
      %dma_start3A_445 = tpu.memref_slice %arg11[%dma_start3A_443, %dma_start3A_444] : memref<10000x128xf32, #tpu.memory_space<vmem_shared>> -> memref<10000x128xf32, #tpu.memory_space<vmem_shared>>
      tpu.enqueue_indirect_dma source(%arg9 : memref<125x128xf32, #tpu.memory_space<vmem>>) target(%dma_start3A_445 : memref<10000x128xf32, #tpu.memory_space<vmem_shared>>) offsets(%dma_start3A_442 : memref<125xi32, #tpu.memory_space<vmem>>) semaphore(%arg14 : memref<!tpu.dma_semaphore, #tpu.memory_space<semaphore_mem>>) {add = true}
      %dma_wait3A_446 = arith.constant 0 : i32
      %dma_wait3A_447 = arith.constant 0 : i32
      %dma_wait3A_448 = tpu.memref_slice %arg8[%dma_wait3A_446, %dma_wait3A_447] : memref<32x125xi32, #tpu.memory_space<vmem>> -> memref<1x125xi32, #tpu.memory_space<vmem>>
      %dma_wait3A_449 = tpu.memref_squeeze %dma_wait3A_448 : memref<1x125xi32, #tpu.memory_space<vmem>> -> memref<125xi32, #tpu.memory_space<vmem>>
      %dma_wait3A_450 = arith.constant 0 : i32
      %dma_wait3A_451 = arith.constant 0 : i32
      %dma_wait3A_452 = tpu.memref_slice %arg11[%dma_wait3A_450, %dma_wait3A_451] : memref<10000x128xf32, #tpu.memory_space<vmem_shared>> -> memref<10000x128xf32, #tpu.memory_space<vmem_shared>>
      tpu.wait_indirect_dma semaphore(%arg14 : memref<!tpu.dma_semaphore, #tpu.memory_space<semaphore_mem>>) src(%arg9 : memref<125x128xf32, #tpu.memory_space<vmem>>) dst(%dma_wait3A_452 : memref<10000x128xf32, #tpu.memory_space<vmem_shared>>)
      %add3A_453 = arith.constant 13 : i32
      %add3A_454 = arith.addi %mul3A_30, %add3A_453 : i32
      %add3A_455 = arith.constant 1 : i32
      %add3A_456 = arith.addi %add3A_454, %add3A_455 : i32
      %dma_start3A_457 = arith.constant 0 : i32
      %dma_start3A_458 = tpu.memref_slice %arg7[%add3A_456, %dma_start3A_457] : memref<32x125xi32, #tpu.memory_space<vmem>> -> memref<1x125xi32, #tpu.memory_space<vmem>>
      %dma_start3A_459 = tpu.memref_squeeze %dma_start3A_458 : memref<1x125xi32, #tpu.memory_space<vmem>> -> memref<125xi32, #tpu.memory_space<vmem>>
      %dma_start3A_460 = arith.constant 0 : i32
      %dma_start3A_461 = arith.constant 0 : i32
      %dma_start3A_462 = tpu.memref_slice %arg2[%dma_start3A_460, %dma_start3A_461] : memref<20000x128xf32, #tpu.memory_space<hbm>> -> memref<20000x128xf32, #tpu.memory_space<hbm>>
      tpu.enqueue_indirect_dma source(%dma_start3A_462 : memref<20000x128xf32, #tpu.memory_space<hbm>>) target(%arg9 : memref<125x128xf32, #tpu.memory_space<vmem>>) offsets(%dma_start3A_459 : memref<125xi32, #tpu.memory_space<vmem>>) semaphore(%arg12 : memref<!tpu.dma_semaphore, #tpu.memory_space<semaphore_mem>>)
      %dma_wait3A_463 = arith.constant 0 : i32
      %dma_wait3A_464 = tpu.memref_slice %arg7[%add3A_425, %dma_wait3A_463] : memref<32x125xi32, #tpu.memory_space<vmem>> -> memref<1x125xi32, #tpu.memory_space<vmem>>
      %dma_wait3A_465 = tpu.memref_squeeze %dma_wait3A_464 : memref<1x125xi32, #tpu.memory_space<vmem>> -> memref<125xi32, #tpu.memory_space<vmem>>
      %dma_wait3A_466 = arith.constant 0 : i32
      %dma_wait3A_467 = arith.constant 0 : i32
      %dma_wait3A_468 = tpu.memref_slice %arg2[%dma_wait3A_466, %dma_wait3A_467] : memref<20000x128xf32, #tpu.memory_space<hbm>> -> memref<20000x128xf32, #tpu.memory_space<hbm>>
      tpu.wait_indirect_dma semaphore(%arg13 : memref<!tpu.dma_semaphore, #tpu.memory_space<semaphore_mem>>) src(%dma_wait3A_468 : memref<20000x128xf32, #tpu.memory_space<hbm>>) dst(%arg10 : memref<125x128xf32, #tpu.memory_space<vmem>>)
      %add3A_469 = arith.constant 13 : i32
      %add3A_470 = arith.addi %mul3A_30, %add3A_469 : i32
      %dma_start3A_471 = arith.constant 0 : i32
      %dma_start3A_472 = tpu.memref_slice %arg8[%add3A_470, %dma_start3A_471] : memref<32x125xi32, #tpu.memory_space<vmem>> -> memref<1x125xi32, #tpu.memory_space<vmem>>
      %dma_start3A_473 = tpu.memref_squeeze %dma_start3A_472 : memref<1x125xi32, #tpu.memory_space<vmem>> -> memref<125xi32, #tpu.memory_space<vmem>>
      %dma_start3A_474 = arith.constant 0 : i32
      %dma_start3A_475 = arith.constant 0 : i32
      %dma_start3A_476 = tpu.memref_slice %arg11[%dma_start3A_474, %dma_start3A_475] : memref<10000x128xf32, #tpu.memory_space<vmem_shared>> -> memref<10000x128xf32, #tpu.memory_space<vmem_shared>>
      tpu.enqueue_indirect_dma source(%arg10 : memref<125x128xf32, #tpu.memory_space<vmem>>) target(%dma_start3A_476 : memref<10000x128xf32, #tpu.memory_space<vmem_shared>>) offsets(%dma_start3A_473 : memref<125xi32, #tpu.memory_space<vmem>>) semaphore(%arg15 : memref<!tpu.dma_semaphore, #tpu.memory_space<semaphore_mem>>) {add = true}
      %dma_wait3A_477 = arith.constant 0 : i32
      %dma_wait3A_478 = arith.constant 0 : i32
      %dma_wait3A_479 = tpu.memref_slice %arg8[%dma_wait3A_477, %dma_wait3A_478] : memref<32x125xi32, #tpu.memory_space<vmem>> -> memref<1x125xi32, #tpu.memory_space<vmem>>
      %dma_wait3A_480 = tpu.memref_squeeze %dma_wait3A_479 : memref<1x125xi32, #tpu.memory_space<vmem>> -> memref<125xi32, #tpu.memory_space<vmem>>
      %dma_wait3A_481 = arith.constant 0 : i32
      %dma_wait3A_482 = arith.constant 0 : i32
      %dma_wait3A_483 = tpu.memref_slice %arg11[%dma_wait3A_481, %dma_wait3A_482] : memref<10000x128xf32, #tpu.memory_space<vmem_shared>> -> memref<10000x128xf32, #tpu.memory_space<vmem_shared>>
      tpu.wait_indirect_dma semaphore(%arg15 : memref<!tpu.dma_semaphore, #tpu.memory_space<semaphore_mem>>) src(%arg10 : memref<125x128xf32, #tpu.memory_space<vmem>>) dst(%dma_wait3A_483 : memref<10000x128xf32, #tpu.memory_space<vmem_shared>>)
      %add3A_484 = arith.constant 14 : i32
      %add3A_485 = arith.addi %mul3A_30, %add3A_484 : i32
      %add3A_486 = arith.constant 1 : i32
      %add3A_487 = arith.addi %add3A_485, %add3A_486 : i32
      %dma_start3A_488 = arith.constant 0 : i32
      %dma_start3A_489 = tpu.memref_slice %arg7[%add3A_487, %dma_start3A_488] : memref<32x125xi32, #tpu.memory_space<vmem>> -> memref<1x125xi32, #tpu.memory_space<vmem>>
      %dma_start3A_490 = tpu.memref_squeeze %dma_start3A_489 : memref<1x125xi32, #tpu.memory_space<vmem>> -> memref<125xi32, #tpu.memory_space<vmem>>
      %dma_start3A_491 = arith.constant 0 : i32
      %dma_start3A_492 = arith.constant 0 : i32
      %dma_start3A_493 = tpu.memref_slice %arg2[%dma_start3A_491, %dma_start3A_492] : memref<20000x128xf32, #tpu.memory_space<hbm>> -> memref<20000x128xf32, #tpu.memory_space<hbm>>
      tpu.enqueue_indirect_dma source(%dma_start3A_493 : memref<20000x128xf32, #tpu.memory_space<hbm>>) target(%arg10 : memref<125x128xf32, #tpu.memory_space<vmem>>) offsets(%dma_start3A_490 : memref<125xi32, #tpu.memory_space<vmem>>) semaphore(%arg13 : memref<!tpu.dma_semaphore, #tpu.memory_space<semaphore_mem>>)
      %dma_wait3A_494 = arith.constant 0 : i32
      %dma_wait3A_495 = tpu.memref_slice %arg7[%add3A_456, %dma_wait3A_494] : memref<32x125xi32, #tpu.memory_space<vmem>> -> memref<1x125xi32, #tpu.memory_space<vmem>>
      %dma_wait3A_496 = tpu.memref_squeeze %dma_wait3A_495 : memref<1x125xi32, #tpu.memory_space<vmem>> -> memref<125xi32, #tpu.memory_space<vmem>>
      %dma_wait3A_497 = arith.constant 0 : i32
      %dma_wait3A_498 = arith.constant 0 : i32
      %dma_wait3A_499 = tpu.memref_slice %arg2[%dma_wait3A_497, %dma_wait3A_498] : memref<20000x128xf32, #tpu.memory_space<hbm>> -> memref<20000x128xf32, #tpu.memory_space<hbm>>
      tpu.wait_indirect_dma semaphore(%arg12 : memref<!tpu.dma_semaphore, #tpu.memory_space<semaphore_mem>>) src(%dma_wait3A_499 : memref<20000x128xf32, #tpu.memory_space<hbm>>) dst(%arg9 : memref<125x128xf32, #tpu.memory_space<vmem>>)
      %add3A_500 = arith.constant 14 : i32
      %add3A_501 = arith.addi %mul3A_30, %add3A_500 : i32
      %dma_start3A_502 = arith.constant 0 : i32
      %dma_start3A_503 = tpu.memref_slice %arg8[%add3A_501, %dma_start3A_502] : memref<32x125xi32, #tpu.memory_space<vmem>> -> memref<1x125xi32, #tpu.memory_space<vmem>>
      %dma_start3A_504 = tpu.memref_squeeze %dma_start3A_503 : memref<1x125xi32, #tpu.memory_space<vmem>> -> memref<125xi32, #tpu.memory_space<vmem>>
      %dma_start3A_505 = arith.constant 0 : i32
      %dma_start3A_506 = arith.constant 0 : i32
      %dma_start3A_507 = tpu.memref_slice %arg11[%dma_start3A_505, %dma_start3A_506] : memref<10000x128xf32, #tpu.memory_space<vmem_shared>> -> memref<10000x128xf32, #tpu.memory_space<vmem_shared>>
      tpu.enqueue_indirect_dma source(%arg9 : memref<125x128xf32, #tpu.memory_space<vmem>>) target(%dma_start3A_507 : memref<10000x128xf32, #tpu.memory_space<vmem_shared>>) offsets(%dma_start3A_504 : memref<125xi32, #tpu.memory_space<vmem>>) semaphore(%arg14 : memref<!tpu.dma_semaphore, #tpu.memory_space<semaphore_mem>>) {add = true}
      %dma_wait3A_508 = arith.constant 0 : i32
      %dma_wait3A_509 = tpu.memref_slice %arg7[%add3A_487, %dma_wait3A_508] : memref<32x125xi32, #tpu.memory_space<vmem>> -> memref<1x125xi32, #tpu.memory_space<vmem>>
      %dma_wait3A_510 = tpu.memref_squeeze %dma_wait3A_509 : memref<1x125xi32, #tpu.memory_space<vmem>> -> memref<125xi32, #tpu.memory_space<vmem>>
      %dma_wait3A_511 = arith.constant 0 : i32
      %dma_wait3A_512 = arith.constant 0 : i32
      %dma_wait3A_513 = tpu.memref_slice %arg2[%dma_wait3A_511, %dma_wait3A_512] : memref<20000x128xf32, #tpu.memory_space<hbm>> -> memref<20000x128xf32, #tpu.memory_space<hbm>>
      tpu.wait_indirect_dma semaphore(%arg13 : memref<!tpu.dma_semaphore, #tpu.memory_space<semaphore_mem>>) src(%dma_wait3A_513 : memref<20000x128xf32, #tpu.memory_space<hbm>>) dst(%arg10 : memref<125x128xf32, #tpu.memory_space<vmem>>)
      %add3A_514 = arith.constant 15 : i32
      %add3A_515 = arith.addi %mul3A_30, %add3A_514 : i32
      %dma_start3A_516 = arith.constant 0 : i32
      %dma_start3A_517 = tpu.memref_slice %arg8[%add3A_515, %dma_start3A_516] : memref<32x125xi32, #tpu.memory_space<vmem>> -> memref<1x125xi32, #tpu.memory_space<vmem>>
      %dma_start3A_518 = tpu.memref_squeeze %dma_start3A_517 : memref<1x125xi32, #tpu.memory_space<vmem>> -> memref<125xi32, #tpu.memory_space<vmem>>
      %dma_start3A_519 = arith.constant 0 : i32
      %dma_start3A_520 = arith.constant 0 : i32
      %dma_start3A_521 = tpu.memref_slice %arg11[%dma_start3A_519, %dma_start3A_520] : memref<10000x128xf32, #tpu.memory_space<vmem_shared>> -> memref<10000x128xf32, #tpu.memory_space<vmem_shared>>
      tpu.enqueue_indirect_dma source(%arg10 : memref<125x128xf32, #tpu.memory_space<vmem>>) target(%dma_start3A_521 : memref<10000x128xf32, #tpu.memory_space<vmem_shared>>) offsets(%dma_start3A_518 : memref<125xi32, #tpu.memory_space<vmem>>) semaphore(%arg15 : memref<!tpu.dma_semaphore, #tpu.memory_space<semaphore_mem>>) {add = true}
      %add3A_522 = arith.constant 1 : i32
      %add3A_523 = arith.addi %scan3A_27, %add3A_522 : i32
      %lt3A_524 = arith.constant 10 : i32
      %lt3A_525 = arith.cmpi slt, %add3A_523, %lt3A_524 : i32
      %convert_element_type3A_526 = arith.extui %lt3A_525 : i1 to i32
      %cond3A_527 = arith.constant 0 : i32
      %cond3A_528 = arith.cmpi ne, %convert_element_type3A_526, %cond3A_527 : i32
      scf.if %cond3A_528 {
        %sub3A = arith.constant 1 : i32
        %sub3A_529 = arith.subi %sub3A, %rem3A_28 : i32
        %mul3A_530 = arith.constant 16 : i32
        %mul3A_531 = arith.muli %sub3A_529, %mul3A_530 : i32
        %dma_wait3A_532 = arith.constant 0 : i32
        %dma_wait3A_533 = tpu.memref_slice %arg7[%mul3A_531, %dma_wait3A_532] : memref<32x125xi32, #tpu.memory_space<vmem>> -> memref<16x125xi32, #tpu.memory_space<vmem>>
        %dma_wait3A_534 = arith.constant 0 : i32
        %dma_wait3A_535 = arith.constant 0 : i32
        %dma_wait3A_536 = tpu.memref_slice %arg3[%arg0, %dma_wait3A_534, %dma_wait3A_535] : memref<2x2560x125xi32, #tpu.memory_space<hbm>> -> memref<1x2560x125xi32, #tpu.memory_space<hbm>>
        %dma_wait3A_537 = tpu.memref_squeeze %dma_wait3A_536 : memref<1x2560x125xi32, #tpu.memory_space<hbm>> -> memref<2560x125xi32, #tpu.memory_space<hbm>>
        %dma_wait3A_538 = arith.constant 0 : i32
        %dma_wait3A_539 = tpu.memref_slice %dma_wait3A_537[%mul3A_2, %dma_wait3A_538] : memref<2560x125xi32, #tpu.memory_space<hbm>> -> memref<16x125xi32, #tpu.memory_space<hbm>>
        %dma_wait3A_540 = arith.constant 0 : i32
        %dma_wait3A_541 = tpu.memref_slice %arg7[%mul3A_531, %dma_wait3A_540] : memref<32x125xi32, #tpu.memory_space<vmem>> -> memref<16x125xi32, #tpu.memory_space<vmem>>
        %dma_wait3A_542 = arith.constant 0 : i32
        %dma_wait3A_543 = arith.constant 0 : i32
        %dma_wait3A_544 = tpu.memref_slice %arg3[%arg0, %dma_wait3A_542, %dma_wait3A_543] : memref<2x2560x125xi32, #tpu.memory_space<hbm>> -> memref<1x2560x125xi32, #tpu.memory_space<hbm>>
        %dma_wait3A_545 = tpu.memref_squeeze %dma_wait3A_544 : memref<1x2560x125xi32, #tpu.memory_space<hbm>> -> memref<2560x125xi32, #tpu.memory_space<hbm>>
        %dma_wait3A_546 = arith.constant 0 : i32
        %dma_wait3A_547 = tpu.memref_slice %dma_wait3A_545[%mul3A_2, %dma_wait3A_546] : memref<2560x125xi32, #tpu.memory_space<hbm>> -> memref<16x125xi32, #tpu.memory_space<hbm>>
        tpu.wait_dma2 semaphore(%arg16 : memref<!tpu.dma_semaphore, #tpu.memory_space<semaphore_mem>>) src(%dma_wait3A_547 : memref<16x125xi32, #tpu.memory_space<hbm>>) dst(%dma_wait3A_541 : memref<16x125xi32, #tpu.memory_space<vmem>>)
        %sub3A_548 = arith.constant 1 : i32
        %sub3A_549 = arith.subi %sub3A_548, %rem3A_28 : i32
        %mul3A_550 = arith.constant 16 : i32
        %mul3A_551 = arith.muli %sub3A_549, %mul3A_550 : i32
        %dma_wait3A_552 = arith.constant 0 : i32
        %dma_wait3A_553 = tpu.memref_slice %arg8[%mul3A_551, %dma_wait3A_552] : memref<32x125xi32, #tpu.memory_space<vmem>> -> memref<16x125xi32, #tpu.memory_space<vmem>>
        %dma_wait3A_554 = arith.constant 0 : i32
        %dma_wait3A_555 = tpu.memref_slice %arg4[%mul3A_2, %dma_wait3A_554] : memref<2560x125xi32, #tpu.memory_space<hbm>> -> memref<16x125xi32, #tpu.memory_space<hbm>>
        %dma_wait3A_556 = arith.constant 0 : i32
        %dma_wait3A_557 = tpu.memref_slice %arg8[%mul3A_551, %dma_wait3A_556] : memref<32x125xi32, #tpu.memory_space<vmem>> -> memref<16x125xi32, #tpu.memory_space<vmem>>
        %dma_wait3A_558 = arith.constant 0 : i32
        %dma_wait3A_559 = tpu.memref_slice %arg4[%mul3A_2, %dma_wait3A_558] : memref<2560x125xi32, #tpu.memory_space<hbm>> -> memref<16x125xi32, #tpu.memory_space<hbm>>
        tpu.wait_dma2 semaphore(%arg16 : memref<!tpu.dma_semaphore, #tpu.memory_space<semaphore_mem>>) src(%dma_wait3A_559 : memref<16x125xi32, #tpu.memory_space<hbm>>) dst(%dma_wait3A_557 : memref<16x125xi32, #tpu.memory_space<vmem>>)
      } else {
      }
    }
    %scan3A_7 = arith.constant 10 : i32
    %dma_wait3A = arith.constant 0 : i32
    %dma_wait3A_8 = arith.constant 0 : i32
    %dma_wait3A_9 = tpu.memref_slice %arg8[%dma_wait3A, %dma_wait3A_8] : memref<32x125xi32, #tpu.memory_space<vmem>> -> memref<1x125xi32, #tpu.memory_space<vmem>>
    %dma_wait3A_10 = tpu.memref_squeeze %dma_wait3A_9 : memref<1x125xi32, #tpu.memory_space<vmem>> -> memref<125xi32, #tpu.memory_space<vmem>>
    %dma_wait3A_11 = arith.constant 0 : i32
    %dma_wait3A_12 = arith.constant 0 : i32
    %dma_wait3A_13 = tpu.memref_slice %arg11[%dma_wait3A_11, %dma_wait3A_12] : memref<10000x128xf32, #tpu.memory_space<vmem_shared>> -> memref<10000x128xf32, #tpu.memory_space<vmem_shared>>
    tpu.wait_indirect_dma semaphore(%arg14 : memref<!tpu.dma_semaphore, #tpu.memory_space<semaphore_mem>>) src(%arg9 : memref<125x128xf32, #tpu.memory_space<vmem>>) dst(%dma_wait3A_13 : memref<10000x128xf32, #tpu.memory_space<vmem_shared>>)
    %dma_wait3A_14 = arith.constant 0 : i32
    %dma_wait3A_15 = arith.constant 0 : i32
    %dma_wait3A_16 = tpu.memref_slice %arg8[%dma_wait3A_14, %dma_wait3A_15] : memref<32x125xi32, #tpu.memory_space<vmem>> -> memref<1x125xi32, #tpu.memory_space<vmem>>
    %dma_wait3A_17 = tpu.memref_squeeze %dma_wait3A_16 : memref<1x125xi32, #tpu.memory_space<vmem>> -> memref<125xi32, #tpu.memory_space<vmem>>
    %dma_wait3A_18 = arith.constant 0 : i32
    %dma_wait3A_19 = arith.constant 0 : i32
    %dma_wait3A_20 = tpu.memref_slice %arg11[%dma_wait3A_18, %dma_wait3A_19] : memref<10000x128xf32, #tpu.memory_space<vmem_shared>> -> memref<10000x128xf32, #tpu.memory_space<vmem_shared>>
    tpu.wait_indirect_dma semaphore(%arg15 : memref<!tpu.dma_semaphore, #tpu.memory_space<semaphore_mem>>) src(%arg10 : memref<125x128xf32, #tpu.memory_space<vmem>>) dst(%dma_wait3A_20 : memref<10000x128xf32, #tpu.memory_space<vmem_shared>>)
    %barrier3A_21 = arith.constant 0 : index
    tpu.barrier barrier_id(%barrier3A_21)
    %eq3A_22 = arith.constant 0 : i32
    %eq3A_23 = arith.cmpi eq, %arg1, %eq3A_22 : i32
    %convert_element_type3A_24 = arith.extui %eq3A_23 : i1 to i32
    %cond3A_25 = arith.constant 0 : i32
    %cond3A_26 = arith.cmpi ne, %convert_element_type3A_24, %cond3A_25 : i32
    scf.if %cond3A_26 {
      %mul3A_27 = arith.constant 10000 : i32
      %mul3A_28 = arith.muli %arg0, %mul3A_27 : i32
      "tpu.region"() ({
        %run_scoped3A = tpu.sem_alloc : memref<!tpu.dma_semaphore, #tpu.memory_space<semaphore_mem>>
        %dma_start3A = arith.constant 0 : i32
        %dma_start3A_29 = tpu.memref_slice %arg6[%mul3A_28, %dma_start3A] : memref<20000x128xf32, #tpu.memory_space<hbm>> -> memref<10000x128xf32, #tpu.memory_space<hbm>>
        tpu.enqueue_dma source(%arg11 : memref<10000x128xf32, #tpu.memory_space<vmem_shared>>) target(%dma_start3A_29 : memref<10000x128xf32, #tpu.memory_space<hbm>>) target_semaphore(%run_scoped3A : memref<!tpu.dma_semaphore, #tpu.memory_space<semaphore_mem>>)
        %dma_wait3A_30 = arith.constant 0 : i32
        %dma_wait3A_31 = tpu.memref_slice %arg6[%mul3A_28, %dma_wait3A_30] : memref<20000x128xf32, #tpu.memory_space<hbm>> -> memref<10000x128xf32, #tpu.memory_space<hbm>>
        tpu.wait_dma2 semaphore(%run_scoped3A : memref<!tpu.dma_semaphore, #tpu.memory_space<semaphore_mem>>) src(%arg11 : memref<10000x128xf32, #tpu.memory_space<vmem_shared>>) dst(%dma_wait3A_31 : memref<10000x128xf32, #tpu.memory_space<hbm>>)
        tpu.yield
      }) : () -> ()
    } else {
    }
    return
  }
}

module attributes {stable_mosaic.version = 14 : i64} {
  func.func @_sage1_body(%arg0: i32, %arg1: memref<1000x128xf32, #tpu.memory_space<vmem>>, %arg2: memref<1000x128xf32, #tpu.memory_space<vmem>>, %arg3: memref<1000x1xf32, #tpu.memory_space<vmem>>, %arg4: memref<1000x1xf32, #tpu.memory_space<vmem>>, %arg5: memref<1000x128xf32, #tpu.memory_space<vmem>>, %arg6: memref<128x256xf32, #tpu.memory_space<vmem>>, %arg7: memref<1x256xf32, #tpu.memory_space<vmem>>, %arg8: memref<128x256xf32, #tpu.memory_space<vmem>>, %arg9: memref<1000x2x128xf32, #tpu.memory_space<vmem>>) attributes {dimension_semantics = [#tpu.dimension_semantics<arbitrary>], iteration_bounds = array<i64: 10>, scalar_prefetch = 0 : i64, scratch_operands = 0 : i64, tpu.core_type = #tpu.core_type<tc>, window_params = [{transform_indices = @transform_0, window_bounds = array<i64: 1000, 128>}, {transform_indices = @transform_1, window_bounds = array<i64: 1000, 128>}, {transform_indices = @transform_2, window_bounds = array<i64: 1000, 1>}, {transform_indices = @transform_3, window_bounds = array<i64: 1000, 1>}, {transform_indices = @transform_4, window_bounds = array<i64: 1000, 128>}, {pipeline_mode = #tpu.pipeline_mode<synchronous>, transform_indices = @transform_5, window_bounds = array<i64: 128, 256>}, {pipeline_mode = #tpu.pipeline_mode<synchronous>, transform_indices = @transform_6, window_bounds = array<i64: 1, 256>}, {pipeline_mode = #tpu.pipeline_mode<synchronous>, transform_indices = @transform_7, window_bounds = array<i64: 128, 256>}, {transform_indices = @transform_8, window_bounds = array<i64: 1000, 2, 128>}]} {
    %get3A = arith.constant 0 : index
    %get3A_0 = arith.constant 0 : index
    %get3A_1 = vector.load %arg3[%get3A, %get3A_0] : memref<1000x1xf32, #tpu.memory_space<vmem>>, vector<1000x1xf32>
    %get3A_2 = arith.constant 0 : index
    %get3A_3 = arith.constant 0 : index
    %get3A_4 = vector.load %arg4[%get3A_2, %get3A_3] : memref<1000x1xf32, #tpu.memory_space<vmem>>, vector<1000x1xf32>
    %add3A = arith.addf %get3A_1, %get3A_4 : vector<1000x1xf32>
    %max3A = arith.constant 1.000000e+00 : f32
    %max3A_5 = vector.broadcast %max3A : f32 to vector<1000x1xf32>
    %max3A_6 = arith.maximumf %add3A, %max3A_5 : vector<1000x1xf32>
    %div3A = arith.constant 1.000000e+00 : f32
    %div3A_7 = vector.broadcast %div3A : f32 to vector<1000x1xf32>
    %div3A_8 = arith.divf %div3A_7, %max3A_6 : vector<1000x1xf32>
    %get3A_9 = arith.constant 0 : index
    %get3A_10 = arith.constant 0 : index
    %get3A_11 = vector.load %arg1[%get3A_9, %get3A_10] : memref<1000x128xf32, #tpu.memory_space<vmem>>, vector<1000x128xf32>
    %get3A_12 = arith.constant 0 : index
    %get3A_13 = arith.constant 0 : index
    %get3A_14 = vector.load %arg2[%get3A_12, %get3A_13] : memref<1000x128xf32, #tpu.memory_space<vmem>>, vector<1000x128xf32>
    %add3A_15 = arith.addf %get3A_11, %get3A_14 : vector<1000x128xf32>
    %mul3A = vector.broadcast %div3A_8 : vector<1000x1xf32> to vector<1000x128xf32>
    %mul3A_16 = arith.mulf %add3A_15, %mul3A : vector<1000x128xf32>
    %get3A_17 = arith.constant 0 : index
    %get3A_18 = arith.constant 0 : index
    %get3A_19 = vector.load %arg6[%get3A_17, %get3A_18] : memref<128x256xf32, #tpu.memory_space<vmem>>, vector<128x256xf32>
    %dot_general3A = arith.constant dense<0.000000e+00> : vector<1000x256xf32>
    %dot_general3A_20 = tpu.matmul %mul3A_16, %get3A_19, %dot_general3A {dimension_numbers = #tpu.dot_dimension_numbers<[1], [0], [0], [1], [0, 0, 1, 1], [], []>, transpose_lhs_hint = false} : vector<1000x128xf32>, vector<128x256xf32>, vector<1000x256xf32> -> vector<1000x256xf32>
    %get3A_21 = arith.constant 0 : index
    %get3A_22 = arith.constant 0 : index
    %get3A_23 = vector.load %arg5[%get3A_21, %get3A_22] : memref<1000x128xf32, #tpu.memory_space<vmem>>, vector<1000x128xf32>
    %get3A_24 = arith.constant 0 : index
    %get3A_25 = arith.constant 0 : index
    %get3A_26 = vector.load %arg8[%get3A_24, %get3A_25] : memref<128x256xf32, #tpu.memory_space<vmem>>, vector<128x256xf32>
    %dot_general3A_27 = arith.constant dense<0.000000e+00> : vector<1000x256xf32>
    %dot_general3A_28 = tpu.matmul %get3A_23, %get3A_26, %dot_general3A_27 {dimension_numbers = #tpu.dot_dimension_numbers<[1], [0], [0], [1], [0, 0, 1, 1], [], []>, transpose_lhs_hint = false} : vector<1000x128xf32>, vector<128x256xf32>, vector<1000x256xf32> -> vector<1000x256xf32>
    %add3A_29 = arith.addf %dot_general3A_20, %dot_general3A_28 : vector<1000x256xf32>
    %get3A_30 = arith.constant 0 : index
    %get3A_31 = arith.constant 0 : index
    %get3A_32 = vector.load %arg7[%get3A_30, %get3A_31] : memref<1x256xf32, #tpu.memory_space<vmem>>, vector<1x256xf32>
    %add3A_33 = vector.broadcast %get3A_32 : vector<1x256xf32> to vector<1000x256xf32>
    %add3A_34 = arith.addf %add3A_29, %add3A_33 : vector<1000x256xf32>
    %max3A_35 = arith.constant 0.000000e+00 : f32
    %max3A_36 = vector.broadcast %max3A_35 : f32 to vector<1000x256xf32>
    %max3A_37 = arith.maximumf %add3A_34, %max3A_36 : vector<1000x256xf32>
    %slice3A = vector.extract_strided_slice %max3A_37 {offsets = [0, 0], sizes = [1000, 128], strides = [1, 1]} : vector<1000x256xf32> to vector<1000x128xf32>
    %swap3A = arith.constant 0 : index
    %swap3A_38 = arith.constant 0 : index
    %swap3A_39 = arith.constant 0 : index
    %swap3A_40 = vector.load %arg9[%swap3A, %swap3A_38, %swap3A_39] : memref<1000x2x128xf32, #tpu.memory_space<vmem>>, vector<1000x1x128xf32>
    %swap3A_41 = vector.shape_cast %swap3A_40 : vector<1000x1x128xf32> to vector<1000x128xf32>
    %swap3A_42 = vector.shape_cast %slice3A : vector<1000x128xf32> to vector<1000x1x128xf32>
    tpu.vector_store %arg9[%swap3A, %swap3A_38, %swap3A_39], %swap3A_42 {strides = array<i32>} : memref<1000x2x128xf32, #tpu.memory_space<vmem>>, vector<1000x1x128xf32>,
    %slice3A_43 = vector.extract_strided_slice %max3A_37 {offsets = [0, 128], sizes = [1000, 128], strides = [1, 1]} : vector<1000x256xf32> to vector<1000x128xf32>
    %swap3A_44 = arith.constant 0 : index
    %swap3A_45 = arith.constant 1 : index
    %swap3A_46 = arith.constant 0 : index
    %swap3A_47 = vector.load %arg9[%swap3A_44, %swap3A_45, %swap3A_46] : memref<1000x2x128xf32, #tpu.memory_space<vmem>>, vector<1000x1x128xf32>
    %swap3A_48 = vector.shape_cast %swap3A_47 : vector<1000x1x128xf32> to vector<1000x128xf32>
    %swap3A_49 = vector.shape_cast %slice3A_43 : vector<1000x128xf32> to vector<1000x1x128xf32>
    tpu.vector_store %arg9[%swap3A_44, %swap3A_45, %swap3A_46], %swap3A_49 {strides = array<i32>} : memref<1000x2x128xf32, #tpu.memory_space<vmem>>, vector<1000x1x128xf32>,
    return
  }
  func.func @transform_0(%arg0: i32) -> (i32, i32) {
    %c0_i32 = arith.constant 0 : i32
    %c0_i32_0 = arith.constant 0 : i32
    return %arg0, %c0_i32 : i32, i32
  }
  func.func @transform_1(%arg0: i32) -> (i32, i32) {
    %add3A = arith.constant 10 : i32
    %add3A_0 = arith.addi %arg0, %add3A : i32
    %c0_i32 = arith.constant 0 : i32
    %c0_i32_1 = arith.constant 0 : i32
    return %add3A_0, %c0_i32 : i32, i32
  }
  func.func @transform_2(%arg0: i32) -> (i32, i32) {
    %c0_i32 = arith.constant 0 : i32
    %c0_i32_0 = arith.constant 0 : i32
    return %arg0, %c0_i32 : i32, i32
  }
  func.func @transform_3(%arg0: i32) -> (i32, i32) {
    %c0_i32 = arith.constant 0 : i32
    %c0_i32_0 = arith.constant 0 : i32
    return %arg0, %c0_i32 : i32, i32
  }
  func.func @transform_4(%arg0: i32) -> (i32, i32) {
    %c0_i32 = arith.constant 0 : i32
    %c0_i32_0 = arith.constant 0 : i32
    return %arg0, %c0_i32 : i32, i32
  }
  func.func @transform_5(%arg0: i32) -> (i32, i32) {
    %c0_i32 = arith.constant 0 : i32
    %c0_i32_0 = arith.constant 0 : i32
    %c0_i32_1 = arith.constant 0 : i32
    return %c0_i32, %c0_i32_0 : i32, i32
  }
  func.func @transform_6(%arg0: i32) -> (i32, i32) {
    %c0_i32 = arith.constant 0 : i32
    %c0_i32_0 = arith.constant 0 : i32
    %c0_i32_1 = arith.constant 0 : i32
    return %c0_i32, %c0_i32_0 : i32, i32
  }
  func.func @transform_7(%arg0: i32) -> (i32, i32) {
    %c0_i32 = arith.constant 0 : i32
    %c0_i32_0 = arith.constant 0 : i32
    %c0_i32_1 = arith.constant 0 : i32
    return %c0_i32, %c0_i32_0 : i32, i32
  }
  func.func @transform_8(%arg0: i32) -> (i32, i32, i32) {
    %c0_i32 = arith.constant 0 : i32
    %c0_i32_0 = arith.constant 0 : i32
    %c0_i32_1 = arith.constant 0 : i32
    return %arg0, %c0_i32, %c0_i32_0 : i32, i32, i32
  }
}

module attributes {stable_mosaic.version = 14 : i64} {
  func.func @_sage2_pool_body(%arg0: i32, %arg1: memref<1000x128xf32, #tpu.memory_space<vmem>>, %arg2: memref<1000x128xf32, #tpu.memory_space<vmem>>, %arg3: memref<1000x1xf32, #tpu.memory_space<vmem>>, %arg4: memref<1000x1xf32, #tpu.memory_space<vmem>>, %arg5: memref<1000x2x128xf32, #tpu.memory_space<vmem>>, %arg6: memref<128x256xf32, #tpu.memory_space<vmem>>, %arg7: memref<128x256xf32, #tpu.memory_space<vmem>>, %arg8: memref<1x256xf32, #tpu.memory_space<vmem>>, %arg9: memref<128x256xf32, #tpu.memory_space<vmem>>, %arg10: memref<128x256xf32, #tpu.memory_space<vmem>>, %arg11: memref<1x256xf32, #tpu.memory_space<vmem>>) attributes {dimension_semantics = [#tpu.dimension_semantics<arbitrary>], iteration_bounds = array<i64: 10>, scalar_prefetch = 0 : i64, scratch_operands = 0 : i64, tpu.core_type = #tpu.core_type<tc>, window_params = [{transform_indices = @transform_0, window_bounds = array<i64: 1000, 128>}, {transform_indices = @transform_1, window_bounds = array<i64: 1000, 128>}, {transform_indices = @transform_2, window_bounds = array<i64: 1000, 1>}, {transform_indices = @transform_3, window_bounds = array<i64: 1000, 1>}, {transform_indices = @transform_4, window_bounds = array<i64: 1000, 2, 128>}, {pipeline_mode = #tpu.pipeline_mode<synchronous>, transform_indices = @transform_5, window_bounds = array<i64: 128, 256>}, {pipeline_mode = #tpu.pipeline_mode<synchronous>, transform_indices = @transform_6, window_bounds = array<i64: 128, 256>}, {pipeline_mode = #tpu.pipeline_mode<synchronous>, transform_indices = @transform_7, window_bounds = array<i64: 1, 256>}, {pipeline_mode = #tpu.pipeline_mode<synchronous>, transform_indices = @transform_8, window_bounds = array<i64: 128, 256>}, {pipeline_mode = #tpu.pipeline_mode<synchronous>, transform_indices = @transform_9, window_bounds = array<i64: 128, 256>}, {pipeline_mode = #tpu.pipeline_mode<synchronous>, transform_indices = @transform_10, window_bounds = array<i64: 1, 256>}]} {
    %get3A = arith.constant 0 : index
    %get3A_0 = arith.constant 0 : index
    %get3A_1 = vector.load %arg3[%get3A, %get3A_0] : memref<1000x1xf32, #tpu.memory_space<vmem>>, vector<1000x1xf32>
    %get3A_2 = arith.constant 0 : index
    %get3A_3 = arith.constant 0 : index
    %get3A_4 = vector.load %arg4[%get3A_2, %get3A_3] : memref<1000x1xf32, #tpu.memory_space<vmem>>, vector<1000x1xf32>
    %add3A = arith.addf %get3A_1, %get3A_4 : vector<1000x1xf32>
    %max3A = arith.constant 1.000000e+00 : f32
    %max3A_5 = vector.broadcast %max3A : f32 to vector<1000x1xf32>
    %max3A_6 = arith.maximumf %add3A, %max3A_5 : vector<1000x1xf32>
    %div3A = arith.constant 1.000000e+00 : f32
    %div3A_7 = vector.broadcast %div3A : f32 to vector<1000x1xf32>
    %div3A_8 = arith.divf %div3A_7, %max3A_6 : vector<1000x1xf32>
    %get3A_9 = arith.constant 0 : index
    %get3A_10 = arith.constant 0 : index
    %get3A_11 = vector.load %arg1[%get3A_9, %get3A_10] : memref<1000x128xf32, #tpu.memory_space<vmem>>, vector<1000x128xf32>
    %mul3A = vector.broadcast %div3A_8 : vector<1000x1xf32> to vector<1000x128xf32>
    %mul3A_12 = arith.mulf %get3A_11, %mul3A : vector<1000x128xf32>
    %get3A_13 = arith.constant 0 : index
    %get3A_14 = arith.constant 0 : index
    %get3A_15 = vector.load %arg2[%get3A_13, %get3A_14] : memref<1000x128xf32, #tpu.memory_space<vmem>>, vector<1000x128xf32>
    %mul3A_16 = vector.broadcast %div3A_8 : vector<1000x1xf32> to vector<1000x128xf32>
    %mul3A_17 = arith.mulf %get3A_15, %mul3A_16 : vector<1000x128xf32>
    %get3A_18 = arith.constant 0 : index
    %get3A_19 = arith.constant 0 : index
    %get3A_20 = arith.constant 0 : index
    %get3A_21 = vector.load %arg5[%get3A_18, %get3A_19, %get3A_20] : memref<1000x2x128xf32, #tpu.memory_space<vmem>>, vector<1000x1x128xf32>
    %get3A_22 = vector.shape_cast %get3A_21 : vector<1000x1x128xf32> to vector<1000x128xf32>
    %get3A_23 = arith.constant 0 : index
    %get3A_24 = arith.constant 1 : index
    %get3A_25 = arith.constant 0 : index
    %get3A_26 = vector.load %arg5[%get3A_23, %get3A_24, %get3A_25] : memref<1000x2x128xf32, #tpu.memory_space<vmem>>, vector<1000x1x128xf32>
    %get3A_27 = vector.shape_cast %get3A_26 : vector<1000x1x128xf32> to vector<1000x128xf32>
    %get3A_28 = arith.constant 0 : index
    %get3A_29 = arith.constant 0 : index
    %get3A_30 = vector.load %arg6[%get3A_28, %get3A_29] : memref<128x256xf32, #tpu.memory_space<vmem>>, vector<128x256xf32>
    %dot_general3A = arith.constant dense<0.000000e+00> : vector<1000x256xf32>
    %dot_general3A_31 = tpu.matmul %mul3A_12, %get3A_30, %dot_general3A {dimension_numbers = #tpu.dot_dimension_numbers<[1], [0], [0], [1], [0, 0, 1, 1], [], []>, transpose_lhs_hint = false} : vector<1000x128xf32>, vector<128x256xf32>, vector<1000x256xf32> -> vector<1000x256xf32>
    %get3A_32 = arith.constant 0 : index
    %get3A_33 = arith.constant 0 : index
    %get3A_34 = vector.load %arg7[%get3A_32, %get3A_33] : memref<128x256xf32, #tpu.memory_space<vmem>>, vector<128x256xf32>
    %dot_general3A_35 = arith.constant dense<0.000000e+00> : vector<1000x256xf32>
    %dot_general3A_36 = tpu.matmul %mul3A_17, %get3A_34, %dot_general3A_35 {dimension_numbers = #tpu.dot_dimension_numbers<[1], [0], [0], [1], [0, 0, 1, 1], [], []>, transpose_lhs_hint = false} : vector<1000x128xf32>, vector<128x256xf32>, vector<1000x256xf32> -> vector<1000x256xf32>
    %add3A_37 = arith.addf %dot_general3A_31, %dot_general3A_36 : vector<1000x256xf32>
    %get3A_38 = arith.constant 0 : index
    %get3A_39 = arith.constant 0 : index
    %get3A_40 = vector.load %arg9[%get3A_38, %get3A_39] : memref<128x256xf32, #tpu.memory_space<vmem>>, vector<128x256xf32>
    %dot_general3A_41 = arith.constant dense<0.000000e+00> : vector<1000x256xf32>
    %dot_general3A_42 = tpu.matmul %get3A_22, %get3A_40, %dot_general3A_41 {dimension_numbers = #tpu.dot_dimension_numbers<[1], [0], [0], [1], [0, 0, 1, 1], [], []>, transpose_lhs_hint = false} : vector<1000x128xf32>, vector<128x256xf32>, vector<1000x256xf32> -> vector<1000x256xf32>
    %add3A_43 = arith.addf %add3A_37, %dot_general3A_42 : vector<1000x256xf32>
    %get3A_44 = arith.constant 0 : index
    %get3A_45 = arith.constant 0 : index
    %get3A_46 = vector.load %arg10[%get3A_44, %get3A_45] : memref<128x256xf32, #tpu.memory_space<vmem>>, vector<128x256xf32>
    %dot_general3A_47 = arith.constant dense<0.000000e+00> : vector<1000x256xf32>
    %dot_general3A_48 = tpu.matmul %get3A_27, %get3A_46, %dot_general3A_47 {dimension_numbers = #tpu.dot_dimension_numbers<[1], [0], [0], [1], [0, 0, 1, 1], [], []>, transpose_lhs_hint = false} : vector<1000x128xf32>, vector<128x256xf32>, vector<1000x256xf32> -> vector<1000x256xf32>
    %add3A_49 = arith.addf %add3A_43, %dot_general3A_48 : vector<1000x256xf32>
    %get3A_50 = arith.constant 0 : index
    %get3A_51 = arith.constant 0 : index
    %get3A_52 = vector.load %arg8[%get3A_50, %get3A_51] : memref<1x256xf32, #tpu.memory_space<vmem>>, vector<1x256xf32>
    %add3A_53 = vector.broadcast %get3A_52 : vector<1x256xf32> to vector<1000x256xf32>
    %add3A_54 = arith.addf %add3A_49, %add3A_53 : vector<1000x256xf32>
    %max3A_55 = arith.constant 0.000000e+00 : f32
    %max3A_56 = vector.broadcast %max3A_55 : f32 to vector<1000x256xf32>
    %max3A_57 = arith.maximumf %add3A_54, %max3A_56 : vector<1000x256xf32>
    %reduce_sum3A = arith.constant dense<0.000000e+00> : vector<256xf32>
    %reduce_sum3A_58 = vector.multi_reduction <add>, %max3A_57, %reduce_sum3A [0] : vector<1000x256xf32> to vector<256xf32>
    %broadcast_in_dim3A = vector.shape_cast %reduce_sum3A_58 : vector<256xf32> to vector<1x256xf32>
    %eq3A = arith.constant 0 : i32
    %eq3A_59 = arith.cmpi eq, %arg0, %eq3A : i32
    %convert_element_type3A = arith.extui %eq3A_59 : i1 to i32
    %cond3A = arith.constant 0 : i32
    %cond3A_60 = arith.cmpi ne, %convert_element_type3A, %cond3A : i32
    scf.if %cond3A_60 {
      %broadcast_in_dim3A_70 = arith.constant 0.000000e+00 : f32
      %broadcast_in_dim3A_71 = vector.broadcast %broadcast_in_dim3A_70 : f32 to vector<1x256xf32>
      %swap3A_72 = arith.constant 0 : index
      %swap3A_73 = arith.constant 0 : index
      %swap3A_74 = vector.load %arg11[%swap3A_72, %swap3A_73] : memref<1x256xf32, #tpu.memory_space<vmem>>, vector<1x256xf32>
      tpu.vector_store %arg11[%swap3A_72, %swap3A_73], %broadcast_in_dim3A_71 {strides = array<i32>} : memref<1x256xf32, #tpu.memory_space<vmem>>, vector<1x256xf32>,
    } else {
    }
    %get3A_61 = arith.constant 0 : index
    %get3A_62 = arith.constant 0 : index
    %get3A_63 = vector.load %arg11[%get3A_61, %get3A_62] : memref<1x256xf32, #tpu.memory_space<vmem>>, vector<1x256xf32>
    %mul3A_64 = arith.constant 9.99999974E-5 : f32
    %mul3A_65 = vector.broadcast %mul3A_64 : f32 to vector<1x256xf32>
    %mul3A_66 = arith.mulf %broadcast_in_dim3A, %mul3A_65 : vector<1x256xf32>
    %add3A_67 = arith.addf %get3A_63, %mul3A_66 : vector<1x256xf32>
    %swap3A = arith.constant 0 : index
    %swap3A_68 = arith.constant 0 : index
    %swap3A_69 = vector.load %arg11[%swap3A, %swap3A_68] : memref<1x256xf32, #tpu.memory_space<vmem>>, vector<1x256xf32>
    tpu.vector_store %arg11[%swap3A, %swap3A_68], %add3A_67 {strides = array<i32>} : memref<1x256xf32, #tpu.memory_space<vmem>>, vector<1x256xf32>,
    return
  }
  func.func @transform_0(%arg0: i32) -> (i32, i32) {
    %c0_i32 = arith.constant 0 : i32
    %c0_i32_0 = arith.constant 0 : i32
    return %arg0, %c0_i32 : i32, i32
  }
  func.func @transform_1(%arg0: i32) -> (i32, i32) {
    %add3A = arith.constant 10 : i32
    %add3A_0 = arith.addi %arg0, %add3A : i32
    %c0_i32 = arith.constant 0 : i32
    %c0_i32_1 = arith.constant 0 : i32
    return %add3A_0, %c0_i32 : i32, i32
  }
  func.func @transform_2(%arg0: i32) -> (i32, i32) {
    %c0_i32 = arith.constant 0 : i32
    %c0_i32_0 = arith.constant 0 : i32
    return %arg0, %c0_i32 : i32, i32
  }
  func.func @transform_3(%arg0: i32) -> (i32, i32) {
    %c0_i32 = arith.constant 0 : i32
    %c0_i32_0 = arith.constant 0 : i32
    return %arg0, %c0_i32 : i32, i32
  }
  func.func @transform_4(%arg0: i32) -> (i32, i32, i32) {
    %c0_i32 = arith.constant 0 : i32
    %c0_i32_0 = arith.constant 0 : i32
    %c0_i32_1 = arith.constant 0 : i32
    return %arg0, %c0_i32, %c0_i32_0 : i32, i32, i32
  }
  func.func @transform_5(%arg0: i32) -> (i32, i32) {
    %c0_i32 = arith.constant 0 : i32
    %c0_i32_0 = arith.constant 0 : i32
    %c0_i32_1 = arith.constant 0 : i32
    return %c0_i32, %c0_i32_0 : i32, i32
  }
  func.func @transform_6(%arg0: i32) -> (i32, i32) {
    %c0_i32 = arith.constant 0 : i32
    %c0_i32_0 = arith.constant 0 : i32
    %c0_i32_1 = arith.constant 0 : i32
    return %c0_i32, %c0_i32_0 : i32, i32
  }
  func.func @transform_7(%arg0: i32) -> (i32, i32) {
    %c0_i32 = arith.constant 0 : i32
    %c0_i32_0 = arith.constant 0 : i32
    %c0_i32_1 = arith.constant 0 : i32
    return %c0_i32, %c0_i32_0 : i32, i32
  }
  func.func @transform_8(%arg0: i32) -> (i32, i32) {
    %c0_i32 = arith.constant 0 : i32
    %c0_i32_0 = arith.constant 0 : i32
    %c0_i32_1 = arith.constant 0 : i32
    return %c0_i32, %c0_i32_0 : i32, i32
  }
  func.func @transform_9(%arg0: i32) -> (i32, i32) {
    %c0_i32 = arith.constant 0 : i32
    %c0_i32_0 = arith.constant 0 : i32
    %c0_i32_1 = arith.constant 0 : i32
    return %c0_i32, %c0_i32_0 : i32, i32
  }
  func.func @transform_10(%arg0: i32) -> (i32, i32) {
    %c0_i32 = arith.constant 0 : i32
    %c0_i32_0 = arith.constant 0 : i32
    %c0_i32_1 = arith.constant 0 : i32
    return %c0_i32, %c0_i32_0 : i32, i32
  }
}

</mosaic_0001>

<sc_bundles>
// kernel: kernel.10.cloned.1.call-start
scs
__scs_entry_jumppad:
0x0: {  	(pc) =	sbr.rel $0x88, $3  }
0x1: {  	(tag) =	ssettag $0x0;
	lr =	simm.s32 $0x1  }
0x2: {  	[smem:$0x3F99] =	sst lr;
	_ =	strace $0xD0000000  }
0x3: {  	_ = 	snop  }
0x4: {  	_ = 	snop  }
0x5: {  	_ = 	snop  }
0x6: {  	_ = 	snop  }
0x7: {  	_ = 	snop  }
__scs_overlays_trampoline_lowered:
0x8: {  	[smem:$0x3FA8] =	sst s0  }
0x9: {  	[smem:$0x3FA9] =	sst s1  }
0xa: {  	[smem:$0x3FAA] =	sst s2  }
0xb: {  	[smem:$0x3FAB] =	sst s3  }
0xc: {  	[smem:$0x3FAC] =	sst s4  }
0xd: {  	[smem:$0x3FAD] =	sst s5  }
0xe: {  	[smem:$0x3FAE] =	sst s6  }
0xf: {  	[smem:$0x3FAF] =	sst s7  }
0x10: {  	[smem:$0x3FB0] =	sst s8  }
0x11: {  	[smem:$0x3FB1] =	sst s9;
	s0 =	simm.s32 @!p0 $0x0  }
0x12: {  	s1 =	sld [smem:$0x3F97];
	s0 =	simm.s32 @p0 $0x1  }
0x13: {  	[smem:$0x3FB2] =	sst s0;
	s0 =	simm.s32 @!p1 $0x0  }
0x14: {  	s2 =	sld [smem:$0x3F96];
	s0 =	simm.s32 @p1 $0x1  }
0x15: {  	[smem:$0x3FB3] =	sst s0;
	s0 =	simm.s32 @!p2 $0x0  }
0x16: {  	s3 =	sld [smem:$0x3FDB];
	s0 =	simm.s32 @p2 $0x1  }
0x17: {  	s4 =	simm.s32 $0x1BF5;
	[smem:$0x3FB5] =	sst s0  }
0x18: {  	s0 =	sld [smem:$0x3F98];
	_ =	swait.ge [sflag:s4], $0x0  }
0x19: {  	s7 =	sld [smem:$0x3F99]  }
0x1a: {  	s8 =	sadd.s32 $0xFFFFE003, lr  }
0x1b: {  	s9 =	sadd.s32 $0xFFFFFEF7, lr;
	s5 =	simm.s32 $0xFFFFFFFF;
	p2 =	slt.u32 s8, $0xFFFFF086  }
0x1c: {  	p1 =	slt.u32 s9, $0xF7A;
	s5 =	simm.s32 @!p2 $0x0  }
0x1d: {  	s5 =	simm.s32 @p1 $0x1;
	p0 =	seq.s32 s7, s2  }
0x1e: {  	s7 =	smul.u32 @!p0 $0xF7A, s2;
	p2 =	seq.s32 @!p0 s5, $0x0  }
0x1f: {  	s9 =	smul.u32 $0xF7A, s1;
	s8 =	simm.s32 @!p0 $0x1BF5;
	p2 =	por !p2, p0  }
0x20: {  	[sflag:s8] =	ssyncset.s32 @!p0 $0xFFFFF086;
	s6 =	sadd.s32 @!p0 s3, s7;
	s7 =	simm.s32 @!p0 $0x108  }
0x21: {  	s3 =	sadd.s32 s3, s9;
	s6 =	sadd.s32 @!p0 $0x88, s6;
	s7 =	simm.s32 @p2 $0x1082  }
0x22: {  	[simem:s7], [sflag:s8] =	dma.local @!p0 [hbm:s6], $0xF7A  }
0x23: {  	s9 =	sor.u32 $0xD0000000, s2;
	s6 =	simm.s32 $0x108;
	_ =	swait.ge @!p0 [sflag:s8], $0x0  }
0x24: {  	s3 =	sadd.s32 $0x88, s3;
	s6 =	simm.s32 @!p1 $0x1082;
	[sflag:s4] =	ssyncset.s32 $0xFFFFF086  }
0x25: {  	[simem:s6], [sflag:s4] =	dma.local [hbm:s3], $0xF7A  }
0x26: {  	[smem:$0x3F99] =	sst s1;
	(tag) =	ssettag s2;
	_ =	strace s9  }
0x27: {  	s1 =	sld [smem:$0x3FA9]  }
0x28: {  	s2 =	sld [smem:$0x3FAA]  }
0x29: {  	s4 =	sld [smem:$0x3FAC]  }
0x2a: {  	p0 =	seq.s32 s5, $0x0;
	s5 =	sld [smem:$0x3FAD]  }
0x2b: {  	s6 =	sld [smem:$0x3FAE]  }
0x2c: {  	s7 =	sld [smem:$0x3FAF]  }
0x2d: {  	s3 =	simm.s32 $0x108;
	s8 =	sld [smem:$0x3FB0]  }
0x2e: {  	s3 =	simm.s32 @!p0 $0x1082;
	s9 =	sld [smem:$0x3FB1]  }
0x2f: {  	lr =	sadd.s32 s0, s3;
	s0 =	sld [smem:$0x3FA8]  }
0x30: {  	s3 =	sld [smem:$0x3FAB]  }
0x31: {  	[smem:$0x3FB4] =	sst s10  }
0x32: {  	s10 =	sld [smem:$0x3FB2];
	_ =	sdelay $0x3  }
0x33: {  	p0 =	seq.s32 s10, $0x1;
	s10 =	sld [smem:$0x3FB4];
	_ =	sdelay $0x3  }
0x34: {  	[smem:$0x3FB4] =	sst s10  }
0x35: {  	s10 =	sld [smem:$0x3FB3];
	_ =	sdelay $0x3  }
0x36: {  	p1 =	seq.s32 s10, $0x1;
	s10 =	sld [smem:$0x3FB4];
	_ =	sdelay $0x3  }
0x37: {  	[smem:$0x3FB4] =	sst s10  }
0x38: {  	s10 =	sld [smem:$0x3FB5]  }
0x39: {  	_ = 	snop;
	(pc) =	sbr.ind lr, $3  }
0x3a: {  	_ = 	snop  }
0x3b: {  	_ = 	snop  }
0x3c: {  	p2 =	seq.s32 s10, $0x1;
	s10 =	sld [smem:$0x3FB4]  }
0x3d: {  	_ =	shalt  }
0x3e: {  	_ =	shalt  }
0x3f: {  	_ =	shalt  }
0x40: {  	_ =	shalt  }
0x41: {  	_ =	shalt  }
0x42: {  	_ =	shalt  }
0x43: {  	_ =	shalt  }
0x44: {  	_ =	shalt  }
0x45: {  	_ =	shalt  }
0x46: {  	_ =	shalt  }
0x47: {  	_ =	shalt  }
0x48: {  	_ =	shalt  }
0x49: {  	_ =	shalt  }
0x4a: {  	_ =	shalt  }
0x4b: {  	_ =	shalt  }
0x4c: {  	_ =	shalt  }
0x4d: {  	_ =	shalt  }
0x4e: {  	_ =	shalt  }
0x4f: {  	_ =	shalt  }
0x50: {  	_ =	shalt  }
0x51: {  	_ =	shalt  }
0x52: {  	_ =	shalt  }
0x53: {  	_ =	shalt  }
0x54: {  	_ =	shalt  }
0x55: {  	_ =	shalt  }
0x56: {  	_ =	shalt  }
0x57: {  	_ =	shalt  }
0x58: {  	_ =	shalt  }
0x59: {  	_ =	shalt  }
0x5a: {  	_ =	shalt  }
0x5b: {  	_ =	shalt  }
0x5c: {  	_ =	shalt  }
0x5d: {  	_ =	shalt  }
0x5e: {  	_ =	shalt  }
0x5f: {  	_ =	shalt  }
0x60: {  	_ =	shalt  }
0x61: {  	_ =	shalt  }
0x62: {  	_ =	shalt  }
0x63: {  	_ =	shalt  }
0x64: {  	_ =	shalt  }
0x65: {  	_ =	shalt  }
0x66: {  	_ =	shalt  }
0x67: {  	_ =	shalt  }
0x68: {  	_ =	shalt  }
0x69: {  	_ =	shalt  }
0x6a: {  	_ =	shalt  }
0x6b: {  	_ =	shalt  }
0x6c: {  	_ =	shalt  }
0x6d: {  	_ =	shalt  }
0x6e: {  	_ =	shalt  }
0x6f: {  	_ =	shalt  }
0x70: {  	_ =	shalt  }
0x71: {  	_ =	shalt  }
0x72: {  	_ =	shalt  }
0x73: {  	_ =	shalt  }
0x74: {  	_ =	shalt  }
0x75: {  	_ =	shalt  }
0x76: {  	_ =	shalt  }
0x77: {  	_ =	shalt  }
0x78: {  	_ =	shalt  }
0x79: {  	_ =	shalt  }
0x7a: {  	_ =	shalt  }
0x7b: {  	_ =	shalt  }
0x7c: {  	_ =	shalt  }
0x7d: {  	_ =	shalt  }
0x7e: {  	_ =	shalt  }
0x7f: {  	_ =	shalt  }
0x80: {  	_ =	shalt  }
0x81: {  	_ =	shalt  }
0x82: {  	_ =	shalt  }
0x83: {  	_ =	shalt  }
0x84: {  	_ =	shalt  }
0x85: {  	_ =	shalt  }
0x86: {  	_ =	shalt  }
0x87: {  	_ =	shalt  }
.Lfunc_end0:
.L_simem_size_0:
called_computation.1_lowered:
.L_overlay_start_0:
0x88: {  	s2 =	sld [smem:$0x3FD9]  }
0x89: {  	s3 =	sld [smem:$0x3FFE];
	_ =	sdelay $0x1  }
0x8a: {  	s1 =	srdreg.scid  }
0x8b: {  	s0 =	sand.u32 $0x1, s1  }
0x8c: {  	s16 =	sshll.u32 s0, $0xA;
	s2 =	sadd.s32 s3, s2  }
0x8d: {  	s2 =	sadd.s32 s2, s16  }
0x8e: {  	[smem:$0x3FC0] =	sst s2  }
0x8f: {  	_ = 	snop  }
0x90: {  	(tm) =	ssettm $0x1  }
0x91: {  	s17 =	sld [smem:$0x3FFB];
	_ =	sdelay $0x3  }
0x92: {  	_ =	strace s17  }
0x93: {  	s2 =	sld [smem:$0x3FFC];
	_ =	sdelay $0x3  }
0x94: {  	_ =	strace s2  }
0x95: {  	s2 =	sld [smem:$0x3FFD];
	_ =	sdelay $0x3  }
0x96: {  	_ =	strace s2  }
0x97: {  	_ =	strace $0x8FFFFFFF  }
0x98: {  	s18 =	sld [smem:$0x3FDB];
	_ =	sdelay $0x1  }
0x99: {  	s19 =	simm.s32 $_scs_section_size  }
0x9a: {  	s4 =	simm.s32 $_size__tile_overlayer_lowered;
	s5 =	simm.s32 $_tile_overlayer_lowered  }
0x9b: {  	s22 =	simm.s32 $0x1BFF;
	s21 =	sshll.u32 s5, $0x1;
	s2 =	sadd.s32 s19, s18  }
0x9c: {  	s6 =	simm.s32 $0x0;
	s20 =	sshll.u32 s4, $0x1;
	s4 =	sadd.s32 s21, s2  }
0x9d: {  	[timem:s6], [sflag:s22] =	dma.local [hbm:s4], s20  }
0x9e: {  	_ =	swait.ge [sflag:s22], s20  }
0x9f: {  	s3 =	ssub.s32 $0x0, s20;
	[sflag:s22] =	ssyncset.done $0x0  }
0xa0: {  	[sflag:s22] =	ssyncadd.s32 s3;
	_ =	sdelay $0x1  }
0xa1: {  	s23 =	simm.s32 $0x1B8B  }
0xa2: {  	_ =	swait.ge [sflag:s23], $0x1  }
0xa3: {  	[sflag:s23] =	ssyncset.done $0x0  }
0xa4: {  	s25 =	simm.s32 $0x1B8E;
	s24 =	sld [smem:$0x3FFE];
	[sflag:s23] =	ssyncadd.s32 $0xFFFFFFFF  }
0xa5: {  	s26 =	simm.s32 $execute0_lowered;
	[smem:$0x3FD2] =	sst s25  }
0xa6: {  	s4 =	sshll.u32 s26, $0x1;
	_ =	strace $0x80000046;
	[dreg:$0x1] =	wrdreg $0xFFFFFFFF  }
0xa7: {  	s28 =	simm.s32 $_size_execute0_lowered;
	s2 =	sadd.s32 s2, s4;
	[dreg:$0x0] =	wrdreg $0x0  }
0xa8: {  	s4 =	sshll.u32 s28, $0x1;
	[dreg:$0x2] =	wrdreg s2  }
0xa9: {  	[dreg:$0x3] =	wrdreg s4  }
0xaa: {  	[dreg:$0x4] =	wrdreg $0xC0  }
0xab: {  	_ =	task [dreg:s6], $0x5FFFF  }
0xac: {  	[dreg:$0x1] =	wrdreg $0xFFFFFFFF  }
0xad: {  	[dreg:$0x0] =	wrdreg $0x60  }
0xae: {  	[dreg:$0x2] =	wrdreg s24  }
0xaf: {  	[dreg:$0x3] =	wrdreg $0x4E800  }
0xb0: {  	[dreg:$0x4] =	wrdreg $0xA  }
0xb1: {  	_ =	task.clear_ibuf [dreg:s6], $0x5FFFF;
	_ =	strace $0x90000046  }
0xb2: {  	s29 =	simm.s32 $0xA;
	_ =	strace $0x80000048  }
0xb3: {  	_ =	swait.ge [sflag:s29], $0x1  }
0xb4: {  	[sflag:s29] =	ssyncadd.s32 $0xFFFFFFFF  }
0xb5: {  	_ =	strace $0x90000048  }
0xb6: {  	_ =	sfence  }
0xb7: {  	s30 =	sld [smem:$0x0];
	_ =	sdelay $0x2  }
0xb8: {  	s31 =	sshll.u32 s1, $0xD;
	s1 =	sshrl.u32 s1, $0x2  }
0xb9: {  	s3 =	sand.u32 $0x4000, s31;
	s1 =	sadd.s32 s1, s30  }
0xba: {  	s0 =	sor.u32 s3, s0;
	s1 =	sshll.u32 s1, $0x11  }
0xbb: {  	s0 =	sor.u32 s1, s0  }
0xbc: {  	s0 =	sadd.s32 $0x8F2B, s0  }
0xbd: {  	[sflag:s0] =	ssyncadd.remote.s32 $0x1  }
0xbe: {  	_ =	sfence.sel $0xFFFF  }
0xbf: {  	[dreg:$0x0] =	wrdreg $0xFFFFFFFF;
	(pc) =	sbr.abs _section_cstart, $3  }
0xc0: {  	[dreg:$0x1] =	wrdreg $0xFFFFFFFF  }
0xc1: {  	_ =	task.clear_ibuf [dreg:s6], $0x2FFFF;
	_ =	strace $0x9FFFFFFF  }
0xc2: {  	(tm) =	ssettm $0x7FFFFFFF  }
0xc3: {  	_ =	shalt  }
tec
execute0_lowered:
.L_overlay_start_1:
0x0: {  	(tag) =	ssettag $0x1  }
0x1: {  	s7 =	stileid.u32  }
0x2: {  	s0 =	srdreg.scid;
	s4 =	smul.u32 $0x2710, s7  }
0x3: {  	s1 =	rddreg [dreg:$0x0];
	s19 =	smul.u32 $0x500, s7  }
0x4: {  	s3 =	rddreg [dreg:$0x1];
	s5 =	simm.s32 $0x0;
	s22 =	smul.u32 $0xA000, s7  }
0x5: {  	s0 =	sand.u32 $0x1, s0;
	[smem:$0x7FF] =	sst s5;
	s7 =	smul.u32 $0xA00, s7  }
0x6: {  	s20 =	sadd.s32 $0xB200, s1;
	s2 =	smul.u32 $0x27100, s0;
	_ =	strace $0x80000047  }
0x7: {  	[dreg:$0x3] =	wrdreg s20;
	s25 =	sshrl.u32 s22, $0x2;
	s26 =	sshrl.u32 s7, $0x2  }
0x8: {  	s21 =	sshll.u32 s0, $0x7;
	s31 =	sadd.s32 s25, s3;
	s8 =	sadd.s32 s26, s3  }
0x9: {  	s0 =	ssub.s32 $0x2, s0;
	[dreg:$0x7] =	wrdreg s31;
	s3 =	sadd.s32 $0x2800, s8  }
0xa: {  	s6 =	sshrl.u32 s0, $0x1;
	s5 =	sadd.s32 $0x7800, s8;
	[dreg:$0x8] =	wrdreg s3  }
0xb: {  	s0 =	ssub.s32 s0, s6;
	s6 =	sadd.s32 $0xA000, s8;
	[dreg:$0xa] =	wrdreg s5  }
0xc: {  	s7 =	sadd.s32 $0xC800, s8;
	[dreg:$0xb] =	wrdreg s6  }
0xd: {  	s9 =	sadd.s32 $0xF000, s8;
	[dreg:$0xc] =	wrdreg s7  }
0xe: {  	s10 =	sadd.s32 $0x11800, s8;
	[dreg:$0xd] =	wrdreg s9  }
0xf: {  	s11 =	sadd.s32 $0x14000, s8;
	[dreg:$0xe] =	wrdreg s10  }
0x10: {  	s12 =	sadd.s32 $0x16800, s8;
	[dreg:$0xf] =	wrdreg s11  }
0x11: {  	s13 =	sadd.s32 $0x19000, s8;
	[dreg:$0x10] =	wrdreg s12  }
0x12: {  	s14 =	sadd.s32 $0x1B800, s8;
	[dreg:$0x11] =	wrdreg s13  }
0x13: {  	s15 =	sadd.s32 $0x1E000, s8;
	[dreg:$0x12] =	wrdreg s14  }
0x14: {  	s16 =	sadd.s32 $0x20800, s8;
	[dreg:$0x13] =	wrdreg s15  }
0x15: {  	s28 =	simm.s32 $0x4980;
	s17 =	sadd.s32 $0x23000, s8;
	[dreg:$0x14] =	wrdreg s16  }
0x16: {  	s29 =	simm.s32 $0x4AC0;
	s18 =	sadd.s32 $0x25800, s8;
	[dreg:$0x15] =	wrdreg s17  }
0x17: {  	s2 =	sadd.s32 s4, s2;
	s0 =	smax.u32 s0, $0x1;
	[dreg:$0x16] =	wrdreg s18  }
0x18: {  	s4 =	sor.u32 s21, s19;
	s19 =	sadd.s32 $0x140, s8;
	[dreg:$0x18] =	wrdreg s0  }
0x19: {  	s30 =	simm.s32 $0x0;
	s20 =	sadd.s32 $0x2940, s8;
	[dreg:$0x19] =	wrdreg s19  }
0x1a: {  	s2 =	sshrl.u32 s2, $0x3;
	s21 =	sadd.s32 $0x5140, s8;
	[dreg:$0x1a] =	wrdreg s20  }
0x1b: {  	s4 =	sshrl.u32 s4, $0x3;
	s22 =	sadd.s32 $0x7940, s8;
	[dreg:$0x1b] =	wrdreg s21  }
0x1c: {  	s25 =	sadd.s32 $0xF140, s8;
	s26 =	sadd.s32 $0x11940, s8;
	[dreg:$0x1c] =	wrdreg s22  }
0x1d: {  	s31 =	sadd.s32 $0x14140, s8;
	s2 =	sadd.s32 s2, s1;
	[dreg:$0x1f] =	wrdreg s25  }
0x1e: {  	s1 =	sadd.s32 s4, s1;
	s4 =	sadd.s32 $0x5000, s8;
	[smem:$0x7FC] =	sst s26  }
0x1f: {  	[smem:$0x7FD] =	sst s31;
	s5 =	sadd.s32 $0x19140, s8;
	s6 =	sadd.s32 $0x1B940, s8  }
0x20: {  	s7 =	sadd.s32 $0x1E140, s8;
	s9 =	sadd.s32 $0x20940, s8;
	s10 =	sadd.s32 $0x23140, s8  }
0x21: {  	s11 =	sadd.s32 $0x25940, s8;
	s12 =	simm.s32 $0x1000;
	s13 =	simm.s32 $0x1  }
0x22: {  	s14 =	simm.s32 $0x3800;
	s15 =	simm.s32 $0x3940;
	s16 =	simm.s32 $0x3A80  }
0x23: {  	s17 =	simm.s32 $0x3BC0;
	s18 =	simm.s32 $0x3D00;
	s19 =	simm.s32 $0x3E40  }
0x24: {  	s20 =	simm.s32 $0x3F80;
	s23 =	sadd.s32 $0x1400, s2;
	[dreg:$0x9] =	wrdreg s4  }
0x25: {  	s21 =	simm.s32 $0x40C0;
	s24 =	sadd.s32 $0x15F4, s2;
	[dreg:$0x4] =	wrdreg s23  }
0x26: {  	s22 =	simm.s32 $0x4200;
	s2 =	sadd.s32 $0x17E8, s2;
	[dreg:$0x5] =	wrdreg s24  }
0x27: {  	s25 =	simm.s32 $0x4700;
	s1 =	sadd.s32 $0xB800, s1;
	[dreg:$0x6] =	wrdreg s2  }
0x28: {  	s26 =	simm.s32 $0x4840;
	[dreg:$0x17] =	wrdreg s1;
	s23 =	sadd.s32 $0xA140, s8  }
0x29: {  	s4 =	sadd.s32 $0x16940, s8;
	s24 =	sadd.s32 $0xC940, s8;
	[dreg:$0x1d] =	wrdreg s23  }
0x2a: {  	[dreg:$0x1e] =	wrdreg s24;
	s23 =	simm.s32 $0x4480;
	s24 =	simm.s32 $0x45C0  }
.LBB2_1:
0x2b: {  	s0 =	simm.s32 $0x0;
	s1 =	rddreg [dreg:$0x3]  }
0x2c: {  	[tilespmem:s12], [sflag:$0x1] =	stream.linear.gather [hbm4b:s1+s0], $0x2800, $0x38;
	[tilespmem:$0x7680] =	vst v63  }
0x2d: {  	_ =	swait.ge [sflag:s13], $0x2800  }
0x2e: {  	[sflag:s13] =	ssyncset.done $0x0  }
0x2f: {  	s31 =	rddreg [dreg:$0x4];
	[sflag:s13] =	ssyncadd.s32 $0xFFFFD800  }
0x30: {  	[tilespmem:s0], [sflag:$0x1] =	stream.linear.gather [hbm4b:s31+s0], $0xFA0, $0x38;
	[tilespmem:$0x7680] =	vst v63  }
0x31: {  	_ =	swait.ge [sflag:s13], $0xFA0  }
0x32: {  	[sflag:s13] =	ssyncset.done $0x0  }
0x33: {  	s1 =	simm.s32 $0x0;
	s0 =	simm.s32 $0x40;
	[sflag:s13] =	ssyncadd.s32 $0xFFFFF060  }
.LBB2_2:
0x34: {  	p0 =	sne.s32 s0, $0x3E40;
	v0 =	vld [tilespmem:s1+$0x0];
	_ =	sdelay $0x4  }
0x35: {  	(xrf1) =	vunique.msk.u32 $0xffff, v0;
	_ =	sdelay $0xd  }
0x36: {  	_, v1, vm0 =	vpop (xrf1);
	_ =	sdelay $0x1  }
.Ltmp0:
0x37: {  	(pc) =	sbr.rel @p0 .LBB2_2-.Ltmp0, $3  }
0x38: {  	_ = 	snop  }
0x39: {  	v1 =	vcvt.s32.f32 v1;
	_ =	sdelay $0x1  }
0x3a: {  	s1 =	sshra.s32 s0, $0x2;
	s0 =	sadd.s32 $0x40, s0;
	[tilespmem:v0+s12+$0x0] =	vst.idx.add.f32.msk vm0, v1  }
0x3b: {  	v0 =	vld [tilespmem:s1+$0x0];
	_ =	sdelay $0x4  }
0x3c: {  	(xrf1) =	vunique.msk.u32 $0xffff, v0;
	_ =	sdelay $0xd  }
0x3d: {  	_, v1, vm0 =	vpop (xrf1);
	_ =	sdelay $0x3  }
0x3e: {  	v1 =	vcvt.s32.f32 v1;
	_ =	sdelay $0x1  }
0x3f: {  	s0 =	simm.s32 $0x0;
	s31 =	rddreg [dreg:$0x5];
	[tilespmem:v0+s12+$0x0] =	vst.idx.add.f32.msk vm0, v1  }
0x40: {  	[tilespmem:s0], [sflag:$0x1] =	stream.linear.gather [hbm4b:s31+s0], $0xFA0, $0x38;
	[tilespmem:$0x7680] =	vst v63  }
0x41: {  	_ =	swait.ge [sflag:s13], $0xFA0  }
0x42: {  	[sflag:s13] =	ssyncset.done $0x0  }
0x43: {  	s1 =	simm.s32 $0x0;
	s0 =	simm.s32 $0x40;
	[sflag:s13] =	ssyncadd.s32 $0xFFFFF060  }
.LBB2_4:
0x44: {  	p0 =	sne.s32 s0, $0x3E40;
	v0 =	vld [tilespmem:s1+$0x0];
	_ =	sdelay $0x4  }
0x45: {  	(xrf1) =	vunique.msk.u32 $0xffff, v0;
	_ =	sdelay $0xd  }
0x46: {  	_, v1, vm0 =	vpop (xrf1);
	_ =	sdelay $0x1  }
.Ltmp1:
0x47: {  	(pc) =	sbr.rel @p0 .LBB2_4-.Ltmp1, $3  }
0x48: {  	_ = 	snop  }
0x49: {  	v1 =	vcvt.s32.f32 v1;
	_ =	sdelay $0x1  }
0x4a: {  	s1 =	sshra.s32 s0, $0x2;
	s0 =	sadd.s32 $0x40, s0;
	[tilespmem:v0+s12+$0x0] =	vst.idx.add.f32.msk vm0, v1  }
0x4b: {  	v0 =	vld [tilespmem:s1+$0x0];
	_ =	sdelay $0x4  }
0x4c: {  	(xrf1) =	vunique.msk.u32 $0xffff, v0;
	_ =	sdelay $0xd  }
0x4d: {  	_, v1, vm0 =	vpop (xrf1);
	_ =	sdelay $0x3  }
0x4e: {  	v1 =	vcvt.s32.f32 v1;
	_ =	sdelay $0x1  }
0x4f: {  	s0 =	simm.s32 $0x0;
	s31 =	rddreg [dreg:$0x6];
	[tilespmem:v0+s12+$0x0] =	vst.idx.add.f32.msk vm0, v1  }
0x50: {  	[tilespmem:s0], [sflag:$0x1] =	stream.linear.gather [hbm4b:s31+s0], $0x7D0, $0x38;
	[tilespmem:$0x7680] =	vst v63  }
0x51: {  	_ =	swait.ge [sflag:s13], $0x7D0  }
0x52: {  	[sflag:s13] =	ssyncset.done $0x0  }
0x53: {  	s1 =	simm.s32 $0x0;
	s0 =	simm.s32 $0x40;
	[sflag:s13] =	ssyncadd.s32 $0xFFFFF830  }
.LBB2_6:
0x54: {  	p0 =	sne.s32 s0, $0x1F00;
	v0 =	vld [tilespmem:s1+$0x0];
	_ =	sdelay $0x4  }
0x55: {  	(xrf1) =	vunique.msk.u32 $0xffff, v0;
	_ =	sdelay $0xd  }
0x56: {  	_, v1, vm0 =	vpop (xrf1);
	_ =	sdelay $0x1  }
.Ltmp2:
0x57: {  	(pc) =	sbr.rel @p0 .LBB2_6-.Ltmp2, $3  }
0x58: {  	_ = 	snop  }
0x59: {  	v1 =	vcvt.s32.f32 v1;
	_ =	sdelay $0x1  }
0x5a: {  	s1 =	sshra.s32 s0, $0x2;
	s0 =	sadd.s32 $0x40, s0;
	[tilespmem:v0+s12+$0x0] =	vst.idx.add.f32.msk vm0, v1  }
0x5b: {  	v0 =	vld [tilespmem:s1+$0x0];
	_ =	sdelay $0x4  }
0x5c: {  	(xrf1) =	vunique.msk.u32 $0xffff, v0;
	_ =	sdelay $0xd  }
0x5d: {  	_, v1, vm0 =	vpop (xrf1);
	_ =	sdelay $0x3  }
0x5e: {  	v1 =	vcvt.s32.f32 v1;
	_ =	sdelay $0x1  }
0x5f: {  	s0 =	rddreg [dreg:$0x7];
	[tilespmem:v0+s12+$0x0] =	vst.idx.add.f32.msk vm0, v1  }
0x60: {  	[spmem:s0] =	stream.linear.scatter [tilespmem:s12], [sflag:$0x1], $0x2800, $0x38;
	[tilespmem:$0x7680] =	vst v63  }
0x61: {  	_ =	swait.ge [sflag:s13], $0x2800  }
0x62: {  	[sflag:s13] =	ssyncset.done $0x0  }
0x63: {  	[sflag:s13] =	ssyncadd.s32 $0xFFFFD800  }
0x64: {  	[bflag:$0x0] =	sbarrier.arrive $0xFFFF  }
0x65: {  	[tilespmem:s14], [sflag:$0x1] =	stream.linear.gather [spmem:s8], $0x140, $0x38;
	[tilespmem:$0x7680] =	vst v63  }
0x66: {  	_ =	swait.ge [sflag:s13], $0x140  }
0x67: {  	[sflag:s13] =	ssyncset.done $0x0  }
0x68: {  	s3 =	rddreg [dreg:$0x8];
	[sflag:s13] =	ssyncadd.s32 $0xFFFFFEC0  }
0x69: {  	[tilespmem:s15], [sflag:$0x1] =	stream.linear.gather [spmem:s3], $0x140, $0x38;
	[tilespmem:$0x7680] =	vst v63  }
0x6a: {  	_ =	swait.ge [sflag:s13], $0x140  }
0x6b: {  	[sflag:s13] =	ssyncset.done $0x0  }
0x6c: {  	s1 =	rddreg [dreg:$0x9];
	[sflag:s13] =	ssyncadd.s32 $0xFFFFFEC0  }
0x6d: {  	[tilespmem:s16], [sflag:$0x1] =	stream.linear.gather [spmem:s1], $0x140, $0x38;
	[tilespmem:$0x7680] =	vst v63  }
0x6e: {  	_ =	swait.ge [sflag:s13], $0x140  }
0x6f: {  	[sflag:s13] =	ssyncset.done $0x0  }
0x70: {  	s2 =	rddreg [dreg:$0xa];
	[sflag:s13] =	ssyncadd.s32 $0xFFFFFEC0  }
0x71: {  	[tilespmem:s17], [sflag:$0x1] =	stream.linear.gather [spmem:s2], $0x140, $0x38;
	[tilespmem:$0x7680] =	vst v63  }
0x72: {  	_ =	swait.ge [sflag:s13], $0x140  }
0x73: {  	[sflag:s13] =	ssyncset.done $0x0  }
0x74: {  	s3 =	rddreg [dreg:$0xb];
	[sflag:s13] =	ssyncadd.s32 $0xFFFFFEC0  }
0x75: {  	[tilespmem:s18], [sflag:$0x1] =	stream.linear.gather [spmem:s3], $0x140, $0x38;
	[tilespmem:$0x7680] =	vst v63  }
0x76: {  	_ =	swait.ge [sflag:s13], $0x140  }
0x77: {  	[sflag:s13] =	ssyncset.done $0x0  }
0x78: {  	s1 =	rddreg [dreg:$0xc];
	[sflag:s13] =	ssyncadd.s32 $0xFFFFFEC0  }
0x79: {  	[tilespmem:s19], [sflag:$0x1] =	stream.linear.gather [spmem:s1], $0x140, $0x38;
	[tilespmem:$0x7680] =	vst v63  }
0x7a: {  	_ =	swait.ge [sflag:s13], $0x140  }
0x7b: {  	[sflag:s13] =	ssyncset.done $0x0  }
0x7c: {  	s2 =	rddreg [dreg:$0xd];
	[sflag:s13] =	ssyncadd.s32 $0xFFFFFEC0  }
0x7d: {  	[tilespmem:s20], [sflag:$0x1] =	stream.linear.gather [spmem:s2], $0x140, $0x38;
	[tilespmem:$0x7680] =	vst v63  }
0x7e: {  	_ =	swait.ge [sflag:s13], $0x140  }
0x7f: {  	[sflag:s13] =	ssyncset.done $0x0  }
0x80: {  	s3 =	rddreg [dreg:$0xe];
	[sflag:s13] =	ssyncadd.s32 $0xFFFFFEC0  }
0x81: {  	[tilespmem:s21], [sflag:$0x1] =	stream.linear.gather [spmem:s3], $0x140, $0x38;
	[tilespmem:$0x7680] =	vst v63  }
0x82: {  	_ =	swait.ge [sflag:s13], $0x140  }
0x83: {  	[sflag:s13] =	ssyncset.done $0x0  }
0x84: {  	s1 =	rddreg [dreg:$0xf];
	[sflag:s13] =	ssyncadd.s32 $0xFFFFFEC0  }
0x85: {  	[tilespmem:s22], [sflag:$0x1] =	stream.linear.gather [spmem:s1], $0x140, $0x38;
	[tilespmem:$0x7680] =	vst v63  }
0x86: {  	_ =	swait.ge [sflag:s13], $0x140  }
0x87: {  	[sflag:s13] =	ssyncset.done $0x0  }
0x88: {  	s0 =	simm.s32 $0x4340;
	s2 =	rddreg [dreg:$0x10];
	[sflag:s13] =	ssyncadd.s32 $0xFFFFFEC0  }
0x89: {  	[tilespmem:s0], [sflag:$0x1] =	stream.linear.gather [spmem:s2], $0x140, $0x38;
	[tilespmem:$0x7680] =	vst v63  }
0x8a: {  	_ =	swait.ge [sflag:s13], $0x140  }
0x8b: {  	[sflag:s13] =	ssyncset.done $0x0  }
0x8c: {  	s3 =	rddreg [dreg:$0x11];
	[sflag:s13] =	ssyncadd.s32 $0xFFFFFEC0  }
0x8d: {  	[tilespmem:s23], [sflag:$0x1] =	stream.linear.gather [spmem:s3], $0x140, $0x38;
	[tilespmem:$0x7680] =	vst v63  }
0x8e: {  	_ =	swait.ge [sflag:s13], $0x140  }
0x8f: {  	[sflag:s13] =	ssyncset.done $0x0  }
0x90: {  	s2 =	rddreg [dreg:$0x12];
	[sflag:s13] =	ssyncadd.s32 $0xFFFFFEC0  }
0x91: {  	[tilespmem:s24], [sflag:$0x1] =	stream.linear.gather [spmem:s2], $0x140, $0x38;
	[tilespmem:$0x7680] =	vst v63  }
0x92: {  	_ =	swait.ge [sflag:s13], $0x140  }
0x93: {  	[sflag:s13] =	ssyncset.done $0x0  }
0x94: {  	s3 =	rddreg [dreg:$0x13];
	[sflag:s13] =	ssyncadd.s32 $0xFFFFFEC0  }
0x95: {  	[tilespmem:s25], [sflag:$0x1] =	stream.linear.gather [spmem:s3], $0x140, $0x38;
	[tilespmem:$0x7680] =	vst v63  }
0x96: {  	_ =	swait.ge [sflag:s13], $0x140  }
0x97: {  	[sflag:s13] =	ssyncset.done $0x0  }
0x98: {  	s2 =	rddreg [dreg:$0x14];
	[sflag:s13] =	ssyncadd.s32 $0xFFFFFEC0  }
0x99: {  	[tilespmem:s26], [sflag:$0x1] =	stream.linear.gather [spmem:s2], $0x140, $0x38;
	[tilespmem:$0x7680] =	vst v63  }
0x9a: {  	_ =	swait.ge [sflag:s13], $0x140  }
0x9b: {  	[sflag:s13] =	ssyncset.done $0x0  }
0x9c: {  	s3 =	rddreg [dreg:$0x15];
	[sflag:s13] =	ssyncadd.s32 $0xFFFFFEC0  }
0x9d: {  	[tilespmem:s28], [sflag:$0x1] =	stream.linear.gather [spmem:s3], $0x140, $0x38;
	[tilespmem:$0x7680] =	vst v63  }
0x9e: {  	_ =	swait.ge [sflag:s13], $0x140  }
0x9f: {  	[sflag:s13] =	ssyncset.done $0x0  }
0xa0: {  	s2 =	rddreg [dreg:$0x16];
	[sflag:s13] =	ssyncadd.s32 $0xFFFFFEC0  }
0xa1: {  	[tilespmem:s29], [sflag:$0x1] =	stream.linear.gather [spmem:s2], $0x140, $0x38;
	[tilespmem:$0x7680] =	vst v63  }
0xa2: {  	_ =	swait.ge [sflag:s13], $0x140  }
0xa3: {  	[sflag:s13] =	ssyncset.done $0x0  }
0xa4: {  	[sflag:s13] =	ssyncadd.s32 $0xFFFFFEC0  }
0xa5: {  	v0 =	vld [tilespmem:s0+$0xFFFFF600]  }
0xa6: {  	s3 =	simm.s32 $0x0;
	v1 =	vld [tilespmem:s0+$0xFFFFF4C0]  }
0xa7: {  	s1 =	sand.u32 $0x1F0, s3  }
0xa8: {  	v2 =	vld [tilespmem:s1+$0x3A80];
	_ =	sdelay $0x1  }
0xa9: {  	v3 =	vld [tilespmem:s0+$0xFFFFF880]  }
0xaa: {  	v0 =	vadd.f32 v0, v1  }
0xab: {  	v1 =	vld [tilespmem:s1+$0x3D00]  }
0xac: {  	v0 =	vadd.f32 v2, v0  }
0xad: {  	v2 =	vld [tilespmem:s0+$0xFFFFFB00]  }
0xae: {  	v0 =	vadd.f32 v3, v0  }
0xaf: {  	v3 =	vld [tilespmem:s1+$0x3F80]  }
0xb0: {  	v0 =	vadd.f32 v1, v0  }
0xb1: {  	v1 =	vld [tilespmem:s0+$0xFFFFFD80]  }
0xb2: {  	v0 =	vadd.f32 v2, v0  }
0xb3: {  	v2 =	vld [tilespmem:s1+$0x4200]  }
0xb4: {  	v0 =	vadd.f32 v3, v0  }
0xb5: {  	v3 =	vld [tilespmem:s0+$0x0]  }
0xb6: {  	v0 =	vadd.f32 v1, v0  }
0xb7: {  	v1 =	vld [tilespmem:s1+$0x4480]  }
0xb8: {  	v0 =	vadd.f32 v2, v0  }
0xb9: {  	v2 =	vld [tilespmem:s0+$0x280]  }
0xba: {  	v0 =	vadd.f32 v3, v0  }
0xbb: {  	v3 =	vld [tilespmem:s1+$0x4700]  }
0xbc: {  	v0 =	vadd.f32 v1, v0  }
0xbd: {  	v1 =	vld [tilespmem:s0+$0x500]  }
0xbe: {  	v0 =	vadd.f32 v2, v0  }
0xbf: {  	v2 =	vld [tilespmem:s1+$0x4980]  }
0xc0: {  	v0 =	vadd.f32 v3, v0  }
0xc1: {  	v3 =	vld [tilespmem:s0+$0x780]  }
0xc2: {  	v0 =	vadd.f32 v1, v0;
	_ =	sdelay $0x1  }
0xc3: {  	v0 =	vadd.f32 v2, v0;
	_ =	sdelay $0x1  }
0xc4: {  	v0 =	vadd.f32 v3, v0  }
0xc5: {  	s31 =	simm.s32 $0x4C00  }
0xc6: {  	s1 =	simm.s32 $0x4350;
	[tilespmem:s31+$0x0] =	vst v0  }
0xc7: {  	v0 =	vld [tilespmem:s1+$0xFFFFF600]  }
0xc8: {  	s2 =	simm.s32 $0x20;
	s0 =	simm.s32 $0x10;
	v1 =	vld [tilespmem:s1+$0xFFFFF4C0]  }
.LBB2_8:
0xc9: {  	p0 =	sne.s32 s2, $0x130;
	s3 =	sand.u32 $0x1F0, s0;
	s0 =	smov.u32 s2  }
0xca: {  	v2 =	vld [tilespmem:s3+$0x3A80];
	_ =	sdelay $0x1  }
0xcb: {  	v3 =	vld [tilespmem:s1+$0xFFFFF880]  }
0xcc: {  	v0 =	vadd.f32 v0, v1  }
0xcd: {  	v1 =	vld [tilespmem:s3+$0x3D00]  }
0xce: {  	v0 =	vadd.f32 v2, v0  }
0xcf: {  	v2 =	vld [tilespmem:s1+$0xFFFFFB00]  }
0xd0: {  	v0 =	vadd.f32 v3, v0  }
0xd1: {  	v3 =	vld [tilespmem:s3+$0x3F80]  }
0xd2: {  	v0 =	vadd.f32 v1, v0  }
0xd3: {  	v1 =	vld [tilespmem:s1+$0xFFFFFD80]  }
0xd4: {  	v0 =	vadd.f32 v2, v0  }
0xd5: {  	v2 =	vld [tilespmem:s3+$0x4200]  }
0xd6: {  	v0 =	vadd.f32 v3, v0  }
0xd7: {  	v3 =	vld [tilespmem:s1+$0x0]  }
0xd8: {  	v0 =	vadd.f32 v1, v0  }
0xd9: {  	v1 =	vld [tilespmem:s3+$0x4480]  }
0xda: {  	v0 =	vadd.f32 v2, v0  }
0xdb: {  	v2 =	vld [tilespmem:s1+$0x280]  }
0xdc: {  	v0 =	vadd.f32 v3, v0  }
0xdd: {  	v3 =	vld [tilespmem:s3+$0x4700]  }
0xde: {  	v0 =	vadd.f32 v1, v0  }
0xdf: {  	v1 =	vld [tilespmem:s1+$0x500]  }
0xe0: {  	v0 =	vadd.f32 v2, v0  }
0xe1: {  	v2 =	vld [tilespmem:s3+$0x4980]  }
0xe2: {  	v0 =	vadd.f32 v3, v0  }
0xe3: {  	v3 =	vld [tilespmem:s1+$0x780]  }
0xe4: {  	v0 =	vadd.f32 v1, v0;
	_ =	sdelay $0x1  }
0xe5: {  	v0 =	vadd.f32 v2, v0;
	_ =	sdelay $0x1  }
.Ltmp3:
0xe6: {  	v0 =	vadd.f32 v3, v0;
	(pc) =	sbr.rel @p0 .LBB2_8-.Ltmp3, $4  }
0xe7: {  	s31 =	sadd.s32 $0x10, s31  }
0xe8: {  	s1 =	sadd.s32 $0x10, s1;
	[tilespmem:s31+$0x0] =	vst v0  }
0xe9: {  	v0 =	vld [tilespmem:s1+$0xFFFFF600]  }
0xea: {  	s2 =	sadd.s32 $0x10, s2;
	v1 =	vld [tilespmem:s1+$0xFFFFF4C0]  }
0xeb: {  	s0 =	sand.u32 $0x1F0, s0  }
0xec: {  	v2 =	vld [tilespmem:s0+$0x3A80];
	_ =	sdelay $0x1  }
0xed: {  	v3 =	vld [tilespmem:s1+$0xFFFFF880]  }
0xee: {  	v0 =	vadd.f32 v0, v1  }
0xef: {  	v1 =	vld [tilespmem:s0+$0x3D00]  }
0xf0: {  	v0 =	vadd.f32 v2, v0  }
0xf1: {  	v2 =	vld [tilespmem:s1+$0xFFFFFB00]  }
0xf2: {  	v0 =	vadd.f32 v3, v0  }
0xf3: {  	v3 =	vld [tilespmem:s0+$0x3F80]  }
0xf4: {  	v0 =	vadd.f32 v1, v0  }
0xf5: {  	v1 =	vld [tilespmem:s1+$0xFFFFFD80]  }
0xf6: {  	v0 =	vadd.f32 v2, v0  }
0xf7: {  	v2 =	vld [tilespmem:s0+$0x4200]  }
0xf8: {  	v0 =	vadd.f32 v3, v0  }
0xf9: {  	v3 =	vld [tilespmem:s1+$0x0]  }
0xfa: {  	v0 =	vadd.f32 v1, v0  }
0xfb: {  	v1 =	vld [tilespmem:s0+$0x4480]  }
0xfc: {  	v0 =	vadd.f32 v2, v0  }
0xfd: {  	v2 =	vld [tilespmem:s1+$0x280]  }
0xfe: {  	v0 =	vadd.f32 v3, v0  }
0xff: {  	v3 =	vld [tilespmem:s0+$0x4700]  }
0x100: {  	v0 =	vadd.f32 v1, v0  }
0x101: {  	v1 =	vld [tilespmem:s1+$0x500]  }
0x102: {  	v0 =	vadd.f32 v2, v0  }
0x103: {  	v2 =	vld [tilespmem:s0+$0x4980]  }
0x104: {  	v0 =	vadd.f32 v3, v0  }
0x105: {  	v3 =	vld [tilespmem:s1+$0x780]  }
0x106: {  	v0 =	vadd.f32 v1, v0;
	_ =	sdelay $0x1  }
0x107: {  	v0 =	vadd.f32 v2, v0;
	_ =	sdelay $0x1  }
0x108: {  	v0 =	vadd.f32 v3, v0  }
0x109: {  	s1 =	sadd.s32 $0x10, s31  }
0x10a: {  	s2 =	rddreg [dreg:$0x19];
	[tilespmem:s1+$0x0] =	vst v0  }
0x10b: {  	[tilespmem:s14], [sflag:$0x1] =	stream.linear.gather [spmem:s2], $0x140, $0x38;
	[tilespmem:$0x7680] =	vst v63  }
0x10c: {  	_ =	swait.ge [sflag:s13], $0x140  }
0x10d: {  	[sflag:s13] =	ssyncset.done $0x0  }
0x10e: {  	s3 =	rddreg [dreg:$0x1a];
	[sflag:s13] =	ssyncadd.s32 $0xFFFFFEC0  }
0x10f: {  	[tilespmem:s15], [sflag:$0x1] =	stream.linear.gather [spmem:s3], $0x140, $0x38;
	[tilespmem:$0x7680] =	vst v63  }
0x110: {  	_ =	swait.ge [sflag:s13], $0x140  }
0x111: {  	[sflag:s13] =	ssyncset.done $0x0  }
0x112: {  	s1 =	rddreg [dreg:$0x1b];
	[sflag:s13] =	ssyncadd.s32 $0xFFFFFEC0  }
0x113: {  	[tilespmem:s16], [sflag:$0x1] =	stream.linear.gather [spmem:s1], $0x140, $0x38;
	[tilespmem:$0x7680] =	vst v63  }
0x114: {  	_ =	swait.ge [sflag:s13], $0x140  }
0x115: {  	[sflag:s13] =	ssyncset.done $0x0  }
0x116: {  	s2 =	rddreg [dreg:$0x1c];
	[sflag:s13] =	ssyncadd.s32 $0xFFFFFEC0  }
0x117: {  	[tilespmem:s17], [sflag:$0x1] =	stream.linear.gather [spmem:s2], $0x140, $0x38;
	[tilespmem:$0x7680] =	vst v63  }
0x118: {  	_ =	swait.ge [sflag:s13], $0x140  }
0x119: {  	[sflag:s13] =	ssyncset.done $0x0  }
0x11a: {  	s3 =	rddreg [dreg:$0x1d];
	[sflag:s13] =	ssyncadd.s32 $0xFFFFFEC0  }
0x11b: {  	[tilespmem:s18], [sflag:$0x1] =	stream.linear.gather [spmem:s3], $0x140, $0x38;
	[tilespmem:$0x7680] =	vst v63  }
0x11c: {  	_ =	swait.ge [sflag:s13], $0x140  }
0x11d: {  	[sflag:s13] =	ssyncset.done $0x0  }
0x11e: {  	s1 =	rddreg [dreg:$0x1e];
	[sflag:s13] =	ssyncadd.s32 $0xFFFFFEC0  }
0x11f: {  	[tilespmem:s19], [sflag:$0x1] =	stream.linear.gather [spmem:s1], $0x140, $0x38;
	[tilespmem:$0x7680] =	vst v63  }
0x120: {  	_ =	swait.ge [sflag:s13], $0x140  }
0x121: {  	[sflag:s13] =	ssyncset.done $0x0  }
0x122: {  	s2 =	rddreg [dreg:$0x1f];
	[sflag:s13] =	ssyncadd.s32 $0xFFFFFEC0  }
0x123: {  	[tilespmem:s20], [sflag:$0x1] =	stream.linear.gather [spmem:s2], $0x140, $0x38;
	[tilespmem:$0x7680] =	vst v63  }
0x124: {  	_ =	swait.ge [sflag:s13], $0x140  }
0x125: {  	s3 =	sld [smem:$0x7FC]  }
0x126: {  	[sflag:s13] =	ssyncset.done $0x0  }
0x127: {  	[sflag:s13] =	ssyncadd.s32 $0xFFFFFEC0  }
0x128: {  	[tilespmem:s21], [sflag:$0x1] =	stream.linear.gather [spmem:s3], $0x140, $0x38;
	[tilespmem:$0x7680] =	vst v63  }
0x129: {  	_ =	swait.ge [sflag:s13], $0x140  }
0x12a: {  	s1 =	sld [smem:$0x7FD]  }
0x12b: {  	[sflag:s13] =	ssyncset.done $0x0  }
0x12c: {  	[sflag:s13] =	ssyncadd.s32 $0xFFFFFEC0  }
0x12d: {  	[tilespmem:s22], [sflag:$0x1] =	stream.linear.gather [spmem:s1], $0x140, $0x38;
	[tilespmem:$0x7680] =	vst v63  }
0x12e: {  	_ =	swait.ge [sflag:s13], $0x140  }
0x12f: {  	[sflag:s13] =	ssyncset.done $0x0  }
0x130: {  	s2 =	simm.s32 $0x4340;
	[sflag:s13] =	ssyncadd.s32 $0xFFFFFEC0  }
0x131: {  	[tilespmem:s2], [sflag:$0x1] =	stream.linear.gather [spmem:s4], $0x140, $0x38;
	[tilespmem:$0x7680] =	vst v63  }
0x132: {  	_ =	swait.ge [sflag:s13], $0x140  }
0x133: {  	[sflag:s13] =	ssyncset.done $0x0  }
0x134: {  	[sflag:s13] =	ssyncadd.s32 $0xFFFFFEC0  }
0x135: {  	[tilespmem:s23], [sflag:$0x1] =	stream.linear.gather [spmem:s5], $0x140, $0x38;
	[tilespmem:$0x7680] =	vst v63  }
0x136: {  	_ =	swait.ge [sflag:s13], $0x140  }
0x137: {  	[sflag:s13] =	ssyncset.done $0x0  }
0x138: {  	[sflag:s13] =	ssyncadd.s32 $0xFFFFFEC0  }
0x139: {  	[tilespmem:s24], [sflag:$0x1] =	stream.linear.gather [spmem:s6], $0x140, $0x38;
	[tilespmem:$0x7680] =	vst v63  }
0x13a: {  	_ =	swait.ge [sflag:s13], $0x140  }
0x13b: {  	[sflag:s13] =	ssyncset.done $0x0  }
0x13c: {  	[sflag:s13] =	ssyncadd.s32 $0xFFFFFEC0  }
0x13d: {  	[tilespmem:s25], [sflag:$0x1] =	stream.linear.gather [spmem:s7], $0x140, $0x38;
	[tilespmem:$0x7680] =	vst v63  }
0x13e: {  	_ =	swait.ge [sflag:s13], $0x140  }
0x13f: {  	[sflag:s13] =	ssyncset.done $0x0  }
0x140: {  	[sflag:s13] =	ssyncadd.s32 $0xFFFFFEC0  }
0x141: {  	[tilespmem:s26], [sflag:$0x1] =	stream.linear.gather [spmem:s9], $0x140, $0x38;
	[tilespmem:$0x7680] =	vst v63  }
0x142: {  	_ =	swait.ge [sflag:s13], $0x140  }
0x143: {  	[sflag:s13] =	ssyncset.done $0x0  }
0x144: {  	[sflag:s13] =	ssyncadd.s32 $0xFFFFFEC0  }
0x145: {  	[tilespmem:s28], [sflag:$0x1] =	stream.linear.gather [spmem:s10], $0x140, $0x38;
	[tilespmem:$0x7680] =	vst v63  }
0x146: {  	_ =	swait.ge [sflag:s13], $0x140  }
0x147: {  	[sflag:s13] =	ssyncset.done $0x0  }
0x148: {  	[sflag:s13] =	ssyncadd.s32 $0xFFFFFEC0  }
0x149: {  	[tilespmem:s29], [sflag:$0x1] =	stream.linear.gather [spmem:s11], $0x140, $0x38;
	[tilespmem:$0x7680] =	vst v63  }
0x14a: {  	_ =	swait.ge [sflag:s13], $0x140  }
0x14b: {  	[sflag:s13] =	ssyncset.done $0x0  }
0x14c: {  	[sflag:s13] =	ssyncadd.s32 $0xFFFFFEC0  }
0x14d: {  	v0 =	vld [tilespmem:s2+$0xFFFFF600]  }
0x14e: {  	s3 =	simm.s32 $0x0;
	v1 =	vld [tilespmem:s2+$0xFFFFF4C0]  }
0x14f: {  	s1 =	sand.u32 $0x1F0, s3  }
0x150: {  	v2 =	vld [tilespmem:s1+$0x3A80];
	_ =	sdelay $0x1  }
0x151: {  	v3 =	vld [tilespmem:s2+$0xFFFFF880]  }
0x152: {  	v0 =	vadd.f32 v0, v1  }
0x153: {  	v1 =	vld [tilespmem:s1+$0x3D00]  }
0x154: {  	v0 =	vadd.f32 v2, v0  }
0x155: {  	v2 =	vld [tilespmem:s2+$0xFFFFFB00]  }
0x156: {  	v0 =	vadd.f32 v3, v0  }
0x157: {  	v3 =	vld [tilespmem:s1+$0x3F80]  }
0x158: {  	v0 =	vadd.f32 v1, v0  }
0x159: {  	v1 =	vld [tilespmem:s2+$0xFFFFFD80]  }
0x15a: {  	v0 =	vadd.f32 v2, v0  }
0x15b: {  	v2 =	vld [tilespmem:s1+$0x4200]  }
0x15c: {  	v0 =	vadd.f32 v3, v0  }
0x15d: {  	v3 =	vld [tilespmem:s2+$0x0]  }
0x15e: {  	v0 =	vadd.f32 v1, v0  }
0x15f: {  	v1 =	vld [tilespmem:s1+$0x4480]  }
0x160: {  	v0 =	vadd.f32 v2, v0  }
0x161: {  	v2 =	vld [tilespmem:s2+$0x280]  }
0x162: {  	v0 =	vadd.f32 v3, v0  }
0x163: {  	v3 =	vld [tilespmem:s1+$0x4700]  }
0x164: {  	v0 =	vadd.f32 v1, v0  }
0x165: {  	v1 =	vld [tilespmem:s2+$0x500]  }
0x166: {  	v0 =	vadd.f32 v2, v0  }
0x167: {  	v2 =	vld [tilespmem:s1+$0x4980]  }
0x168: {  	v0 =	vadd.f32 v3, v0  }
0x169: {  	v3 =	vld [tilespmem:s2+$0x780]  }
0x16a: {  	v0 =	vadd.f32 v1, v0;
	_ =	sdelay $0x1  }
0x16b: {  	v0 =	vadd.f32 v2, v0;
	_ =	sdelay $0x1  }
0x16c: {  	v0 =	vadd.f32 v3, v0  }
0x16d: {  	s31 =	simm.s32 $0x4D40  }
0x16e: {  	s1 =	simm.s32 $0x4350;
	[tilespmem:s31+$0x0] =	vst v0  }
0x16f: {  	v0 =	vld [tilespmem:s1+$0xFFFFF600]  }
0x170: {  	s0 =	simm.s32 $0x10;
	s2 =	simm.s32 $0x20;
	v1 =	vld [tilespmem:s1+$0xFFFFF4C0]  }
.LBB2_10:
0x171: {  	p0 =	sne.s32 s2, $0x130;
	s3 =	sand.u32 $0x1F0, s0;
	s0 =	smov.u32 s2  }
0x172: {  	v2 =	vld [tilespmem:s3+$0x3A80];
	_ =	sdelay $0x1  }
0x173: {  	v3 =	vld [tilespmem:s1+$0xFFFFF880]  }
0x174: {  	v0 =	vadd.f32 v0, v1  }
0x175: {  	v1 =	vld [tilespmem:s3+$0x3D00]  }
0x176: {  	v0 =	vadd.f32 v2, v0  }
0x177: {  	v2 =	vld [tilespmem:s1+$0xFFFFFB00]  }
0x178: {  	v0 =	vadd.f32 v3, v0  }
0x179: {  	v3 =	vld [tilespmem:s3+$0x3F80]  }
0x17a: {  	v0 =	vadd.f32 v1, v0  }
0x17b: {  	v1 =	vld [tilespmem:s1+$0xFFFFFD80]  }
0x17c: {  	v0 =	vadd.f32 v2, v0  }
0x17d: {  	v2 =	vld [tilespmem:s3+$0x4200]  }
0x17e: {  	v0 =	vadd.f32 v3, v0  }
0x17f: {  	v3 =	vld [tilespmem:s1+$0x0]  }
0x180: {  	v0 =	vadd.f32 v1, v0  }
0x181: {  	v1 =	vld [tilespmem:s3+$0x4480]  }
0x182: {  	v0 =	vadd.f32 v2, v0  }
0x183: {  	v2 =	vld [tilespmem:s1+$0x280]  }
0x184: {  	v0 =	vadd.f32 v3, v0  }
0x185: {  	v3 =	vld [tilespmem:s3+$0x4700]  }
0x186: {  	v0 =	vadd.f32 v1, v0  }
0x187: {  	v1 =	vld [tilespmem:s1+$0x500]  }
0x188: {  	v0 =	vadd.f32 v2, v0  }
0x189: {  	v2 =	vld [tilespmem:s3+$0x4980]  }
0x18a: {  	v0 =	vadd.f32 v3, v0  }
0x18b: {  	v3 =	vld [tilespmem:s1+$0x780]  }
0x18c: {  	v0 =	vadd.f32 v1, v0;
	_ =	sdelay $0x1  }
0x18d: {  	v0 =	vadd.f32 v2, v0;
	_ =	sdelay $0x1  }
.Ltmp4:
0x18e: {  	v0 =	vadd.f32 v3, v0;
	(pc) =	sbr.rel @p0 .LBB2_10-.Ltmp4, $4  }
0x18f: {  	s31 =	sadd.s32 $0x10, s31  }
0x190: {  	s1 =	sadd.s32 $0x10, s1;
	[tilespmem:s31+$0x0] =	vst v0  }
0x191: {  	v0 =	vld [tilespmem:s1+$0xFFFFF600]  }
0x192: {  	s2 =	sadd.s32 $0x10, s2;
	v1 =	vld [tilespmem:s1+$0xFFFFF4C0]  }
0x193: {  	s0 =	sand.u32 $0x1F0, s0  }
0x194: {  	v2 =	vld [tilespmem:s0+$0x3A80];
	_ =	sdelay $0x1  }
0x195: {  	v3 =	vld [tilespmem:s1+$0xFFFFF880]  }
0x196: {  	v0 =	vadd.f32 v0, v1  }
0x197: {  	v52 =	vld [tilespmem:s0+$0x3D00]  }
0x198: {  	v0 =	vadd.f32 v2, v0  }
0x199: {  	v53 =	vld [tilespmem:s1+$0xFFFFFB00]  }
0x19a: {  	v0 =	vadd.f32 v3, v0  }
0x19b: {  	v54 =	vld [tilespmem:s0+$0x3F80]  }
0x19c: {  	v0 =	vadd.f32 v52, v0  }
0x19d: {  	v55 =	vld [tilespmem:s1+$0xFFFFFD80]  }
0x19e: {  	v0 =	vadd.f32 v53, v0  }
0x19f: {  	v56 =	vld [tilespmem:s0+$0x4200]  }
0x1a0: {  	v0 =	vadd.f32 v54, v0  }
0x1a1: {  	v57 =	vld [tilespmem:s1+$0x0]  }
0x1a2: {  	v0 =	vadd.f32 v55, v0  }
0x1a3: {  	v58 =	vld [tilespmem:s0+$0x4480]  }
0x1a4: {  	v0 =	vadd.f32 v56, v0  }
0x1a5: {  	v59 =	vld [tilespmem:s1+$0x280]  }
0x1a6: {  	v0 =	vadd.f32 v57, v0  }
0x1a7: {  	v60 =	vld [tilespmem:s0+$0x4700]  }
0x1a8: {  	v0 =	vadd.f32 v58, v0  }
0x1a9: {  	v61 =	vld [tilespmem:s1+$0x500]  }
0x1aa: {  	v0 =	vadd.f32 v59, v0  }
0x1ab: {  	v62 =	vld [tilespmem:s0+$0x4980]  }
0x1ac: {  	v0 =	vadd.f32 v60, v0  }
0x1ad: {  	v63 =	vld [tilespmem:s1+$0x780]  }
0x1ae: {  	v0 =	vadd.f32 v61, v0;
	_ =	sdelay $0x1  }
0x1af: {  	v0 =	vadd.f32 v62, v0;
	_ =	sdelay $0x1  }
0x1b0: {  	v0 =	vadd.f32 v63, v0  }
0x1b1: {  	s31 =	sadd.s32 $0x10, s31;
	s1 =	rddreg [dreg:$0x17]  }
0x1b2: {  	s2 =	simm.s32 $0x100;
	s3 =	simm.s32 $0x4C00;
	[tilespmem:s31+$0x0] =	vst v0;
	s31 =	simm.s32 $0x80  }
0x1b3: {  	[hbm4b:s1+s31] =	stream.strided.scatter [tilespmem:s3], [sflag:$0x1], $0x280, s2, s31, $0x38;
	[tilespmem:$0x7680] =	vst v63  }
0x1b4: {  	_ =	swait.ge [sflag:s13], $0x280  }
0x1b5: {  	s30 =	sadd.s32 $0x1, s30;
	s31 =	rddreg [dreg:$0x18]  }
0x1b6: {  	p0 =	sne.s32 s30, s31  }
.Ltmp5:
0x1b7: {  	_ = 	snop;
	(pc) =	sbr.rel @p0 .LBB2_1-.Ltmp5, $3  }
0x1b8: {  	_ =	sdelay $0x1  }
0x1b9: {  	[sflag:s13] =	ssyncset.done $0x0  }
0x1ba: {  	[sflag:s13] =	ssyncadd.s32 $0xFFFFFD80  }
0x1bb: {  	_ =	sfence.sel $0x180000  }
0x1bc: {  	[bflag:$0x0] =	sbarrier.arrive $0xFFFF  }
0x1bd: {  	_ =	strace $0x90000047  }
0x1be: {  	s0 =	stileid.u32;
	[bflag:$0x2] =	sbarrier.arrive $0xFFFF  }
0x1bf: {  	p0 =	sne.s32 s0, $0x0;
	s0 =	rddreg [dreg:$0x2]  }
0x1c0: {  	s0 =	sadd.s32 @!p0 $0x100000, s0  }
0x1c1: {  	[sflag:s0] =	ssyncadd.tile.s32 @!p0 $0x1;
	_ =	shalt  }
.Lfunc_end2:
_tile_overlayer_lowered:
.L_overlay_start_2:
0x1c2: {  	(tag) =	ssettag $0x2  }
0x1c3: {  	s0 =	rddreg [dreg:$0x0];
	s2 =	stileid.u32  }
0x1c4: {  	s1 =	rddreg [dreg:$0x1];
	p0 =	sne.s32 s2, $0x0  }
0x1c5: {  	s3 =	rddreg [dreg:$0x2];
	[bflag:$0x3] =	sbarrier.arrive $0xFFFF;
	s2 =	simm.s32 @!p0 $0x1C01  }
0x1c6: {  	[timem:s3], [sflag:s2] =	dma.local @!p0 [hbm:s0], s1  }
0x1c7: {  	s0 =	simm.s32 @!p0 $0x1  }
0x1c8: {  	_ =	swait.ge @!p0 [sflag:s0], s1  }
0x1c9: {  	s1 =	ssub.s32 @!p0 $0x0, s1;
	[sflag:s0] =	ssyncset.done @!p0 $0x0  }
0x1ca: {  	[sflag:s0] =	ssyncadd.s32 @!p0 s1  }
0x1cb: {  	[bflag:$0x3] =	sbarrier.arrive $0xFFFF  }
0x1cc: {  	_ =	shalt  }

// kernel: kernel.13.cloned.1.call-start
scs
__scs_entry_jumppad:
0x0: {  	(pc) =	sbr.rel $0x88, $3  }
0x1: {  	(tag) =	ssettag $0x0;
	lr =	simm.s32 $0x1  }
0x2: {  	[smem:$0x3F99] =	sst lr;
	_ =	strace $0xD0000000  }
0x3: {  	_ = 	snop  }
0x4: {  	_ = 	snop  }
0x5: {  	_ = 	snop  }
0x6: {  	_ = 	snop  }
0x7: {  	_ = 	snop  }
__scs_overlays_trampoline_lowered:
0x8: {  	[smem:$0x3FA8] =	sst s0  }
0x9: {  	[smem:$0x3FA9] =	sst s1  }
0xa: {  	[smem:$0x3FAA] =	sst s2  }
0xb: {  	[smem:$0x3FAB] =	sst s3  }
0xc: {  	[smem:$0x3FAC] =	sst s4  }
0xd: {  	[smem:$0x3FAD] =	sst s5  }
0xe: {  	[smem:$0x3FAE] =	sst s6  }
0xf: {  	[smem:$0x3FAF] =	sst s7  }
0x10: {  	[smem:$0x3FB0] =	sst s8  }
0x11: {  	[smem:$0x3FB1] =	sst s9;
	s0 =	simm.s32 @!p0 $0x0  }
0x12: {  	s1 =	sld [smem:$0x3F97];
	s0 =	simm.s32 @p0 $0x1  }
0x13: {  	[smem:$0x3FB2] =	sst s0;
	s0 =	simm.s32 @!p1 $0x0  }
0x14: {  	s2 =	sld [smem:$0x3F96];
	s0 =	simm.s32 @p1 $0x1  }
0x15: {  	[smem:$0x3FB3] =	sst s0;
	s0 =	simm.s32 @!p2 $0x0  }
0x16: {  	s3 =	sld [smem:$0x3FDB];
	s0 =	simm.s32 @p2 $0x1  }
0x17: {  	s4 =	simm.s32 $0x1BF5;
	[smem:$0x3FB5] =	sst s0  }
0x18: {  	s0 =	sld [smem:$0x3F98];
	_ =	swait.ge [sflag:s4], $0x0  }
0x19: {  	s7 =	sld [smem:$0x3F99]  }
0x1a: {  	s8 =	sadd.s32 $0xFFFFE003, lr  }
0x1b: {  	s9 =	sadd.s32 $0xFFFFFEF7, lr;
	s5 =	simm.s32 $0xFFFFFFFF;
	p2 =	slt.u32 s8, $0xFFFFF086  }
0x1c: {  	p1 =	slt.u32 s9, $0xF7A;
	s5 =	simm.s32 @!p2 $0x0  }
0x1d: {  	s5 =	simm.s32 @p1 $0x1;
	p0 =	seq.s32 s7, s2  }
0x1e: {  	s7 =	smul.u32 @!p0 $0xF7A, s2;
	p2 =	seq.s32 @!p0 s5, $0x0  }
0x1f: {  	s9 =	smul.u32 $0xF7A, s1;
	s8 =	simm.s32 @!p0 $0x1BF5;
	p2 =	por !p2, p0  }
0x20: {  	[sflag:s8] =	ssyncset.s32 @!p0 $0xFFFFF086;
	s6 =	sadd.s32 @!p0 s3, s7;
	s7 =	simm.s32 @!p0 $0x108  }
0x21: {  	s3 =	sadd.s32 s3, s9;
	s6 =	sadd.s32 @!p0 $0x88, s6;
	s7 =	simm.s32 @p2 $0x1082  }
0x22: {  	[simem:s7], [sflag:s8] =	dma.local @!p0 [hbm:s6], $0xF7A  }
0x23: {  	s9 =	sor.u32 $0xD0000000, s2;
	s6 =	simm.s32 $0x108;
	_ =	swait.ge @!p0 [sflag:s8], $0x0  }
0x24: {  	s3 =	sadd.s32 $0x88, s3;
	s6 =	simm.s32 @!p1 $0x1082;
	[sflag:s4] =	ssyncset.s32 $0xFFFFF086  }
0x25: {  	[simem:s6], [sflag:s4] =	dma.local [hbm:s3], $0xF7A  }
0x26: {  	[smem:$0x3F99] =	sst s1;
	(tag) =	ssettag s2;
	_ =	strace s9  }
0x27: {  	s1 =	sld [smem:$0x3FA9]  }
0x28: {  	s2 =	sld [smem:$0x3FAA]  }
0x29: {  	s4 =	sld [smem:$0x3FAC]  }
0x2a: {  	p0 =	seq.s32 s5, $0x0;
	s5 =	sld [smem:$0x3FAD]  }
0x2b: {  	s6 =	sld [smem:$0x3FAE]  }
0x2c: {  	s7 =	sld [smem:$0x3FAF]  }
0x2d: {  	s3 =	simm.s32 $0x108;
	s8 =	sld [smem:$0x3FB0]  }
0x2e: {  	s3 =	simm.s32 @!p0 $0x1082;
	s9 =	sld [smem:$0x3FB1]  }
0x2f: {  	lr =	sadd.s32 s0, s3;
	s0 =	sld [smem:$0x3FA8]  }
0x30: {  	s3 =	sld [smem:$0x3FAB]  }
0x31: {  	[smem:$0x3FB4] =	sst s10  }
0x32: {  	s10 =	sld [smem:$0x3FB2];
	_ =	sdelay $0x3  }
0x33: {  	p0 =	seq.s32 s10, $0x1;
	s10 =	sld [smem:$0x3FB4];
	_ =	sdelay $0x3  }
0x34: {  	[smem:$0x3FB4] =	sst s10  }
0x35: {  	s10 =	sld [smem:$0x3FB3];
	_ =	sdelay $0x3  }
0x36: {  	p1 =	seq.s32 s10, $0x1;
	s10 =	sld [smem:$0x3FB4];
	_ =	sdelay $0x3  }
0x37: {  	[smem:$0x3FB4] =	sst s10  }
0x38: {  	s10 =	sld [smem:$0x3FB5]  }
0x39: {  	_ = 	snop;
	(pc) =	sbr.ind lr, $3  }
0x3a: {  	_ = 	snop  }
0x3b: {  	_ = 	snop  }
0x3c: {  	p2 =	seq.s32 s10, $0x1;
	s10 =	sld [smem:$0x3FB4]  }
0x3d: {  	_ =	shalt  }
0x3e: {  	_ =	shalt  }
0x3f: {  	_ =	shalt  }
0x40: {  	_ =	shalt  }
0x41: {  	_ =	shalt  }
0x42: {  	_ =	shalt  }
0x43: {  	_ =	shalt  }
0x44: {  	_ =	shalt  }
0x45: {  	_ =	shalt  }
0x46: {  	_ =	shalt  }
0x47: {  	_ =	shalt  }
0x48: {  	_ =	shalt  }
0x49: {  	_ =	shalt  }
0x4a: {  	_ =	shalt  }
0x4b: {  	_ =	shalt  }
0x4c: {  	_ =	shalt  }
0x4d: {  	_ =	shalt  }
0x4e: {  	_ =	shalt  }
0x4f: {  	_ =	shalt  }
0x50: {  	_ =	shalt  }
0x51: {  	_ =	shalt  }
0x52: {  	_ =	shalt  }
0x53: {  	_ =	shalt  }
0x54: {  	_ =	shalt  }
0x55: {  	_ =	shalt  }
0x56: {  	_ =	shalt  }
0x57: {  	_ =	shalt  }
0x58: {  	_ =	shalt  }
0x59: {  	_ =	shalt  }
0x5a: {  	_ =	shalt  }
0x5b: {  	_ =	shalt  }
0x5c: {  	_ =	shalt  }
0x5d: {  	_ =	shalt  }
0x5e: {  	_ =	shalt  }
0x5f: {  	_ =	shalt  }
0x60: {  	_ =	shalt  }
0x61: {  	_ =	shalt  }
0x62: {  	_ =	shalt  }
0x63: {  	_ =	shalt  }
0x64: {  	_ =	shalt  }
0x65: {  	_ =	shalt  }
0x66: {  	_ =	shalt  }
0x67: {  	_ =	shalt  }
0x68: {  	_ =	shalt  }
0x69: {  	_ =	shalt  }
0x6a: {  	_ =	shalt  }
0x6b: {  	_ =	shalt  }
0x6c: {  	_ =	shalt  }
0x6d: {  	_ =	shalt  }
0x6e: {  	_ =	shalt  }
0x6f: {  	_ =	shalt  }
0x70: {  	_ =	shalt  }
0x71: {  	_ =	shalt  }
0x72: {  	_ =	shalt  }
0x73: {  	_ =	shalt  }
0x74: {  	_ =	shalt  }
0x75: {  	_ =	shalt  }
0x76: {  	_ =	shalt  }
0x77: {  	_ =	shalt  }
0x78: {  	_ =	shalt  }
0x79: {  	_ =	shalt  }
0x7a: {  	_ =	shalt  }
0x7b: {  	_ =	shalt  }
0x7c: {  	_ =	shalt  }
0x7d: {  	_ =	shalt  }
0x7e: {  	_ =	shalt  }
0x7f: {  	_ =	shalt  }
0x80: {  	_ =	shalt  }
0x81: {  	_ =	shalt  }
0x82: {  	_ =	shalt  }
0x83: {  	_ =	shalt  }
0x84: {  	_ =	shalt  }
0x85: {  	_ =	shalt  }
0x86: {  	_ =	shalt  }
0x87: {  	_ =	shalt  }
.Lfunc_end0:
.L_simem_size_0:
called_computation.2_lowered:
.L_overlay_start_0:
0x88: {  	s2 =	sld [smem:$0x3FD9]  }
0x89: {  	s3 =	sld [smem:$0x3FFE];
	_ =	sdelay $0x1  }
0x8a: {  	s1 =	srdreg.scid  }
0x8b: {  	s0 =	sand.u32 $0x1, s1  }
0x8c: {  	s16 =	sshll.u32 s0, $0xA;
	s2 =	sadd.s32 s3, s2  }
0x8d: {  	s2 =	sadd.s32 s2, s16  }
0x8e: {  	[smem:$0x3FC0] =	sst s2  }
0x8f: {  	_ = 	snop  }
0x90: {  	(tm) =	ssettm $0x1  }
0x91: {  	s17 =	sld [smem:$0x3FFB];
	_ =	sdelay $0x3  }
0x92: {  	_ =	strace s17  }
0x93: {  	s2 =	sld [smem:$0x3FFC];
	_ =	sdelay $0x3  }
0x94: {  	_ =	strace s2  }
0x95: {  	s2 =	sld [smem:$0x3FFD];
	_ =	sdelay $0x3  }
0x96: {  	_ =	strace s2  }
0x97: {  	_ =	strace $0x8FFFFFFF  }
0x98: {  	s18 =	sld [smem:$0x3FDB];
	_ =	sdelay $0x1  }
0x99: {  	s19 =	simm.s32 $_scs_section_size  }
0x9a: {  	s4 =	simm.s32 $_size__tile_overlayer_lowered;
	s5 =	simm.s32 $_tile_overlayer_lowered  }
0x9b: {  	s22 =	simm.s32 $0x1BFF;
	s21 =	sshll.u32 s5, $0x1;
	s2 =	sadd.s32 s19, s18  }
0x9c: {  	s6 =	simm.s32 $0x0;
	s20 =	sshll.u32 s4, $0x1;
	s4 =	sadd.s32 s21, s2  }
0x9d: {  	[timem:s6], [sflag:s22] =	dma.local [hbm:s4], s20  }
0x9e: {  	_ =	swait.ge [sflag:s22], s20  }
0x9f: {  	s3 =	ssub.s32 $0x0, s20;
	[sflag:s22] =	ssyncset.done $0x0  }
0xa0: {  	[sflag:s22] =	ssyncadd.s32 s3;
	_ =	sdelay $0x1  }
0xa1: {  	s23 =	simm.s32 $0x1B8B  }
0xa2: {  	_ =	swait.ge [sflag:s23], $0x1  }
0xa3: {  	[sflag:s23] =	ssyncset.done $0x0  }
0xa4: {  	s25 =	simm.s32 $0x1B8E;
	s24 =	sld [smem:$0x3FFE];
	[sflag:s23] =	ssyncadd.s32 $0xFFFFFFFF  }
0xa5: {  	s26 =	simm.s32 $execute0_lowered;
	[smem:$0x3FD2] =	sst s25  }
0xa6: {  	s4 =	sshll.u32 s26, $0x1;
	_ =	strace $0x8000004C;
	[dreg:$0x1] =	wrdreg $0xFFFFFFFF  }
0xa7: {  	s28 =	simm.s32 $_size_execute0_lowered;
	s2 =	sadd.s32 s2, s4;
	[dreg:$0x0] =	wrdreg $0x0  }
0xa8: {  	s4 =	sshll.u32 s28, $0x1;
	[dreg:$0x2] =	wrdreg s2  }
0xa9: {  	[dreg:$0x3] =	wrdreg s4  }
0xaa: {  	[dreg:$0x4] =	wrdreg $0xC0  }
0xab: {  	_ =	task [dreg:s6], $0x5FFFF  }
0xac: {  	[dreg:$0x1] =	wrdreg $0xFFFFFFFF  }
0xad: {  	[dreg:$0x0] =	wrdreg $0x60  }
0xae: {  	[dreg:$0x2] =	wrdreg s24  }
0xaf: {  	[dreg:$0x3] =	wrdreg $0xA0000  }
0xb0: {  	[dreg:$0x4] =	wrdreg $0x9  }
0xb1: {  	_ =	task.clear_ibuf [dreg:s6], $0x5FFFF;
	_ =	strace $0x9000004C  }
0xb2: {  	s29 =	simm.s32 $0x9;
	_ =	strace $0x8000004E  }
0xb3: {  	_ =	swait.ge [sflag:s29], $0x1  }
0xb4: {  	[sflag:s29] =	ssyncadd.s32 $0xFFFFFFFF  }
0xb5: {  	_ =	strace $0x9000004E  }
0xb6: {  	_ =	sfence  }
0xb7: {  	s30 =	sld [smem:$0x0];
	_ =	sdelay $0x2  }
0xb8: {  	s31 =	sshll.u32 s1, $0xD;
	s1 =	sshrl.u32 s1, $0x2  }
0xb9: {  	s3 =	sand.u32 $0x4000, s31;
	s1 =	sadd.s32 s1, s30  }
0xba: {  	s0 =	sor.u32 s3, s0;
	s1 =	sshll.u32 s1, $0x11  }
0xbb: {  	s0 =	sor.u32 s1, s0  }
0xbc: {  	s0 =	sadd.s32 $0x8F2B, s0  }
0xbd: {  	[sflag:s0] =	ssyncadd.remote.s32 $0x1  }
0xbe: {  	_ =	sfence.sel $0xFFFF  }
0xbf: {  	[dreg:$0x0] =	wrdreg $0xFFFFFFFF;
	(pc) =	sbr.abs _section_cstart, $3  }
0xc0: {  	[dreg:$0x1] =	wrdreg $0xFFFFFFFF  }
0xc1: {  	_ =	task.clear_ibuf [dreg:s6], $0x2FFFF;
	_ =	strace $0x9FFFFFFF  }
0xc2: {  	(tm) =	ssettm $0x7FFFFFFF  }
0xc3: {  	_ =	shalt  }
tec
execute0_lowered:
.L_overlay_start_1:
0x0: {  	(tag) =	ssettag $0x1  }
0x1: {  	s5 =	rddreg [dreg:$0x0]  }
0x2: {  	s1 =	rddreg [dreg:$0x1]  }
0x3: {  	s2 =	srdreg.scid;
	s0 =	rddreg [dreg:$0x2]  }
0x4: {  	s8 =	stileid.u32;
	s12 =	simm.s32 $0x1000;
	s15 =	simm.s32 $0x2000  }
0x5: {  	s16 =	simm.s32 $0x6000;
	s17 =	simm.s32 $0x1;
	s18 =	simm.s32 $0x3  }
0x6: {  	s19 =	simm.s32 $0x2;
	s20 =	simm.s32 $0x4;
	s21 =	simm.s32 $0x0  }
0x7: {  	s4 =	sand.u32 $0x1, s2;
	s2 =	simm.s32 $0x0;
	s10 =	smul.u32 $0xA00, s8  }
0x8: {  	s3 =	sadd.s32 $0xA9600, s5;
	p0 =	sne.s32 s8, $0x0;
	s6 =	smul.u32 $0xA000, s4  }
0x9: {  	[smem:$0x7FF] =	sst s2;
	s7 =	smul.u32 $0x27100, s4;
	s11 =	ssub.s32 $0x2, s4  }
0xa: {  	s4 =	sadd.s32 $0x20200, s5;
	_ =	strace $0x8000004D;
	s9 =	sadd.s32 s10, s5  }
0xb: {  	s31 =	sshrl.u32 s11, $0x1;
	s14 =	sor.u32 $0x100, s10;
	s6 =	sadd.s32 s6, s5  }
0xc: {  	s7 =	sadd.s32 s7, s5;
	s11 =	ssub.s32 s11, s31;
	s5 =	sadd.s32 $0xC200, s9  }
0xd: {  	s8 =	sadd.s32 $0xC300, s9;
	s9 =	sshrl.u32 @!p0 s1, $0x3;
	s13 =	sadd.s32 $0x95600, s6  }
0xe: {  	s6 =	sadd.s32 $0x47400, s7;
	s7 =	smax.u32 s11, $0x1;
	s11 =	simm.s32 $0x6  }
0xf: {  	s10 =	sadd.s32 s10, s13;
	s13 =	sadd.s32 s13, s14;
	s14 =	simm.s32 $0x7D  }
.LBB2_1:
0x10: {  	s22 =	simm.s32 @!p0 $0x1C06  }
0x11: {  	[spmem:s9], [sflag:s22] =	dma.local @!p0 [hbm:s4], $0x27100  }
0x12: {  	s22 =	simm.s32 @!p0 $0x6  }
0x13: {  	_ =	swait.ge @!p0 [sflag:s22], $0x27100  }
0x14: {  	[sflag:s22] =	ssyncset.done @!p0 $0x0  }
0x15: {  	[sflag:s22] =	ssyncadd.s32 @!p0 $0xFFFD8F00  }
0x16: {  	[tilespmem:s2], [sflag:$0x6] =	stream.linear.gather [hbm4b:s10+s2], $0x800, $0x38;
	[tilespmem:$0x1D880] =	vst v63  }
0x17: {  	_ =	swait.ge [sflag:s11], $0x800  }
0x18: {  	[sflag:s11] =	ssyncset.done $0x0  }
0x19: {  	[sflag:s11] =	ssyncadd.s32 $0xFFFFF800  }
0x1a: {  	[tilespmem:s12], [sflag:$0x6] =	stream.linear.gather [hbm4b:s5+s2], $0x800, $0x38;
	[tilespmem:$0x1D880] =	vst v63  }
0x1b: {  	_ =	swait.ge [sflag:s11], $0x800  }
0x1c: {  	[sflag:s11] =	ssyncset.done $0x0  }
0x1d: {  	[sflag:s11] =	ssyncadd.s32 $0xFFFFF800  }
0x1e: {  	s23 =	simm.s32 $0x0;
	s22 =	simm.s32 $0x0;
	[bflag:$0x0] =	sbarrier.arrive $0xFFFF  }
.LBB2_2:
0x1f: {  	s24 =	sand.u32 $0x800, s22;
	p1 =	seq.s32 s23, $0x900  }
0x20: {  	s25 =	ssub.s32 @!p1 $0x800, s24;
	s26 =	sadd.s32 @!p1 s23, s13;
	s28 =	simm.s32 @!p1 $0x0  }
0x21: {  	[tilespmem:s25], [sflag:$0x5] =	stream.linear.gather @!p1 [hbm4b:s26+s28], $0x800, $0x38;
	[tilespmem:$0x1D880] =	vst v63  }
0x22: {  	p2 =	sne.s32 @!p1 s23, $0x0;
	s25 =	ssub.s32 @!p1 $0x1800, s24;
	s26 =	sadd.s32 @!p1 s23, s8  }
0x23: {  	[tilespmem:s25], [sflag:$0x5] =	stream.linear.gather @!p1 [hbm4b:s26+s28], $0x800, $0x38;
	[tilespmem:$0x1D880] =	vst v63  }
0x24: {  	p2 =	por p1, p2  }
0x25: {  	[tilespmem:s15], [sflag:$0x1] =	stream.indirect.gather @!p2 [hbm4b:s3+s14], $0x80, s24, s14, $0xb8;
	[tilespmem:$0x1D880] =	vst v63  }
0x26: {  	_ =	swait.ge @p2 [sflag:s18], $0x3E80  }
0x27: {  	[sflag:s18] =	ssyncset.done @p2 $0x0  }
0x28: {  	[sflag:s18] =	ssyncadd.s32 @p2 $0xFFFFC180  }
0x29: {  	[tilespmem:s15], [sflag:$0x1] =	stream.indirect.gather @p2 [hbm4b:s3+s14], $0x80, s24, s14, $0xb8;
	[tilespmem:$0x1D880] =	vst v63  }
0x2a: {  	_ =	swait.ge @p2 [sflag:s20], $0x3E80  }
0x2b: {  	[sflag:s20] =	ssyncset.done @p2 $0x0  }
0x2c: {  	s26 =	sor.u32 $0x80, s24;
	[sflag:s20] =	ssyncadd.s32 @p2 $0xFFFFC180  }
0x2d: {  	[tilespmem:s16], [sflag:$0x2] =	stream.indirect.gather [hbm4b:s3+s14], $0x80, s26, s14, $0xb8;
	[tilespmem:$0x1D880] =	vst v63  }
0x2e: {  	_ =	swait.ge [sflag:s17], $0x3E80  }
0x2f: {  	[sflag:s17] =	ssyncset.done $0x0  }
0x30: {  	s28 =	sor.u32 $0x1000, s24;
	[sflag:s17] =	ssyncadd.s32 $0xFFFFC180  }
0x31: {  	[spmem:s1] =	stream.indirect.scatter.add.f32 [tilespmem:s15], [sflag:$0x3], $0x80, s28, s14, $0xb8;
	[tilespmem:$0x1D880] =	vst v63  }
0x32: {  	_ =	swait.ge [sflag:s18], $0x3E80  }
0x33: {  	[sflag:s18] =	ssyncset.done $0x0  }
0x34: {  	s29 =	sor.u32 $0x100, s24;
	[sflag:s18] =	ssyncadd.s32 $0xFFFFC180  }
0x35: {  	[tilespmem:s15], [sflag:$0x1] =	stream.indirect.gather [hbm4b:s3+s14], $0x80, s29, s14, $0xb8;
	[tilespmem:$0x1D880] =	vst v63  }
0x36: {  	_ =	swait.ge [sflag:s19], $0x3E80  }
0x37: {  	[sflag:s19] =	ssyncset.done $0x0  }
0x38: {  	s30 =	sor.u32 $0x1080, s24;
	[sflag:s19] =	ssyncadd.s32 $0xFFFFC180  }
0x39: {  	[spmem:s1] =	stream.indirect.scatter.add.f32 [tilespmem:s16], [sflag:$0x4], $0x80, s30, s14, $0xb8;
	[tilespmem:$0x1D880] =	vst v63  }
0x3a: {  	_ =	swait.ge [sflag:s20], $0x3E80  }
0x3b: {  	[sflag:s20] =	ssyncset.done $0x0  }
0x3c: {  	s31 =	sor.u32 $0x180, s24;
	[sflag:s20] =	ssyncadd.s32 $0xFFFFC180  }
0x3d: {  	[tilespmem:s16], [sflag:$0x2] =	stream.indirect.gather [hbm4b:s3+s14], $0x80, s31, s14, $0xb8;
	[tilespmem:$0x1D880] =	vst v63  }
0x3e: {  	_ =	swait.ge [sflag:s17], $0x3E80  }
0x3f: {  	[sflag:s17] =	ssyncset.done $0x0  }
0x40: {  	s26 =	sor.u32 $0x1100, s24;
	[sflag:s17] =	ssyncadd.s32 $0xFFFFC180  }
0x41: {  	[spmem:s1] =	stream.indirect.scatter.add.f32 [tilespmem:s15], [sflag:$0x3], $0x80, s26, s14, $0xb8;
	[tilespmem:$0x1D880] =	vst v63  }
0x42: {  	_ =	swait.ge [sflag:s18], $0x3E80  }
0x43: {  	[sflag:s18] =	ssyncset.done $0x0  }
0x44: {  	s28 =	sor.u32 $0x200, s24;
	[sflag:s18] =	ssyncadd.s32 $0xFFFFC180  }
0x45: {  	[tilespmem:s15], [sflag:$0x1] =	stream.indirect.gather [hbm4b:s3+s14], $0x80, s28, s14, $0xb8;
	[tilespmem:$0x1D880] =	vst v63  }
0x46: {  	_ =	swait.ge [sflag:s19], $0x3E80  }
0x47: {  	[sflag:s19] =	ssyncset.done $0x0  }
0x48: {  	s29 =	sor.u32 $0x1180, s24;
	[sflag:s19] =	ssyncadd.s32 $0xFFFFC180  }
0x49: {  	[spmem:s1] =	stream.indirect.scatter.add.f32 [tilespmem:s16], [sflag:$0x4], $0x80, s29, s14, $0xb8;
	[tilespmem:$0x1D880] =	vst v63  }
0x4a: {  	_ =	swait.ge [sflag:s20], $0x3E80  }
0x4b: {  	[sflag:s20] =	ssyncset.done $0x0  }
0x4c: {  	s30 =	sor.u32 $0x280, s24;
	[sflag:s20] =	ssyncadd.s32 $0xFFFFC180  }
0x4d: {  	[tilespmem:s16], [sflag:$0x2] =	stream.indirect.gather [hbm4b:s3+s14], $0x80, s30, s14, $0xb8;
	[tilespmem:$0x1D880] =	vst v63  }
0x4e: {  	_ =	swait.ge [sflag:s17], $0x3E80  }
0x4f: {  	[sflag:s17] =	ssyncset.done $0x0  }
0x50: {  	s31 =	sor.u32 $0x1200, s24;
	[sflag:s17] =	ssyncadd.s32 $0xFFFFC180  }
0x51: {  	[spmem:s1] =	stream.indirect.scatter.add.f32 [tilespmem:s15], [sflag:$0x3], $0x80, s31, s14, $0xb8;
	[tilespmem:$0x1D880] =	vst v63  }
0x52: {  	_ =	swait.ge [sflag:s18], $0x3E80  }
0x53: {  	[sflag:s18] =	ssyncset.done $0x0  }
0x54: {  	s26 =	sor.u32 $0x300, s24;
	[sflag:s18] =	ssyncadd.s32 $0xFFFFC180  }
0x55: {  	[tilespmem:s15], [sflag:$0x1] =	stream.indirect.gather [hbm4b:s3+s14], $0x80, s26, s14, $0xb8;
	[tilespmem:$0x1D880] =	vst v63  }
0x56: {  	_ =	swait.ge [sflag:s19], $0x3E80  }
0x57: {  	[sflag:s19] =	ssyncset.done $0x0  }
0x58: {  	s28 =	sor.u32 $0x1280, s24;
	[sflag:s19] =	ssyncadd.s32 $0xFFFFC180  }
0x59: {  	[spmem:s1] =	stream.indirect.scatter.add.f32 [tilespmem:s16], [sflag:$0x4], $0x80, s28, s14, $0xb8;
	[tilespmem:$0x1D880] =	vst v63  }
0x5a: {  	_ =	swait.ge [sflag:s20], $0x3E80  }
0x5b: {  	[sflag:s20] =	ssyncset.done $0x0  }
0x5c: {  	s29 =	sor.u32 $0x380, s24;
	[sflag:s20] =	ssyncadd.s32 $0xFFFFC180  }
0x5d: {  	[tilespmem:s16], [sflag:$0x2] =	stream.indirect.gather [hbm4b:s3+s14], $0x80, s29, s14, $0xb8;
	[tilespmem:$0x1D880] =	vst v63  }
0x5e: {  	_ =	swait.ge [sflag:s17], $0x3E80  }
0x5f: {  	[sflag:s17] =	ssyncset.done $0x0  }
0x60: {  	s30 =	sor.u32 $0x1300, s24;
	[sflag:s17] =	ssyncadd.s32 $0xFFFFC180  }
0x61: {  	[spmem:s1] =	stream.indirect.scatter.add.f32 [tilespmem:s15], [sflag:$0x3], $0x80, s30, s14, $0xb8;
	[tilespmem:$0x1D880] =	vst v63  }
0x62: {  	_ =	swait.ge [sflag:s18], $0x3E80  }
0x63: {  	[sflag:s18] =	ssyncset.done $0x0  }
0x64: {  	s31 =	sor.u32 $0x400, s24;
	[sflag:s18] =	ssyncadd.s32 $0xFFFFC180  }
0x65: {  	[tilespmem:s15], [sflag:$0x1] =	stream.indirect.gather [hbm4b:s3+s14], $0x80, s31, s14, $0xb8;
	[tilespmem:$0x1D880] =	vst v63  }
0x66: {  	_ =	swait.ge [sflag:s19], $0x3E80  }
0x67: {  	[sflag:s19] =	ssyncset.done $0x0  }
0x68: {  	s26 =	sor.u32 $0x1380, s24;
	[sflag:s19] =	ssyncadd.s32 $0xFFFFC180  }
0x69: {  	[spmem:s1] =	stream.indirect.scatter.add.f32 [tilespmem:s16], [sflag:$0x4], $0x80, s26, s14, $0xb8;
	[tilespmem:$0x1D880] =	vst v63  }
0x6a: {  	_ =	swait.ge [sflag:s20], $0x3E80  }
0x6b: {  	[sflag:s20] =	ssyncset.done $0x0  }
0x6c: {  	s28 =	sor.u32 $0x480, s24;
	[sflag:s20] =	ssyncadd.s32 $0xFFFFC180  }
0x6d: {  	[tilespmem:s16], [sflag:$0x2] =	stream.indirect.gather [hbm4b:s3+s14], $0x80, s28, s14, $0xb8;
	[tilespmem:$0x1D880] =	vst v63  }
0x6e: {  	_ =	swait.ge [sflag:s17], $0x3E80  }
0x6f: {  	[sflag:s17] =	ssyncset.done $0x0  }
0x70: {  	s29 =	sor.u32 $0x1400, s24;
	[sflag:s17] =	ssyncadd.s32 $0xFFFFC180  }
0x71: {  	[spmem:s1] =	stream.indirect.scatter.add.f32 [tilespmem:s15], [sflag:$0x3], $0x80, s29, s14, $0xb8;
	[tilespmem:$0x1D880] =	vst v63  }
0x72: {  	_ =	swait.ge [sflag:s18], $0x3E80  }
0x73: {  	[sflag:s18] =	ssyncset.done $0x0  }
0x74: {  	s30 =	sor.u32 $0x500, s24;
	[sflag:s18] =	ssyncadd.s32 $0xFFFFC180  }
0x75: {  	[tilespmem:s15], [sflag:$0x1] =	stream.indirect.gather [hbm4b:s3+s14], $0x80, s30, s14, $0xb8;
	[tilespmem:$0x1D880] =	vst v63  }
0x76: {  	_ =	swait.ge [sflag:s19], $0x3E80  }
0x77: {  	[sflag:s19] =	ssyncset.done $0x0  }
0x78: {  	s31 =	sor.u32 $0x1480, s24;
	[sflag:s19] =	ssyncadd.s32 $0xFFFFC180  }
0x79: {  	[spmem:s1] =	stream.indirect.scatter.add.f32 [tilespmem:s16], [sflag:$0x4], $0x80, s31, s14, $0xb8;
	[tilespmem:$0x1D880] =	vst v63  }
0x7a: {  	_ =	swait.ge [sflag:s20], $0x3E80  }
0x7b: {  	[sflag:s20] =	ssyncset.done $0x0  }
0x7c: {  	s26 =	sor.u32 $0x580, s24;
	[sflag:s20] =	ssyncadd.s32 $0xFFFFC180  }
0x7d: {  	[tilespmem:s16], [sflag:$0x2] =	stream.indirect.gather [hbm4b:s3+s14], $0x80, s26, s14, $0xb8;
	[tilespmem:$0x1D880] =	vst v63  }
0x7e: {  	_ =	swait.ge [sflag:s17], $0x3E80  }
0x7f: {  	[sflag:s17] =	ssyncset.done $0x0  }
0x80: {  	s28 =	sor.u32 $0x1500, s24;
	[sflag:s17] =	ssyncadd.s32 $0xFFFFC180  }
0x81: {  	[spmem:s1] =	stream.indirect.scatter.add.f32 [tilespmem:s15], [sflag:$0x3], $0x80, s28, s14, $0xb8;
	[tilespmem:$0x1D880] =	vst v63  }
0x82: {  	_ =	swait.ge [sflag:s18], $0x3E80  }
0x83: {  	[sflag:s18] =	ssyncset.done $0x0  }
0x84: {  	s29 =	sor.u32 $0x600, s24;
	[sflag:s18] =	ssyncadd.s32 $0xFFFFC180  }
0x85: {  	[tilespmem:s15], [sflag:$0x1] =	stream.indirect.gather [hbm4b:s3+s14], $0x80, s29, s14, $0xb8;
	[tilespmem:$0x1D880] =	vst v63  }
0x86: {  	_ =	swait.ge [sflag:s19], $0x3E80  }
0x87: {  	[sflag:s19] =	ssyncset.done $0x0  }
0x88: {  	s30 =	sor.u32 $0x1580, s24;
	[sflag:s19] =	ssyncadd.s32 $0xFFFFC180  }
0x89: {  	[spmem:s1] =	stream.indirect.scatter.add.f32 [tilespmem:s16], [sflag:$0x4], $0x80, s30, s14, $0xb8;
	[tilespmem:$0x1D880] =	vst v63  }
0x8a: {  	_ =	swait.ge [sflag:s20], $0x3E80  }
0x8b: {  	[sflag:s20] =	ssyncset.done $0x0  }
0x8c: {  	s31 =	sor.u32 $0x680, s24;
	[sflag:s20] =	ssyncadd.s32 $0xFFFFC180  }
0x8d: {  	[tilespmem:s16], [sflag:$0x2] =	stream.indirect.gather [hbm4b:s3+s14], $0x80, s31, s14, $0xb8;
	[tilespmem:$0x1D880] =	vst v63  }
0x8e: {  	_ =	swait.ge [sflag:s17], $0x3E80  }
0x8f: {  	[sflag:s17] =	ssyncset.done $0x0  }
0x90: {  	s26 =	sor.u32 $0x1600, s24;
	[sflag:s17] =	ssyncadd.s32 $0xFFFFC180  }
0x91: {  	[spmem:s1] =	stream.indirect.scatter.add.f32 [tilespmem:s15], [sflag:$0x3], $0x80, s26, s14, $0xb8;
	[tilespmem:$0x1D880] =	vst v63  }
0x92: {  	_ =	swait.ge [sflag:s18], $0x3E80  }
0x93: {  	[sflag:s18] =	ssyncset.done $0x0  }
0x94: {  	s28 =	sor.u32 $0x700, s24;
	[sflag:s18] =	ssyncadd.s32 $0xFFFFC180  }
0x95: {  	[tilespmem:s15], [sflag:$0x1] =	stream.indirect.gather [hbm4b:s3+s14], $0x80, s28, s14, $0xb8;
	[tilespmem:$0x1D880] =	vst v63  }
0x96: {  	_ =	swait.ge [sflag:s19], $0x3E80  }
0x97: {  	[sflag:s19] =	ssyncset.done $0x0  }
0x98: {  	s29 =	sor.u32 $0x1680, s24;
	[sflag:s19] =	ssyncadd.s32 $0xFFFFC180  }
0x99: {  	[spmem:s1] =	stream.indirect.scatter.add.f32 [tilespmem:s16], [sflag:$0x4], $0x80, s29, s14, $0xb8;
	[tilespmem:$0x1D880] =	vst v63  }
0x9a: {  	_ =	swait.ge [sflag:s20], $0x3E80  }
0x9b: {  	[sflag:s20] =	ssyncset.done $0x0  }
0x9c: {  	s30 =	sor.u32 $0x780, s24;
	[sflag:s20] =	ssyncadd.s32 $0xFFFFC180  }
0x9d: {  	[tilespmem:s16], [sflag:$0x2] =	stream.indirect.gather [hbm4b:s3+s14], $0x80, s30, s14, $0xb8;
	[tilespmem:$0x1D880] =	vst v63  }
0x9e: {  	_ =	swait.ge [sflag:s17], $0x3E80  }
0x9f: {  	[sflag:s17] =	ssyncset.done $0x0  }
0xa0: {  	s31 =	sor.u32 $0x1700, s24;
	[sflag:s17] =	ssyncadd.s32 $0xFFFFC180  }
0xa1: {  	[spmem:s1] =	stream.indirect.scatter.add.f32 [tilespmem:s15], [sflag:$0x3], $0x80, s31, s14, $0xb8;
	[tilespmem:$0x1D880] =	vst v63  }
0xa2: {  	_ =	swait.ge [sflag:s19], $0x3E80  }
0xa3: {  	[sflag:s19] =	ssyncset.done $0x0  }
0xa4: {  	s23 =	sadd.s32 @!p1 $0x100, s23;
	s24 =	sor.u32 $0x1780, s24;
	[sflag:s19] =	ssyncadd.s32 $0xFFFFC180  }
0xa5: {  	[spmem:s1] =	stream.indirect.scatter.add.f32 [tilespmem:s16], [sflag:$0x4], $0x80, s24, s14, $0xb8;
	[tilespmem:$0x1D880] =	vst v63  }
0xa6: {  	p2 =	sne.s32 @!p1 s23, $0xA00;
	s24 =	simm.s32 @!p1 $0x5  }
0xa7: {  	p2 =	por p1, !p2;
	_ =	swait.ge @!p1 [sflag:s24], $0x800  }
.Ltmp0:
0xa8: {  	[sflag:s24] =	ssyncset.done @!p1 $0x0;
	(pc) =	sbr.rel @!p2 .LBB2_2-.Ltmp0, $4  }
0xa9: {  	[sflag:s24] =	ssyncadd.s32 @!p1 $0xFFFFF800  }
0xaa: {  	_ =	swait.ge @!p1 [sflag:s24], $0x800  }
0xab: {  	[sflag:s24] =	ssyncset.done @!p1 $0x0  }
0xac: {  	s22 =	sadd.s32 @!p1 $0x800, s22;
	[sflag:s24] =	ssyncadd.s32 @!p1 $0xFFFFF800  }
0xad: {  	_ =	swait.ge [sflag:s18], $0x3E80  }
0xae: {  	[sflag:s18] =	ssyncset.done $0x0  }
0xaf: {  	[sflag:s18] =	ssyncadd.s32 $0xFFFFC180  }
0xb0: {  	_ =	swait.ge [sflag:s20], $0x3E80  }
0xb1: {  	[sflag:s20] =	ssyncset.done $0x0  }
0xb2: {  	s21 =	sadd.s32 $0x1, s21;
	[sflag:s20] =	ssyncadd.s32 $0xFFFFC180  }
0xb3: {  	s22 =	simm.s32 @!p0 $0x1C06;
	p1 =	sne.s32 s21, s7;
	[bflag:$0x0] =	sbarrier.arrive $0xFFFF  }
0xb4: {  	[hbm:s6], [sflag:s22] =	dma.local @!p0 [spmem:s9], $0x27100  }
.Ltmp1:
0xb5: {  	_ = 	snop;
	(pc) =	sbr.rel @p1 .LBB2_1-.Ltmp1, $4  }
0xb6: {  	s22 =	simm.s32 @!p0 $0x6  }
0xb7: {  	_ =	swait.ge @!p0 [sflag:s22], $0x27100  }
0xb8: {  	[sflag:s22] =	ssyncset.done @!p0 $0x0  }
0xb9: {  	[sflag:s22] =	ssyncadd.s32 @!p0 $0xFFFD8F00  }
0xba: {  	_ =	sfence.sel $0x180000  }
0xbb: {  	[bflag:$0x0] =	sbarrier.arrive $0xFFFF  }
0xbc: {  	_ =	strace $0x9000004D  }
0xbd: {  	s0 =	sadd.s32 @!p0 $0x100000, s0;
	[bflag:$0x2] =	sbarrier.arrive $0xFFFF  }
0xbe: {  	[sflag:s0] =	ssyncadd.tile.s32 @!p0 $0x1;
	_ =	shalt  }
.Lfunc_end2:
_tile_overlayer_lowered:
.L_overlay_start_2:
0xbf: {  	(tag) =	ssettag $0x2  }
0xc0: {  	s0 =	rddreg [dreg:$0x0];
	s2 =	stileid.u32  }
0xc1: {  	s1 =	rddreg [dreg:$0x1];
	p0 =	sne.s32 s2, $0x0  }
0xc2: {  	s3 =	rddreg [dreg:$0x2];
	[bflag:$0x3] =	sbarrier.arrive $0xFFFF;
	s2 =	simm.s32 @!p0 $0x1C06  }
0xc3: {  	[timem:s3], [sflag:s2] =	dma.local @!p0 [hbm:s0], s1  }
0xc4: {  	s0 =	simm.s32 @!p0 $0x6  }
0xc5: {  	_ =	swait.ge @!p0 [sflag:s0], s1  }
0xc6: {  	s1 =	ssub.s32 @!p0 $0x0, s1;
	[sflag:s0] =	ssyncset.done @!p0 $0x0  }
0xc7: {  	[sflag:s0] =	ssyncadd.s32 @!p0 s1  }
0xc8: {  	[bflag:$0x3] =	sbarrier.arrive $0xFFFF  }
0xc9: {  	_ =	shalt  }

// kernel: kernel.7.cloned.1.call-start
scs
__scs_entry_jumppad:
0x0: {  	(pc) =	sbr.rel $0x88, $3  }
0x1: {  	(tag) =	ssettag $0x0;
	lr =	simm.s32 $0x1  }
0x2: {  	[smem:$0x3F99] =	sst lr;
	_ =	strace $0xD0000000  }
0x3: {  	_ = 	snop  }
0x4: {  	_ = 	snop  }
0x5: {  	_ = 	snop  }
0x6: {  	_ = 	snop  }
0x7: {  	_ = 	snop  }
__scs_overlays_trampoline_lowered:
0x8: {  	[smem:$0x3FA8] =	sst s0  }
0x9: {  	[smem:$0x3FA9] =	sst s1  }
0xa: {  	[smem:$0x3FAA] =	sst s2  }
0xb: {  	[smem:$0x3FAB] =	sst s3  }
0xc: {  	[smem:$0x3FAC] =	sst s4  }
0xd: {  	[smem:$0x3FAD] =	sst s5  }
0xe: {  	[smem:$0x3FAE] =	sst s6  }
0xf: {  	[smem:$0x3FAF] =	sst s7  }
0x10: {  	[smem:$0x3FB0] =	sst s8  }
0x11: {  	[smem:$0x3FB1] =	sst s9;
	s0 =	simm.s32 @!p0 $0x0  }
0x12: {  	s1 =	sld [smem:$0x3F97];
	s0 =	simm.s32 @p0 $0x1  }
0x13: {  	[smem:$0x3FB2] =	sst s0;
	s0 =	simm.s32 @!p1 $0x0  }
0x14: {  	s2 =	sld [smem:$0x3F96];
	s0 =	simm.s32 @p1 $0x1  }
0x15: {  	[smem:$0x3FB3] =	sst s0;
	s0 =	simm.s32 @!p2 $0x0  }
0x16: {  	s3 =	sld [smem:$0x3FDB];
	s0 =	simm.s32 @p2 $0x1  }
0x17: {  	s4 =	simm.s32 $0x1BF5;
	[smem:$0x3FB5] =	sst s0  }
0x18: {  	s0 =	sld [smem:$0x3F98];
	_ =	swait.ge [sflag:s4], $0x0  }
0x19: {  	s7 =	sld [smem:$0x3F99]  }
0x1a: {  	s8 =	sadd.s32 $0xFFFFE003, lr  }
0x1b: {  	s9 =	sadd.s32 $0xFFFFFEF7, lr;
	s5 =	simm.s32 $0xFFFFFFFF;
	p2 =	slt.u32 s8, $0xFFFFF086  }
0x1c: {  	p1 =	slt.u32 s9, $0xF7A;
	s5 =	simm.s32 @!p2 $0x0  }
0x1d: {  	s5 =	simm.s32 @p1 $0x1;
	p0 =	seq.s32 s7, s2  }
0x1e: {  	s7 =	smul.u32 @!p0 $0xF7A, s2;
	p2 =	seq.s32 @!p0 s5, $0x0  }
0x1f: {  	s9 =	smul.u32 $0xF7A, s1;
	s8 =	simm.s32 @!p0 $0x1BF5;
	p2 =	por !p2, p0  }
0x20: {  	[sflag:s8] =	ssyncset.s32 @!p0 $0xFFFFF086;
	s6 =	sadd.s32 @!p0 s3, s7;
	s7 =	simm.s32 @!p0 $0x108  }
0x21: {  	s3 =	sadd.s32 s3, s9;
	s6 =	sadd.s32 @!p0 $0x88, s6;
	s7 =	simm.s32 @p2 $0x1082  }
0x22: {  	[simem:s7], [sflag:s8] =	dma.local @!p0 [hbm:s6], $0xF7A  }
0x23: {  	s9 =	sor.u32 $0xD0000000, s2;
	s6 =	simm.s32 $0x108;
	_ =	swait.ge @!p0 [sflag:s8], $0x0  }
0x24: {  	s3 =	sadd.s32 $0x88, s3;
	s6 =	simm.s32 @!p1 $0x1082;
	[sflag:s4] =	ssyncset.s32 $0xFFFFF086  }
0x25: {  	[simem:s6], [sflag:s4] =	dma.local [hbm:s3], $0xF7A  }
0x26: {  	[smem:$0x3F99] =	sst s1;
	(tag) =	ssettag s2;
	_ =	strace s9  }
0x27: {  	s1 =	sld [smem:$0x3FA9]  }
0x28: {  	s2 =	sld [smem:$0x3FAA]  }
0x29: {  	s4 =	sld [smem:$0x3FAC]  }
0x2a: {  	p0 =	seq.s32 s5, $0x0;
	s5 =	sld [smem:$0x3FAD]  }
0x2b: {  	s6 =	sld [smem:$0x3FAE]  }
0x2c: {  	s7 =	sld [smem:$0x3FAF]  }
0x2d: {  	s3 =	simm.s32 $0x108;
	s8 =	sld [smem:$0x3FB0]  }
0x2e: {  	s3 =	simm.s32 @!p0 $0x1082;
	s9 =	sld [smem:$0x3FB1]  }
0x2f: {  	lr =	sadd.s32 s0, s3;
	s0 =	sld [smem:$0x3FA8]  }
0x30: {  	s3 =	sld [smem:$0x3FAB]  }
0x31: {  	[smem:$0x3FB4] =	sst s10  }
0x32: {  	s10 =	sld [smem:$0x3FB2];
	_ =	sdelay $0x3  }
0x33: {  	p0 =	seq.s32 s10, $0x1;
	s10 =	sld [smem:$0x3FB4];
	_ =	sdelay $0x3  }
0x34: {  	[smem:$0x3FB4] =	sst s10  }
0x35: {  	s10 =	sld [smem:$0x3FB3];
	_ =	sdelay $0x3  }
0x36: {  	p1 =	seq.s32 s10, $0x1;
	s10 =	sld [smem:$0x3FB4];
	_ =	sdelay $0x3  }
0x37: {  	[smem:$0x3FB4] =	sst s10  }
0x38: {  	s10 =	sld [smem:$0x3FB5]  }
0x39: {  	_ = 	snop;
	(pc) =	sbr.ind lr, $3  }
0x3a: {  	_ = 	snop  }
0x3b: {  	_ = 	snop  }
0x3c: {  	p2 =	seq.s32 s10, $0x1;
	s10 =	sld [smem:$0x3FB4]  }
0x3d: {  	_ =	shalt  }
0x3e: {  	_ =	shalt  }
0x3f: {  	_ =	shalt  }
0x40: {  	_ =	shalt  }
0x41: {  	_ =	shalt  }
0x42: {  	_ =	shalt  }
0x43: {  	_ =	shalt  }
0x44: {  	_ =	shalt  }
0x45: {  	_ =	shalt  }
0x46: {  	_ =	shalt  }
0x47: {  	_ =	shalt  }
0x48: {  	_ =	shalt  }
0x49: {  	_ =	shalt  }
0x4a: {  	_ =	shalt  }
0x4b: {  	_ =	shalt  }
0x4c: {  	_ =	shalt  }
0x4d: {  	_ =	shalt  }
0x4e: {  	_ =	shalt  }
0x4f: {  	_ =	shalt  }
0x50: {  	_ =	shalt  }
0x51: {  	_ =	shalt  }
0x52: {  	_ =	shalt  }
0x53: {  	_ =	shalt  }
0x54: {  	_ =	shalt  }
0x55: {  	_ =	shalt  }
0x56: {  	_ =	shalt  }
0x57: {  	_ =	shalt  }
0x58: {  	_ =	shalt  }
0x59: {  	_ =	shalt  }
0x5a: {  	_ =	shalt  }
0x5b: {  	_ =	shalt  }
0x5c: {  	_ =	shalt  }
0x5d: {  	_ =	shalt  }
0x5e: {  	_ =	shalt  }
0x5f: {  	_ =	shalt  }
0x60: {  	_ =	shalt  }
0x61: {  	_ =	shalt  }
0x62: {  	_ =	shalt  }
0x63: {  	_ =	shalt  }
0x64: {  	_ =	shalt  }
0x65: {  	_ =	shalt  }
0x66: {  	_ =	shalt  }
0x67: {  	_ =	shalt  }
0x68: {  	_ =	shalt  }
0x69: {  	_ =	shalt  }
0x6a: {  	_ =	shalt  }
0x6b: {  	_ =	shalt  }
0x6c: {  	_ =	shalt  }
0x6d: {  	_ =	shalt  }
0x6e: {  	_ =	shalt  }
0x6f: {  	_ =	shalt  }
0x70: {  	_ =	shalt  }
0x71: {  	_ =	shalt  }
0x72: {  	_ =	shalt  }
0x73: {  	_ =	shalt  }
0x74: {  	_ =	shalt  }
0x75: {  	_ =	shalt  }
0x76: {  	_ =	shalt  }
0x77: {  	_ =	shalt  }
0x78: {  	_ =	shalt  }
0x79: {  	_ =	shalt  }
0x7a: {  	_ =	shalt  }
0x7b: {  	_ =	shalt  }
0x7c: {  	_ =	shalt  }
0x7d: {  	_ =	shalt  }
0x7e: {  	_ =	shalt  }
0x7f: {  	_ =	shalt  }
0x80: {  	_ =	shalt  }
0x81: {  	_ =	shalt  }
0x82: {  	_ =	shalt  }
0x83: {  	_ =	shalt  }
0x84: {  	_ =	shalt  }
0x85: {  	_ =	shalt  }
0x86: {  	_ =	shalt  }
0x87: {  	_ =	shalt  }
.Lfunc_end0:
.L_simem_size_0:
called_computation_lowered:
.L_overlay_start_0:
0x88: {  	s2 =	sld [smem:$0x3FD9]  }
0x89: {  	s3 =	sld [smem:$0x3FFE];
	_ =	sdelay $0x1  }
0x8a: {  	s1 =	srdreg.scid  }
0x8b: {  	s0 =	sand.u32 $0x1, s1  }
0x8c: {  	s17 =	sshll.u32 s0, $0xA;
	s2 =	sadd.s32 s3, s2  }
0x8d: {  	s2 =	sadd.s32 s2, s17  }
0x8e: {  	[smem:$0x3FC0] =	sst s2  }
0x8f: {  	_ = 	snop  }
0x90: {  	s18 =	sld [smem:$0x3FC9];
	(tm) =	ssettm $0x1  }
0x91: {  	s19 =	sld [smem:$0x3FFB];
	_ =	sdelay $0x3  }
0x92: {  	_ =	strace s19  }
0x93: {  	s2 =	sld [smem:$0x3FFC];
	_ =	sdelay $0x3  }
0x94: {  	_ =	strace s2  }
0x95: {  	s2 =	sld [smem:$0x3FFD];
	_ =	sdelay $0x3  }
0x96: {  	_ =	strace s2  }
0x97: {  	_ =	strace $0x8FFFFFFF  }
0x98: {  	s20 =	sld [smem:$0x3FDB];
	_ =	sdelay $0x1  }
0x99: {  	s4 =	simm.s32 $_scs_section_size  }
0x9a: {  	s5 =	simm.s32 $_size__tile_overlayer_lowered;
	s6 =	simm.s32 $_tile_overlayer_lowered  }
0x9b: {  	s7 =	simm.s32 $0x1BFF;
	s21 =	sshll.u32 s6, $0x1;
	s4 =	sadd.s32 s4, s20  }
0x9c: {  	s22 =	simm.s32 $0x0;
	s5 =	sshll.u32 s5, $0x1;
	s6 =	sadd.s32 s21, s4  }
0x9d: {  	[timem:s22], [sflag:s7] =	dma.local [hbm:s6], s5  }
0x9e: {  	_ =	swait.ge [sflag:s7], s5  }
0x9f: {  	s5 =	ssub.s32 $0x0, s5;
	[sflag:s7] =	ssyncset.done $0x0  }
0xa0: {  	[sflag:s7] =	ssyncadd.s32 s5;
	_ =	sdelay $0x1  }
0xa1: {  	s23 =	simm.s32 $0x1B8B  }
0xa2: {  	_ =	swait.ge [sflag:s23], $0x1  }
0xa3: {  	[sflag:s23] =	ssyncset.done $0x0  }
0xa4: {  	[sflag:s23] =	ssyncadd.s32 $0xFFFFFFFF  }
0xa5: {  	s5 =	sld [smem:$0x0]  }
0xa6: {  	s6 =	sand.u32 $0xFFFFFFFE, s1  }
0xa7: {  	p0 =	sne.s32 s1, s6  }
0xa8: {  	s6 =	sshll.u32 @p0 s6, $0xE  }
0xa9: {  	s6 =	sadd.s32 @p0 $0x11B8D, s6;
	s7 =	sshll.u32 @p0 s5, $0x11  }
0xaa: {  	s6 =	sor.u32 @p0 s7, s6  }
0xab: {  	[sflag:s6] =	ssyncadd.remote.s32 @p0 $0x1;
	_ =	sdelay $0x1  }
0xac: {  	s6 =	simm.s32 @p0 $0x1B8D  }
0xad: {  	_ =	swait.eq @p0 [sflag:s6], $0x1  }
0xae: {  	[sflag:s6] =	ssyncadd.s32 @p0 $0xFFFFFFFF  }
0xaf: {  	s7 =	sshll.u32 @!p0 s1, $0xE  }
0xb0: {  	s7 =	sor.u32 @!p0 $0x4000, s7;
	s6 =	simm.s32 @!p0 $0x1B8D  }
0xb1: {  	s5 =	sshll.u32 @!p0 s5, $0x11;
	s7 =	sadd.s32 @!p0 $0x11B8D, s7;
	_ =	swait.eq @!p0 [sflag:s6], $0x1  }
0xb2: {  	s5 =	sor.u32 @!p0 s5, s7;
	[sflag:s6] =	ssyncadd.s32 @!p0 $0xFFFFFFFF  }
0xb3: {  	s25 =	simm.s32 $0x1B8E;
	s24 =	sld [smem:$0x3FFE];
	[sflag:s5] =	ssyncadd.remote.s32 @!p0 $0x1  }
0xb4: {  	s26 =	simm.s32 $execute0_lowered;
	[smem:$0x3FD2] =	sst s25  }
0xb5: {  	s6 =	sshll.u32 s26, $0x1;
	_ =	strace $0x80000049;
	[dreg:$0x1] =	wrdreg $0xFFFFFFFF  }
0xb6: {  	s28 =	simm.s32 $_size_execute0_lowered;
	s4 =	sadd.s32 s4, s6;
	[dreg:$0x0] =	wrdreg $0x0  }
0xb7: {  	s6 =	sshll.u32 s28, $0x1;
	[dreg:$0x2] =	wrdreg s4  }
0xb8: {  	[dreg:$0x3] =	wrdreg s6  }
0xb9: {  	[dreg:$0x4] =	wrdreg $0xC0  }
0xba: {  	_ =	task [dreg:s22], $0x5FFFF  }
0xbb: {  	[dreg:$0x1] =	wrdreg $0xFFFFFFFF  }
0xbc: {  	[dreg:$0x0] =	wrdreg $0x60  }
0xbd: {  	[dreg:$0x2] =	wrdreg s18  }
0xbe: {  	[dreg:$0x3] =	wrdreg s24  }
0xbf: {  	[dreg:$0x4] =	wrdreg $0xA0000  }
0xc0: {  	[dreg:$0x5] =	wrdreg $0x9  }
0xc1: {  	_ =	task.clear_ibuf [dreg:s22], $0x6FFFF;
	_ =	strace $0x90000049  }
0xc2: {  	s29 =	simm.s32 $0x9;
	_ =	strace $0x8000004B  }
0xc3: {  	_ =	swait.ge [sflag:s29], $0x1  }
0xc4: {  	[sflag:s29] =	ssyncadd.s32 $0xFFFFFFFF  }
0xc5: {  	_ =	strace $0x9000004B  }
0xc6: {  	_ =	sfence  }
0xc7: {  	s30 =	sld [smem:$0x0];
	_ =	sdelay $0x2  }
0xc8: {  	s31 =	sshll.u32 s1, $0xD;
	s1 =	sshrl.u32 s1, $0x2  }
0xc9: {  	s4 =	sand.u32 $0x4000, s31;
	s1 =	sadd.s32 s1, s30  }
0xca: {  	s0 =	sor.u32 s4, s0;
	s1 =	sshll.u32 s1, $0x11  }
0xcb: {  	s0 =	sor.u32 s1, s0  }
0xcc: {  	s0 =	sadd.s32 $0x8F2B, s0  }
0xcd: {  	[sflag:s0] =	ssyncadd.remote.s32 $0x1  }
0xce: {  	_ =	sfence.sel $0xFFFF  }
0xcf: {  	[dreg:$0x0] =	wrdreg $0xFFFFFFFF;
	(pc) =	sbr.abs _section_cstart, $3  }
0xd0: {  	[dreg:$0x1] =	wrdreg $0xFFFFFFFF  }
0xd1: {  	_ =	task.clear_ibuf [dreg:s22], $0x2FFFF;
	_ =	strace $0x9FFFFFFF  }
0xd2: {  	(tm) =	ssettm $0x7FFFFFFF  }
0xd3: {  	_ =	shalt  }
tec
execute0_lowered:
.L_overlay_start_1:
0x0: {  	(tag) =	ssettag $0x1  }
0x1: {  	s1 =	rddreg [dreg:$0x0]  }
0x2: {  	s5 =	rddreg [dreg:$0x1]  }
0x3: {  	s2 =	rddreg [dreg:$0x2];
	s4 =	srdreg.scid  }
0x4: {  	s0 =	rddreg [dreg:$0x3];
	s3 =	simm.s32 $0x0;
	s10 =	stileid.u32  }
0x5: {  	s15 =	simm.s32 $0x2000;
	s16 =	simm.s32 $0x6000;
	s17 =	simm.s32 $0x1  }
0x6: {  	s18 =	simm.s32 $0x3;
	s19 =	simm.s32 $0x2;
	s20 =	simm.s32 $0x4  }
0x7: {  	s21 =	simm.s32 $0x0;
	s6 =	sand.u32 $0x1, s4;
	s9 =	smul.u32 $0x50, s10  }
0x8: {  	[smem:$0x7FF] =	sst s3;
	s11 =	sadd.s32 $0x16200, s5;
	s14 =	smul.u32 $0x500, s10  }
0x9: {  	s12 =	sadd.s32 $0xC200, s5;
	s4 =	sadd.s32 $0x20200, s5;
	s7 =	smul.u32 $0x27100, s6  }
0xa: {  	p0 =	sne.s32 s10, $0x0;
	s8 =	smul.u32 $0x500, s6;
	s28 =	ssub.s32 $0x2, s6  }
0xb: {  	_ =	strace $0x8000004A;
	s13 =	smul.u32 $0x5000, s6;
	s29 =	sshrl.u32 s28, $0x1  }
0xc: {  	s7 =	sadd.s32 s7, s5;
	s8 =	sadd.s32 s9, s8;
	s9 =	ssub.s32 s28, s29  }
0xd: {  	s31 =	sadd.s32 s13, s12;
	s8 =	sshll.u32 s8, $0x4;
	s7 =	sadd.s32 $0x47400, s7  }
0xe: {  	s5 =	sadd.s32 s11, s8;
	s6 =	sadd.s32 s12, s8;
	s11 =	sadd.s32 s13, s11  }
0xf: {  	s8 =	smax.u32 s9, $0x1;
	s12 =	simm.s32 $0x6;
	s13 =	simm.s32 $0x1000  }
0x10: {  	s30 =	sadd.s32 s14, s11;
	s11 =	sadd.s32 s14, s31;
	s14 =	simm.s32 $0x7D  }
0x11: {  	s9 =	sadd.s32 $0x100, s30;
	s10 =	sadd.s32 $0x100, s11;
	s11 =	sshrl.u32 @!p0 s2, $0x3  }
.LBB2_1:
0x12: {  	s22 =	simm.s32 @!p0 $0x1C06  }
0x13: {  	[spmem:s11], [sflag:s22] =	dma.local @!p0 [hbm:s4], $0x27100  }
0x14: {  	s22 =	simm.s32 @!p0 $0x6  }
0x15: {  	_ =	swait.ge @!p0 [sflag:s22], $0x27100  }
0x16: {  	[sflag:s22] =	ssyncset.done @!p0 $0x0  }
0x17: {  	[sflag:s22] =	ssyncadd.s32 @!p0 $0xFFFD8F00  }
0x18: {  	[tilespmem:s3], [sflag:$0x6] =	stream.linear.gather [hbm4b:s5+s3], $0x800, $0x38;
	[tilespmem:$0x1D880] =	vst v63  }
0x19: {  	_ =	swait.ge [sflag:s12], $0x800  }
0x1a: {  	[sflag:s12] =	ssyncset.done $0x0  }
0x1b: {  	[sflag:s12] =	ssyncadd.s32 $0xFFFFF800  }
0x1c: {  	[tilespmem:s13], [sflag:$0x6] =	stream.linear.gather [hbm4b:s6+s3], $0x800, $0x38;
	[tilespmem:$0x1D880] =	vst v63  }
0x1d: {  	_ =	swait.ge [sflag:s12], $0x800  }
0x1e: {  	[sflag:s12] =	ssyncset.done $0x0  }
0x1f: {  	[sflag:s12] =	ssyncadd.s32 $0xFFFFF800  }
0x20: {  	s23 =	simm.s32 $0x0;
	s22 =	simm.s32 $0x0;
	[bflag:$0x0] =	sbarrier.arrive $0xFFFF  }
.LBB2_2:
0x21: {  	s24 =	sand.u32 $0x800, s22;
	p1 =	seq.s32 s23, $0x400  }
0x22: {  	s25 =	ssub.s32 @!p1 $0x800, s24;
	s26 =	sadd.s32 @!p1 s23, s9;
	s28 =	simm.s32 @!p1 $0x0  }
0x23: {  	[tilespmem:s25], [sflag:$0x5] =	stream.linear.gather @!p1 [hbm4b:s26+s28], $0x800, $0x38;
	[tilespmem:$0x1D880] =	vst v63  }
0x24: {  	p2 =	sne.s32 @!p1 s23, $0x0;
	s25 =	ssub.s32 @!p1 $0x1800, s24;
	s26 =	sadd.s32 @!p1 s23, s10  }
0x25: {  	[tilespmem:s25], [sflag:$0x5] =	stream.linear.gather @!p1 [hbm4b:s26+s28], $0x800, $0x38;
	[tilespmem:$0x1D880] =	vst v63  }
0x26: {  	p2 =	por p1, p2  }
0x27: {  	[tilespmem:s15], [sflag:$0x1] =	stream.indirect.gather @!p2 [hbm4b:s1+s14], $0x80, s24, s14, $0xb8;
	[tilespmem:$0x1D880] =	vst v63  }
0x28: {  	_ =	swait.ge @p2 [sflag:s18], $0x3E80  }
0x29: {  	[sflag:s18] =	ssyncset.done @p2 $0x0  }
0x2a: {  	[sflag:s18] =	ssyncadd.s32 @p2 $0xFFFFC180  }
0x2b: {  	[tilespmem:s15], [sflag:$0x1] =	stream.indirect.gather @p2 [hbm4b:s1+s14], $0x80, s24, s14, $0xb8;
	[tilespmem:$0x1D880] =	vst v63  }
0x2c: {  	_ =	swait.ge @p2 [sflag:s20], $0x3E80  }
0x2d: {  	[sflag:s20] =	ssyncset.done @p2 $0x0  }
0x2e: {  	s26 =	sor.u32 $0x80, s24;
	[sflag:s20] =	ssyncadd.s32 @p2 $0xFFFFC180  }
0x2f: {  	[tilespmem:s16], [sflag:$0x2] =	stream.indirect.gather [hbm4b:s1+s14], $0x80, s26, s14, $0xb8;
	[tilespmem:$0x1D880] =	vst v63  }
0x30: {  	_ =	swait.ge [sflag:s17], $0x3E80  }
0x31: {  	[sflag:s17] =	ssyncset.done $0x0  }
0x32: {  	s28 =	sor.u32 $0x1000, s24;
	[sflag:s17] =	ssyncadd.s32 $0xFFFFC180  }
0x33: {  	[spmem:s2] =	stream.indirect.scatter.add.f32 [tilespmem:s15], [sflag:$0x3], $0x80, s28, s14, $0xb8;
	[tilespmem:$0x1D880] =	vst v63  }
0x34: {  	_ =	swait.ge [sflag:s18], $0x3E80  }
0x35: {  	[sflag:s18] =	ssyncset.done $0x0  }
0x36: {  	s29 =	sor.u32 $0x100, s24;
	[sflag:s18] =	ssyncadd.s32 $0xFFFFC180  }
0x37: {  	[tilespmem:s15], [sflag:$0x1] =	stream.indirect.gather [hbm4b:s1+s14], $0x80, s29, s14, $0xb8;
	[tilespmem:$0x1D880] =	vst v63  }
0x38: {  	_ =	swait.ge [sflag:s19], $0x3E80  }
0x39: {  	[sflag:s19] =	ssyncset.done $0x0  }
0x3a: {  	s30 =	sor.u32 $0x1080, s24;
	[sflag:s19] =	ssyncadd.s32 $0xFFFFC180  }
0x3b: {  	[spmem:s2] =	stream.indirect.scatter.add.f32 [tilespmem:s16], [sflag:$0x4], $0x80, s30, s14, $0xb8;
	[tilespmem:$0x1D880] =	vst v63  }
0x3c: {  	_ =	swait.ge [sflag:s20], $0x3E80  }
0x3d: {  	[sflag:s20] =	ssyncset.done $0x0  }
0x3e: {  	s31 =	sor.u32 $0x180, s24;
	[sflag:s20] =	ssyncadd.s32 $0xFFFFC180  }
0x3f: {  	[tilespmem:s16], [sflag:$0x2] =	stream.indirect.gather [hbm4b:s1+s14], $0x80, s31, s14, $0xb8;
	[tilespmem:$0x1D880] =	vst v63  }
0x40: {  	_ =	swait.ge [sflag:s17], $0x3E80  }
0x41: {  	[sflag:s17] =	ssyncset.done $0x0  }
0x42: {  	s26 =	sor.u32 $0x1100, s24;
	[sflag:s17] =	ssyncadd.s32 $0xFFFFC180  }
0x43: {  	[spmem:s2] =	stream.indirect.scatter.add.f32 [tilespmem:s15], [sflag:$0x3], $0x80, s26, s14, $0xb8;
	[tilespmem:$0x1D880] =	vst v63  }
0x44: {  	_ =	swait.ge [sflag:s18], $0x3E80  }
0x45: {  	[sflag:s18] =	ssyncset.done $0x0  }
0x46: {  	s28 =	sor.u32 $0x200, s24;
	[sflag:s18] =	ssyncadd.s32 $0xFFFFC180  }
0x47: {  	[tilespmem:s15], [sflag:$0x1] =	stream.indirect.gather [hbm4b:s1+s14], $0x80, s28, s14, $0xb8;
	[tilespmem:$0x1D880] =	vst v63  }
0x48: {  	_ =	swait.ge [sflag:s19], $0x3E80  }
0x49: {  	[sflag:s19] =	ssyncset.done $0x0  }
0x4a: {  	s29 =	sor.u32 $0x1180, s24;
	[sflag:s19] =	ssyncadd.s32 $0xFFFFC180  }
0x4b: {  	[spmem:s2] =	stream.indirect.scatter.add.f32 [tilespmem:s16], [sflag:$0x4], $0x80, s29, s14, $0xb8;
	[tilespmem:$0x1D880] =	vst v63  }
0x4c: {  	_ =	swait.ge [sflag:s20], $0x3E80  }
0x4d: {  	[sflag:s20] =	ssyncset.done $0x0  }
0x4e: {  	s30 =	sor.u32 $0x280, s24;
	[sflag:s20] =	ssyncadd.s32 $0xFFFFC180  }
0x4f: {  	[tilespmem:s16], [sflag:$0x2] =	stream.indirect.gather [hbm4b:s1+s14], $0x80, s30, s14, $0xb8;
	[tilespmem:$0x1D880] =	vst v63  }
0x50: {  	_ =	swait.ge [sflag:s17], $0x3E80  }
0x51: {  	[sflag:s17] =	ssyncset.done $0x0  }
0x52: {  	s31 =	sor.u32 $0x1200, s24;
	[sflag:s17] =	ssyncadd.s32 $0xFFFFC180  }
0x53: {  	[spmem:s2] =	stream.indirect.scatter.add.f32 [tilespmem:s15], [sflag:$0x3], $0x80, s31, s14, $0xb8;
	[tilespmem:$0x1D880] =	vst v63  }
0x54: {  	_ =	swait.ge [sflag:s18], $0x3E80  }
0x55: {  	[sflag:s18] =	ssyncset.done $0x0  }
0x56: {  	s26 =	sor.u32 $0x300, s24;
	[sflag:s18] =	ssyncadd.s32 $0xFFFFC180  }
0x57: {  	[tilespmem:s15], [sflag:$0x1] =	stream.indirect.gather [hbm4b:s1+s14], $0x80, s26, s14, $0xb8;
	[tilespmem:$0x1D880] =	vst v63  }
0x58: {  	_ =	swait.ge [sflag:s19], $0x3E80  }
0x59: {  	[sflag:s19] =	ssyncset.done $0x0  }
0x5a: {  	s28 =	sor.u32 $0x1280, s24;
	[sflag:s19] =	ssyncadd.s32 $0xFFFFC180  }
0x5b: {  	[spmem:s2] =	stream.indirect.scatter.add.f32 [tilespmem:s16], [sflag:$0x4], $0x80, s28, s14, $0xb8;
	[tilespmem:$0x1D880] =	vst v63  }
0x5c: {  	_ =	swait.ge [sflag:s20], $0x3E80  }
0x5d: {  	[sflag:s20] =	ssyncset.done $0x0  }
0x5e: {  	s29 =	sor.u32 $0x380, s24;
	[sflag:s20] =	ssyncadd.s32 $0xFFFFC180  }
0x5f: {  	[tilespmem:s16], [sflag:$0x2] =	stream.indirect.gather [hbm4b:s1+s14], $0x80, s29, s14, $0xb8;
	[tilespmem:$0x1D880] =	vst v63  }
0x60: {  	_ =	swait.ge [sflag:s17], $0x3E80  }
0x61: {  	[sflag:s17] =	ssyncset.done $0x0  }
0x62: {  	s30 =	sor.u32 $0x1300, s24;
	[sflag:s17] =	ssyncadd.s32 $0xFFFFC180  }
0x63: {  	[spmem:s2] =	stream.indirect.scatter.add.f32 [tilespmem:s15], [sflag:$0x3], $0x80, s30, s14, $0xb8;
	[tilespmem:$0x1D880] =	vst v63  }
0x64: {  	_ =	swait.ge [sflag:s18], $0x3E80  }
0x65: {  	[sflag:s18] =	ssyncset.done $0x0  }
0x66: {  	s31 =	sor.u32 $0x400, s24;
	[sflag:s18] =	ssyncadd.s32 $0xFFFFC180  }
0x67: {  	[tilespmem:s15], [sflag:$0x1] =	stream.indirect.gather [hbm4b:s1+s14], $0x80, s31, s14, $0xb8;
	[tilespmem:$0x1D880] =	vst v63  }
0x68: {  	_ =	swait.ge [sflag:s19], $0x3E80  }
0x69: {  	[sflag:s19] =	ssyncset.done $0x0  }
0x6a: {  	s26 =	sor.u32 $0x1380, s24;
	[sflag:s19] =	ssyncadd.s32 $0xFFFFC180  }
0x6b: {  	[spmem:s2] =	stream.indirect.scatter.add.f32 [tilespmem:s16], [sflag:$0x4], $0x80, s26, s14, $0xb8;
	[tilespmem:$0x1D880] =	vst v63  }
0x6c: {  	_ =	swait.ge [sflag:s20], $0x3E80  }
0x6d: {  	[sflag:s20] =	ssyncset.done $0x0  }
0x6e: {  	s28 =	sor.u32 $0x480, s24;
	[sflag:s20] =	ssyncadd.s32 $0xFFFFC180  }
0x6f: {  	[tilespmem:s16], [sflag:$0x2] =	stream.indirect.gather [hbm4b:s1+s14], $0x80, s28, s14, $0xb8;
	[tilespmem:$0x1D880] =	vst v63  }
0x70: {  	_ =	swait.ge [sflag:s17], $0x3E80  }
0x71: {  	[sflag:s17] =	ssyncset.done $0x0  }
0x72: {  	s29 =	sor.u32 $0x1400, s24;
	[sflag:s17] =	ssyncadd.s32 $0xFFFFC180  }
0x73: {  	[spmem:s2] =	stream.indirect.scatter.add.f32 [tilespmem:s15], [sflag:$0x3], $0x80, s29, s14, $0xb8;
	[tilespmem:$0x1D880] =	vst v63  }
0x74: {  	_ =	swait.ge [sflag:s18], $0x3E80  }
0x75: {  	[sflag:s18] =	ssyncset.done $0x0  }
0x76: {  	s30 =	sor.u32 $0x500, s24;
	[sflag:s18] =	ssyncadd.s32 $0xFFFFC180  }
0x77: {  	[tilespmem:s15], [sflag:$0x1] =	stream.indirect.gather [hbm4b:s1+s14], $0x80, s30, s14, $0xb8;
	[tilespmem:$0x1D880] =	vst v63  }
0x78: {  	_ =	swait.ge [sflag:s19], $0x3E80  }
0x79: {  	[sflag:s19] =	ssyncset.done $0x0  }
0x7a: {  	s31 =	sor.u32 $0x1480, s24;
	[sflag:s19] =	ssyncadd.s32 $0xFFFFC180  }
0x7b: {  	[spmem:s2] =	stream.indirect.scatter.add.f32 [tilespmem:s16], [sflag:$0x4], $0x80, s31, s14, $0xb8;
	[tilespmem:$0x1D880] =	vst v63  }
0x7c: {  	_ =	swait.ge [sflag:s20], $0x3E80  }
0x7d: {  	[sflag:s20] =	ssyncset.done $0x0  }
0x7e: {  	s26 =	sor.u32 $0x580, s24;
	[sflag:s20] =	ssyncadd.s32 $0xFFFFC180  }
0x7f: {  	[tilespmem:s16], [sflag:$0x2] =	stream.indirect.gather [hbm4b:s1+s14], $0x80, s26, s14, $0xb8;
	[tilespmem:$0x1D880] =	vst v63  }
0x80: {  	_ =	swait.ge [sflag:s17], $0x3E80  }
0x81: {  	[sflag:s17] =	ssyncset.done $0x0  }
0x82: {  	s28 =	sor.u32 $0x1500, s24;
	[sflag:s17] =	ssyncadd.s32 $0xFFFFC180  }
0x83: {  	[spmem:s2] =	stream.indirect.scatter.add.f32 [tilespmem:s15], [sflag:$0x3], $0x80, s28, s14, $0xb8;
	[tilespmem:$0x1D880] =	vst v63  }
0x84: {  	_ =	swait.ge [sflag:s18], $0x3E80  }
0x85: {  	[sflag:s18] =	ssyncset.done $0x0  }
0x86: {  	s29 =	sor.u32 $0x600, s24;
	[sflag:s18] =	ssyncadd.s32 $0xFFFFC180  }
0x87: {  	[tilespmem:s15], [sflag:$0x1] =	stream.indirect.gather [hbm4b:s1+s14], $0x80, s29, s14, $0xb8;
	[tilespmem:$0x1D880] =	vst v63  }
0x88: {  	_ =	swait.ge [sflag:s19], $0x3E80  }
0x89: {  	[sflag:s19] =	ssyncset.done $0x0  }
0x8a: {  	s30 =	sor.u32 $0x1580, s24;
	[sflag:s19] =	ssyncadd.s32 $0xFFFFC180  }
0x8b: {  	[spmem:s2] =	stream.indirect.scatter.add.f32 [tilespmem:s16], [sflag:$0x4], $0x80, s30, s14, $0xb8;
	[tilespmem:$0x1D880] =	vst v63  }
0x8c: {  	_ =	swait.ge [sflag:s20], $0x3E80  }
0x8d: {  	[sflag:s20] =	ssyncset.done $0x0  }
0x8e: {  	s31 =	sor.u32 $0x680, s24;
	[sflag:s20] =	ssyncadd.s32 $0xFFFFC180  }
0x8f: {  	[tilespmem:s16], [sflag:$0x2] =	stream.indirect.gather [hbm4b:s1+s14], $0x80, s31, s14, $0xb8;
	[tilespmem:$0x1D880] =	vst v63  }
0x90: {  	_ =	swait.ge [sflag:s17], $0x3E80  }
0x91: {  	[sflag:s17] =	ssyncset.done $0x0  }
0x92: {  	s26 =	sor.u32 $0x1600, s24;
	[sflag:s17] =	ssyncadd.s32 $0xFFFFC180  }
0x93: {  	[spmem:s2] =	stream.indirect.scatter.add.f32 [tilespmem:s15], [sflag:$0x3], $0x80, s26, s14, $0xb8;
	[tilespmem:$0x1D880] =	vst v63  }
0x94: {  	_ =	swait.ge [sflag:s18], $0x3E80  }
0x95: {  	[sflag:s18] =	ssyncset.done $0x0  }
0x96: {  	s28 =	sor.u32 $0x700, s24;
	[sflag:s18] =	ssyncadd.s32 $0xFFFFC180  }
0x97: {  	[tilespmem:s15], [sflag:$0x1] =	stream.indirect.gather [hbm4b:s1+s14], $0x80, s28, s14, $0xb8;
	[tilespmem:$0x1D880] =	vst v63  }
0x98: {  	_ =	swait.ge [sflag:s19], $0x3E80  }
0x99: {  	[sflag:s19] =	ssyncset.done $0x0  }
0x9a: {  	s29 =	sor.u32 $0x1680, s24;
	[sflag:s19] =	ssyncadd.s32 $0xFFFFC180  }
0x9b: {  	[spmem:s2] =	stream.indirect.scatter.add.f32 [tilespmem:s16], [sflag:$0x4], $0x80, s29, s14, $0xb8;
	[tilespmem:$0x1D880] =	vst v63  }
0x9c: {  	_ =	swait.ge [sflag:s20], $0x3E80  }
0x9d: {  	[sflag:s20] =	ssyncset.done $0x0  }
0x9e: {  	s30 =	sor.u32 $0x780, s24;
	[sflag:s20] =	ssyncadd.s32 $0xFFFFC180  }
0x9f: {  	[tilespmem:s16], [sflag:$0x2] =	stream.indirect.gather [hbm4b:s1+s14], $0x80, s30, s14, $0xb8;
	[tilespmem:$0x1D880] =	vst v63  }
0xa0: {  	_ =	swait.ge [sflag:s17], $0x3E80  }
0xa1: {  	[sflag:s17] =	ssyncset.done $0x0  }
0xa2: {  	s31 =	sor.u32 $0x1700, s24;
	[sflag:s17] =	ssyncadd.s32 $0xFFFFC180  }
0xa3: {  	[spmem:s2] =	stream.indirect.scatter.add.f32 [tilespmem:s15], [sflag:$0x3], $0x80, s31, s14, $0xb8;
	[tilespmem:$0x1D880] =	vst v63  }
0xa4: {  	_ =	swait.ge [sflag:s19], $0x3E80  }
0xa5: {  	[sflag:s19] =	ssyncset.done $0x0  }
0xa6: {  	s23 =	sadd.s32 @!p1 $0x100, s23;
	s24 =	sor.u32 $0x1780, s24;
	[sflag:s19] =	ssyncadd.s32 $0xFFFFC180  }
0xa7: {  	[spmem:s2] =	stream.indirect.scatter.add.f32 [tilespmem:s16], [sflag:$0x4], $0x80, s24, s14, $0xb8;
	[tilespmem:$0x1D880] =	vst v63  }
0xa8: {  	p2 =	sne.s32 @!p1 s23, $0x500;
	s24 =	simm.s32 @!p1 $0x5  }
0xa9: {  	p2 =	por p1, !p2;
	_ =	swait.ge @!p1 [sflag:s24], $0x800  }
.Ltmp0:
0xaa: {  	[sflag:s24] =	ssyncset.done @!p1 $0x0;
	(pc) =	sbr.rel @!p2 .LBB2_2-.Ltmp0, $4  }
0xab: {  	[sflag:s24] =	ssyncadd.s32 @!p1 $0xFFFFF800  }
0xac: {  	_ =	swait.ge @!p1 [sflag:s24], $0x800  }
0xad: {  	[sflag:s24] =	ssyncset.done @!p1 $0x0  }
0xae: {  	s22 =	sadd.s32 @!p1 $0x800, s22;
	[sflag:s24] =	ssyncadd.s32 @!p1 $0xFFFFF800  }
0xaf: {  	_ =	swait.ge [sflag:s18], $0x3E80  }
0xb0: {  	[sflag:s18] =	ssyncset.done $0x0  }
0xb1: {  	[sflag:s18] =	ssyncadd.s32 $0xFFFFC180  }
0xb2: {  	_ =	swait.ge [sflag:s20], $0x3E80  }
0xb3: {  	[sflag:s20] =	ssyncset.done $0x0  }
0xb4: {  	s21 =	sadd.s32 $0x1, s21;
	[sflag:s20] =	ssyncadd.s32 $0xFFFFC180  }
0xb5: {  	s22 =	simm.s32 @!p0 $0x1C06;
	p1 =	sne.s32 s21, s8;
	[bflag:$0x0] =	sbarrier.arrive $0xFFFF  }
0xb6: {  	[hbm:s7], [sflag:s22] =	dma.local @!p0 [spmem:s11], $0x27100  }
.Ltmp1:
0xb7: {  	_ = 	snop;
	(pc) =	sbr.rel @p1 .LBB2_1-.Ltmp1, $4  }
0xb8: {  	s22 =	simm.s32 @!p0 $0x6  }
0xb9: {  	_ =	swait.ge @!p0 [sflag:s22], $0x27100  }
0xba: {  	[sflag:s22] =	ssyncset.done @!p0 $0x0  }
0xbb: {  	[sflag:s22] =	ssyncadd.s32 @!p0 $0xFFFD8F00  }
0xbc: {  	_ =	sfence.sel $0x180000  }
0xbd: {  	[bflag:$0x0] =	sbarrier.arrive $0xFFFF  }
0xbe: {  	_ =	strace $0x9000004A  }
0xbf: {  	s0 =	sadd.s32 @!p0 $0x100000, s0;
	[bflag:$0x2] =	sbarrier.arrive $0xFFFF  }
0xc0: {  	[sflag:s0] =	ssyncadd.tile.s32 @!p0 $0x1;
	_ =	shalt  }
.Lfunc_end2:
_tile_overlayer_lowered:
.L_overlay_start_2:
0xc1: {  	(tag) =	ssettag $0x2  }
0xc2: {  	s0 =	rddreg [dreg:$0x0];
	s2 =	stileid.u32  }
0xc3: {  	s1 =	rddreg [dreg:$0x1];
	p0 =	sne.s32 s2, $0x0  }
0xc4: {  	s3 =	rddreg [dreg:$0x2];
	[bflag:$0x3] =	sbarrier.arrive $0xFFFF;
	s2 =	simm.s32 @!p0 $0x1C06  }
0xc5: {  	[timem:s3], [sflag:s2] =	dma.local @!p0 [hbm:s0], s1  }
0xc6: {  	s0 =	simm.s32 @!p0 $0x6  }
0xc7: {  	_ =	swait.ge @!p0 [sflag:s0], s1  }
0xc8: {  	s1 =	ssub.s32 @!p0 $0x0, s1;
	[sflag:s0] =	ssyncset.done @!p0 $0x0  }
0xc9: {  	[sflag:s0] =	ssyncadd.s32 @!p0 s1  }
0xca: {  	[bflag:$0x3] =	sbarrier.arrive $0xFFFF  }
0xcb: {  	_ =	shalt  }

</sc_bundles>
